<compile_context>
chip_gen: v7x
topology: tpu7x:2x2x1
jax: 0.10.2.dev20260603
libtpu: 0.0.44.dev20260713+nightly
codegen_flags: <defaults>
</compile_context>

<pallas_src>
import dataclasses
import functools

import jax
import jax.numpy as jnp
from jax import lax
from jax.experimental import pallas as pl
from jax.experimental.pallas import tpu as pltpu
from jax.experimental.pallas import tpu_sc as plsc

NC = 2
NS = 16
NW = NC * NS
K = 128
D = 128


def _round_up(v, m):
    return (v + m - 1) // m * m


F0 = 0.68


@functools.lru_cache(maxsize=None)
def _make_agg(n_rows, ep):
    e0 = (int(ep * F0) // (NS * K * 2)) * (NS * K * 2)
    ept = (e0 // NS, (ep - e0) // NS)
    nch = (ept[0] // K, ept[1] // K)
    rpt = n_rows // NS
    mesh = plsc.VectorSubcoreMesh(
        core_axis_name="c", subcore_axis_name="s", num_cores=NC, num_subcores=NS
    )

    @functools.partial(
        pl.kernel,
        out_type=jax.ShapeDtypeStruct((NC * n_rows, D), jnp.float32),
        mesh=mesh,
        scratch_types=[
            [pltpu.VMEM((K,), jnp.int32) for _ in range(2)],
            [pltpu.VMEM((K,), jnp.int32) for _ in range(2)],
            [pltpu.VMEM((K, D), jnp.float32) for _ in range(2)],
            pltpu.VMEM_SHARED((n_rows, D), jnp.float32),
            [pltpu.SemaphoreType.DMA for _ in range(2)],
            [pltpu.SemaphoreType.DMA for _ in range(2)],
            [pltpu.SemaphoreType.DMA for _ in range(2)],
            [pltpu.SemaphoreType.DMA for _ in range(2)],
        ],
    )
    def agg(table_hbm, src_hbm, dst_hbm, zeros_hbm, out_hbm,
            sidx, didx, rows, acc, isem, dsem, gsem, ssem):
        cid = lax.axis_index("c")
        sid = lax.axis_index("s")

        pltpu.sync_copy(zeros_hbm, rows[0])
        nfull = rpt // K
        for z in range(nfull):
            pltpu.sync_copy(rows[0], acc.at[pl.ds(sid * rpt + z * K, K)])
        if rpt % K:
            pltpu.sync_copy(rows[0].at[pl.ds(0, rpt % K)],
                            acc.at[pl.ds(sid * rpt + nfull * K, rpt % K)])
        plsc.subcore_barrier()

        base = jnp.where(cid == 0, sid * ept[0], e0 + sid * ept[1])
        nch_c = jnp.where(cid == 0, nch[0], nch[1])

        for b in range(2):
            off = base + b * K
            pltpu.async_copy(src_hbm.at[pl.ds(off, K)], sidx[b], isem[b])
            pltpu.async_copy(dst_hbm.at[pl.ds(off, K)], didx[b], dsem[b])

        @pl.loop(0, nch_c // 2)
        def _(r):
            ci = r * 2
            for b in range(2):
                pltpu.make_async_copy(
                    src_hbm.at[pl.ds(base, K)], sidx[b], isem[b]).wait()
            g0 = pltpu.async_copy(table_hbm.at[sidx[0]], rows[0], gsem[0])
            g1 = pltpu.async_copy(table_hbm.at[sidx[1]], rows[1], gsem[1])
            g0.wait()
            g1.wait()

            @pl.when(ci + 2 < nch_c)
            def _():
                pltpu.async_copy(src_hbm.at[pl.ds(base + (ci + 2) * K, K)],
                                 sidx[0], isem[0])
                pltpu.async_copy(src_hbm.at[pl.ds(base + (ci + 3) * K, K)],
                                 sidx[1], isem[1])

            for b in range(2):
                pltpu.make_async_copy(
                    dst_hbm.at[pl.ds(base, K)], didx[b], dsem[b]).wait()
            s0 = pltpu.async_copy(rows[0], acc.at[didx[0]], ssem[0], add=True)
            s1 = pltpu.async_copy(rows[1], acc.at[didx[1]], ssem[1], add=True)
            s0.wait()
            s1.wait()

            @pl.when(ci + 2 < nch_c)
            def _():
                pltpu.async_copy(dst_hbm.at[pl.ds(base + (ci + 2) * K, K)],
                                 didx[0], dsem[0])
                pltpu.async_copy(dst_hbm.at[pl.ds(base + (ci + 3) * K, K)],
                                 didx[1], dsem[1])

        plsc.subcore_barrier()
        pltpu.sync_copy(acc.at[pl.ds(sid * rpt, rpt)],
                        out_hbm.at[pl.ds(cid * n_rows + sid * rpt, rpt)])

    return agg


@functools.lru_cache(maxsize=None)
def _make_deg(n_rows, e):
    ept = e // NW
    nfull = ept // K
    rem = ept - nfull * K
    hrows = n_rows // 128
    ctiles = hrows // 8
    mesh = plsc.VectorSubcoreMesh(
        core_axis_name="c", subcore_axis_name="s", num_cores=NC, num_subcores=NS
    )
    cp = pltpu.CompilerParams()
    if "needs_layout_passes" in pltpu.CompilerParams.__dataclass_fields__:
        cp = dataclasses.replace(cp, needs_layout_passes=False)

    @functools.partial(
        pl.kernel,
        out_type=jax.ShapeDtypeStruct((NC * hrows, 128), jnp.float32),
        mesh=mesh,
        compiler_params=cp,
        scratch_types=[
            pltpu.VMEM((K,), jnp.int32),
            pltpu.VMEM((hrows, 128), jnp.float32),
            pltpu.VMEM((hrows,), jnp.int32),
            pltpu.VMEM_SHARED((hrows, 128), jnp.float32),
        ],
    )
    def deg(dst_hbm, iota_hbm, zeros_hbm, out_hbm, didx, hist, iota_v, acc):
        cid = lax.axis_index("c")
        sid = lax.axis_index("s")
        wid = cid * NS + sid

        pltpu.sync_copy(zeros_hbm, hist)

        @pl.when(sid < ctiles)
        def _():
            pltpu.sync_copy(zeros_hbm.at[pl.ds(sid * 8, 8)],
                            acc.at[pl.ds(sid * 8, 8)])

        pltpu.sync_copy(iota_hbm, iota_v)

        base = wid * ept
        ones16 = jnp.full((16,), 1.0, jnp.float32)

        def count16(j):
            v = didx[pl.ds(j * 16, 16)]
            plsc.addupdate_scatter(
                hist,
                [lax.shift_right_logical(v, 7), lax.bitwise_and(v, 127)],
                ones16,
            )

        @pl.loop(0, nfull)
        def _(ci):
            pltpu.sync_copy(dst_hbm.at[pl.ds(base + ci * K, K)], didx)
            for j in range(K // 16):
                count16(j)

        if rem:
            pltpu.sync_copy(dst_hbm.at[pl.ds(base + nfull * K, rem)],
                            didx.at[pl.ds(0, rem)])
            for j in range(rem // 16):
                count16(j)

        plsc.subcore_barrier()
        pltpu.sync_copy(hist, acc.at[iota_v], add=True)
        plsc.subcore_barrier()

        @pl.when(sid < ctiles)
        def _():
            pltpu.sync_copy(acc.at[pl.ds(sid * 8, 8)],
                            out_hbm.at[pl.ds(cid * hrows + sid * 8, 8)])

    return deg


def _prep_body(n, r, x_ref, d0_ref, d1_ref, s0_ref, nb_ref):
    deg = d0_ref[...] + d1_ref[...] + 1.0
    norm = lax.rsqrt(jnp.maximum(deg, 1.0))
    x = x_ref[...]
    rn = jnp.sqrt(jnp.sum(x * x, axis=1, keepdims=True))
    s0_ref[...] = x / jnp.maximum(rn, 1e-12) * norm
    nb_ref[...] = jnp.broadcast_to(norm, x.shape)


def _layer_body(n, r, p0_ref, p1_ref, s_ref, nb_ref, w_ref, b_ref, out_ref):
    nb = nb_ref[...]
    t = (p0_ref[...] + p1_ref[...] + s_ref[...]) * nb
    u = jnp.dot(t, w_ref[...], preferred_element_type=jnp.float32) + b_ref[...]
    sn = jax.nn.relu(u) * nb
    row = pl.program_id(0) * r + lax.broadcasted_iota(jnp.int32, sn.shape, 0)
    out_ref[...] = jnp.where(row < n, sn, 0.0)


def _layer2_body(n, r, p0_ref, p1_ref, s_ref, nb_ref, w_ref, b_ref, w3_ref,
                 g_ref):
    nb = nb_ref[...]
    t = (p0_ref[...] + p1_ref[...] + s_ref[...]) * nb
    u = jnp.dot(t, w_ref[...], preferred_element_type=jnp.float32) + b_ref[...]
    s3 = jax.nn.relu(u) * nb
    row = pl.program_id(0) * r + lax.broadcasted_iota(jnp.int32, s3.shape, 0)
    s3 = jnp.where(row < n, s3, 0.0)
    g_ref[...] = jnp.dot(s3, w3_ref[...], preferred_element_type=jnp.float32)


def _final_body(q0_ref, q1_ref, g_ref, nb_ref, b3_ref, out_ref):
    nb = nb_ref[:, 0:64]
    acc = q0_ref[:, 0:64] + q1_ref[:, 0:64] + g_ref[:, 0:64]
    out_ref[...] = acc * nb + b3_ref[...]


def kernel(x, edge_index, W0, b0, W1, b1, W2, b2, W3, b3):
    n, d_in = x.shape
    d_out = W3.shape[1]
    e = edge_index.shape[1]
    ep = _round_up(e, NW * K)
    np_rows = _round_up(n + 1, 128)
    nd_rows = _round_up(n + 1, 1024)
    hrows = nd_rows // 128
    r = np_rows // 8
    grid = (8,)

    src = edge_index[0]
    dst = edge_index[1]
    pad = ep - e
    srcp = jnp.concatenate([src, jnp.full((pad,), n, jnp.int32)])
    dstp = jnp.concatenate([dst, jnp.zeros((pad,), jnp.int32)])
    zrow = jnp.zeros((K, D), jnp.float32)
    zhist = jnp.zeros((hrows, 128), jnp.float32)
    iota_h = jnp.arange(hrows, dtype=jnp.int32)
    xp = jnp.pad(x, ((0, np_rows - n), (0, 0)))
    w3p = jnp.pad(W3, ((0, 0), (0, d_in - d_out)))

    agg = _make_agg(np_rows, ep)
    degk = _make_deg(nd_rows, e)

    degp = degk(dst, iota_h, zhist)
    d0 = degp[:hrows].reshape(nd_rows, 1)[:np_rows]
    d1 = degp[hrows:].reshape(nd_rows, 1)[:np_rows]

    row_spec = pl.BlockSpec((r, d_in), lambda i: (i, 0))
    row1_spec = pl.BlockSpec((r, 1), lambda i: (i, 0))
    row64_spec = pl.BlockSpec((r, d_out), lambda i: (i, 0))
    w_spec = pl.BlockSpec((d_in, d_in), lambda i: (0, 0))
    b_spec = pl.BlockSpec((1, d_in), lambda i: (0, 0))
    b3_spec = pl.BlockSpec((1, d_out), lambda i: (0, 0))
    fshape = jax.ShapeDtypeStruct((np_rows, d_in), jnp.float32)

    s0, normbc = pl.pallas_call(
        functools.partial(_prep_body, n, r),
        grid=grid,
        in_specs=[row_spec, row1_spec, row1_spec],
        out_specs=[row_spec, row_spec],
        out_shape=[fshape, fshape],
    )(xp, d0, d1)

    layer = pl.pallas_call(
        functools.partial(_layer_body, n, r),
        grid=grid,
        in_specs=[row_spec, row_spec, row_spec, row_spec, w_spec, b_spec],
        out_specs=row_spec,
        out_shape=fshape,
    )
    b0r, b1r, b2r = (bb.reshape(1, -1) for bb in (b0, b1, b2))
    b3r = b3.reshape(1, -1)

    p = agg(s0, srcp, dstp, zrow)
    s1 = layer(p[:np_rows], p[np_rows:], s0, normbc, W0, b0r)
    p = agg(s1, srcp, dstp, zrow)
    s2 = layer(p[:np_rows], p[np_rows:], s1, normbc, W1, b1r)
    p = agg(s2, srcp, dstp, zrow)
    g = pl.pallas_call(
        functools.partial(_layer2_body, n, r),
        grid=grid,
        in_specs=[row_spec, row_spec, row_spec, row_spec, w_spec, b_spec,
                  w_spec],
        out_specs=row_spec,
        out_shape=fshape,
    )(p[:np_rows], p[np_rows:], s2, normbc, W2, b2r, w3p)

    q = agg(g, srcp, dstp, zrow)
    out = pl.pallas_call(
        _final_body,
        grid=grid,
        in_specs=[row_spec, row_spec, row_spec, row_spec, b3_spec],
        out_specs=row64_spec,
        out_shape=jax.ShapeDtypeStruct((np_rows, d_out), jnp.float32),
    )(q[:np_rows], q[np_rows:], g, normbc, b3r)
    return out[:n]

# --- scband reference (transcript-rebuilt; emitter-appended) ---
"""Pipeline reference for scband-sgc-16587163697543 (READ-ONLY COPY).

The authoritative reference and input builder live on the scoring server;
editing this copy changes nothing except your own understanding.
"""

import jax, jax.numpy as jnp
import numpy as np

N = 10000
E = 320000
D_IN = 128
D_HID = 128
D_OUT = 64


def _linear_init(key, fan_in, fan_out):
    kw, kb = jax.random.split(key)
    bound = 1.0 / np.sqrt(fan_in)
    W = jax.random.uniform(kw, (fan_in, fan_out), minval=-bound, maxval=bound, dtype=jnp.float32)
    b = jax.random.uniform(kb, (fan_out,), minval=-bound, maxval=bound, dtype=jnp.float32)
    return W, b


def setup_inputs(seed: int = 0):
    key = jax.random.key(seed)
    ks = jax.random.split(key, 6)
    x = jax.random.normal(ks[0], (N, D_IN), dtype=jnp.float32)
    edge_index = jax.random.randint(ks[1], (2, E), 0, N, dtype=jnp.int32)
    W0, b0 = _linear_init(ks[2], D_IN, D_HID)
    W1, b1 = _linear_init(ks[3], D_HID, D_HID)
    W2, b2 = _linear_init(ks[4], D_HID, D_HID)
    W3, b3 = _linear_init(ks[5], D_HID, D_OUT)
    return {"x": x, "edge_index": edge_index,
            "W0": W0, "b0": b0, "W1": W1, "b1": b1,
            "W2": W2, "b2": b2, "W3": W3, "b3": b3}


def reference(x, edge_index, W0, b0, W1, b1, W2, b2, W3, b3):
    # SGC: 4 stacked SGConv(k=1) layers with symmetric norm, self-loops added,
    # input L2-normalized, ReLU after all layers except the last.
    n = x.shape[0]
    loop = jnp.arange(n, dtype=edge_index.dtype)
    src = jnp.concatenate([edge_index[0], loop])
    dst = jnp.concatenate([edge_index[1], loop])
    # in-degree with self-loops, symmetric normalization D^{-1/2} A D^{-1/2}
    deg = jnp.zeros((n,), jnp.float32).at[dst].add(1.0)
    norm = jnp.power(jnp.clip(deg, 1.0, None), -0.5)
    # F.normalize(inputs): row-wise L2 normalization with eps=1e-12
    row_norm = jnp.linalg.norm(x, axis=1, keepdims=True)
    h = x / jnp.maximum(row_norm, 1e-12)
    layers = [(W0, b0, True), (W1, b1, True), (W2, b2, True), (W3, b3, False)]
    for W, b, act in layers:
        h = h * norm[:, None]
        agg = jnp.zeros((n, h.shape[1]), h.dtype).at[dst].add(h[src])
        h = agg * norm[:, None]
        h = h @ W + b
        if act:
            h = jax.nn.relu(h)
    return h

if __name__ == "__main__":
    import jax
    _d = setup_inputs()
    print(jax.jit(kernel)(*tuple(_d.values())))

</pallas_src>

<mosaic_0001>
#map = affine_map<(d0, d1) -> (0)>
#map1 = affine_map<(d0, d1) -> (0, 0)>
module attributes {stable_mosaic.version = 14 : i64} {
  func.func @deg(%arg0: i32, %arg1: i32, %arg2: memref<320000xi32, #tpu.memory_space<hbm>>, %arg3: memref<80xi32, #tpu.memory_space<hbm>>, %arg4: memref<80x128xf32, #tpu.memory_space<hbm>>, %arg5: memref<160x128xf32, #tpu.memory_space<hbm>>, %arg6: memref<128xi32, #tpu.memory_space<vmem>>, %arg7: memref<80x128xf32, #tpu.memory_space<vmem>>, %arg8: memref<80xi32, #tpu.memory_space<vmem>>, %arg9: memref<80x128xf32, #tpu.memory_space<vmem_shared>>) attributes {dimension_semantics = [#tpu.dimension_semantics<core_parallel>, #tpu.dimension_semantics<subcore_parallel>], iteration_bounds = array<i64: 2, 16>, scalar_prefetch = 0 : i64, scratch_operands = 4 : i64, tpu.core_type = #tpu.core_type<sc_vector_subcore>, window_params = [{transform_indices = #map}, {transform_indices = #map}, {transform_indices = #map1}, {transform_indices = #map1}]} {
    %mul3A = arith.constant 16 : i32
    %mul3A_0 = arith.muli %arg0, %mul3A : i32
    %add3A = arith.addi %mul3A_0, %arg1 : i32
    "tpu.region"() ({
      %run_scoped3A = tpu.sem_alloc : memref<!tpu.dma_semaphore, #tpu.memory_space<semaphore_mem>>
      tpu.enqueue_dma source(%arg4 : memref<80x128xf32, #tpu.memory_space<hbm>>) target(%arg7 : memref<80x128xf32, #tpu.memory_space<vmem>>) target_semaphore(%run_scoped3A : memref<!tpu.dma_semaphore, #tpu.memory_space<semaphore_mem>>)
      tpu.wait_dma2 semaphore(%run_scoped3A : memref<!tpu.dma_semaphore, #tpu.memory_space<semaphore_mem>>) src(%arg4 : memref<80x128xf32, #tpu.memory_space<hbm>>) dst(%arg7 : memref<80x128xf32, #tpu.memory_space<vmem>>)
      tpu.yield
    }) : () -> ()
    %lt3A = arith.constant 10 : i32
    %lt3A_1 = arith.cmpi slt, %arg1, %lt3A : i32
    %convert_element_type3A = arith.extui %lt3A_1 : i1 to i32
    %cond3A = arith.constant 0 : i32
    %cond3A_2 = arith.cmpi ne, %convert_element_type3A, %cond3A : i32
    scf.if %cond3A_2 {
      %mul3A_23 = arith.constant 8 : i32
      %mul3A_24 = arith.muli %arg1, %mul3A_23 : i32
      %mul3A_25 = arith.constant 8 : i32
      %mul3A_26 = arith.muli %arg1, %mul3A_25 : i32
      "tpu.region"() ({
        %run_scoped3A = tpu.sem_alloc : memref<!tpu.dma_semaphore, #tpu.memory_space<semaphore_mem>>
        %dma_start3A = arith.constant 0 : i32
        %dma_start3A_27 = tpu.memref_slice %arg9[%mul3A_26, %dma_start3A] : memref<80x128xf32, #tpu.memory_space<vmem_shared>> -> memref<8x128xf32, #tpu.memory_space<vmem_shared>>
        %dma_start3A_28 = arith.constant 0 : i32
        %dma_start3A_29 = tpu.memref_slice %arg4[%mul3A_24, %dma_start3A_28] : memref<80x128xf32, #tpu.memory_space<hbm>> -> memref<8x128xf32, #tpu.memory_space<hbm>>
        tpu.enqueue_dma source(%dma_start3A_29 : memref<8x128xf32, #tpu.memory_space<hbm>>) target(%dma_start3A_27 : memref<8x128xf32, #tpu.memory_space<vmem_shared>>) target_semaphore(%run_scoped3A : memref<!tpu.dma_semaphore, #tpu.memory_space<semaphore_mem>>)
        %dma_wait3A = arith.constant 0 : i32
        %dma_wait3A_30 = tpu.memref_slice %arg9[%mul3A_26, %dma_wait3A] : memref<80x128xf32, #tpu.memory_space<vmem_shared>> -> memref<8x128xf32, #tpu.memory_space<vmem_shared>>
        %dma_wait3A_31 = arith.constant 0 : i32
        %dma_wait3A_32 = tpu.memref_slice %arg4[%mul3A_24, %dma_wait3A_31] : memref<80x128xf32, #tpu.memory_space<hbm>> -> memref<8x128xf32, #tpu.memory_space<hbm>>
        tpu.wait_dma2 semaphore(%run_scoped3A : memref<!tpu.dma_semaphore, #tpu.memory_space<semaphore_mem>>) src(%dma_wait3A_32 : memref<8x128xf32, #tpu.memory_space<hbm>>) dst(%dma_wait3A_30 : memref<8x128xf32, #tpu.memory_space<vmem_shared>>)
        tpu.yield
      }) : () -> ()
    } else {
    }
    "tpu.region"() ({
      %run_scoped3A = tpu.sem_alloc : memref<!tpu.dma_semaphore, #tpu.memory_space<semaphore_mem>>
      tpu.enqueue_dma source(%arg3 : memref<80xi32, #tpu.memory_space<hbm>>) target(%arg8 : memref<80xi32, #tpu.memory_space<vmem>>) target_semaphore(%run_scoped3A : memref<!tpu.dma_semaphore, #tpu.memory_space<semaphore_mem>>)
      tpu.wait_dma2 semaphore(%run_scoped3A : memref<!tpu.dma_semaphore, #tpu.memory_space<semaphore_mem>>) src(%arg3 : memref<80xi32, #tpu.memory_space<hbm>>) dst(%arg8 : memref<80xi32, #tpu.memory_space<vmem>>)
      tpu.yield
    }) : () -> ()
    %mul3A_3 = arith.constant 10000 : i32
    %mul3A_4 = arith.muli %add3A, %mul3A_3 : i32
    %broadcast_in_dim3A = arith.constant 1.000000e+00 : f32
    %broadcast_in_dim3A_5 = vector.broadcast %broadcast_in_dim3A : f32 to vector<16xf32>
    %scan3A = arith.constant 0 : i32
    %scan3A_6 = arith.constant 78 : i32
    %scan3A_7 = arith.addi %scan3A, %scan3A_6 : i32
    %scan3A_8 = arith.constant 1 : i32
    scf.for %scan3A_23 = %scan3A to %scan3A_7 step %scan3A_8  : i32 {
      %mul3A_24 = arith.constant 1 : i32
      %mul3A_25 = arith.muli %scan3A_23, %mul3A_24 : i32
      %add3A_26 = arith.constant 0 : i32
      %add3A_27 = arith.addi %add3A_26, %mul3A_25 : i32
      %mul3A_28 = arith.constant 128 : i32
      %mul3A_29 = arith.muli %add3A_27, %mul3A_28 : i32
      %add3A_30 = arith.addi %mul3A_4, %mul3A_29 : i32
      "tpu.region"() ({
        %run_scoped3A = tpu.sem_alloc : memref<!tpu.dma_semaphore, #tpu.memory_space<semaphore_mem>>
        %dma_start3A = tpu.memref_slice %arg2[%add3A_30] : memref<320000xi32, #tpu.memory_space<hbm>> -> memref<128xi32, #tpu.memory_space<hbm>>
        %dma_start3A_95 = tpu.memref_slice %arg2[%add3A_30] : memref<320000xi32, #tpu.memory_space<hbm>> -> memref<128xi32, #tpu.memory_space<hbm>>
        tpu.enqueue_dma source(%dma_start3A_95 : memref<128xi32, #tpu.memory_space<hbm>>) target(%arg6 : memref<128xi32, #tpu.memory_space<vmem>>) target_semaphore(%run_scoped3A : memref<!tpu.dma_semaphore, #tpu.memory_space<semaphore_mem>>)
        %dma_wait3A = tpu.memref_slice %arg2[%add3A_30] : memref<320000xi32, #tpu.memory_space<hbm>> -> memref<128xi32, #tpu.memory_space<hbm>>
        %dma_wait3A_96 = tpu.memref_slice %arg2[%add3A_30] : memref<320000xi32, #tpu.memory_space<hbm>> -> memref<128xi32, #tpu.memory_space<hbm>>
        tpu.wait_dma2 semaphore(%run_scoped3A : memref<!tpu.dma_semaphore, #tpu.memory_space<semaphore_mem>>) src(%dma_wait3A_96 : memref<128xi32, #tpu.memory_space<hbm>>) dst(%arg6 : memref<128xi32, #tpu.memory_space<vmem>>)
        tpu.yield
      }) : () -> ()
      %get3A_31 = arith.constant 0 : index
      %get3A_32 = tpu.vector_load %arg6[%get3A_31] {strides = array<i32>} : memref<128xi32, #tpu.memory_space<vmem>>, vector<16xi32>,
      %shift_right_logical3A_33 = arith.constant 7 : i32
      %shift_right_logical3A_34 = vector.broadcast %shift_right_logical3A_33 : i32 to vector<16xi32>
      %shift_right_logical3A_35 = arith.shrui %get3A_32, %shift_right_logical3A_34 : vector<16xi32>
      %and3A_36 = arith.constant 127 : i32
      %and3A_37 = vector.broadcast %and3A_36 : i32 to vector<16xi32>
      %and3A_38 = arith.andi %get3A_32, %and3A_37 : vector<16xi32>
      tpu.vector_store_idx %arg7[%shift_right_logical3A_35, %and3A_38], %broadcast_in_dim3A_5 {add = true} : memref<80x128xf32, #tpu.memory_space<vmem>>[vector<16xi32>, vector<16xi32>], vector<16xf32>,
      %get3A_39 = arith.constant 16 : index
      %get3A_40 = tpu.vector_load %arg6[%get3A_39] {strides = array<i32>} : memref<128xi32, #tpu.memory_space<vmem>>, vector<16xi32>,
      %shift_right_logical3A_41 = arith.constant 7 : i32
      %shift_right_logical3A_42 = vector.broadcast %shift_right_logical3A_41 : i32 to vector<16xi32>
      %shift_right_logical3A_43 = arith.shrui %get3A_40, %shift_right_logical3A_42 : vector<16xi32>
      %and3A_44 = arith.constant 127 : i32
      %and3A_45 = vector.broadcast %and3A_44 : i32 to vector<16xi32>
      %and3A_46 = arith.andi %get3A_40, %and3A_45 : vector<16xi32>
      tpu.vector_store_idx %arg7[%shift_right_logical3A_43, %and3A_46], %broadcast_in_dim3A_5 {add = true} : memref<80x128xf32, #tpu.memory_space<vmem>>[vector<16xi32>, vector<16xi32>], vector<16xf32>,
      %get3A_47 = arith.constant 32 : index
      %get3A_48 = tpu.vector_load %arg6[%get3A_47] {strides = array<i32>} : memref<128xi32, #tpu.memory_space<vmem>>, vector<16xi32>,
      %shift_right_logical3A_49 = arith.constant 7 : i32
      %shift_right_logical3A_50 = vector.broadcast %shift_right_logical3A_49 : i32 to vector<16xi32>
      %shift_right_logical3A_51 = arith.shrui %get3A_48, %shift_right_logical3A_50 : vector<16xi32>
      %and3A_52 = arith.constant 127 : i32
      %and3A_53 = vector.broadcast %and3A_52 : i32 to vector<16xi32>
      %and3A_54 = arith.andi %get3A_48, %and3A_53 : vector<16xi32>
      tpu.vector_store_idx %arg7[%shift_right_logical3A_51, %and3A_54], %broadcast_in_dim3A_5 {add = true} : memref<80x128xf32, #tpu.memory_space<vmem>>[vector<16xi32>, vector<16xi32>], vector<16xf32>,
      %get3A_55 = arith.constant 48 : index
      %get3A_56 = tpu.vector_load %arg6[%get3A_55] {strides = array<i32>} : memref<128xi32, #tpu.memory_space<vmem>>, vector<16xi32>,
      %shift_right_logical3A_57 = arith.constant 7 : i32
      %shift_right_logical3A_58 = vector.broadcast %shift_right_logical3A_57 : i32 to vector<16xi32>
      %shift_right_logical3A_59 = arith.shrui %get3A_56, %shift_right_logical3A_58 : vector<16xi32>
      %and3A_60 = arith.constant 127 : i32
      %and3A_61 = vector.broadcast %and3A_60 : i32 to vector<16xi32>
      %and3A_62 = arith.andi %get3A_56, %and3A_61 : vector<16xi32>
      tpu.vector_store_idx %arg7[%shift_right_logical3A_59, %and3A_62], %broadcast_in_dim3A_5 {add = true} : memref<80x128xf32, #tpu.memory_space<vmem>>[vector<16xi32>, vector<16xi32>], vector<16xf32>,
      %get3A_63 = arith.constant 64 : index
      %get3A_64 = tpu.vector_load %arg6[%get3A_63] {strides = array<i32>} : memref<128xi32, #tpu.memory_space<vmem>>, vector<16xi32>,
      %shift_right_logical3A_65 = arith.constant 7 : i32
      %shift_right_logical3A_66 = vector.broadcast %shift_right_logical3A_65 : i32 to vector<16xi32>
      %shift_right_logical3A_67 = arith.shrui %get3A_64, %shift_right_logical3A_66 : vector<16xi32>
      %and3A_68 = arith.constant 127 : i32
      %and3A_69 = vector.broadcast %and3A_68 : i32 to vector<16xi32>
      %and3A_70 = arith.andi %get3A_64, %and3A_69 : vector<16xi32>
      tpu.vector_store_idx %arg7[%shift_right_logical3A_67, %and3A_70], %broadcast_in_dim3A_5 {add = true} : memref<80x128xf32, #tpu.memory_space<vmem>>[vector<16xi32>, vector<16xi32>], vector<16xf32>,
      %get3A_71 = arith.constant 80 : index
      %get3A_72 = tpu.vector_load %arg6[%get3A_71] {strides = array<i32>} : memref<128xi32, #tpu.memory_space<vmem>>, vector<16xi32>,
      %shift_right_logical3A_73 = arith.constant 7 : i32
      %shift_right_logical3A_74 = vector.broadcast %shift_right_logical3A_73 : i32 to vector<16xi32>
      %shift_right_logical3A_75 = arith.shrui %get3A_72, %shift_right_logical3A_74 : vector<16xi32>
      %and3A_76 = arith.constant 127 : i32
      %and3A_77 = vector.broadcast %and3A_76 : i32 to vector<16xi32>
      %and3A_78 = arith.andi %get3A_72, %and3A_77 : vector<16xi32>
      tpu.vector_store_idx %arg7[%shift_right_logical3A_75, %and3A_78], %broadcast_in_dim3A_5 {add = true} : memref<80x128xf32, #tpu.memory_space<vmem>>[vector<16xi32>, vector<16xi32>], vector<16xf32>,
      %get3A_79 = arith.constant 96 : index
      %get3A_80 = tpu.vector_load %arg6[%get3A_79] {strides = array<i32>} : memref<128xi32, #tpu.memory_space<vmem>>, vector<16xi32>,
      %shift_right_logical3A_81 = arith.constant 7 : i32
      %shift_right_logical3A_82 = vector.broadcast %shift_right_logical3A_81 : i32 to vector<16xi32>
      %shift_right_logical3A_83 = arith.shrui %get3A_80, %shift_right_logical3A_82 : vector<16xi32>
      %and3A_84 = arith.constant 127 : i32
      %and3A_85 = vector.broadcast %and3A_84 : i32 to vector<16xi32>
      %and3A_86 = arith.andi %get3A_80, %and3A_85 : vector<16xi32>
      tpu.vector_store_idx %arg7[%shift_right_logical3A_83, %and3A_86], %broadcast_in_dim3A_5 {add = true} : memref<80x128xf32, #tpu.memory_space<vmem>>[vector<16xi32>, vector<16xi32>], vector<16xf32>,
      %get3A_87 = arith.constant 112 : index
      %get3A_88 = tpu.vector_load %arg6[%get3A_87] {strides = array<i32>} : memref<128xi32, #tpu.memory_space<vmem>>, vector<16xi32>,
      %shift_right_logical3A_89 = arith.constant 7 : i32
      %shift_right_logical3A_90 = vector.broadcast %shift_right_logical3A_89 : i32 to vector<16xi32>
      %shift_right_logical3A_91 = arith.shrui %get3A_88, %shift_right_logical3A_90 : vector<16xi32>
      %and3A_92 = arith.constant 127 : i32
      %and3A_93 = vector.broadcast %and3A_92 : i32 to vector<16xi32>
      %and3A_94 = arith.andi %get3A_88, %and3A_93 : vector<16xi32>
      tpu.vector_store_idx %arg7[%shift_right_logical3A_91, %and3A_94], %broadcast_in_dim3A_5 {add = true} : memref<80x128xf32, #tpu.memory_space<vmem>>[vector<16xi32>, vector<16xi32>], vector<16xf32>,
    }
    %scan3A_9 = arith.constant 78 : i32
    %add3A_10 = arith.constant 9984 : i32
    %add3A_11 = arith.addi %mul3A_4, %add3A_10 : i32
    "tpu.region"() ({
      %run_scoped3A = tpu.sem_alloc : memref<!tpu.dma_semaphore, #tpu.memory_space<semaphore_mem>>
      %dma_start3A = arith.constant 0 : i32
      %dma_start3A_23 = tpu.memref_slice %arg6[%dma_start3A] : memref<128xi32, #tpu.memory_space<vmem>> -> memref<16xi32, #tpu.memory_space<vmem>>
      %dma_start3A_24 = tpu.memref_slice %arg2[%add3A_11] : memref<320000xi32, #tpu.memory_space<hbm>> -> memref<16xi32, #tpu.memory_space<hbm>>
      %dma_start3A_25 = arith.constant 0 : i32
      %dma_start3A_26 = tpu.memref_slice %arg6[%dma_start3A_25] : memref<128xi32, #tpu.memory_space<vmem>> -> memref<16xi32, #tpu.memory_space<vmem>>
      %dma_start3A_27 = tpu.memref_slice %arg2[%add3A_11] : memref<320000xi32, #tpu.memory_space<hbm>> -> memref<16xi32, #tpu.memory_space<hbm>>
      tpu.enqueue_dma source(%dma_start3A_27 : memref<16xi32, #tpu.memory_space<hbm>>) target(%dma_start3A_26 : memref<16xi32, #tpu.memory_space<vmem>>) target_semaphore(%run_scoped3A : memref<!tpu.dma_semaphore, #tpu.memory_space<semaphore_mem>>)
      %dma_wait3A = arith.constant 0 : i32
      %dma_wait3A_28 = tpu.memref_slice %arg6[%dma_wait3A] : memref<128xi32, #tpu.memory_space<vmem>> -> memref<16xi32, #tpu.memory_space<vmem>>
      %dma_wait3A_29 = tpu.memref_slice %arg2[%add3A_11] : memref<320000xi32, #tpu.memory_space<hbm>> -> memref<16xi32, #tpu.memory_space<hbm>>
      %dma_wait3A_30 = arith.constant 0 : i32
      %dma_wait3A_31 = tpu.memref_slice %arg6[%dma_wait3A_30] : memref<128xi32, #tpu.memory_space<vmem>> -> memref<16xi32, #tpu.memory_space<vmem>>
      %dma_wait3A_32 = tpu.memref_slice %arg2[%add3A_11] : memref<320000xi32, #tpu.memory_space<hbm>> -> memref<16xi32, #tpu.memory_space<hbm>>
      tpu.wait_dma2 semaphore(%run_scoped3A : memref<!tpu.dma_semaphore, #tpu.memory_space<semaphore_mem>>) src(%dma_wait3A_32 : memref<16xi32, #tpu.memory_space<hbm>>) dst(%dma_wait3A_31 : memref<16xi32, #tpu.memory_space<vmem>>)
      tpu.yield
    }) : () -> ()
    %get3A = arith.constant 0 : index
    %get3A_12 = tpu.vector_load %arg6[%get3A] {strides = array<i32>} : memref<128xi32, #tpu.memory_space<vmem>>, vector<16xi32>,
    %shift_right_logical3A = arith.constant 7 : i32
    %shift_right_logical3A_13 = vector.broadcast %shift_right_logical3A : i32 to vector<16xi32>
    %shift_right_logical3A_14 = arith.shrui %get3A_12, %shift_right_logical3A_13 : vector<16xi32>
    %and3A = arith.constant 127 : i32
    %and3A_15 = vector.broadcast %and3A : i32 to vector<16xi32>
    %and3A_16 = arith.andi %get3A_12, %and3A_15 : vector<16xi32>
    tpu.vector_store_idx %arg7[%shift_right_logical3A_14, %and3A_16], %broadcast_in_dim3A_5 {add = true} : memref<80x128xf32, #tpu.memory_space<vmem>>[vector<16xi32>, vector<16xi32>], vector<16xf32>,
    %barrier3A = arith.constant 0 : index
    tpu.barrier barrier_id(%barrier3A)
    "tpu.region"() ({
      %run_scoped3A = tpu.sem_alloc : memref<!tpu.dma_semaphore, #tpu.memory_space<semaphore_mem>>
      %dma_start3A = arith.constant 0 : i32
      %dma_start3A_23 = arith.constant 0 : i32
      %dma_start3A_24 = tpu.memref_slice %arg9[%dma_start3A, %dma_start3A_23] : memref<80x128xf32, #tpu.memory_space<vmem_shared>> -> memref<80x128xf32, #tpu.memory_space<vmem_shared>>
      tpu.enqueue_indirect_dma source(%arg7 : memref<80x128xf32, #tpu.memory_space<vmem>>) target(%dma_start3A_24 : memref<80x128xf32, #tpu.memory_space<vmem_shared>>) offsets(%arg8 : memref<80xi32, #tpu.memory_space<vmem>>) semaphore(%run_scoped3A : memref<!tpu.dma_semaphore, #tpu.memory_space<semaphore_mem>>) {add = true}
      %dma_wait3A = arith.constant 0 : i32
      %dma_wait3A_25 = arith.constant 0 : i32
      %dma_wait3A_26 = tpu.memref_slice %arg9[%dma_wait3A, %dma_wait3A_25] : memref<80x128xf32, #tpu.memory_space<vmem_shared>> -> memref<80x128xf32, #tpu.memory_space<vmem_shared>>
      tpu.wait_indirect_dma semaphore(%run_scoped3A : memref<!tpu.dma_semaphore, #tpu.memory_space<semaphore_mem>>) src(%arg7 : memref<80x128xf32, #tpu.memory_space<vmem>>) dst(%dma_wait3A_26 : memref<80x128xf32, #tpu.memory_space<vmem_shared>>)
      tpu.yield
    }) : () -> ()
    %barrier3A_17 = arith.constant 0 : index
    tpu.barrier barrier_id(%barrier3A_17)
    %lt3A_18 = arith.constant 10 : i32
    %lt3A_19 = arith.cmpi slt, %arg1, %lt3A_18 : i32
    %convert_element_type3A_20 = arith.extui %lt3A_19 : i1 to i32
    %cond3A_21 = arith.constant 0 : i32
    %cond3A_22 = arith.cmpi ne, %convert_element_type3A_20, %cond3A_21 : i32
    scf.if %cond3A_22 {
      %mul3A_23 = arith.constant 8 : i32
      %mul3A_24 = arith.muli %arg1, %mul3A_23 : i32
      %mul3A_25 = arith.constant 80 : i32
      %mul3A_26 = arith.muli %arg0, %mul3A_25 : i32
      %mul3A_27 = arith.constant 8 : i32
      %mul3A_28 = arith.muli %arg1, %mul3A_27 : i32
      %add3A_29 = arith.addi %mul3A_26, %mul3A_28 : i32
      "tpu.region"() ({
        %run_scoped3A = tpu.sem_alloc : memref<!tpu.dma_semaphore, #tpu.memory_space<semaphore_mem>>
        %dma_start3A = arith.constant 0 : i32
        %dma_start3A_30 = tpu.memref_slice %arg5[%add3A_29, %dma_start3A] : memref<160x128xf32, #tpu.memory_space<hbm>> -> memref<8x128xf32, #tpu.memory_space<hbm>>
        %dma_start3A_31 = arith.constant 0 : i32
        %dma_start3A_32 = tpu.memref_slice %arg9[%mul3A_24, %dma_start3A_31] : memref<80x128xf32, #tpu.memory_space<vmem_shared>> -> memref<8x128xf32, #tpu.memory_space<vmem_shared>>
        tpu.enqueue_dma source(%dma_start3A_32 : memref<8x128xf32, #tpu.memory_space<vmem_shared>>) target(%dma_start3A_30 : memref<8x128xf32, #tpu.memory_space<hbm>>) target_semaphore(%run_scoped3A : memref<!tpu.dma_semaphore, #tpu.memory_space<semaphore_mem>>)
        %dma_wait3A = arith.constant 0 : i32
        %dma_wait3A_33 = tpu.memref_slice %arg5[%add3A_29, %dma_wait3A] : memref<160x128xf32, #tpu.memory_space<hbm>> -> memref<8x128xf32, #tpu.memory_space<hbm>>
        %dma_wait3A_34 = arith.constant 0 : i32
        %dma_wait3A_35 = tpu.memref_slice %arg9[%mul3A_24, %dma_wait3A_34] : memref<80x128xf32, #tpu.memory_space<vmem_shared>> -> memref<8x128xf32, #tpu.memory_space<vmem_shared>>
        tpu.wait_dma2 semaphore(%run_scoped3A : memref<!tpu.dma_semaphore, #tpu.memory_space<semaphore_mem>>) src(%dma_wait3A_35 : memref<8x128xf32, #tpu.memory_space<vmem_shared>>) dst(%dma_wait3A_33 : memref<8x128xf32, #tpu.memory_space<hbm>>)
        tpu.yield
      }) : () -> ()
    } else {
    }
    return
  }
}

#map = affine_map<(d0, d1) -> (0, 0)>
#map1 = affine_map<(d0, d1) -> (0)>
module attributes {stable_mosaic.version = 14 : i64} {
  func.func @agg(%arg0: i32, %arg1: i32, %arg2: memref<10112x128xf32, #tpu.memory_space<hbm>>, %arg3: memref<323584xi32, #tpu.memory_space<hbm>>, %arg4: memref<323584xi32, #tpu.memory_space<hbm>>, %arg5: memref<128x128xf32, #tpu.memory_space<hbm>>, %arg6: memref<20224x128xf32, #tpu.memory_space<hbm>>, %arg7: memref<128xi32, #tpu.memory_space<vmem>>, %arg8: memref<128xi32, #tpu.memory_space<vmem>>, %arg9: memref<128xi32, #tpu.memory_space<vmem>>, %arg10: memref<128xi32, #tpu.memory_space<vmem>>, %arg11: memref<128x128xf32, #tpu.memory_space<vmem>>, %arg12: memref<128x128xf32, #tpu.memory_space<vmem>>, %arg13: memref<10112x128xf32, #tpu.memory_space<vmem_shared>>, %arg14: memref<!tpu.dma_semaphore, #tpu.memory_space<semaphore_mem>>, %arg15: memref<!tpu.dma_semaphore, #tpu.memory_space<semaphore_mem>>, %arg16: memref<!tpu.dma_semaphore, #tpu.memory_space<semaphore_mem>>, %arg17: memref<!tpu.dma_semaphore, #tpu.memory_space<semaphore_mem>>, %arg18: memref<!tpu.dma_semaphore, #tpu.memory_space<semaphore_mem>>, %arg19: memref<!tpu.dma_semaphore, #tpu.memory_space<semaphore_mem>>, %arg20: memref<!tpu.dma_semaphore, #tpu.memory_space<semaphore_mem>>, %arg21: memref<!tpu.dma_semaphore, #tpu.memory_space<semaphore_mem>>) attributes {dimension_semantics = [#tpu.dimension_semantics<core_parallel>, #tpu.dimension_semantics<subcore_parallel>], iteration_bounds = array<i64: 2, 16>, scalar_prefetch = 0 : i64, scratch_operands = 15 : i64, tpu.core_type = #tpu.core_type<sc_vector_subcore>, window_params = [{transform_indices = #map}, {transform_indices = #map1}, {transform_indices = #map1}, {transform_indices = #map}, {transform_indices = #map}]} {
    "tpu.region"() ({
      %run_scoped3A = tpu.sem_alloc : memref<!tpu.dma_semaphore, #tpu.memory_space<semaphore_mem>>
      tpu.enqueue_dma source(%arg5 : memref<128x128xf32, #tpu.memory_space<hbm>>) target(%arg11 : memref<128x128xf32, #tpu.memory_space<vmem>>) target_semaphore(%run_scoped3A : memref<!tpu.dma_semaphore, #tpu.memory_space<semaphore_mem>>)
      tpu.wait_dma2 semaphore(%run_scoped3A : memref<!tpu.dma_semaphore, #tpu.memory_space<semaphore_mem>>) src(%arg5 : memref<128x128xf32, #tpu.memory_space<hbm>>) dst(%arg11 : memref<128x128xf32, #tpu.memory_space<vmem>>)
      tpu.yield
    }) : () -> ()
    %mul3A = arith.constant 632 : i32
    %mul3A_0 = arith.muli %arg1, %mul3A : i32
    %add3A = arith.constant 0 : i32
    %add3A_1 = arith.addi %mul3A_0, %add3A : i32
    "tpu.region"() ({
      %run_scoped3A = tpu.sem_alloc : memref<!tpu.dma_semaphore, #tpu.memory_space<semaphore_mem>>
      %dma_start3A_84 = arith.constant 0 : i32
      %dma_start3A_85 = tpu.memref_slice %arg13[%add3A_1, %dma_start3A_84] : memref<10112x128xf32, #tpu.memory_space<vmem_shared>> -> memref<128x128xf32, #tpu.memory_space<vmem_shared>>
      %dma_start3A_86 = arith.constant 0 : i32
      %dma_start3A_87 = tpu.memref_slice %arg13[%add3A_1, %dma_start3A_86] : memref<10112x128xf32, #tpu.memory_space<vmem_shared>> -> memref<128x128xf32, #tpu.memory_space<vmem_shared>>
      tpu.enqueue_dma source(%arg11 : memref<128x128xf32, #tpu.memory_space<vmem>>) target(%dma_start3A_87 : memref<128x128xf32, #tpu.memory_space<vmem_shared>>) target_semaphore(%run_scoped3A : memref<!tpu.dma_semaphore, #tpu.memory_space<semaphore_mem>>)
      %dma_wait3A = arith.constant 0 : i32
      %dma_wait3A_88 = tpu.memref_slice %arg13[%add3A_1, %dma_wait3A] : memref<10112x128xf32, #tpu.memory_space<vmem_shared>> -> memref<128x128xf32, #tpu.memory_space<vmem_shared>>
      %dma_wait3A_89 = arith.constant 0 : i32
      %dma_wait3A_90 = tpu.memref_slice %arg13[%add3A_1, %dma_wait3A_89] : memref<10112x128xf32, #tpu.memory_space<vmem_shared>> -> memref<128x128xf32, #tpu.memory_space<vmem_shared>>
      tpu.wait_dma2 semaphore(%run_scoped3A : memref<!tpu.dma_semaphore, #tpu.memory_space<semaphore_mem>>) src(%arg11 : memref<128x128xf32, #tpu.memory_space<vmem>>) dst(%dma_wait3A_90 : memref<128x128xf32, #tpu.memory_space<vmem_shared>>)
      tpu.yield
    }) : () -> ()
    %mul3A_2 = arith.constant 632 : i32
    %mul3A_3 = arith.muli %arg1, %mul3A_2 : i32
    %add3A_4 = arith.constant 128 : i32
    %add3A_5 = arith.addi %mul3A_3, %add3A_4 : i32
    "tpu.region"() ({
      %run_scoped3A = tpu.sem_alloc : memref<!tpu.dma_semaphore, #tpu.memory_space<semaphore_mem>>
      %dma_start3A_84 = arith.constant 0 : i32
      %dma_start3A_85 = tpu.memref_slice %arg13[%add3A_5, %dma_start3A_84] : memref<10112x128xf32, #tpu.memory_space<vmem_shared>> -> memref<128x128xf32, #tpu.memory_space<vmem_shared>>
      %dma_start3A_86 = arith.constant 0 : i32
      %dma_start3A_87 = tpu.memref_slice %arg13[%add3A_5, %dma_start3A_86] : memref<10112x128xf32, #tpu.memory_space<vmem_shared>> -> memref<128x128xf32, #tpu.memory_space<vmem_shared>>
      tpu.enqueue_dma source(%arg11 : memref<128x128xf32, #tpu.memory_space<vmem>>) target(%dma_start3A_87 : memref<128x128xf32, #tpu.memory_space<vmem_shared>>) target_semaphore(%run_scoped3A : memref<!tpu.dma_semaphore, #tpu.memory_space<semaphore_mem>>)
      %dma_wait3A = arith.constant 0 : i32
      %dma_wait3A_88 = tpu.memref_slice %arg13[%add3A_5, %dma_wait3A] : memref<10112x128xf32, #tpu.memory_space<vmem_shared>> -> memref<128x128xf32, #tpu.memory_space<vmem_shared>>
      %dma_wait3A_89 = arith.constant 0 : i32
      %dma_wait3A_90 = tpu.memref_slice %arg13[%add3A_5, %dma_wait3A_89] : memref<10112x128xf32, #tpu.memory_space<vmem_shared>> -> memref<128x128xf32, #tpu.memory_space<vmem_shared>>
      tpu.wait_dma2 semaphore(%run_scoped3A : memref<!tpu.dma_semaphore, #tpu.memory_space<semaphore_mem>>) src(%arg11 : memref<128x128xf32, #tpu.memory_space<vmem>>) dst(%dma_wait3A_90 : memref<128x128xf32, #tpu.memory_space<vmem_shared>>)
      tpu.yield
    }) : () -> ()
    %mul3A_6 = arith.constant 632 : i32
    %mul3A_7 = arith.muli %arg1, %mul3A_6 : i32
    %add3A_8 = arith.constant 256 : i32
    %add3A_9 = arith.addi %mul3A_7, %add3A_8 : i32
    "tpu.region"() ({
      %run_scoped3A = tpu.sem_alloc : memref<!tpu.dma_semaphore, #tpu.memory_space<semaphore_mem>>
      %dma_start3A_84 = arith.constant 0 : i32
      %dma_start3A_85 = tpu.memref_slice %arg13[%add3A_9, %dma_start3A_84] : memref<10112x128xf32, #tpu.memory_space<vmem_shared>> -> memref<128x128xf32, #tpu.memory_space<vmem_shared>>
      %dma_start3A_86 = arith.constant 0 : i32
      %dma_start3A_87 = tpu.memref_slice %arg13[%add3A_9, %dma_start3A_86] : memref<10112x128xf32, #tpu.memory_space<vmem_shared>> -> memref<128x128xf32, #tpu.memory_space<vmem_shared>>
      tpu.enqueue_dma source(%arg11 : memref<128x128xf32, #tpu.memory_space<vmem>>) target(%dma_start3A_87 : memref<128x128xf32, #tpu.memory_space<vmem_shared>>) target_semaphore(%run_scoped3A : memref<!tpu.dma_semaphore, #tpu.memory_space<semaphore_mem>>)
      %dma_wait3A = arith.constant 0 : i32
      %dma_wait3A_88 = tpu.memref_slice %arg13[%add3A_9, %dma_wait3A] : memref<10112x128xf32, #tpu.memory_space<vmem_shared>> -> memref<128x128xf32, #tpu.memory_space<vmem_shared>>
      %dma_wait3A_89 = arith.constant 0 : i32
      %dma_wait3A_90 = tpu.memref_slice %arg13[%add3A_9, %dma_wait3A_89] : memref<10112x128xf32, #tpu.memory_space<vmem_shared>> -> memref<128x128xf32, #tpu.memory_space<vmem_shared>>
      tpu.wait_dma2 semaphore(%run_scoped3A : memref<!tpu.dma_semaphore, #tpu.memory_space<semaphore_mem>>) src(%arg11 : memref<128x128xf32, #tpu.memory_space<vmem>>) dst(%dma_wait3A_90 : memref<128x128xf32, #tpu.memory_space<vmem_shared>>)
      tpu.yield
    }) : () -> ()
    %mul3A_10 = arith.constant 632 : i32
    %mul3A_11 = arith.muli %arg1, %mul3A_10 : i32
    %add3A_12 = arith.constant 384 : i32
    %add3A_13 = arith.addi %mul3A_11, %add3A_12 : i32
    "tpu.region"() ({
      %run_scoped3A = tpu.sem_alloc : memref<!tpu.dma_semaphore, #tpu.memory_space<semaphore_mem>>
      %dma_start3A_84 = arith.constant 0 : i32
      %dma_start3A_85 = tpu.memref_slice %arg13[%add3A_13, %dma_start3A_84] : memref<10112x128xf32, #tpu.memory_space<vmem_shared>> -> memref<128x128xf32, #tpu.memory_space<vmem_shared>>
      %dma_start3A_86 = arith.constant 0 : i32
      %dma_start3A_87 = tpu.memref_slice %arg13[%add3A_13, %dma_start3A_86] : memref<10112x128xf32, #tpu.memory_space<vmem_shared>> -> memref<128x128xf32, #tpu.memory_space<vmem_shared>>
      tpu.enqueue_dma source(%arg11 : memref<128x128xf32, #tpu.memory_space<vmem>>) target(%dma_start3A_87 : memref<128x128xf32, #tpu.memory_space<vmem_shared>>) target_semaphore(%run_scoped3A : memref<!tpu.dma_semaphore, #tpu.memory_space<semaphore_mem>>)
      %dma_wait3A = arith.constant 0 : i32
      %dma_wait3A_88 = tpu.memref_slice %arg13[%add3A_13, %dma_wait3A] : memref<10112x128xf32, #tpu.memory_space<vmem_shared>> -> memref<128x128xf32, #tpu.memory_space<vmem_shared>>
      %dma_wait3A_89 = arith.constant 0 : i32
      %dma_wait3A_90 = tpu.memref_slice %arg13[%add3A_13, %dma_wait3A_89] : memref<10112x128xf32, #tpu.memory_space<vmem_shared>> -> memref<128x128xf32, #tpu.memory_space<vmem_shared>>
      tpu.wait_dma2 semaphore(%run_scoped3A : memref<!tpu.dma_semaphore, #tpu.memory_space<semaphore_mem>>) src(%arg11 : memref<128x128xf32, #tpu.memory_space<vmem>>) dst(%dma_wait3A_90 : memref<128x128xf32, #tpu.memory_space<vmem_shared>>)
      tpu.yield
    }) : () -> ()
    %mul3A_14 = arith.constant 632 : i32
    %mul3A_15 = arith.muli %arg1, %mul3A_14 : i32
    %add3A_16 = arith.constant 512 : i32
    %add3A_17 = arith.addi %mul3A_15, %add3A_16 : i32
    "tpu.region"() ({
      %run_scoped3A = tpu.sem_alloc : memref<!tpu.dma_semaphore, #tpu.memory_space<semaphore_mem>>
      %dma_start3A_84 = arith.constant 0 : i32
      %dma_start3A_85 = arith.constant 0 : i32
      %dma_start3A_86 = tpu.memref_slice %arg11[%dma_start3A_84, %dma_start3A_85] : memref<128x128xf32, #tpu.memory_space<vmem>> -> memref<120x128xf32, #tpu.memory_space<vmem>>
      %dma_start3A_87 = arith.constant 0 : i32
      %dma_start3A_88 = tpu.memref_slice %arg13[%add3A_17, %dma_start3A_87] : memref<10112x128xf32, #tpu.memory_space<vmem_shared>> -> memref<120x128xf32, #tpu.memory_space<vmem_shared>>
      %dma_start3A_89 = arith.constant 0 : i32
      %dma_start3A_90 = tpu.memref_slice %arg13[%add3A_17, %dma_start3A_89] : memref<10112x128xf32, #tpu.memory_space<vmem_shared>> -> memref<120x128xf32, #tpu.memory_space<vmem_shared>>
      %dma_start3A_91 = arith.constant 0 : i32
      %dma_start3A_92 = arith.constant 0 : i32
      %dma_start3A_93 = tpu.memref_slice %arg11[%dma_start3A_91, %dma_start3A_92] : memref<128x128xf32, #tpu.memory_space<vmem>> -> memref<120x128xf32, #tpu.memory_space<vmem>>
      tpu.enqueue_dma source(%dma_start3A_93 : memref<120x128xf32, #tpu.memory_space<vmem>>) target(%dma_start3A_90 : memref<120x128xf32, #tpu.memory_space<vmem_shared>>) target_semaphore(%run_scoped3A : memref<!tpu.dma_semaphore, #tpu.memory_space<semaphore_mem>>)
      %dma_wait3A = arith.constant 0 : i32
      %dma_wait3A_94 = arith.constant 0 : i32
      %dma_wait3A_95 = tpu.memref_slice %arg11[%dma_wait3A, %dma_wait3A_94] : memref<128x128xf32, #tpu.memory_space<vmem>> -> memref<120x128xf32, #tpu.memory_space<vmem>>
      %dma_wait3A_96 = arith.constant 0 : i32
      %dma_wait3A_97 = tpu.memref_slice %arg13[%add3A_17, %dma_wait3A_96] : memref<10112x128xf32, #tpu.memory_space<vmem_shared>> -> memref<120x128xf32, #tpu.memory_space<vmem_shared>>
      %dma_wait3A_98 = arith.constant 0 : i32
      %dma_wait3A_99 = tpu.memref_slice %arg13[%add3A_17, %dma_wait3A_98] : memref<10112x128xf32, #tpu.memory_space<vmem_shared>> -> memref<120x128xf32, #tpu.memory_space<vmem_shared>>
      %dma_wait3A_100 = arith.constant 0 : i32
      %dma_wait3A_101 = arith.constant 0 : i32
      %dma_wait3A_102 = tpu.memref_slice %arg11[%dma_wait3A_100, %dma_wait3A_101] : memref<128x128xf32, #tpu.memory_space<vmem>> -> memref<120x128xf32, #tpu.memory_space<vmem>>
      tpu.wait_dma2 semaphore(%run_scoped3A : memref<!tpu.dma_semaphore, #tpu.memory_space<semaphore_mem>>) src(%dma_wait3A_102 : memref<120x128xf32, #tpu.memory_space<vmem>>) dst(%dma_wait3A_99 : memref<120x128xf32, #tpu.memory_space<vmem_shared>>)
      tpu.yield
    }) : () -> ()
    %barrier3A = arith.constant 0 : index
    tpu.barrier barrier_id(%barrier3A)
    %eq3A = arith.constant 0 : i32
    %eq3A_18 = arith.cmpi eq, %arg0, %eq3A : i32
    %mul3A_19 = arith.constant 13568 : i32
    %mul3A_20 = arith.muli %arg1, %mul3A_19 : i32
    %mul3A_21 = arith.constant 6656 : i32
    %mul3A_22 = arith.muli %arg1, %mul3A_21 : i32
    %add3A_23 = arith.constant 217088 : i32
    %add3A_24 = arith.addi %add3A_23, %mul3A_22 : i32
    %select_n3A = arith.select %eq3A_18, %mul3A_20, %add3A_24 : i32
    %eq3A_25 = arith.constant 0 : i32
    %eq3A_26 = arith.cmpi eq, %arg0, %eq3A_25 : i32
    %jit3A = arith.constant 106 : i32
    %jit3A_27 = arith.constant 52 : i32
    %select_n3A_28 = arith.select %eq3A_26, %jit3A, %jit3A_27 : i32
    %add3A_29 = arith.constant 0 : i32
    %add3A_30 = arith.addi %select_n3A, %add3A_29 : i32
    %dma_start3A = tpu.memref_slice %arg3[%add3A_30] : memref<323584xi32, #tpu.memory_space<hbm>> -> memref<128xi32, #tpu.memory_space<hbm>>
    %dma_start3A_31 = tpu.memref_slice %arg3[%add3A_30] : memref<323584xi32, #tpu.memory_space<hbm>> -> memref<128xi32, #tpu.memory_space<hbm>>
    tpu.enqueue_dma source(%dma_start3A_31 : memref<128xi32, #tpu.memory_space<hbm>>) target(%arg7 : memref<128xi32, #tpu.memory_space<vmem>>) target_semaphore(%arg14 : memref<!tpu.dma_semaphore, #tpu.memory_space<semaphore_mem>>)
    %dma_start3A_32 = tpu.memref_slice %arg4[%add3A_30] : memref<323584xi32, #tpu.memory_space<hbm>> -> memref<128xi32, #tpu.memory_space<hbm>>
    %dma_start3A_33 = tpu.memref_slice %arg4[%add3A_30] : memref<323584xi32, #tpu.memory_space<hbm>> -> memref<128xi32, #tpu.memory_space<hbm>>
    tpu.enqueue_dma source(%dma_start3A_33 : memref<128xi32, #tpu.memory_space<hbm>>) target(%arg9 : memref<128xi32, #tpu.memory_space<vmem>>) target_semaphore(%arg16 : memref<!tpu.dma_semaphore, #tpu.memory_space<semaphore_mem>>)
    %add3A_34 = arith.constant 128 : i32
    %add3A_35 = arith.addi %select_n3A, %add3A_34 : i32
    %dma_start3A_36 = tpu.memref_slice %arg3[%add3A_35] : memref<323584xi32, #tpu.memory_space<hbm>> -> memref<128xi32, #tpu.memory_space<hbm>>
    %dma_start3A_37 = tpu.memref_slice %arg3[%add3A_35] : memref<323584xi32, #tpu.memory_space<hbm>> -> memref<128xi32, #tpu.memory_space<hbm>>
    tpu.enqueue_dma source(%dma_start3A_37 : memref<128xi32, #tpu.memory_space<hbm>>) target(%arg8 : memref<128xi32, #tpu.memory_space<vmem>>) target_semaphore(%arg15 : memref<!tpu.dma_semaphore, #tpu.memory_space<semaphore_mem>>)
    %dma_start3A_38 = tpu.memref_slice %arg4[%add3A_35] : memref<323584xi32, #tpu.memory_space<hbm>> -> memref<128xi32, #tpu.memory_space<hbm>>
    %dma_start3A_39 = tpu.memref_slice %arg4[%add3A_35] : memref<323584xi32, #tpu.memory_space<hbm>> -> memref<128xi32, #tpu.memory_space<hbm>>
    tpu.enqueue_dma source(%dma_start3A_39 : memref<128xi32, #tpu.memory_space<hbm>>) target(%arg10 : memref<128xi32, #tpu.memory_space<vmem>>) target_semaphore(%arg17 : memref<!tpu.dma_semaphore, #tpu.memory_space<semaphore_mem>>)
    %jit3A_40 = arith.constant 2 : i32
    %div3A = arith.divsi %select_n3A_28, %jit3A_40 : i32
    %sign3A = arith.constant 0 : i32
    %sign3A_41 = arith.cmpi sgt, %select_n3A_28, %sign3A : i32
    %sign3A_42 = arith.extui %sign3A_41 : i1 to i32
    %sign3A_43 = arith.constant 0 : i32
    %sign3A_44 = arith.cmpi slt, %select_n3A_28, %sign3A_43 : i32
    %sign3A_45 = arith.extui %sign3A_44 : i1 to i32
    %sign3A_46 = arith.subi %sign3A_42, %sign3A_45 : i32
    %sign3A_47 = arith.constant 0 : i32
    %sign3A_48 = arith.cmpi sgt, %jit3A_40, %sign3A_47 : i32
    %sign3A_49 = arith.extui %sign3A_48 : i1 to i32
    %sign3A_50 = arith.constant 0 : i32
    %sign3A_51 = arith.cmpi slt, %jit3A_40, %sign3A_50 : i32
    %sign3A_52 = arith.extui %sign3A_51 : i1 to i32
    %sign3A_53 = arith.subi %sign3A_49, %sign3A_52 : i32
    %ne3A = arith.cmpi ne, %sign3A_46, %sign3A_53 : i32
    %rem3A = arith.remsi %select_n3A_28, %jit3A_40 : i32
    %ne3A_54 = arith.constant 0 : i32
    %ne3A_55 = arith.cmpi ne, %rem3A, %ne3A_54 : i32
    %and3A = arith.andi %ne3A, %ne3A_55 : i1
    %sub3A = arith.constant 1 : i32
    %sub3A_56 = arith.subi %div3A, %sub3A : i32
    %select_n3A_57 = arith.select %and3A, %sub3A_56, %div3A : i32
    %sub3A_58 = arith.constant 0 : i32
    %sub3A_59 = arith.subi %select_n3A_57, %sub3A_58 : i32
    %sub3A_60 = arith.constant 1 : i32
    %sub3A_61 = arith.constant 1 : i32
    %sub3A_62 = arith.subi %sub3A_60, %sub3A_61 : i32
    %add3A_63 = arith.addi %sub3A_59, %sub3A_62 : i32
    %div3A_64 = arith.constant 1 : i32
    %div3A_65 = arith.divsi %add3A_63, %div3A_64 : i32
    %while3A = arith.constant 1 : i32
    %while3A_66 = arith.constant 0 : i32
    %while3A_67 = arith.constant 0 : i32
    %while3A_68 = arith.subi %div3A_65, %while3A_67 : i32
    %while3A_69 = arith.addi %while3A_67, %while3A_68 : i32
    %while3A_70 = arith.constant 1 : i32
    %while3A_71 = arith.divsi %while3A_68, %while3A_70 : i32
    %while3A_72 = arith.muli %while3A_71, %while3A_70 : i32
    %while3A_73 = arith.addi %while3A_67, %while3A_72 : i32
    %while3A_74 = arith.constant 1 : i32
    scf.for %while3A_84 = %while3A_67 to %while3A_73 step %while3A_74  : i32 {
      %mul3A_85 = arith.muli %while3A_84, %while3A : i32
      %add3A_86 = arith.addi %while3A_66, %mul3A_85 : i32
      %mul3A_87 = arith.constant 2 : i32
      %mul3A_88 = arith.muli %add3A_86, %mul3A_87 : i32
      %dma_wait3A = tpu.memref_slice %arg3[%select_n3A] : memref<323584xi32, #tpu.memory_space<hbm>> -> memref<128xi32, #tpu.memory_space<hbm>>
      %dma_wait3A_89 = tpu.memref_slice %arg3[%select_n3A] : memref<323584xi32, #tpu.memory_space<hbm>> -> memref<128xi32, #tpu.memory_space<hbm>>
      tpu.wait_dma2 semaphore(%arg14 : memref<!tpu.dma_semaphore, #tpu.memory_space<semaphore_mem>>) src(%dma_wait3A_89 : memref<128xi32, #tpu.memory_space<hbm>>) dst(%arg7 : memref<128xi32, #tpu.memory_space<vmem>>)
      %dma_wait3A_90 = tpu.memref_slice %arg3[%select_n3A] : memref<323584xi32, #tpu.memory_space<hbm>> -> memref<128xi32, #tpu.memory_space<hbm>>
      %dma_wait3A_91 = tpu.memref_slice %arg3[%select_n3A] : memref<323584xi32, #tpu.memory_space<hbm>> -> memref<128xi32, #tpu.memory_space<hbm>>
      tpu.wait_dma2 semaphore(%arg15 : memref<!tpu.dma_semaphore, #tpu.memory_space<semaphore_mem>>) src(%dma_wait3A_91 : memref<128xi32, #tpu.memory_space<hbm>>) dst(%arg8 : memref<128xi32, #tpu.memory_space<vmem>>)
      %dma_start3A_92 = arith.constant 0 : i32
      %dma_start3A_93 = arith.constant 0 : i32
      %dma_start3A_94 = tpu.memref_slice %arg2[%dma_start3A_92, %dma_start3A_93] : memref<10112x128xf32, #tpu.memory_space<hbm>> -> memref<10112x128xf32, #tpu.memory_space<hbm>>
      tpu.enqueue_indirect_dma source(%dma_start3A_94 : memref<10112x128xf32, #tpu.memory_space<hbm>>) target(%arg11 : memref<128x128xf32, #tpu.memory_space<vmem>>) offsets(%arg7 : memref<128xi32, #tpu.memory_space<vmem>>) semaphore(%arg18 : memref<!tpu.dma_semaphore, #tpu.memory_space<semaphore_mem>>)
      %dma_start3A_95 = arith.constant 0 : i32
      %dma_start3A_96 = arith.constant 0 : i32
      %dma_start3A_97 = tpu.memref_slice %arg2[%dma_start3A_95, %dma_start3A_96] : memref<10112x128xf32, #tpu.memory_space<hbm>> -> memref<10112x128xf32, #tpu.memory_space<hbm>>
      tpu.enqueue_indirect_dma source(%dma_start3A_97 : memref<10112x128xf32, #tpu.memory_space<hbm>>) target(%arg12 : memref<128x128xf32, #tpu.memory_space<vmem>>) offsets(%arg8 : memref<128xi32, #tpu.memory_space<vmem>>) semaphore(%arg19 : memref<!tpu.dma_semaphore, #tpu.memory_space<semaphore_mem>>)
      %dma_wait3A_98 = arith.constant 0 : i32
      %dma_wait3A_99 = arith.constant 0 : i32
      %dma_wait3A_100 = tpu.memref_slice %arg2[%dma_wait3A_98, %dma_wait3A_99] : memref<10112x128xf32, #tpu.memory_space<hbm>> -> memref<10112x128xf32, #tpu.memory_space<hbm>>
      tpu.wait_indirect_dma semaphore(%arg18 : memref<!tpu.dma_semaphore, #tpu.memory_space<semaphore_mem>>) src(%dma_wait3A_100 : memref<10112x128xf32, #tpu.memory_space<hbm>>) dst(%arg11 : memref<128x128xf32, #tpu.memory_space<vmem>>)
      %dma_wait3A_101 = arith.constant 0 : i32
      %dma_wait3A_102 = arith.constant 0 : i32
      %dma_wait3A_103 = tpu.memref_slice %arg2[%dma_wait3A_101, %dma_wait3A_102] : memref<10112x128xf32, #tpu.memory_space<hbm>> -> memref<10112x128xf32, #tpu.memory_space<hbm>>
      tpu.wait_indirect_dma semaphore(%arg19 : memref<!tpu.dma_semaphore, #tpu.memory_space<semaphore_mem>>) src(%dma_wait3A_103 : memref<10112x128xf32, #tpu.memory_space<hbm>>) dst(%arg12 : memref<128x128xf32, #tpu.memory_space<vmem>>)
      %add3A_104 = arith.constant 2 : i32
      %add3A_105 = arith.addi %mul3A_88, %add3A_104 : i32
      %lt3A = arith.cmpi slt, %add3A_105, %select_n3A_28 : i32
      %convert_element_type3A = arith.extui %lt3A : i1 to i32
      %cond3A = arith.constant 0 : i32
      %cond3A_106 = arith.cmpi ne, %convert_element_type3A, %cond3A : i32
      scf.if %cond3A_106 {
        %add3A_129 = arith.constant 2 : i32
        %add3A_130 = arith.addi %mul3A_88, %add3A_129 : i32
        %mul3A_131 = arith.constant 128 : i32
        %mul3A_132 = arith.muli %add3A_130, %mul3A_131 : i32
        %add3A_133 = arith.addi %select_n3A, %mul3A_132 : i32
        %dma_start3A_134 = tpu.memref_slice %arg3[%add3A_133] : memref<323584xi32, #tpu.memory_space<hbm>> -> memref<128xi32, #tpu.memory_space<hbm>>
        %dma_start3A_135 = tpu.memref_slice %arg3[%add3A_133] : memref<323584xi32, #tpu.memory_space<hbm>> -> memref<128xi32, #tpu.memory_space<hbm>>
        tpu.enqueue_dma source(%dma_start3A_135 : memref<128xi32, #tpu.memory_space<hbm>>) target(%arg7 : memref<128xi32, #tpu.memory_space<vmem>>) target_semaphore(%arg14 : memref<!tpu.dma_semaphore, #tpu.memory_space<semaphore_mem>>)
        %add3A_136 = arith.constant 3 : i32
        %add3A_137 = arith.addi %mul3A_88, %add3A_136 : i32
        %mul3A_138 = arith.constant 128 : i32
        %mul3A_139 = arith.muli %add3A_137, %mul3A_138 : i32
        %add3A_140 = arith.addi %select_n3A, %mul3A_139 : i32
        %dma_start3A_141 = tpu.memref_slice %arg3[%add3A_140] : memref<323584xi32, #tpu.memory_space<hbm>> -> memref<128xi32, #tpu.memory_space<hbm>>
        %dma_start3A_142 = tpu.memref_slice %arg3[%add3A_140] : memref<323584xi32, #tpu.memory_space<hbm>> -> memref<128xi32, #tpu.memory_space<hbm>>
        tpu.enqueue_dma source(%dma_start3A_142 : memref<128xi32, #tpu.memory_space<hbm>>) target(%arg8 : memref<128xi32, #tpu.memory_space<vmem>>) target_semaphore(%arg15 : memref<!tpu.dma_semaphore, #tpu.memory_space<semaphore_mem>>)
      } else {
      }
      %dma_wait3A_107 = tpu.memref_slice %arg4[%select_n3A] : memref<323584xi32, #tpu.memory_space<hbm>> -> memref<128xi32, #tpu.memory_space<hbm>>
      %dma_wait3A_108 = tpu.memref_slice %arg4[%select_n3A] : memref<323584xi32, #tpu.memory_space<hbm>> -> memref<128xi32, #tpu.memory_space<hbm>>
      tpu.wait_dma2 semaphore(%arg16 : memref<!tpu.dma_semaphore, #tpu.memory_space<semaphore_mem>>) src(%dma_wait3A_108 : memref<128xi32, #tpu.memory_space<hbm>>) dst(%arg9 : memref<128xi32, #tpu.memory_space<vmem>>)
      %dma_wait3A_109 = tpu.memref_slice %arg4[%select_n3A] : memref<323584xi32, #tpu.memory_space<hbm>> -> memref<128xi32, #tpu.memory_space<hbm>>
      %dma_wait3A_110 = tpu.memref_slice %arg4[%select_n3A] : memref<323584xi32, #tpu.memory_space<hbm>> -> memref<128xi32, #tpu.memory_space<hbm>>
      tpu.wait_dma2 semaphore(%arg17 : memref<!tpu.dma_semaphore, #tpu.memory_space<semaphore_mem>>) src(%dma_wait3A_110 : memref<128xi32, #tpu.memory_space<hbm>>) dst(%arg10 : memref<128xi32, #tpu.memory_space<vmem>>)
      %dma_start3A_111 = arith.constant 0 : i32
      %dma_start3A_112 = arith.constant 0 : i32
      %dma_start3A_113 = tpu.memref_slice %arg13[%dma_start3A_111, %dma_start3A_112] : memref<10112x128xf32, #tpu.memory_space<vmem_shared>> -> memref<10112x128xf32, #tpu.memory_space<vmem_shared>>
      tpu.enqueue_indirect_dma source(%arg11 : memref<128x128xf32, #tpu.memory_space<vmem>>) target(%dma_start3A_113 : memref<10112x128xf32, #tpu.memory_space<vmem_shared>>) offsets(%arg9 : memref<128xi32, #tpu.memory_space<vmem>>) semaphore(%arg20 : memref<!tpu.dma_semaphore, #tpu.memory_space<semaphore_mem>>) {add = true}
      %dma_start3A_114 = arith.constant 0 : i32
      %dma_start3A_115 = arith.constant 0 : i32
      %dma_start3A_116 = tpu.memref_slice %arg13[%dma_start3A_114, %dma_start3A_115] : memref<10112x128xf32, #tpu.memory_space<vmem_shared>> -> memref<10112x128xf32, #tpu.memory_space<vmem_shared>>
      tpu.enqueue_indirect_dma source(%arg12 : memref<128x128xf32, #tpu.memory_space<vmem>>) target(%dma_start3A_116 : memref<10112x128xf32, #tpu.memory_space<vmem_shared>>) offsets(%arg10 : memref<128xi32, #tpu.memory_space<vmem>>) semaphore(%arg21 : memref<!tpu.dma_semaphore, #tpu.memory_space<semaphore_mem>>) {add = true}
      %dma_wait3A_117 = arith.constant 0 : i32
      %dma_wait3A_118 = arith.constant 0 : i32
      %dma_wait3A_119 = tpu.memref_slice %arg13[%dma_wait3A_117, %dma_wait3A_118] : memref<10112x128xf32, #tpu.memory_space<vmem_shared>> -> memref<10112x128xf32, #tpu.memory_space<vmem_shared>>
      tpu.wait_indirect_dma semaphore(%arg20 : memref<!tpu.dma_semaphore, #tpu.memory_space<semaphore_mem>>) src(%arg11 : memref<128x128xf32, #tpu.memory_space<vmem>>) dst(%dma_wait3A_119 : memref<10112x128xf32, #tpu.memory_space<vmem_shared>>)
      %dma_wait3A_120 = arith.constant 0 : i32
      %dma_wait3A_121 = arith.constant 0 : i32
      %dma_wait3A_122 = tpu.memref_slice %arg13[%dma_wait3A_120, %dma_wait3A_121] : memref<10112x128xf32, #tpu.memory_space<vmem_shared>> -> memref<10112x128xf32, #tpu.memory_space<vmem_shared>>
      tpu.wait_indirect_dma semaphore(%arg21 : memref<!tpu.dma_semaphore, #tpu.memory_space<semaphore_mem>>) src(%arg12 : memref<128x128xf32, #tpu.memory_space<vmem>>) dst(%dma_wait3A_122 : memref<10112x128xf32, #tpu.memory_space<vmem_shared>>)
      %add3A_123 = arith.constant 2 : i32
      %add3A_124 = arith.addi %mul3A_88, %add3A_123 : i32
      %lt3A_125 = arith.cmpi slt, %add3A_124, %select_n3A_28 : i32
      %convert_element_type3A_126 = arith.extui %lt3A_125 : i1 to i32
      %cond3A_127 = arith.constant 0 : i32
      %cond3A_128 = arith.cmpi ne, %convert_element_type3A_126, %cond3A_127 : i32
      scf.if %cond3A_128 {
        %add3A_129 = arith.constant 2 : i32
        %add3A_130 = arith.addi %mul3A_88, %add3A_129 : i32
        %mul3A_131 = arith.constant 128 : i32
        %mul3A_132 = arith.muli %add3A_130, %mul3A_131 : i32
        %add3A_133 = arith.addi %select_n3A, %mul3A_132 : i32
        %dma_start3A_134 = tpu.memref_slice %arg4[%add3A_133] : memref<323584xi32, #tpu.memory_space<hbm>> -> memref<128xi32, #tpu.memory_space<hbm>>
        %dma_start3A_135 = tpu.memref_slice %arg4[%add3A_133] : memref<323584xi32, #tpu.memory_space<hbm>> -> memref<128xi32, #tpu.memory_space<hbm>>
        tpu.enqueue_dma source(%dma_start3A_135 : memref<128xi32, #tpu.memory_space<hbm>>) target(%arg9 : memref<128xi32, #tpu.memory_space<vmem>>) target_semaphore(%arg16 : memref<!tpu.dma_semaphore, #tpu.memory_space<semaphore_mem>>)
        %add3A_136 = arith.constant 3 : i32
        %add3A_137 = arith.addi %mul3A_88, %add3A_136 : i32
        %mul3A_138 = arith.constant 128 : i32
        %mul3A_139 = arith.muli %add3A_137, %mul3A_138 : i32
        %add3A_140 = arith.addi %select_n3A, %mul3A_139 : i32
        %dma_start3A_141 = tpu.memref_slice %arg4[%add3A_140] : memref<323584xi32, #tpu.memory_space<hbm>> -> memref<128xi32, #tpu.memory_space<hbm>>
        %dma_start3A_142 = tpu.memref_slice %arg4[%add3A_140] : memref<323584xi32, #tpu.memory_space<hbm>> -> memref<128xi32, #tpu.memory_space<hbm>>
        tpu.enqueue_dma source(%dma_start3A_142 : memref<128xi32, #tpu.memory_space<hbm>>) target(%arg10 : memref<128xi32, #tpu.memory_space<vmem>>) target_semaphore(%arg17 : memref<!tpu.dma_semaphore, #tpu.memory_space<semaphore_mem>>)
      } else {
      }
    }
    %while3A_75 = arith.constant 1 : i32
    scf.for %while3A_84 = %while3A_73 to %while3A_69 step %while3A_75  : i32 {
      %mul3A_85 = arith.muli %while3A_84, %while3A : i32
      %add3A_86 = arith.addi %while3A_66, %mul3A_85 : i32
      %mul3A_87 = arith.constant 2 : i32
      %mul3A_88 = arith.muli %add3A_86, %mul3A_87 : i32
      %dma_wait3A = tpu.memref_slice %arg3[%select_n3A] : memref<323584xi32, #tpu.memory_space<hbm>> -> memref<128xi32, #tpu.memory_space<hbm>>
      %dma_wait3A_89 = tpu.memref_slice %arg3[%select_n3A] : memref<323584xi32, #tpu.memory_space<hbm>> -> memref<128xi32, #tpu.memory_space<hbm>>
      tpu.wait_dma2 semaphore(%arg14 : memref<!tpu.dma_semaphore, #tpu.memory_space<semaphore_mem>>) src(%dma_wait3A_89 : memref<128xi32, #tpu.memory_space<hbm>>) dst(%arg7 : memref<128xi32, #tpu.memory_space<vmem>>)
      %dma_wait3A_90 = tpu.memref_slice %arg3[%select_n3A] : memref<323584xi32, #tpu.memory_space<hbm>> -> memref<128xi32, #tpu.memory_space<hbm>>
      %dma_wait3A_91 = tpu.memref_slice %arg3[%select_n3A] : memref<323584xi32, #tpu.memory_space<hbm>> -> memref<128xi32, #tpu.memory_space<hbm>>
      tpu.wait_dma2 semaphore(%arg15 : memref<!tpu.dma_semaphore, #tpu.memory_space<semaphore_mem>>) src(%dma_wait3A_91 : memref<128xi32, #tpu.memory_space<hbm>>) dst(%arg8 : memref<128xi32, #tpu.memory_space<vmem>>)
      %dma_start3A_92 = arith.constant 0 : i32
      %dma_start3A_93 = arith.constant 0 : i32
      %dma_start3A_94 = tpu.memref_slice %arg2[%dma_start3A_92, %dma_start3A_93] : memref<10112x128xf32, #tpu.memory_space<hbm>> -> memref<10112x128xf32, #tpu.memory_space<hbm>>
      tpu.enqueue_indirect_dma source(%dma_start3A_94 : memref<10112x128xf32, #tpu.memory_space<hbm>>) target(%arg11 : memref<128x128xf32, #tpu.memory_space<vmem>>) offsets(%arg7 : memref<128xi32, #tpu.memory_space<vmem>>) semaphore(%arg18 : memref<!tpu.dma_semaphore, #tpu.memory_space<semaphore_mem>>)
      %dma_start3A_95 = arith.constant 0 : i32
      %dma_start3A_96 = arith.constant 0 : i32
      %dma_start3A_97 = tpu.memref_slice %arg2[%dma_start3A_95, %dma_start3A_96] : memref<10112x128xf32, #tpu.memory_space<hbm>> -> memref<10112x128xf32, #tpu.memory_space<hbm>>
      tpu.enqueue_indirect_dma source(%dma_start3A_97 : memref<10112x128xf32, #tpu.memory_space<hbm>>) target(%arg12 : memref<128x128xf32, #tpu.memory_space<vmem>>) offsets(%arg8 : memref<128xi32, #tpu.memory_space<vmem>>) semaphore(%arg19 : memref<!tpu.dma_semaphore, #tpu.memory_space<semaphore_mem>>)
      %dma_wait3A_98 = arith.constant 0 : i32
      %dma_wait3A_99 = arith.constant 0 : i32
      %dma_wait3A_100 = tpu.memref_slice %arg2[%dma_wait3A_98, %dma_wait3A_99] : memref<10112x128xf32, #tpu.memory_space<hbm>> -> memref<10112x128xf32, #tpu.memory_space<hbm>>
      tpu.wait_indirect_dma semaphore(%arg18 : memref<!tpu.dma_semaphore, #tpu.memory_space<semaphore_mem>>) src(%dma_wait3A_100 : memref<10112x128xf32, #tpu.memory_space<hbm>>) dst(%arg11 : memref<128x128xf32, #tpu.memory_space<vmem>>)
      %dma_wait3A_101 = arith.constant 0 : i32
      %dma_wait3A_102 = arith.constant 0 : i32
      %dma_wait3A_103 = tpu.memref_slice %arg2[%dma_wait3A_101, %dma_wait3A_102] : memref<10112x128xf32, #tpu.memory_space<hbm>> -> memref<10112x128xf32, #tpu.memory_space<hbm>>
      tpu.wait_indirect_dma semaphore(%arg19 : memref<!tpu.dma_semaphore, #tpu.memory_space<semaphore_mem>>) src(%dma_wait3A_103 : memref<10112x128xf32, #tpu.memory_space<hbm>>) dst(%arg12 : memref<128x128xf32, #tpu.memory_space<vmem>>)
      %add3A_104 = arith.constant 2 : i32
      %add3A_105 = arith.addi %mul3A_88, %add3A_104 : i32
      %lt3A = arith.cmpi slt, %add3A_105, %select_n3A_28 : i32
      %convert_element_type3A = arith.extui %lt3A : i1 to i32
      %cond3A = arith.constant 0 : i32
      %cond3A_106 = arith.cmpi ne, %convert_element_type3A, %cond3A : i32
      scf.if %cond3A_106 {
        %add3A_129 = arith.constant 2 : i32
        %add3A_130 = arith.addi %mul3A_88, %add3A_129 : i32
        %mul3A_131 = arith.constant 128 : i32
        %mul3A_132 = arith.muli %add3A_130, %mul3A_131 : i32
        %add3A_133 = arith.addi %select_n3A, %mul3A_132 : i32
        %dma_start3A_134 = tpu.memref_slice %arg3[%add3A_133] : memref<323584xi32, #tpu.memory_space<hbm>> -> memref<128xi32, #tpu.memory_space<hbm>>
        %dma_start3A_135 = tpu.memref_slice %arg3[%add3A_133] : memref<323584xi32, #tpu.memory_space<hbm>> -> memref<128xi32, #tpu.memory_space<hbm>>
        tpu.enqueue_dma source(%dma_start3A_135 : memref<128xi32, #tpu.memory_space<hbm>>) target(%arg7 : memref<128xi32, #tpu.memory_space<vmem>>) target_semaphore(%arg14 : memref<!tpu.dma_semaphore, #tpu.memory_space<semaphore_mem>>)
        %add3A_136 = arith.constant 3 : i32
        %add3A_137 = arith.addi %mul3A_88, %add3A_136 : i32
        %mul3A_138 = arith.constant 128 : i32
        %mul3A_139 = arith.muli %add3A_137, %mul3A_138 : i32
        %add3A_140 = arith.addi %select_n3A, %mul3A_139 : i32
        %dma_start3A_141 = tpu.memref_slice %arg3[%add3A_140] : memref<323584xi32, #tpu.memory_space<hbm>> -> memref<128xi32, #tpu.memory_space<hbm>>
        %dma_start3A_142 = tpu.memref_slice %arg3[%add3A_140] : memref<323584xi32, #tpu.memory_space<hbm>> -> memref<128xi32, #tpu.memory_space<hbm>>
        tpu.enqueue_dma source(%dma_start3A_142 : memref<128xi32, #tpu.memory_space<hbm>>) target(%arg8 : memref<128xi32, #tpu.memory_space<vmem>>) target_semaphore(%arg15 : memref<!tpu.dma_semaphore, #tpu.memory_space<semaphore_mem>>)
      } else {
      }
      %dma_wait3A_107 = tpu.memref_slice %arg4[%select_n3A] : memref<323584xi32, #tpu.memory_space<hbm>> -> memref<128xi32, #tpu.memory_space<hbm>>
      %dma_wait3A_108 = tpu.memref_slice %arg4[%select_n3A] : memref<323584xi32, #tpu.memory_space<hbm>> -> memref<128xi32, #tpu.memory_space<hbm>>
      tpu.wait_dma2 semaphore(%arg16 : memref<!tpu.dma_semaphore, #tpu.memory_space<semaphore_mem>>) src(%dma_wait3A_108 : memref<128xi32, #tpu.memory_space<hbm>>) dst(%arg9 : memref<128xi32, #tpu.memory_space<vmem>>)
      %dma_wait3A_109 = tpu.memref_slice %arg4[%select_n3A] : memref<323584xi32, #tpu.memory_space<hbm>> -> memref<128xi32, #tpu.memory_space<hbm>>
      %dma_wait3A_110 = tpu.memref_slice %arg4[%select_n3A] : memref<323584xi32, #tpu.memory_space<hbm>> -> memref<128xi32, #tpu.memory_space<hbm>>
      tpu.wait_dma2 semaphore(%arg17 : memref<!tpu.dma_semaphore, #tpu.memory_space<semaphore_mem>>) src(%dma_wait3A_110 : memref<128xi32, #tpu.memory_space<hbm>>) dst(%arg10 : memref<128xi32, #tpu.memory_space<vmem>>)
      %dma_start3A_111 = arith.constant 0 : i32
      %dma_start3A_112 = arith.constant 0 : i32
      %dma_start3A_113 = tpu.memref_slice %arg13[%dma_start3A_111, %dma_start3A_112] : memref<10112x128xf32, #tpu.memory_space<vmem_shared>> -> memref<10112x128xf32, #tpu.memory_space<vmem_shared>>
      tpu.enqueue_indirect_dma source(%arg11 : memref<128x128xf32, #tpu.memory_space<vmem>>) target(%dma_start3A_113 : memref<10112x128xf32, #tpu.memory_space<vmem_shared>>) offsets(%arg9 : memref<128xi32, #tpu.memory_space<vmem>>) semaphore(%arg20 : memref<!tpu.dma_semaphore, #tpu.memory_space<semaphore_mem>>) {add = true}
      %dma_start3A_114 = arith.constant 0 : i32
      %dma_start3A_115 = arith.constant 0 : i32
      %dma_start3A_116 = tpu.memref_slice %arg13[%dma_start3A_114, %dma_start3A_115] : memref<10112x128xf32, #tpu.memory_space<vmem_shared>> -> memref<10112x128xf32, #tpu.memory_space<vmem_shared>>
      tpu.enqueue_indirect_dma source(%arg12 : memref<128x128xf32, #tpu.memory_space<vmem>>) target(%dma_start3A_116 : memref<10112x128xf32, #tpu.memory_space<vmem_shared>>) offsets(%arg10 : memref<128xi32, #tpu.memory_space<vmem>>) semaphore(%arg21 : memref<!tpu.dma_semaphore, #tpu.memory_space<semaphore_mem>>) {add = true}
      %dma_wait3A_117 = arith.constant 0 : i32
      %dma_wait3A_118 = arith.constant 0 : i32
      %dma_wait3A_119 = tpu.memref_slice %arg13[%dma_wait3A_117, %dma_wait3A_118] : memref<10112x128xf32, #tpu.memory_space<vmem_shared>> -> memref<10112x128xf32, #tpu.memory_space<vmem_shared>>
      tpu.wait_indirect_dma semaphore(%arg20 : memref<!tpu.dma_semaphore, #tpu.memory_space<semaphore_mem>>) src(%arg11 : memref<128x128xf32, #tpu.memory_space<vmem>>) dst(%dma_wait3A_119 : memref<10112x128xf32, #tpu.memory_space<vmem_shared>>)
      %dma_wait3A_120 = arith.constant 0 : i32
      %dma_wait3A_121 = arith.constant 0 : i32
      %dma_wait3A_122 = tpu.memref_slice %arg13[%dma_wait3A_120, %dma_wait3A_121] : memref<10112x128xf32, #tpu.memory_space<vmem_shared>> -> memref<10112x128xf32, #tpu.memory_space<vmem_shared>>
      tpu.wait_indirect_dma semaphore(%arg21 : memref<!tpu.dma_semaphore, #tpu.memory_space<semaphore_mem>>) src(%arg12 : memref<128x128xf32, #tpu.memory_space<vmem>>) dst(%dma_wait3A_122 : memref<10112x128xf32, #tpu.memory_space<vmem_shared>>)
      %add3A_123 = arith.constant 2 : i32
      %add3A_124 = arith.addi %mul3A_88, %add3A_123 : i32
      %lt3A_125 = arith.cmpi slt, %add3A_124, %select_n3A_28 : i32
      %convert_element_type3A_126 = arith.extui %lt3A_125 : i1 to i32
      %cond3A_127 = arith.constant 0 : i32
      %cond3A_128 = arith.cmpi ne, %convert_element_type3A_126, %cond3A_127 : i32
      scf.if %cond3A_128 {
        %add3A_129 = arith.constant 2 : i32
        %add3A_130 = arith.addi %mul3A_88, %add3A_129 : i32
        %mul3A_131 = arith.constant 128 : i32
        %mul3A_132 = arith.muli %add3A_130, %mul3A_131 : i32
        %add3A_133 = arith.addi %select_n3A, %mul3A_132 : i32
        %dma_start3A_134 = tpu.memref_slice %arg4[%add3A_133] : memref<323584xi32, #tpu.memory_space<hbm>> -> memref<128xi32, #tpu.memory_space<hbm>>
        %dma_start3A_135 = tpu.memref_slice %arg4[%add3A_133] : memref<323584xi32, #tpu.memory_space<hbm>> -> memref<128xi32, #tpu.memory_space<hbm>>
        tpu.enqueue_dma source(%dma_start3A_135 : memref<128xi32, #tpu.memory_space<hbm>>) target(%arg9 : memref<128xi32, #tpu.memory_space<vmem>>) target_semaphore(%arg16 : memref<!tpu.dma_semaphore, #tpu.memory_space<semaphore_mem>>)
        %add3A_136 = arith.constant 3 : i32
        %add3A_137 = arith.addi %mul3A_88, %add3A_136 : i32
        %mul3A_138 = arith.constant 128 : i32
        %mul3A_139 = arith.muli %add3A_137, %mul3A_138 : i32
        %add3A_140 = arith.addi %select_n3A, %mul3A_139 : i32
        %dma_start3A_141 = tpu.memref_slice %arg4[%add3A_140] : memref<323584xi32, #tpu.memory_space<hbm>> -> memref<128xi32, #tpu.memory_space<hbm>>
        %dma_start3A_142 = tpu.memref_slice %arg4[%add3A_140] : memref<323584xi32, #tpu.memory_space<hbm>> -> memref<128xi32, #tpu.memory_space<hbm>>
        tpu.enqueue_dma source(%dma_start3A_142 : memref<128xi32, #tpu.memory_space<hbm>>) target(%arg10 : memref<128xi32, #tpu.memory_space<vmem>>) target_semaphore(%arg17 : memref<!tpu.dma_semaphore, #tpu.memory_space<semaphore_mem>>)
      } else {
      }
    }
    %barrier3A_76 = arith.constant 0 : index
    tpu.barrier barrier_id(%barrier3A_76)
    %mul3A_77 = arith.constant 632 : i32
    %mul3A_78 = arith.muli %arg1, %mul3A_77 : i32
    %mul3A_79 = arith.constant 10112 : i32
    %mul3A_80 = arith.muli %arg0, %mul3A_79 : i32
    %mul3A_81 = arith.constant 632 : i32
    %mul3A_82 = arith.muli %arg1, %mul3A_81 : i32
    %add3A_83 = arith.addi %mul3A_80, %mul3A_82 : i32
    "tpu.region"() ({
      %run_scoped3A = tpu.sem_alloc : memref<!tpu.dma_semaphore, #tpu.memory_space<semaphore_mem>>
      %dma_start3A_84 = arith.constant 0 : i32
      %dma_start3A_85 = tpu.memref_slice %arg6[%add3A_83, %dma_start3A_84] : memref<20224x128xf32, #tpu.memory_space<hbm>> -> memref<632x128xf32, #tpu.memory_space<hbm>>
      %dma_start3A_86 = arith.constant 0 : i32
      %dma_start3A_87 = tpu.memref_slice %arg13[%mul3A_78, %dma_start3A_86] : memref<10112x128xf32, #tpu.memory_space<vmem_shared>> -> memref<632x128xf32, #tpu.memory_space<vmem_shared>>
      tpu.enqueue_dma source(%dma_start3A_87 : memref<632x128xf32, #tpu.memory_space<vmem_shared>>) target(%dma_start3A_85 : memref<632x128xf32, #tpu.memory_space<hbm>>) target_semaphore(%run_scoped3A : memref<!tpu.dma_semaphore, #tpu.memory_space<semaphore_mem>>)
      %dma_wait3A = arith.constant 0 : i32
      %dma_wait3A_88 = tpu.memref_slice %arg6[%add3A_83, %dma_wait3A] : memref<20224x128xf32, #tpu.memory_space<hbm>> -> memref<632x128xf32, #tpu.memory_space<hbm>>
      %dma_wait3A_89 = arith.constant 0 : i32
      %dma_wait3A_90 = tpu.memref_slice %arg13[%mul3A_78, %dma_wait3A_89] : memref<10112x128xf32, #tpu.memory_space<vmem_shared>> -> memref<632x128xf32, #tpu.memory_space<vmem_shared>>
      tpu.wait_dma2 semaphore(%run_scoped3A : memref<!tpu.dma_semaphore, #tpu.memory_space<semaphore_mem>>) src(%dma_wait3A_90 : memref<632x128xf32, #tpu.memory_space<vmem_shared>>) dst(%dma_wait3A_88 : memref<632x128xf32, #tpu.memory_space<hbm>>)
      tpu.yield
    }) : () -> ()
    return
  }
}

#map = affine_map<(d0, d1) -> (0, 0)>
#map1 = affine_map<(d0, d1) -> (0)>
module attributes {stable_mosaic.version = 14 : i64} {
  func.func @agg(%arg0: i32, %arg1: i32, %arg2: memref<10112x128xf32, #tpu.memory_space<hbm>>, %arg3: memref<323584xi32, #tpu.memory_space<hbm>>, %arg4: memref<323584xi32, #tpu.memory_space<hbm>>, %arg5: memref<128x128xf32, #tpu.memory_space<hbm>>, %arg6: memref<20224x128xf32, #tpu.memory_space<hbm>>, %arg7: memref<128xi32, #tpu.memory_space<vmem>>, %arg8: memref<128xi32, #tpu.memory_space<vmem>>, %arg9: memref<128xi32, #tpu.memory_space<vmem>>, %arg10: memref<128xi32, #tpu.memory_space<vmem>>, %arg11: memref<128x128xf32, #tpu.memory_space<vmem>>, %arg12: memref<128x128xf32, #tpu.memory_space<vmem>>, %arg13: memref<10112x128xf32, #tpu.memory_space<vmem_shared>>, %arg14: memref<!tpu.dma_semaphore, #tpu.memory_space<semaphore_mem>>, %arg15: memref<!tpu.dma_semaphore, #tpu.memory_space<semaphore_mem>>, %arg16: memref<!tpu.dma_semaphore, #tpu.memory_space<semaphore_mem>>, %arg17: memref<!tpu.dma_semaphore, #tpu.memory_space<semaphore_mem>>, %arg18: memref<!tpu.dma_semaphore, #tpu.memory_space<semaphore_mem>>, %arg19: memref<!tpu.dma_semaphore, #tpu.memory_space<semaphore_mem>>, %arg20: memref<!tpu.dma_semaphore, #tpu.memory_space<semaphore_mem>>, %arg21: memref<!tpu.dma_semaphore, #tpu.memory_space<semaphore_mem>>) attributes {dimension_semantics = [#tpu.dimension_semantics<core_parallel>, #tpu.dimension_semantics<subcore_parallel>], iteration_bounds = array<i64: 2, 16>, scalar_prefetch = 0 : i64, scratch_operands = 15 : i64, tpu.core_type = #tpu.core_type<sc_vector_subcore>, window_params = [{transform_indices = #map}, {transform_indices = #map1}, {transform_indices = #map1}, {transform_indices = #map}, {transform_indices = #map}]} {
    "tpu.region"() ({
      %run_scoped3A = tpu.sem_alloc : memref<!tpu.dma_semaphore, #tpu.memory_space<semaphore_mem>>
      tpu.enqueue_dma source(%arg5 : memref<128x128xf32, #tpu.memory_space<hbm>>) target(%arg11 : memref<128x128xf32, #tpu.memory_space<vmem>>) target_semaphore(%run_scoped3A : memref<!tpu.dma_semaphore, #tpu.memory_space<semaphore_mem>>)
      tpu.wait_dma2 semaphore(%run_scoped3A : memref<!tpu.dma_semaphore, #tpu.memory_space<semaphore_mem>>) src(%arg5 : memref<128x128xf32, #tpu.memory_space<hbm>>) dst(%arg11 : memref<128x128xf32, #tpu.memory_space<vmem>>)
      tpu.yield
    }) : () -> ()
    %mul3A = arith.constant 632 : i32
    %mul3A_0 = arith.muli %arg1, %mul3A : i32
    %add3A = arith.constant 0 : i32
    %add3A_1 = arith.addi %mul3A_0, %add3A : i32
    "tpu.region"() ({
      %run_scoped3A = tpu.sem_alloc : memref<!tpu.dma_semaphore, #tpu.memory_space<semaphore_mem>>
      %dma_start3A_84 = arith.constant 0 : i32
      %dma_start3A_85 = tpu.memref_slice %arg13[%add3A_1, %dma_start3A_84] : memref<10112x128xf32, #tpu.memory_space<vmem_shared>> -> memref<128x128xf32, #tpu.memory_space<vmem_shared>>
      %dma_start3A_86 = arith.constant 0 : i32
      %dma_start3A_87 = tpu.memref_slice %arg13[%add3A_1, %dma_start3A_86] : memref<10112x128xf32, #tpu.memory_space<vmem_shared>> -> memref<128x128xf32, #tpu.memory_space<vmem_shared>>
      tpu.enqueue_dma source(%arg11 : memref<128x128xf32, #tpu.memory_space<vmem>>) target(%dma_start3A_87 : memref<128x128xf32, #tpu.memory_space<vmem_shared>>) target_semaphore(%run_scoped3A : memref<!tpu.dma_semaphore, #tpu.memory_space<semaphore_mem>>)
      %dma_wait3A = arith.constant 0 : i32
      %dma_wait3A_88 = tpu.memref_slice %arg13[%add3A_1, %dma_wait3A] : memref<10112x128xf32, #tpu.memory_space<vmem_shared>> -> memref<128x128xf32, #tpu.memory_space<vmem_shared>>
      %dma_wait3A_89 = arith.constant 0 : i32
      %dma_wait3A_90 = tpu.memref_slice %arg13[%add3A_1, %dma_wait3A_89] : memref<10112x128xf32, #tpu.memory_space<vmem_shared>> -> memref<128x128xf32, #tpu.memory_space<vmem_shared>>
      tpu.wait_dma2 semaphore(%run_scoped3A : memref<!tpu.dma_semaphore, #tpu.memory_space<semaphore_mem>>) src(%arg11 : memref<128x128xf32, #tpu.memory_space<vmem>>) dst(%dma_wait3A_90 : memref<128x128xf32, #tpu.memory_space<vmem_shared>>)
      tpu.yield
    }) : () -> ()
    %mul3A_2 = arith.constant 632 : i32
    %mul3A_3 = arith.muli %arg1, %mul3A_2 : i32
    %add3A_4 = arith.constant 128 : i32
    %add3A_5 = arith.addi %mul3A_3, %add3A_4 : i32
    "tpu.region"() ({
      %run_scoped3A = tpu.sem_alloc : memref<!tpu.dma_semaphore, #tpu.memory_space<semaphore_mem>>
      %dma_start3A_84 = arith.constant 0 : i32
      %dma_start3A_85 = tpu.memref_slice %arg13[%add3A_5, %dma_start3A_84] : memref<10112x128xf32, #tpu.memory_space<vmem_shared>> -> memref<128x128xf32, #tpu.memory_space<vmem_shared>>
      %dma_start3A_86 = arith.constant 0 : i32
      %dma_start3A_87 = tpu.memref_slice %arg13[%add3A_5, %dma_start3A_86] : memref<10112x128xf32, #tpu.memory_space<vmem_shared>> -> memref<128x128xf32, #tpu.memory_space<vmem_shared>>
      tpu.enqueue_dma source(%arg11 : memref<128x128xf32, #tpu.memory_space<vmem>>) target(%dma_start3A_87 : memref<128x128xf32, #tpu.memory_space<vmem_shared>>) target_semaphore(%run_scoped3A : memref<!tpu.dma_semaphore, #tpu.memory_space<semaphore_mem>>)
      %dma_wait3A = arith.constant 0 : i32
      %dma_wait3A_88 = tpu.memref_slice %arg13[%add3A_5, %dma_wait3A] : memref<10112x128xf32, #tpu.memory_space<vmem_shared>> -> memref<128x128xf32, #tpu.memory_space<vmem_shared>>
      %dma_wait3A_89 = arith.constant 0 : i32
      %dma_wait3A_90 = tpu.memref_slice %arg13[%add3A_5, %dma_wait3A_89] : memref<10112x128xf32, #tpu.memory_space<vmem_shared>> -> memref<128x128xf32, #tpu.memory_space<vmem_shared>>
      tpu.wait_dma2 semaphore(%run_scoped3A : memref<!tpu.dma_semaphore, #tpu.memory_space<semaphore_mem>>) src(%arg11 : memref<128x128xf32, #tpu.memory_space<vmem>>) dst(%dma_wait3A_90 : memref<128x128xf32, #tpu.memory_space<vmem_shared>>)
      tpu.yield
    }) : () -> ()
    %mul3A_6 = arith.constant 632 : i32
    %mul3A_7 = arith.muli %arg1, %mul3A_6 : i32
    %add3A_8 = arith.constant 256 : i32
    %add3A_9 = arith.addi %mul3A_7, %add3A_8 : i32
    "tpu.region"() ({
      %run_scoped3A = tpu.sem_alloc : memref<!tpu.dma_semaphore, #tpu.memory_space<semaphore_mem>>
      %dma_start3A_84 = arith.constant 0 : i32
      %dma_start3A_85 = tpu.memref_slice %arg13[%add3A_9, %dma_start3A_84] : memref<10112x128xf32, #tpu.memory_space<vmem_shared>> -> memref<128x128xf32, #tpu.memory_space<vmem_shared>>
      %dma_start3A_86 = arith.constant 0 : i32
      %dma_start3A_87 = tpu.memref_slice %arg13[%add3A_9, %dma_start3A_86] : memref<10112x128xf32, #tpu.memory_space<vmem_shared>> -> memref<128x128xf32, #tpu.memory_space<vmem_shared>>
      tpu.enqueue_dma source(%arg11 : memref<128x128xf32, #tpu.memory_space<vmem>>) target(%dma_start3A_87 : memref<128x128xf32, #tpu.memory_space<vmem_shared>>) target_semaphore(%run_scoped3A : memref<!tpu.dma_semaphore, #tpu.memory_space<semaphore_mem>>)
      %dma_wait3A = arith.constant 0 : i32
      %dma_wait3A_88 = tpu.memref_slice %arg13[%add3A_9, %dma_wait3A] : memref<10112x128xf32, #tpu.memory_space<vmem_shared>> -> memref<128x128xf32, #tpu.memory_space<vmem_shared>>
      %dma_wait3A_89 = arith.constant 0 : i32
      %dma_wait3A_90 = tpu.memref_slice %arg13[%add3A_9, %dma_wait3A_89] : memref<10112x128xf32, #tpu.memory_space<vmem_shared>> -> memref<128x128xf32, #tpu.memory_space<vmem_shared>>
      tpu.wait_dma2 semaphore(%run_scoped3A : memref<!tpu.dma_semaphore, #tpu.memory_space<semaphore_mem>>) src(%arg11 : memref<128x128xf32, #tpu.memory_space<vmem>>) dst(%dma_wait3A_90 : memref<128x128xf32, #tpu.memory_space<vmem_shared>>)
      tpu.yield
    }) : () -> ()
    %mul3A_10 = arith.constant 632 : i32
    %mul3A_11 = arith.muli %arg1, %mul3A_10 : i32
    %add3A_12 = arith.constant 384 : i32
    %add3A_13 = arith.addi %mul3A_11, %add3A_12 : i32
    "tpu.region"() ({
      %run_scoped3A = tpu.sem_alloc : memref<!tpu.dma_semaphore, #tpu.memory_space<semaphore_mem>>
      %dma_start3A_84 = arith.constant 0 : i32
      %dma_start3A_85 = tpu.memref_slice %arg13[%add3A_13, %dma_start3A_84] : memref<10112x128xf32, #tpu.memory_space<vmem_shared>> -> memref<128x128xf32, #tpu.memory_space<vmem_shared>>
      %dma_start3A_86 = arith.constant 0 : i32
      %dma_start3A_87 = tpu.memref_slice %arg13[%add3A_13, %dma_start3A_86] : memref<10112x128xf32, #tpu.memory_space<vmem_shared>> -> memref<128x128xf32, #tpu.memory_space<vmem_shared>>
      tpu.enqueue_dma source(%arg11 : memref<128x128xf32, #tpu.memory_space<vmem>>) target(%dma_start3A_87 : memref<128x128xf32, #tpu.memory_space<vmem_shared>>) target_semaphore(%run_scoped3A : memref<!tpu.dma_semaphore, #tpu.memory_space<semaphore_mem>>)
      %dma_wait3A = arith.constant 0 : i32
      %dma_wait3A_88 = tpu.memref_slice %arg13[%add3A_13, %dma_wait3A] : memref<10112x128xf32, #tpu.memory_space<vmem_shared>> -> memref<128x128xf32, #tpu.memory_space<vmem_shared>>
      %dma_wait3A_89 = arith.constant 0 : i32
      %dma_wait3A_90 = tpu.memref_slice %arg13[%add3A_13, %dma_wait3A_89] : memref<10112x128xf32, #tpu.memory_space<vmem_shared>> -> memref<128x128xf32, #tpu.memory_space<vmem_shared>>
      tpu.wait_dma2 semaphore(%run_scoped3A : memref<!tpu.dma_semaphore, #tpu.memory_space<semaphore_mem>>) src(%arg11 : memref<128x128xf32, #tpu.memory_space<vmem>>) dst(%dma_wait3A_90 : memref<128x128xf32, #tpu.memory_space<vmem_shared>>)
      tpu.yield
    }) : () -> ()
    %mul3A_14 = arith.constant 632 : i32
    %mul3A_15 = arith.muli %arg1, %mul3A_14 : i32
    %add3A_16 = arith.constant 512 : i32
    %add3A_17 = arith.addi %mul3A_15, %add3A_16 : i32
    "tpu.region"() ({
      %run_scoped3A = tpu.sem_alloc : memref<!tpu.dma_semaphore, #tpu.memory_space<semaphore_mem>>
      %dma_start3A_84 = arith.constant 0 : i32
      %dma_start3A_85 = arith.constant 0 : i32
      %dma_start3A_86 = tpu.memref_slice %arg11[%dma_start3A_84, %dma_start3A_85] : memref<128x128xf32, #tpu.memory_space<vmem>> -> memref<120x128xf32, #tpu.memory_space<vmem>>
      %dma_start3A_87 = arith.constant 0 : i32
      %dma_start3A_88 = tpu.memref_slice %arg13[%add3A_17, %dma_start3A_87] : memref<10112x128xf32, #tpu.memory_space<vmem_shared>> -> memref<120x128xf32, #tpu.memory_space<vmem_shared>>
      %dma_start3A_89 = arith.constant 0 : i32
      %dma_start3A_90 = tpu.memref_slice %arg13[%add3A_17, %dma_start3A_89] : memref<10112x128xf32, #tpu.memory_space<vmem_shared>> -> memref<120x128xf32, #tpu.memory_space<vmem_shared>>
      %dma_start3A_91 = arith.constant 0 : i32
      %dma_start3A_92 = arith.constant 0 : i32
      %dma_start3A_93 = tpu.memref_slice %arg11[%dma_start3A_91, %dma_start3A_92] : memref<128x128xf32, #tpu.memory_space<vmem>> -> memref<120x128xf32, #tpu.memory_space<vmem>>
      tpu.enqueue_dma source(%dma_start3A_93 : memref<120x128xf32, #tpu.memory_space<vmem>>) target(%dma_start3A_90 : memref<120x128xf32, #tpu.memory_space<vmem_shared>>) target_semaphore(%run_scoped3A : memref<!tpu.dma_semaphore, #tpu.memory_space<semaphore_mem>>)
      %dma_wait3A = arith.constant 0 : i32
      %dma_wait3A_94 = arith.constant 0 : i32
      %dma_wait3A_95 = tpu.memref_slice %arg11[%dma_wait3A, %dma_wait3A_94] : memref<128x128xf32, #tpu.memory_space<vmem>> -> memref<120x128xf32, #tpu.memory_space<vmem>>
      %dma_wait3A_96 = arith.constant 0 : i32
      %dma_wait3A_97 = tpu.memref_slice %arg13[%add3A_17, %dma_wait3A_96] : memref<10112x128xf32, #tpu.memory_space<vmem_shared>> -> memref<120x128xf32, #tpu.memory_space<vmem_shared>>
      %dma_wait3A_98 = arith.constant 0 : i32
      %dma_wait3A_99 = tpu.memref_slice %arg13[%add3A_17, %dma_wait3A_98] : memref<10112x128xf32, #tpu.memory_space<vmem_shared>> -> memref<120x128xf32, #tpu.memory_space<vmem_shared>>
      %dma_wait3A_100 = arith.constant 0 : i32
      %dma_wait3A_101 = arith.constant 0 : i32
      %dma_wait3A_102 = tpu.memref_slice %arg11[%dma_wait3A_100, %dma_wait3A_101] : memref<128x128xf32, #tpu.memory_space<vmem>> -> memref<120x128xf32, #tpu.memory_space<vmem>>
      tpu.wait_dma2 semaphore(%run_scoped3A : memref<!tpu.dma_semaphore, #tpu.memory_space<semaphore_mem>>) src(%dma_wait3A_102 : memref<120x128xf32, #tpu.memory_space<vmem>>) dst(%dma_wait3A_99 : memref<120x128xf32, #tpu.memory_space<vmem_shared>>)
      tpu.yield
    }) : () -> ()
    %barrier3A = arith.constant 0 : index
    tpu.barrier barrier_id(%barrier3A)
    %eq3A = arith.constant 0 : i32
    %eq3A_18 = arith.cmpi eq, %arg0, %eq3A : i32
    %mul3A_19 = arith.constant 13568 : i32
    %mul3A_20 = arith.muli %arg1, %mul3A_19 : i32
    %mul3A_21 = arith.constant 6656 : i32
    %mul3A_22 = arith.muli %arg1, %mul3A_21 : i32
    %add3A_23 = arith.constant 217088 : i32
    %add3A_24 = arith.addi %add3A_23, %mul3A_22 : i32
    %select_n3A = arith.select %eq3A_18, %mul3A_20, %add3A_24 : i32
    %eq3A_25 = arith.constant 0 : i32
    %eq3A_26 = arith.cmpi eq, %arg0, %eq3A_25 : i32
    %jit3A = arith.constant 106 : i32
    %jit3A_27 = arith.constant 52 : i32
    %select_n3A_28 = arith.select %eq3A_26, %jit3A, %jit3A_27 : i32
    %add3A_29 = arith.constant 0 : i32
    %add3A_30 = arith.addi %select_n3A, %add3A_29 : i32
    %dma_start3A = tpu.memref_slice %arg3[%add3A_30] : memref<323584xi32, #tpu.memory_space<hbm>> -> memref<128xi32, #tpu.memory_space<hbm>>
    %dma_start3A_31 = tpu.memref_slice %arg3[%add3A_30] : memref<323584xi32, #tpu.memory_space<hbm>> -> memref<128xi32, #tpu.memory_space<hbm>>
    tpu.enqueue_dma source(%dma_start3A_31 : memref<128xi32, #tpu.memory_space<hbm>>) target(%arg7 : memref<128xi32, #tpu.memory_space<vmem>>) target_semaphore(%arg14 : memref<!tpu.dma_semaphore, #tpu.memory_space<semaphore_mem>>)
    %dma_start3A_32 = tpu.memref_slice %arg4[%add3A_30] : memref<323584xi32, #tpu.memory_space<hbm>> -> memref<128xi32, #tpu.memory_space<hbm>>
    %dma_start3A_33 = tpu.memref_slice %arg4[%add3A_30] : memref<323584xi32, #tpu.memory_space<hbm>> -> memref<128xi32, #tpu.memory_space<hbm>>
    tpu.enqueue_dma source(%dma_start3A_33 : memref<128xi32, #tpu.memory_space<hbm>>) target(%arg9 : memref<128xi32, #tpu.memory_space<vmem>>) target_semaphore(%arg16 : memref<!tpu.dma_semaphore, #tpu.memory_space<semaphore_mem>>)
    %add3A_34 = arith.constant 128 : i32
    %add3A_35 = arith.addi %select_n3A, %add3A_34 : i32
    %dma_start3A_36 = tpu.memref_slice %arg3[%add3A_35] : memref<323584xi32, #tpu.memory_space<hbm>> -> memref<128xi32, #tpu.memory_space<hbm>>
    %dma_start3A_37 = tpu.memref_slice %arg3[%add3A_35] : memref<323584xi32, #tpu.memory_space<hbm>> -> memref<128xi32, #tpu.memory_space<hbm>>
    tpu.enqueue_dma source(%dma_start3A_37 : memref<128xi32, #tpu.memory_space<hbm>>) target(%arg8 : memref<128xi32, #tpu.memory_space<vmem>>) target_semaphore(%arg15 : memref<!tpu.dma_semaphore, #tpu.memory_space<semaphore_mem>>)
    %dma_start3A_38 = tpu.memref_slice %arg4[%add3A_35] : memref<323584xi32, #tpu.memory_space<hbm>> -> memref<128xi32, #tpu.memory_space<hbm>>
    %dma_start3A_39 = tpu.memref_slice %arg4[%add3A_35] : memref<323584xi32, #tpu.memory_space<hbm>> -> memref<128xi32, #tpu.memory_space<hbm>>
    tpu.enqueue_dma source(%dma_start3A_39 : memref<128xi32, #tpu.memory_space<hbm>>) target(%arg10 : memref<128xi32, #tpu.memory_space<vmem>>) target_semaphore(%arg17 : memref<!tpu.dma_semaphore, #tpu.memory_space<semaphore_mem>>)
    %jit3A_40 = arith.constant 2 : i32
    %div3A = arith.divsi %select_n3A_28, %jit3A_40 : i32
    %sign3A = arith.constant 0 : i32
    %sign3A_41 = arith.cmpi sgt, %select_n3A_28, %sign3A : i32
    %sign3A_42 = arith.extui %sign3A_41 : i1 to i32
    %sign3A_43 = arith.constant 0 : i32
    %sign3A_44 = arith.cmpi slt, %select_n3A_28, %sign3A_43 : i32
    %sign3A_45 = arith.extui %sign3A_44 : i1 to i32
    %sign3A_46 = arith.subi %sign3A_42, %sign3A_45 : i32
    %sign3A_47 = arith.constant 0 : i32
    %sign3A_48 = arith.cmpi sgt, %jit3A_40, %sign3A_47 : i32
    %sign3A_49 = arith.extui %sign3A_48 : i1 to i32
    %sign3A_50 = arith.constant 0 : i32
    %sign3A_51 = arith.cmpi slt, %jit3A_40, %sign3A_50 : i32
    %sign3A_52 = arith.extui %sign3A_51 : i1 to i32
    %sign3A_53 = arith.subi %sign3A_49, %sign3A_52 : i32
    %ne3A = arith.cmpi ne, %sign3A_46, %sign3A_53 : i32
    %rem3A = arith.remsi %select_n3A_28, %jit3A_40 : i32
    %ne3A_54 = arith.constant 0 : i32
    %ne3A_55 = arith.cmpi ne, %rem3A, %ne3A_54 : i32
    %and3A = arith.andi %ne3A, %ne3A_55 : i1
    %sub3A = arith.constant 1 : i32
    %sub3A_56 = arith.subi %div3A, %sub3A : i32
    %select_n3A_57 = arith.select %and3A, %sub3A_56, %div3A : i32
    %sub3A_58 = arith.constant 0 : i32
    %sub3A_59 = arith.subi %select_n3A_57, %sub3A_58 : i32
    %sub3A_60 = arith.constant 1 : i32
    %sub3A_61 = arith.constant 1 : i32
    %sub3A_62 = arith.subi %sub3A_60, %sub3A_61 : i32
    %add3A_63 = arith.addi %sub3A_59, %sub3A_62 : i32
    %div3A_64 = arith.constant 1 : i32
    %div3A_65 = arith.divsi %add3A_63, %div3A_64 : i32
    %while3A = arith.constant 1 : i32
    %while3A_66 = arith.constant 0 : i32
    %while3A_67 = arith.constant 0 : i32
    %while3A_68 = arith.subi %div3A_65, %while3A_67 : i32
    %while3A_69 = arith.addi %while3A_67, %while3A_68 : i32
    %while3A_70 = arith.constant 1 : i32
    %while3A_71 = arith.divsi %while3A_68, %while3A_70 : i32
    %while3A_72 = arith.muli %while3A_71, %while3A_70 : i32
    %while3A_73 = arith.addi %while3A_67, %while3A_72 : i32
    %while3A_74 = arith.constant 1 : i32
    scf.for %while3A_84 = %while3A_67 to %while3A_73 step %while3A_74  : i32 {
      %mul3A_85 = arith.muli %while3A_84, %while3A : i32
      %add3A_86 = arith.addi %while3A_66, %mul3A_85 : i32
      %mul3A_87 = arith.constant 2 : i32
      %mul3A_88 = arith.muli %add3A_86, %mul3A_87 : i32
      %dma_wait3A = tpu.memref_slice %arg3[%select_n3A] : memref<323584xi32, #tpu.memory_space<hbm>> -> memref<128xi32, #tpu.memory_space<hbm>>
      %dma_wait3A_89 = tpu.memref_slice %arg3[%select_n3A] : memref<323584xi32, #tpu.memory_space<hbm>> -> memref<128xi32, #tpu.memory_space<hbm>>
      tpu.wait_dma2 semaphore(%arg14 : memref<!tpu.dma_semaphore, #tpu.memory_space<semaphore_mem>>) src(%dma_wait3A_89 : memref<128xi32, #tpu.memory_space<hbm>>) dst(%arg7 : memref<128xi32, #tpu.memory_space<vmem>>)
      %dma_wait3A_90 = tpu.memref_slice %arg3[%select_n3A] : memref<323584xi32, #tpu.memory_space<hbm>> -> memref<128xi32, #tpu.memory_space<hbm>>
      %dma_wait3A_91 = tpu.memref_slice %arg3[%select_n3A] : memref<323584xi32, #tpu.memory_space<hbm>> -> memref<128xi32, #tpu.memory_space<hbm>>
      tpu.wait_dma2 semaphore(%arg15 : memref<!tpu.dma_semaphore, #tpu.memory_space<semaphore_mem>>) src(%dma_wait3A_91 : memref<128xi32, #tpu.memory_space<hbm>>) dst(%arg8 : memref<128xi32, #tpu.memory_space<vmem>>)
      %dma_start3A_92 = arith.constant 0 : i32
      %dma_start3A_93 = arith.constant 0 : i32
      %dma_start3A_94 = tpu.memref_slice %arg2[%dma_start3A_92, %dma_start3A_93] : memref<10112x128xf32, #tpu.memory_space<hbm>> -> memref<10112x128xf32, #tpu.memory_space<hbm>>
      tpu.enqueue_indirect_dma source(%dma_start3A_94 : memref<10112x128xf32, #tpu.memory_space<hbm>>) target(%arg11 : memref<128x128xf32, #tpu.memory_space<vmem>>) offsets(%arg7 : memref<128xi32, #tpu.memory_space<vmem>>) semaphore(%arg18 : memref<!tpu.dma_semaphore, #tpu.memory_space<semaphore_mem>>)
      %dma_start3A_95 = arith.constant 0 : i32
      %dma_start3A_96 = arith.constant 0 : i32
      %dma_start3A_97 = tpu.memref_slice %arg2[%dma_start3A_95, %dma_start3A_96] : memref<10112x128xf32, #tpu.memory_space<hbm>> -> memref<10112x128xf32, #tpu.memory_space<hbm>>
      tpu.enqueue_indirect_dma source(%dma_start3A_97 : memref<10112x128xf32, #tpu.memory_space<hbm>>) target(%arg12 : memref<128x128xf32, #tpu.memory_space<vmem>>) offsets(%arg8 : memref<128xi32, #tpu.memory_space<vmem>>) semaphore(%arg19 : memref<!tpu.dma_semaphore, #tpu.memory_space<semaphore_mem>>)
      %dma_wait3A_98 = arith.constant 0 : i32
      %dma_wait3A_99 = arith.constant 0 : i32
      %dma_wait3A_100 = tpu.memref_slice %arg2[%dma_wait3A_98, %dma_wait3A_99] : memref<10112x128xf32, #tpu.memory_space<hbm>> -> memref<10112x128xf32, #tpu.memory_space<hbm>>
      tpu.wait_indirect_dma semaphore(%arg18 : memref<!tpu.dma_semaphore, #tpu.memory_space<semaphore_mem>>) src(%dma_wait3A_100 : memref<10112x128xf32, #tpu.memory_space<hbm>>) dst(%arg11 : memref<128x128xf32, #tpu.memory_space<vmem>>)
      %dma_wait3A_101 = arith.constant 0 : i32
      %dma_wait3A_102 = arith.constant 0 : i32
      %dma_wait3A_103 = tpu.memref_slice %arg2[%dma_wait3A_101, %dma_wait3A_102] : memref<10112x128xf32, #tpu.memory_space<hbm>> -> memref<10112x128xf32, #tpu.memory_space<hbm>>
      tpu.wait_indirect_dma semaphore(%arg19 : memref<!tpu.dma_semaphore, #tpu.memory_space<semaphore_mem>>) src(%dma_wait3A_103 : memref<10112x128xf32, #tpu.memory_space<hbm>>) dst(%arg12 : memref<128x128xf32, #tpu.memory_space<vmem>>)
      %add3A_104 = arith.constant 2 : i32
      %add3A_105 = arith.addi %mul3A_88, %add3A_104 : i32
      %lt3A = arith.cmpi slt, %add3A_105, %select_n3A_28 : i32
      %convert_element_type3A = arith.extui %lt3A : i1 to i32
      %cond3A = arith.constant 0 : i32
      %cond3A_106 = arith.cmpi ne, %convert_element_type3A, %cond3A : i32
      scf.if %cond3A_106 {
        %add3A_129 = arith.constant 2 : i32
        %add3A_130 = arith.addi %mul3A_88, %add3A_129 : i32
        %mul3A_131 = arith.constant 128 : i32
        %mul3A_132 = arith.muli %add3A_130, %mul3A_131 : i32
        %add3A_133 = arith.addi %select_n3A, %mul3A_132 : i32
        %dma_start3A_134 = tpu.memref_slice %arg3[%add3A_133] : memref<323584xi32, #tpu.memory_space<hbm>> -> memref<128xi32, #tpu.memory_space<hbm>>
        %dma_start3A_135 = tpu.memref_slice %arg3[%add3A_133] : memref<323584xi32, #tpu.memory_space<hbm>> -> memref<128xi32, #tpu.memory_space<hbm>>
        tpu.enqueue_dma source(%dma_start3A_135 : memref<128xi32, #tpu.memory_space<hbm>>) target(%arg7 : memref<128xi32, #tpu.memory_space<vmem>>) target_semaphore(%arg14 : memref<!tpu.dma_semaphore, #tpu.memory_space<semaphore_mem>>)
        %add3A_136 = arith.constant 3 : i32
        %add3A_137 = arith.addi %mul3A_88, %add3A_136 : i32
        %mul3A_138 = arith.constant 128 : i32
        %mul3A_139 = arith.muli %add3A_137, %mul3A_138 : i32
        %add3A_140 = arith.addi %select_n3A, %mul3A_139 : i32
        %dma_start3A_141 = tpu.memref_slice %arg3[%add3A_140] : memref<323584xi32, #tpu.memory_space<hbm>> -> memref<128xi32, #tpu.memory_space<hbm>>
        %dma_start3A_142 = tpu.memref_slice %arg3[%add3A_140] : memref<323584xi32, #tpu.memory_space<hbm>> -> memref<128xi32, #tpu.memory_space<hbm>>
        tpu.enqueue_dma source(%dma_start3A_142 : memref<128xi32, #tpu.memory_space<hbm>>) target(%arg8 : memref<128xi32, #tpu.memory_space<vmem>>) target_semaphore(%arg15 : memref<!tpu.dma_semaphore, #tpu.memory_space<semaphore_mem>>)
      } else {
      }
      %dma_wait3A_107 = tpu.memref_slice %arg4[%select_n3A] : memref<323584xi32, #tpu.memory_space<hbm>> -> memref<128xi32, #tpu.memory_space<hbm>>
      %dma_wait3A_108 = tpu.memref_slice %arg4[%select_n3A] : memref<323584xi32, #tpu.memory_space<hbm>> -> memref<128xi32, #tpu.memory_space<hbm>>
      tpu.wait_dma2 semaphore(%arg16 : memref<!tpu.dma_semaphore, #tpu.memory_space<semaphore_mem>>) src(%dma_wait3A_108 : memref<128xi32, #tpu.memory_space<hbm>>) dst(%arg9 : memref<128xi32, #tpu.memory_space<vmem>>)
      %dma_wait3A_109 = tpu.memref_slice %arg4[%select_n3A] : memref<323584xi32, #tpu.memory_space<hbm>> -> memref<128xi32, #tpu.memory_space<hbm>>
      %dma_wait3A_110 = tpu.memref_slice %arg4[%select_n3A] : memref<323584xi32, #tpu.memory_space<hbm>> -> memref<128xi32, #tpu.memory_space<hbm>>
      tpu.wait_dma2 semaphore(%arg17 : memref<!tpu.dma_semaphore, #tpu.memory_space<semaphore_mem>>) src(%dma_wait3A_110 : memref<128xi32, #tpu.memory_space<hbm>>) dst(%arg10 : memref<128xi32, #tpu.memory_space<vmem>>)
      %dma_start3A_111 = arith.constant 0 : i32
      %dma_start3A_112 = arith.constant 0 : i32
      %dma_start3A_113 = tpu.memref_slice %arg13[%dma_start3A_111, %dma_start3A_112] : memref<10112x128xf32, #tpu.memory_space<vmem_shared>> -> memref<10112x128xf32, #tpu.memory_space<vmem_shared>>
      tpu.enqueue_indirect_dma source(%arg11 : memref<128x128xf32, #tpu.memory_space<vmem>>) target(%dma_start3A_113 : memref<10112x128xf32, #tpu.memory_space<vmem_shared>>) offsets(%arg9 : memref<128xi32, #tpu.memory_space<vmem>>) semaphore(%arg20 : memref<!tpu.dma_semaphore, #tpu.memory_space<semaphore_mem>>) {add = true}
      %dma_start3A_114 = arith.constant 0 : i32
      %dma_start3A_115 = arith.constant 0 : i32
      %dma_start3A_116 = tpu.memref_slice %arg13[%dma_start3A_114, %dma_start3A_115] : memref<10112x128xf32, #tpu.memory_space<vmem_shared>> -> memref<10112x128xf32, #tpu.memory_space<vmem_shared>>
      tpu.enqueue_indirect_dma source(%arg12 : memref<128x128xf32, #tpu.memory_space<vmem>>) target(%dma_start3A_116 : memref<10112x128xf32, #tpu.memory_space<vmem_shared>>) offsets(%arg10 : memref<128xi32, #tpu.memory_space<vmem>>) semaphore(%arg21 : memref<!tpu.dma_semaphore, #tpu.memory_space<semaphore_mem>>) {add = true}
      %dma_wait3A_117 = arith.constant 0 : i32
      %dma_wait3A_118 = arith.constant 0 : i32
      %dma_wait3A_119 = tpu.memref_slice %arg13[%dma_wait3A_117, %dma_wait3A_118] : memref<10112x128xf32, #tpu.memory_space<vmem_shared>> -> memref<10112x128xf32, #tpu.memory_space<vmem_shared>>
      tpu.wait_indirect_dma semaphore(%arg20 : memref<!tpu.dma_semaphore, #tpu.memory_space<semaphore_mem>>) src(%arg11 : memref<128x128xf32, #tpu.memory_space<vmem>>) dst(%dma_wait3A_119 : memref<10112x128xf32, #tpu.memory_space<vmem_shared>>)
      %dma_wait3A_120 = arith.constant 0 : i32
      %dma_wait3A_121 = arith.constant 0 : i32
      %dma_wait3A_122 = tpu.memref_slice %arg13[%dma_wait3A_120, %dma_wait3A_121] : memref<10112x128xf32, #tpu.memory_space<vmem_shared>> -> memref<10112x128xf32, #tpu.memory_space<vmem_shared>>
      tpu.wait_indirect_dma semaphore(%arg21 : memref<!tpu.dma_semaphore, #tpu.memory_space<semaphore_mem>>) src(%arg12 : memref<128x128xf32, #tpu.memory_space<vmem>>) dst(%dma_wait3A_122 : memref<10112x128xf32, #tpu.memory_space<vmem_shared>>)
      %add3A_123 = arith.constant 2 : i32
      %add3A_124 = arith.addi %mul3A_88, %add3A_123 : i32
      %lt3A_125 = arith.cmpi slt, %add3A_124, %select_n3A_28 : i32
      %convert_element_type3A_126 = arith.extui %lt3A_125 : i1 to i32
      %cond3A_127 = arith.constant 0 : i32
      %cond3A_128 = arith.cmpi ne, %convert_element_type3A_126, %cond3A_127 : i32
      scf.if %cond3A_128 {
        %add3A_129 = arith.constant 2 : i32
        %add3A_130 = arith.addi %mul3A_88, %add3A_129 : i32
        %mul3A_131 = arith.constant 128 : i32
        %mul3A_132 = arith.muli %add3A_130, %mul3A_131 : i32
        %add3A_133 = arith.addi %select_n3A, %mul3A_132 : i32
        %dma_start3A_134 = tpu.memref_slice %arg4[%add3A_133] : memref<323584xi32, #tpu.memory_space<hbm>> -> memref<128xi32, #tpu.memory_space<hbm>>
        %dma_start3A_135 = tpu.memref_slice %arg4[%add3A_133] : memref<323584xi32, #tpu.memory_space<hbm>> -> memref<128xi32, #tpu.memory_space<hbm>>
        tpu.enqueue_dma source(%dma_start3A_135 : memref<128xi32, #tpu.memory_space<hbm>>) target(%arg9 : memref<128xi32, #tpu.memory_space<vmem>>) target_semaphore(%arg16 : memref<!tpu.dma_semaphore, #tpu.memory_space<semaphore_mem>>)
        %add3A_136 = arith.constant 3 : i32
        %add3A_137 = arith.addi %mul3A_88, %add3A_136 : i32
        %mul3A_138 = arith.constant 128 : i32
        %mul3A_139 = arith.muli %add3A_137, %mul3A_138 : i32
        %add3A_140 = arith.addi %select_n3A, %mul3A_139 : i32
        %dma_start3A_141 = tpu.memref_slice %arg4[%add3A_140] : memref<323584xi32, #tpu.memory_space<hbm>> -> memref<128xi32, #tpu.memory_space<hbm>>
        %dma_start3A_142 = tpu.memref_slice %arg4[%add3A_140] : memref<323584xi32, #tpu.memory_space<hbm>> -> memref<128xi32, #tpu.memory_space<hbm>>
        tpu.enqueue_dma source(%dma_start3A_142 : memref<128xi32, #tpu.memory_space<hbm>>) target(%arg10 : memref<128xi32, #tpu.memory_space<vmem>>) target_semaphore(%arg17 : memref<!tpu.dma_semaphore, #tpu.memory_space<semaphore_mem>>)
      } else {
      }
    }
    %while3A_75 = arith.constant 1 : i32
    scf.for %while3A_84 = %while3A_73 to %while3A_69 step %while3A_75  : i32 {
      %mul3A_85 = arith.muli %while3A_84, %while3A : i32
      %add3A_86 = arith.addi %while3A_66, %mul3A_85 : i32
      %mul3A_87 = arith.constant 2 : i32
      %mul3A_88 = arith.muli %add3A_86, %mul3A_87 : i32
      %dma_wait3A = tpu.memref_slice %arg3[%select_n3A] : memref<323584xi32, #tpu.memory_space<hbm>> -> memref<128xi32, #tpu.memory_space<hbm>>
      %dma_wait3A_89 = tpu.memref_slice %arg3[%select_n3A] : memref<323584xi32, #tpu.memory_space<hbm>> -> memref<128xi32, #tpu.memory_space<hbm>>
      tpu.wait_dma2 semaphore(%arg14 : memref<!tpu.dma_semaphore, #tpu.memory_space<semaphore_mem>>) src(%dma_wait3A_89 : memref<128xi32, #tpu.memory_space<hbm>>) dst(%arg7 : memref<128xi32, #tpu.memory_space<vmem>>)
      %dma_wait3A_90 = tpu.memref_slice %arg3[%select_n3A] : memref<323584xi32, #tpu.memory_space<hbm>> -> memref<128xi32, #tpu.memory_space<hbm>>
      %dma_wait3A_91 = tpu.memref_slice %arg3[%select_n3A] : memref<323584xi32, #tpu.memory_space<hbm>> -> memref<128xi32, #tpu.memory_space<hbm>>
      tpu.wait_dma2 semaphore(%arg15 : memref<!tpu.dma_semaphore, #tpu.memory_space<semaphore_mem>>) src(%dma_wait3A_91 : memref<128xi32, #tpu.memory_space<hbm>>) dst(%arg8 : memref<128xi32, #tpu.memory_space<vmem>>)
      %dma_start3A_92 = arith.constant 0 : i32
      %dma_start3A_93 = arith.constant 0 : i32
      %dma_start3A_94 = tpu.memref_slice %arg2[%dma_start3A_92, %dma_start3A_93] : memref<10112x128xf32, #tpu.memory_space<hbm>> -> memref<10112x128xf32, #tpu.memory_space<hbm>>
      tpu.enqueue_indirect_dma source(%dma_start3A_94 : memref<10112x128xf32, #tpu.memory_space<hbm>>) target(%arg11 : memref<128x128xf32, #tpu.memory_space<vmem>>) offsets(%arg7 : memref<128xi32, #tpu.memory_space<vmem>>) semaphore(%arg18 : memref<!tpu.dma_semaphore, #tpu.memory_space<semaphore_mem>>)
      %dma_start3A_95 = arith.constant 0 : i32
      %dma_start3A_96 = arith.constant 0 : i32
      %dma_start3A_97 = tpu.memref_slice %arg2[%dma_start3A_95, %dma_start3A_96] : memref<10112x128xf32, #tpu.memory_space<hbm>> -> memref<10112x128xf32, #tpu.memory_space<hbm>>
      tpu.enqueue_indirect_dma source(%dma_start3A_97 : memref<10112x128xf32, #tpu.memory_space<hbm>>) target(%arg12 : memref<128x128xf32, #tpu.memory_space<vmem>>) offsets(%arg8 : memref<128xi32, #tpu.memory_space<vmem>>) semaphore(%arg19 : memref<!tpu.dma_semaphore, #tpu.memory_space<semaphore_mem>>)
      %dma_wait3A_98 = arith.constant 0 : i32
      %dma_wait3A_99 = arith.constant 0 : i32
      %dma_wait3A_100 = tpu.memref_slice %arg2[%dma_wait3A_98, %dma_wait3A_99] : memref<10112x128xf32, #tpu.memory_space<hbm>> -> memref<10112x128xf32, #tpu.memory_space<hbm>>
      tpu.wait_indirect_dma semaphore(%arg18 : memref<!tpu.dma_semaphore, #tpu.memory_space<semaphore_mem>>) src(%dma_wait3A_100 : memref<10112x128xf32, #tpu.memory_space<hbm>>) dst(%arg11 : memref<128x128xf32, #tpu.memory_space<vmem>>)
      %dma_wait3A_101 = arith.constant 0 : i32
      %dma_wait3A_102 = arith.constant 0 : i32
      %dma_wait3A_103 = tpu.memref_slice %arg2[%dma_wait3A_101, %dma_wait3A_102] : memref<10112x128xf32, #tpu.memory_space<hbm>> -> memref<10112x128xf32, #tpu.memory_space<hbm>>
      tpu.wait_indirect_dma semaphore(%arg19 : memref<!tpu.dma_semaphore, #tpu.memory_space<semaphore_mem>>) src(%dma_wait3A_103 : memref<10112x128xf32, #tpu.memory_space<hbm>>) dst(%arg12 : memref<128x128xf32, #tpu.memory_space<vmem>>)
      %add3A_104 = arith.constant 2 : i32
      %add3A_105 = arith.addi %mul3A_88, %add3A_104 : i32
      %lt3A = arith.cmpi slt, %add3A_105, %select_n3A_28 : i32
      %convert_element_type3A = arith.extui %lt3A : i1 to i32
      %cond3A = arith.constant 0 : i32
      %cond3A_106 = arith.cmpi ne, %convert_element_type3A, %cond3A : i32
      scf.if %cond3A_106 {
        %add3A_129 = arith.constant 2 : i32
        %add3A_130 = arith.addi %mul3A_88, %add3A_129 : i32
        %mul3A_131 = arith.constant 128 : i32
        %mul3A_132 = arith.muli %add3A_130, %mul3A_131 : i32
        %add3A_133 = arith.addi %select_n3A, %mul3A_132 : i32
        %dma_start3A_134 = tpu.memref_slice %arg3[%add3A_133] : memref<323584xi32, #tpu.memory_space<hbm>> -> memref<128xi32, #tpu.memory_space<hbm>>
        %dma_start3A_135 = tpu.memref_slice %arg3[%add3A_133] : memref<323584xi32, #tpu.memory_space<hbm>> -> memref<128xi32, #tpu.memory_space<hbm>>
        tpu.enqueue_dma source(%dma_start3A_135 : memref<128xi32, #tpu.memory_space<hbm>>) target(%arg7 : memref<128xi32, #tpu.memory_space<vmem>>) target_semaphore(%arg14 : memref<!tpu.dma_semaphore, #tpu.memory_space<semaphore_mem>>)
        %add3A_136 = arith.constant 3 : i32
        %add3A_137 = arith.addi %mul3A_88, %add3A_136 : i32
        %mul3A_138 = arith.constant 128 : i32
        %mul3A_139 = arith.muli %add3A_137, %mul3A_138 : i32
        %add3A_140 = arith.addi %select_n3A, %mul3A_139 : i32
        %dma_start3A_141 = tpu.memref_slice %arg3[%add3A_140] : memref<323584xi32, #tpu.memory_space<hbm>> -> memref<128xi32, #tpu.memory_space<hbm>>
        %dma_start3A_142 = tpu.memref_slice %arg3[%add3A_140] : memref<323584xi32, #tpu.memory_space<hbm>> -> memref<128xi32, #tpu.memory_space<hbm>>
        tpu.enqueue_dma source(%dma_start3A_142 : memref<128xi32, #tpu.memory_space<hbm>>) target(%arg8 : memref<128xi32, #tpu.memory_space<vmem>>) target_semaphore(%arg15 : memref<!tpu.dma_semaphore, #tpu.memory_space<semaphore_mem>>)
      } else {
      }
      %dma_wait3A_107 = tpu.memref_slice %arg4[%select_n3A] : memref<323584xi32, #tpu.memory_space<hbm>> -> memref<128xi32, #tpu.memory_space<hbm>>
      %dma_wait3A_108 = tpu.memref_slice %arg4[%select_n3A] : memref<323584xi32, #tpu.memory_space<hbm>> -> memref<128xi32, #tpu.memory_space<hbm>>
      tpu.wait_dma2 semaphore(%arg16 : memref<!tpu.dma_semaphore, #tpu.memory_space<semaphore_mem>>) src(%dma_wait3A_108 : memref<128xi32, #tpu.memory_space<hbm>>) dst(%arg9 : memref<128xi32, #tpu.memory_space<vmem>>)
      %dma_wait3A_109 = tpu.memref_slice %arg4[%select_n3A] : memref<323584xi32, #tpu.memory_space<hbm>> -> memref<128xi32, #tpu.memory_space<hbm>>
      %dma_wait3A_110 = tpu.memref_slice %arg4[%select_n3A] : memref<323584xi32, #tpu.memory_space<hbm>> -> memref<128xi32, #tpu.memory_space<hbm>>
      tpu.wait_dma2 semaphore(%arg17 : memref<!tpu.dma_semaphore, #tpu.memory_space<semaphore_mem>>) src(%dma_wait3A_110 : memref<128xi32, #tpu.memory_space<hbm>>) dst(%arg10 : memref<128xi32, #tpu.memory_space<vmem>>)
      %dma_start3A_111 = arith.constant 0 : i32
      %dma_start3A_112 = arith.constant 0 : i32
      %dma_start3A_113 = tpu.memref_slice %arg13[%dma_start3A_111, %dma_start3A_112] : memref<10112x128xf32, #tpu.memory_space<vmem_shared>> -> memref<10112x128xf32, #tpu.memory_space<vmem_shared>>
      tpu.enqueue_indirect_dma source(%arg11 : memref<128x128xf32, #tpu.memory_space<vmem>>) target(%dma_start3A_113 : memref<10112x128xf32, #tpu.memory_space<vmem_shared>>) offsets(%arg9 : memref<128xi32, #tpu.memory_space<vmem>>) semaphore(%arg20 : memref<!tpu.dma_semaphore, #tpu.memory_space<semaphore_mem>>) {add = true}
      %dma_start3A_114 = arith.constant 0 : i32
      %dma_start3A_115 = arith.constant 0 : i32
      %dma_start3A_116 = tpu.memref_slice %arg13[%dma_start3A_114, %dma_start3A_115] : memref<10112x128xf32, #tpu.memory_space<vmem_shared>> -> memref<10112x128xf32, #tpu.memory_space<vmem_shared>>
      tpu.enqueue_indirect_dma source(%arg12 : memref<128x128xf32, #tpu.memory_space<vmem>>) target(%dma_start3A_116 : memref<10112x128xf32, #tpu.memory_space<vmem_shared>>) offsets(%arg10 : memref<128xi32, #tpu.memory_space<vmem>>) semaphore(%arg21 : memref<!tpu.dma_semaphore, #tpu.memory_space<semaphore_mem>>) {add = true}
      %dma_wait3A_117 = arith.constant 0 : i32
      %dma_wait3A_118 = arith.constant 0 : i32
      %dma_wait3A_119 = tpu.memref_slice %arg13[%dma_wait3A_117, %dma_wait3A_118] : memref<10112x128xf32, #tpu.memory_space<vmem_shared>> -> memref<10112x128xf32, #tpu.memory_space<vmem_shared>>
      tpu.wait_indirect_dma semaphore(%arg20 : memref<!tpu.dma_semaphore, #tpu.memory_space<semaphore_mem>>) src(%arg11 : memref<128x128xf32, #tpu.memory_space<vmem>>) dst(%dma_wait3A_119 : memref<10112x128xf32, #tpu.memory_space<vmem_shared>>)
      %dma_wait3A_120 = arith.constant 0 : i32
      %dma_wait3A_121 = arith.constant 0 : i32
      %dma_wait3A_122 = tpu.memref_slice %arg13[%dma_wait3A_120, %dma_wait3A_121] : memref<10112x128xf32, #tpu.memory_space<vmem_shared>> -> memref<10112x128xf32, #tpu.memory_space<vmem_shared>>
      tpu.wait_indirect_dma semaphore(%arg21 : memref<!tpu.dma_semaphore, #tpu.memory_space<semaphore_mem>>) src(%arg12 : memref<128x128xf32, #tpu.memory_space<vmem>>) dst(%dma_wait3A_122 : memref<10112x128xf32, #tpu.memory_space<vmem_shared>>)
      %add3A_123 = arith.constant 2 : i32
      %add3A_124 = arith.addi %mul3A_88, %add3A_123 : i32
      %lt3A_125 = arith.cmpi slt, %add3A_124, %select_n3A_28 : i32
      %convert_element_type3A_126 = arith.extui %lt3A_125 : i1 to i32
      %cond3A_127 = arith.constant 0 : i32
      %cond3A_128 = arith.cmpi ne, %convert_element_type3A_126, %cond3A_127 : i32
      scf.if %cond3A_128 {
        %add3A_129 = arith.constant 2 : i32
        %add3A_130 = arith.addi %mul3A_88, %add3A_129 : i32
        %mul3A_131 = arith.constant 128 : i32
        %mul3A_132 = arith.muli %add3A_130, %mul3A_131 : i32
        %add3A_133 = arith.addi %select_n3A, %mul3A_132 : i32
        %dma_start3A_134 = tpu.memref_slice %arg4[%add3A_133] : memref<323584xi32, #tpu.memory_space<hbm>> -> memref<128xi32, #tpu.memory_space<hbm>>
        %dma_start3A_135 = tpu.memref_slice %arg4[%add3A_133] : memref<323584xi32, #tpu.memory_space<hbm>> -> memref<128xi32, #tpu.memory_space<hbm>>
        tpu.enqueue_dma source(%dma_start3A_135 : memref<128xi32, #tpu.memory_space<hbm>>) target(%arg9 : memref<128xi32, #tpu.memory_space<vmem>>) target_semaphore(%arg16 : memref<!tpu.dma_semaphore, #tpu.memory_space<semaphore_mem>>)
        %add3A_136 = arith.constant 3 : i32
        %add3A_137 = arith.addi %mul3A_88, %add3A_136 : i32
        %mul3A_138 = arith.constant 128 : i32
        %mul3A_139 = arith.muli %add3A_137, %mul3A_138 : i32
        %add3A_140 = arith.addi %select_n3A, %mul3A_139 : i32
        %dma_start3A_141 = tpu.memref_slice %arg4[%add3A_140] : memref<323584xi32, #tpu.memory_space<hbm>> -> memref<128xi32, #tpu.memory_space<hbm>>
        %dma_start3A_142 = tpu.memref_slice %arg4[%add3A_140] : memref<323584xi32, #tpu.memory_space<hbm>> -> memref<128xi32, #tpu.memory_space<hbm>>
        tpu.enqueue_dma source(%dma_start3A_142 : memref<128xi32, #tpu.memory_space<hbm>>) target(%arg10 : memref<128xi32, #tpu.memory_space<vmem>>) target_semaphore(%arg17 : memref<!tpu.dma_semaphore, #tpu.memory_space<semaphore_mem>>)
      } else {
      }
    }
    %barrier3A_76 = arith.constant 0 : index
    tpu.barrier barrier_id(%barrier3A_76)
    %mul3A_77 = arith.constant 632 : i32
    %mul3A_78 = arith.muli %arg1, %mul3A_77 : i32
    %mul3A_79 = arith.constant 10112 : i32
    %mul3A_80 = arith.muli %arg0, %mul3A_79 : i32
    %mul3A_81 = arith.constant 632 : i32
    %mul3A_82 = arith.muli %arg1, %mul3A_81 : i32
    %add3A_83 = arith.addi %mul3A_80, %mul3A_82 : i32
    "tpu.region"() ({
      %run_scoped3A = tpu.sem_alloc : memref<!tpu.dma_semaphore, #tpu.memory_space<semaphore_mem>>
      %dma_start3A_84 = arith.constant 0 : i32
      %dma_start3A_85 = tpu.memref_slice %arg6[%add3A_83, %dma_start3A_84] : memref<20224x128xf32, #tpu.memory_space<hbm>> -> memref<632x128xf32, #tpu.memory_space<hbm>>
      %dma_start3A_86 = arith.constant 0 : i32
      %dma_start3A_87 = tpu.memref_slice %arg13[%mul3A_78, %dma_start3A_86] : memref<10112x128xf32, #tpu.memory_space<vmem_shared>> -> memref<632x128xf32, #tpu.memory_space<vmem_shared>>
      tpu.enqueue_dma source(%dma_start3A_87 : memref<632x128xf32, #tpu.memory_space<vmem_shared>>) target(%dma_start3A_85 : memref<632x128xf32, #tpu.memory_space<hbm>>) target_semaphore(%run_scoped3A : memref<!tpu.dma_semaphore, #tpu.memory_space<semaphore_mem>>)
      %dma_wait3A = arith.constant 0 : i32
      %dma_wait3A_88 = tpu.memref_slice %arg6[%add3A_83, %dma_wait3A] : memref<20224x128xf32, #tpu.memory_space<hbm>> -> memref<632x128xf32, #tpu.memory_space<hbm>>
      %dma_wait3A_89 = arith.constant 0 : i32
      %dma_wait3A_90 = tpu.memref_slice %arg13[%mul3A_78, %dma_wait3A_89] : memref<10112x128xf32, #tpu.memory_space<vmem_shared>> -> memref<632x128xf32, #tpu.memory_space<vmem_shared>>
      tpu.wait_dma2 semaphore(%run_scoped3A : memref<!tpu.dma_semaphore, #tpu.memory_space<semaphore_mem>>) src(%dma_wait3A_90 : memref<632x128xf32, #tpu.memory_space<vmem_shared>>) dst(%dma_wait3A_88 : memref<632x128xf32, #tpu.memory_space<hbm>>)
      tpu.yield
    }) : () -> ()
    return
  }
}

#map = affine_map<(d0, d1) -> (0, 0)>
#map1 = affine_map<(d0, d1) -> (0)>
module attributes {stable_mosaic.version = 14 : i64} {
  func.func @agg(%arg0: i32, %arg1: i32, %arg2: memref<10112x128xf32, #tpu.memory_space<hbm>>, %arg3: memref<323584xi32, #tpu.memory_space<hbm>>, %arg4: memref<323584xi32, #tpu.memory_space<hbm>>, %arg5: memref<128x128xf32, #tpu.memory_space<hbm>>, %arg6: memref<20224x128xf32, #tpu.memory_space<hbm>>, %arg7: memref<128xi32, #tpu.memory_space<vmem>>, %arg8: memref<128xi32, #tpu.memory_space<vmem>>, %arg9: memref<128xi32, #tpu.memory_space<vmem>>, %arg10: memref<128xi32, #tpu.memory_space<vmem>>, %arg11: memref<128x128xf32, #tpu.memory_space<vmem>>, %arg12: memref<128x128xf32, #tpu.memory_space<vmem>>, %arg13: memref<10112x128xf32, #tpu.memory_space<vmem_shared>>, %arg14: memref<!tpu.dma_semaphore, #tpu.memory_space<semaphore_mem>>, %arg15: memref<!tpu.dma_semaphore, #tpu.memory_space<semaphore_mem>>, %arg16: memref<!tpu.dma_semaphore, #tpu.memory_space<semaphore_mem>>, %arg17: memref<!tpu.dma_semaphore, #tpu.memory_space<semaphore_mem>>, %arg18: memref<!tpu.dma_semaphore, #tpu.memory_space<semaphore_mem>>, %arg19: memref<!tpu.dma_semaphore, #tpu.memory_space<semaphore_mem>>, %arg20: memref<!tpu.dma_semaphore, #tpu.memory_space<semaphore_mem>>, %arg21: memref<!tpu.dma_semaphore, #tpu.memory_space<semaphore_mem>>) attributes {dimension_semantics = [#tpu.dimension_semantics<core_parallel>, #tpu.dimension_semantics<subcore_parallel>], iteration_bounds = array<i64: 2, 16>, scalar_prefetch = 0 : i64, scratch_operands = 15 : i64, tpu.core_type = #tpu.core_type<sc_vector_subcore>, window_params = [{transform_indices = #map}, {transform_indices = #map1}, {transform_indices = #map1}, {transform_indices = #map}, {transform_indices = #map}]} {
    "tpu.region"() ({
      %run_scoped3A = tpu.sem_alloc : memref<!tpu.dma_semaphore, #tpu.memory_space<semaphore_mem>>
      tpu.enqueue_dma source(%arg5 : memref<128x128xf32, #tpu.memory_space<hbm>>) target(%arg11 : memref<128x128xf32, #tpu.memory_space<vmem>>) target_semaphore(%run_scoped3A : memref<!tpu.dma_semaphore, #tpu.memory_space<semaphore_mem>>)
      tpu.wait_dma2 semaphore(%run_scoped3A : memref<!tpu.dma_semaphore, #tpu.memory_space<semaphore_mem>>) src(%arg5 : memref<128x128xf32, #tpu.memory_space<hbm>>) dst(%arg11 : memref<128x128xf32, #tpu.memory_space<vmem>>)
      tpu.yield
    }) : () -> ()
    %mul3A = arith.constant 632 : i32
    %mul3A_0 = arith.muli %arg1, %mul3A : i32
    %add3A = arith.constant 0 : i32
    %add3A_1 = arith.addi %mul3A_0, %add3A : i32
    "tpu.region"() ({
      %run_scoped3A = tpu.sem_alloc : memref<!tpu.dma_semaphore, #tpu.memory_space<semaphore_mem>>
      %dma_start3A_84 = arith.constant 0 : i32
      %dma_start3A_85 = tpu.memref_slice %arg13[%add3A_1, %dma_start3A_84] : memref<10112x128xf32, #tpu.memory_space<vmem_shared>> -> memref<128x128xf32, #tpu.memory_space<vmem_shared>>
      %dma_start3A_86 = arith.constant 0 : i32
      %dma_start3A_87 = tpu.memref_slice %arg13[%add3A_1, %dma_start3A_86] : memref<10112x128xf32, #tpu.memory_space<vmem_shared>> -> memref<128x128xf32, #tpu.memory_space<vmem_shared>>
      tpu.enqueue_dma source(%arg11 : memref<128x128xf32, #tpu.memory_space<vmem>>) target(%dma_start3A_87 : memref<128x128xf32, #tpu.memory_space<vmem_shared>>) target_semaphore(%run_scoped3A : memref<!tpu.dma_semaphore, #tpu.memory_space<semaphore_mem>>)
      %dma_wait3A = arith.constant 0 : i32
      %dma_wait3A_88 = tpu.memref_slice %arg13[%add3A_1, %dma_wait3A] : memref<10112x128xf32, #tpu.memory_space<vmem_shared>> -> memref<128x128xf32, #tpu.memory_space<vmem_shared>>
      %dma_wait3A_89 = arith.constant 0 : i32
      %dma_wait3A_90 = tpu.memref_slice %arg13[%add3A_1, %dma_wait3A_89] : memref<10112x128xf32, #tpu.memory_space<vmem_shared>> -> memref<128x128xf32, #tpu.memory_space<vmem_shared>>
      tpu.wait_dma2 semaphore(%run_scoped3A : memref<!tpu.dma_semaphore, #tpu.memory_space<semaphore_mem>>) src(%arg11 : memref<128x128xf32, #tpu.memory_space<vmem>>) dst(%dma_wait3A_90 : memref<128x128xf32, #tpu.memory_space<vmem_shared>>)
      tpu.yield
    }) : () -> ()
    %mul3A_2 = arith.constant 632 : i32
    %mul3A_3 = arith.muli %arg1, %mul3A_2 : i32
    %add3A_4 = arith.constant 128 : i32
    %add3A_5 = arith.addi %mul3A_3, %add3A_4 : i32
    "tpu.region"() ({
      %run_scoped3A = tpu.sem_alloc : memref<!tpu.dma_semaphore, #tpu.memory_space<semaphore_mem>>
      %dma_start3A_84 = arith.constant 0 : i32
      %dma_start3A_85 = tpu.memref_slice %arg13[%add3A_5, %dma_start3A_84] : memref<10112x128xf32, #tpu.memory_space<vmem_shared>> -> memref<128x128xf32, #tpu.memory_space<vmem_shared>>
      %dma_start3A_86 = arith.constant 0 : i32
      %dma_start3A_87 = tpu.memref_slice %arg13[%add3A_5, %dma_start3A_86] : memref<10112x128xf32, #tpu.memory_space<vmem_shared>> -> memref<128x128xf32, #tpu.memory_space<vmem_shared>>
      tpu.enqueue_dma source(%arg11 : memref<128x128xf32, #tpu.memory_space<vmem>>) target(%dma_start3A_87 : memref<128x128xf32, #tpu.memory_space<vmem_shared>>) target_semaphore(%run_scoped3A : memref<!tpu.dma_semaphore, #tpu.memory_space<semaphore_mem>>)
      %dma_wait3A = arith.constant 0 : i32
      %dma_wait3A_88 = tpu.memref_slice %arg13[%add3A_5, %dma_wait3A] : memref<10112x128xf32, #tpu.memory_space<vmem_shared>> -> memref<128x128xf32, #tpu.memory_space<vmem_shared>>
      %dma_wait3A_89 = arith.constant 0 : i32
      %dma_wait3A_90 = tpu.memref_slice %arg13[%add3A_5, %dma_wait3A_89] : memref<10112x128xf32, #tpu.memory_space<vmem_shared>> -> memref<128x128xf32, #tpu.memory_space<vmem_shared>>
      tpu.wait_dma2 semaphore(%run_scoped3A : memref<!tpu.dma_semaphore, #tpu.memory_space<semaphore_mem>>) src(%arg11 : memref<128x128xf32, #tpu.memory_space<vmem>>) dst(%dma_wait3A_90 : memref<128x128xf32, #tpu.memory_space<vmem_shared>>)
      tpu.yield
    }) : () -> ()
    %mul3A_6 = arith.constant 632 : i32
    %mul3A_7 = arith.muli %arg1, %mul3A_6 : i32
    %add3A_8 = arith.constant 256 : i32
    %add3A_9 = arith.addi %mul3A_7, %add3A_8 : i32
    "tpu.region"() ({
      %run_scoped3A = tpu.sem_alloc : memref<!tpu.dma_semaphore, #tpu.memory_space<semaphore_mem>>
      %dma_start3A_84 = arith.constant 0 : i32
      %dma_start3A_85 = tpu.memref_slice %arg13[%add3A_9, %dma_start3A_84] : memref<10112x128xf32, #tpu.memory_space<vmem_shared>> -> memref<128x128xf32, #tpu.memory_space<vmem_shared>>
      %dma_start3A_86 = arith.constant 0 : i32
      %dma_start3A_87 = tpu.memref_slice %arg13[%add3A_9, %dma_start3A_86] : memref<10112x128xf32, #tpu.memory_space<vmem_shared>> -> memref<128x128xf32, #tpu.memory_space<vmem_shared>>
      tpu.enqueue_dma source(%arg11 : memref<128x128xf32, #tpu.memory_space<vmem>>) target(%dma_start3A_87 : memref<128x128xf32, #tpu.memory_space<vmem_shared>>) target_semaphore(%run_scoped3A : memref<!tpu.dma_semaphore, #tpu.memory_space<semaphore_mem>>)
      %dma_wait3A = arith.constant 0 : i32
      %dma_wait3A_88 = tpu.memref_slice %arg13[%add3A_9, %dma_wait3A] : memref<10112x128xf32, #tpu.memory_space<vmem_shared>> -> memref<128x128xf32, #tpu.memory_space<vmem_shared>>
      %dma_wait3A_89 = arith.constant 0 : i32
      %dma_wait3A_90 = tpu.memref_slice %arg13[%add3A_9, %dma_wait3A_89] : memref<10112x128xf32, #tpu.memory_space<vmem_shared>> -> memref<128x128xf32, #tpu.memory_space<vmem_shared>>
      tpu.wait_dma2 semaphore(%run_scoped3A : memref<!tpu.dma_semaphore, #tpu.memory_space<semaphore_mem>>) src(%arg11 : memref<128x128xf32, #tpu.memory_space<vmem>>) dst(%dma_wait3A_90 : memref<128x128xf32, #tpu.memory_space<vmem_shared>>)
      tpu.yield
    }) : () -> ()
    %mul3A_10 = arith.constant 632 : i32
    %mul3A_11 = arith.muli %arg1, %mul3A_10 : i32
    %add3A_12 = arith.constant 384 : i32
    %add3A_13 = arith.addi %mul3A_11, %add3A_12 : i32
    "tpu.region"() ({
      %run_scoped3A = tpu.sem_alloc : memref<!tpu.dma_semaphore, #tpu.memory_space<semaphore_mem>>
      %dma_start3A_84 = arith.constant 0 : i32
      %dma_start3A_85 = tpu.memref_slice %arg13[%add3A_13, %dma_start3A_84] : memref<10112x128xf32, #tpu.memory_space<vmem_shared>> -> memref<128x128xf32, #tpu.memory_space<vmem_shared>>
      %dma_start3A_86 = arith.constant 0 : i32
      %dma_start3A_87 = tpu.memref_slice %arg13[%add3A_13, %dma_start3A_86] : memref<10112x128xf32, #tpu.memory_space<vmem_shared>> -> memref<128x128xf32, #tpu.memory_space<vmem_shared>>
      tpu.enqueue_dma source(%arg11 : memref<128x128xf32, #tpu.memory_space<vmem>>) target(%dma_start3A_87 : memref<128x128xf32, #tpu.memory_space<vmem_shared>>) target_semaphore(%run_scoped3A : memref<!tpu.dma_semaphore, #tpu.memory_space<semaphore_mem>>)
      %dma_wait3A = arith.constant 0 : i32
      %dma_wait3A_88 = tpu.memref_slice %arg13[%add3A_13, %dma_wait3A] : memref<10112x128xf32, #tpu.memory_space<vmem_shared>> -> memref<128x128xf32, #tpu.memory_space<vmem_shared>>
      %dma_wait3A_89 = arith.constant 0 : i32
      %dma_wait3A_90 = tpu.memref_slice %arg13[%add3A_13, %dma_wait3A_89] : memref<10112x128xf32, #tpu.memory_space<vmem_shared>> -> memref<128x128xf32, #tpu.memory_space<vmem_shared>>
      tpu.wait_dma2 semaphore(%run_scoped3A : memref<!tpu.dma_semaphore, #tpu.memory_space<semaphore_mem>>) src(%arg11 : memref<128x128xf32, #tpu.memory_space<vmem>>) dst(%dma_wait3A_90 : memref<128x128xf32, #tpu.memory_space<vmem_shared>>)
      tpu.yield
    }) : () -> ()
    %mul3A_14 = arith.constant 632 : i32
    %mul3A_15 = arith.muli %arg1, %mul3A_14 : i32
    %add3A_16 = arith.constant 512 : i32
    %add3A_17 = arith.addi %mul3A_15, %add3A_16 : i32
    "tpu.region"() ({
      %run_scoped3A = tpu.sem_alloc : memref<!tpu.dma_semaphore, #tpu.memory_space<semaphore_mem>>
      %dma_start3A_84 = arith.constant 0 : i32
      %dma_start3A_85 = arith.constant 0 : i32
      %dma_start3A_86 = tpu.memref_slice %arg11[%dma_start3A_84, %dma_start3A_85] : memref<128x128xf32, #tpu.memory_space<vmem>> -> memref<120x128xf32, #tpu.memory_space<vmem>>
      %dma_start3A_87 = arith.constant 0 : i32
      %dma_start3A_88 = tpu.memref_slice %arg13[%add3A_17, %dma_start3A_87] : memref<10112x128xf32, #tpu.memory_space<vmem_shared>> -> memref<120x128xf32, #tpu.memory_space<vmem_shared>>
      %dma_start3A_89 = arith.constant 0 : i32
      %dma_start3A_90 = tpu.memref_slice %arg13[%add3A_17, %dma_start3A_89] : memref<10112x128xf32, #tpu.memory_space<vmem_shared>> -> memref<120x128xf32, #tpu.memory_space<vmem_shared>>
      %dma_start3A_91 = arith.constant 0 : i32
      %dma_start3A_92 = arith.constant 0 : i32
      %dma_start3A_93 = tpu.memref_slice %arg11[%dma_start3A_91, %dma_start3A_92] : memref<128x128xf32, #tpu.memory_space<vmem>> -> memref<120x128xf32, #tpu.memory_space<vmem>>
      tpu.enqueue_dma source(%dma_start3A_93 : memref<120x128xf32, #tpu.memory_space<vmem>>) target(%dma_start3A_90 : memref<120x128xf32, #tpu.memory_space<vmem_shared>>) target_semaphore(%run_scoped3A : memref<!tpu.dma_semaphore, #tpu.memory_space<semaphore_mem>>)
      %dma_wait3A = arith.constant 0 : i32
      %dma_wait3A_94 = arith.constant 0 : i32
      %dma_wait3A_95 = tpu.memref_slice %arg11[%dma_wait3A, %dma_wait3A_94] : memref<128x128xf32, #tpu.memory_space<vmem>> -> memref<120x128xf32, #tpu.memory_space<vmem>>
      %dma_wait3A_96 = arith.constant 0 : i32
      %dma_wait3A_97 = tpu.memref_slice %arg13[%add3A_17, %dma_wait3A_96] : memref<10112x128xf32, #tpu.memory_space<vmem_shared>> -> memref<120x128xf32, #tpu.memory_space<vmem_shared>>
      %dma_wait3A_98 = arith.constant 0 : i32
      %dma_wait3A_99 = tpu.memref_slice %arg13[%add3A_17, %dma_wait3A_98] : memref<10112x128xf32, #tpu.memory_space<vmem_shared>> -> memref<120x128xf32, #tpu.memory_space<vmem_shared>>
      %dma_wait3A_100 = arith.constant 0 : i32
      %dma_wait3A_101 = arith.constant 0 : i32
      %dma_wait3A_102 = tpu.memref_slice %arg11[%dma_wait3A_100, %dma_wait3A_101] : memref<128x128xf32, #tpu.memory_space<vmem>> -> memref<120x128xf32, #tpu.memory_space<vmem>>
      tpu.wait_dma2 semaphore(%run_scoped3A : memref<!tpu.dma_semaphore, #tpu.memory_space<semaphore_mem>>) src(%dma_wait3A_102 : memref<120x128xf32, #tpu.memory_space<vmem>>) dst(%dma_wait3A_99 : memref<120x128xf32, #tpu.memory_space<vmem_shared>>)
      tpu.yield
    }) : () -> ()
    %barrier3A = arith.constant 0 : index
    tpu.barrier barrier_id(%barrier3A)
    %eq3A = arith.constant 0 : i32
    %eq3A_18 = arith.cmpi eq, %arg0, %eq3A : i32
    %mul3A_19 = arith.constant 13568 : i32
    %mul3A_20 = arith.muli %arg1, %mul3A_19 : i32
    %mul3A_21 = arith.constant 6656 : i32
    %mul3A_22 = arith.muli %arg1, %mul3A_21 : i32
    %add3A_23 = arith.constant 217088 : i32
    %add3A_24 = arith.addi %add3A_23, %mul3A_22 : i32
    %select_n3A = arith.select %eq3A_18, %mul3A_20, %add3A_24 : i32
    %eq3A_25 = arith.constant 0 : i32
    %eq3A_26 = arith.cmpi eq, %arg0, %eq3A_25 : i32
    %jit3A = arith.constant 106 : i32
    %jit3A_27 = arith.constant 52 : i32
    %select_n3A_28 = arith.select %eq3A_26, %jit3A, %jit3A_27 : i32
    %add3A_29 = arith.constant 0 : i32
    %add3A_30 = arith.addi %select_n3A, %add3A_29 : i32
    %dma_start3A = tpu.memref_slice %arg3[%add3A_30] : memref<323584xi32, #tpu.memory_space<hbm>> -> memref<128xi32, #tpu.memory_space<hbm>>
    %dma_start3A_31 = tpu.memref_slice %arg3[%add3A_30] : memref<323584xi32, #tpu.memory_space<hbm>> -> memref<128xi32, #tpu.memory_space<hbm>>
    tpu.enqueue_dma source(%dma_start3A_31 : memref<128xi32, #tpu.memory_space<hbm>>) target(%arg7 : memref<128xi32, #tpu.memory_space<vmem>>) target_semaphore(%arg14 : memref<!tpu.dma_semaphore, #tpu.memory_space<semaphore_mem>>)
    %dma_start3A_32 = tpu.memref_slice %arg4[%add3A_30] : memref<323584xi32, #tpu.memory_space<hbm>> -> memref<128xi32, #tpu.memory_space<hbm>>
    %dma_start3A_33 = tpu.memref_slice %arg4[%add3A_30] : memref<323584xi32, #tpu.memory_space<hbm>> -> memref<128xi32, #tpu.memory_space<hbm>>
    tpu.enqueue_dma source(%dma_start3A_33 : memref<128xi32, #tpu.memory_space<hbm>>) target(%arg9 : memref<128xi32, #tpu.memory_space<vmem>>) target_semaphore(%arg16 : memref<!tpu.dma_semaphore, #tpu.memory_space<semaphore_mem>>)
    %add3A_34 = arith.constant 128 : i32
    %add3A_35 = arith.addi %select_n3A, %add3A_34 : i32
    %dma_start3A_36 = tpu.memref_slice %arg3[%add3A_35] : memref<323584xi32, #tpu.memory_space<hbm>> -> memref<128xi32, #tpu.memory_space<hbm>>
    %dma_start3A_37 = tpu.memref_slice %arg3[%add3A_35] : memref<323584xi32, #tpu.memory_space<hbm>> -> memref<128xi32, #tpu.memory_space<hbm>>
    tpu.enqueue_dma source(%dma_start3A_37 : memref<128xi32, #tpu.memory_space<hbm>>) target(%arg8 : memref<128xi32, #tpu.memory_space<vmem>>) target_semaphore(%arg15 : memref<!tpu.dma_semaphore, #tpu.memory_space<semaphore_mem>>)
    %dma_start3A_38 = tpu.memref_slice %arg4[%add3A_35] : memref<323584xi32, #tpu.memory_space<hbm>> -> memref<128xi32, #tpu.memory_space<hbm>>
    %dma_start3A_39 = tpu.memref_slice %arg4[%add3A_35] : memref<323584xi32, #tpu.memory_space<hbm>> -> memref<128xi32, #tpu.memory_space<hbm>>
    tpu.enqueue_dma source(%dma_start3A_39 : memref<128xi32, #tpu.memory_space<hbm>>) target(%arg10 : memref<128xi32, #tpu.memory_space<vmem>>) target_semaphore(%arg17 : memref<!tpu.dma_semaphore, #tpu.memory_space<semaphore_mem>>)
    %jit3A_40 = arith.constant 2 : i32
    %div3A = arith.divsi %select_n3A_28, %jit3A_40 : i32
    %sign3A = arith.constant 0 : i32
    %sign3A_41 = arith.cmpi sgt, %select_n3A_28, %sign3A : i32
    %sign3A_42 = arith.extui %sign3A_41 : i1 to i32
    %sign3A_43 = arith.constant 0 : i32
    %sign3A_44 = arith.cmpi slt, %select_n3A_28, %sign3A_43 : i32
    %sign3A_45 = arith.extui %sign3A_44 : i1 to i32
    %sign3A_46 = arith.subi %sign3A_42, %sign3A_45 : i32
    %sign3A_47 = arith.constant 0 : i32
    %sign3A_48 = arith.cmpi sgt, %jit3A_40, %sign3A_47 : i32
    %sign3A_49 = arith.extui %sign3A_48 : i1 to i32
    %sign3A_50 = arith.constant 0 : i32
    %sign3A_51 = arith.cmpi slt, %jit3A_40, %sign3A_50 : i32
    %sign3A_52 = arith.extui %sign3A_51 : i1 to i32
    %sign3A_53 = arith.subi %sign3A_49, %sign3A_52 : i32
    %ne3A = arith.cmpi ne, %sign3A_46, %sign3A_53 : i32
    %rem3A = arith.remsi %select_n3A_28, %jit3A_40 : i32
    %ne3A_54 = arith.constant 0 : i32
    %ne3A_55 = arith.cmpi ne, %rem3A, %ne3A_54 : i32
    %and3A = arith.andi %ne3A, %ne3A_55 : i1
    %sub3A = arith.constant 1 : i32
    %sub3A_56 = arith.subi %div3A, %sub3A : i32
    %select_n3A_57 = arith.select %and3A, %sub3A_56, %div3A : i32
    %sub3A_58 = arith.constant 0 : i32
    %sub3A_59 = arith.subi %select_n3A_57, %sub3A_58 : i32
    %sub3A_60 = arith.constant 1 : i32
    %sub3A_61 = arith.constant 1 : i32
    %sub3A_62 = arith.subi %sub3A_60, %sub3A_61 : i32
    %add3A_63 = arith.addi %sub3A_59, %sub3A_62 : i32
    %div3A_64 = arith.constant 1 : i32
    %div3A_65 = arith.divsi %add3A_63, %div3A_64 : i32
    %while3A = arith.constant 1 : i32
    %while3A_66 = arith.constant 0 : i32
    %while3A_67 = arith.constant 0 : i32
    %while3A_68 = arith.subi %div3A_65, %while3A_67 : i32
    %while3A_69 = arith.addi %while3A_67, %while3A_68 : i32
    %while3A_70 = arith.constant 1 : i32
    %while3A_71 = arith.divsi %while3A_68, %while3A_70 : i32
    %while3A_72 = arith.muli %while3A_71, %while3A_70 : i32
    %while3A_73 = arith.addi %while3A_67, %while3A_72 : i32
    %while3A_74 = arith.constant 1 : i32
    scf.for %while3A_84 = %while3A_67 to %while3A_73 step %while3A_74  : i32 {
      %mul3A_85 = arith.muli %while3A_84, %while3A : i32
      %add3A_86 = arith.addi %while3A_66, %mul3A_85 : i32
      %mul3A_87 = arith.constant 2 : i32
      %mul3A_88 = arith.muli %add3A_86, %mul3A_87 : i32
      %dma_wait3A = tpu.memref_slice %arg3[%select_n3A] : memref<323584xi32, #tpu.memory_space<hbm>> -> memref<128xi32, #tpu.memory_space<hbm>>
      %dma_wait3A_89 = tpu.memref_slice %arg3[%select_n3A] : memref<323584xi32, #tpu.memory_space<hbm>> -> memref<128xi32, #tpu.memory_space<hbm>>
      tpu.wait_dma2 semaphore(%arg14 : memref<!tpu.dma_semaphore, #tpu.memory_space<semaphore_mem>>) src(%dma_wait3A_89 : memref<128xi32, #tpu.memory_space<hbm>>) dst(%arg7 : memref<128xi32, #tpu.memory_space<vmem>>)
      %dma_wait3A_90 = tpu.memref_slice %arg3[%select_n3A] : memref<323584xi32, #tpu.memory_space<hbm>> -> memref<128xi32, #tpu.memory_space<hbm>>
      %dma_wait3A_91 = tpu.memref_slice %arg3[%select_n3A] : memref<323584xi32, #tpu.memory_space<hbm>> -> memref<128xi32, #tpu.memory_space<hbm>>
      tpu.wait_dma2 semaphore(%arg15 : memref<!tpu.dma_semaphore, #tpu.memory_space<semaphore_mem>>) src(%dma_wait3A_91 : memref<128xi32, #tpu.memory_space<hbm>>) dst(%arg8 : memref<128xi32, #tpu.memory_space<vmem>>)
      %dma_start3A_92 = arith.constant 0 : i32
      %dma_start3A_93 = arith.constant 0 : i32
      %dma_start3A_94 = tpu.memref_slice %arg2[%dma_start3A_92, %dma_start3A_93] : memref<10112x128xf32, #tpu.memory_space<hbm>> -> memref<10112x128xf32, #tpu.memory_space<hbm>>
      tpu.enqueue_indirect_dma source(%dma_start3A_94 : memref<10112x128xf32, #tpu.memory_space<hbm>>) target(%arg11 : memref<128x128xf32, #tpu.memory_space<vmem>>) offsets(%arg7 : memref<128xi32, #tpu.memory_space<vmem>>) semaphore(%arg18 : memref<!tpu.dma_semaphore, #tpu.memory_space<semaphore_mem>>)
      %dma_start3A_95 = arith.constant 0 : i32
      %dma_start3A_96 = arith.constant 0 : i32
      %dma_start3A_97 = tpu.memref_slice %arg2[%dma_start3A_95, %dma_start3A_96] : memref<10112x128xf32, #tpu.memory_space<hbm>> -> memref<10112x128xf32, #tpu.memory_space<hbm>>
      tpu.enqueue_indirect_dma source(%dma_start3A_97 : memref<10112x128xf32, #tpu.memory_space<hbm>>) target(%arg12 : memref<128x128xf32, #tpu.memory_space<vmem>>) offsets(%arg8 : memref<128xi32, #tpu.memory_space<vmem>>) semaphore(%arg19 : memref<!tpu.dma_semaphore, #tpu.memory_space<semaphore_mem>>)
      %dma_wait3A_98 = arith.constant 0 : i32
      %dma_wait3A_99 = arith.constant 0 : i32
      %dma_wait3A_100 = tpu.memref_slice %arg2[%dma_wait3A_98, %dma_wait3A_99] : memref<10112x128xf32, #tpu.memory_space<hbm>> -> memref<10112x128xf32, #tpu.memory_space<hbm>>
      tpu.wait_indirect_dma semaphore(%arg18 : memref<!tpu.dma_semaphore, #tpu.memory_space<semaphore_mem>>) src(%dma_wait3A_100 : memref<10112x128xf32, #tpu.memory_space<hbm>>) dst(%arg11 : memref<128x128xf32, #tpu.memory_space<vmem>>)
      %dma_wait3A_101 = arith.constant 0 : i32
      %dma_wait3A_102 = arith.constant 0 : i32
      %dma_wait3A_103 = tpu.memref_slice %arg2[%dma_wait3A_101, %dma_wait3A_102] : memref<10112x128xf32, #tpu.memory_space<hbm>> -> memref<10112x128xf32, #tpu.memory_space<hbm>>
      tpu.wait_indirect_dma semaphore(%arg19 : memref<!tpu.dma_semaphore, #tpu.memory_space<semaphore_mem>>) src(%dma_wait3A_103 : memref<10112x128xf32, #tpu.memory_space<hbm>>) dst(%arg12 : memref<128x128xf32, #tpu.memory_space<vmem>>)
      %add3A_104 = arith.constant 2 : i32
      %add3A_105 = arith.addi %mul3A_88, %add3A_104 : i32
      %lt3A = arith.cmpi slt, %add3A_105, %select_n3A_28 : i32
      %convert_element_type3A = arith.extui %lt3A : i1 to i32
      %cond3A = arith.constant 0 : i32
      %cond3A_106 = arith.cmpi ne, %convert_element_type3A, %cond3A : i32
      scf.if %cond3A_106 {
        %add3A_129 = arith.constant 2 : i32
        %add3A_130 = arith.addi %mul3A_88, %add3A_129 : i32
        %mul3A_131 = arith.constant 128 : i32
        %mul3A_132 = arith.muli %add3A_130, %mul3A_131 : i32
        %add3A_133 = arith.addi %select_n3A, %mul3A_132 : i32
        %dma_start3A_134 = tpu.memref_slice %arg3[%add3A_133] : memref<323584xi32, #tpu.memory_space<hbm>> -> memref<128xi32, #tpu.memory_space<hbm>>
        %dma_start3A_135 = tpu.memref_slice %arg3[%add3A_133] : memref<323584xi32, #tpu.memory_space<hbm>> -> memref<128xi32, #tpu.memory_space<hbm>>
        tpu.enqueue_dma source(%dma_start3A_135 : memref<128xi32, #tpu.memory_space<hbm>>) target(%arg7 : memref<128xi32, #tpu.memory_space<vmem>>) target_semaphore(%arg14 : memref<!tpu.dma_semaphore, #tpu.memory_space<semaphore_mem>>)
        %add3A_136 = arith.constant 3 : i32
        %add3A_137 = arith.addi %mul3A_88, %add3A_136 : i32
        %mul3A_138 = arith.constant 128 : i32
        %mul3A_139 = arith.muli %add3A_137, %mul3A_138 : i32
        %add3A_140 = arith.addi %select_n3A, %mul3A_139 : i32
        %dma_start3A_141 = tpu.memref_slice %arg3[%add3A_140] : memref<323584xi32, #tpu.memory_space<hbm>> -> memref<128xi32, #tpu.memory_space<hbm>>
        %dma_start3A_142 = tpu.memref_slice %arg3[%add3A_140] : memref<323584xi32, #tpu.memory_space<hbm>> -> memref<128xi32, #tpu.memory_space<hbm>>
        tpu.enqueue_dma source(%dma_start3A_142 : memref<128xi32, #tpu.memory_space<hbm>>) target(%arg8 : memref<128xi32, #tpu.memory_space<vmem>>) target_semaphore(%arg15 : memref<!tpu.dma_semaphore, #tpu.memory_space<semaphore_mem>>)
      } else {
      }
      %dma_wait3A_107 = tpu.memref_slice %arg4[%select_n3A] : memref<323584xi32, #tpu.memory_space<hbm>> -> memref<128xi32, #tpu.memory_space<hbm>>
      %dma_wait3A_108 = tpu.memref_slice %arg4[%select_n3A] : memref<323584xi32, #tpu.memory_space<hbm>> -> memref<128xi32, #tpu.memory_space<hbm>>
      tpu.wait_dma2 semaphore(%arg16 : memref<!tpu.dma_semaphore, #tpu.memory_space<semaphore_mem>>) src(%dma_wait3A_108 : memref<128xi32, #tpu.memory_space<hbm>>) dst(%arg9 : memref<128xi32, #tpu.memory_space<vmem>>)
      %dma_wait3A_109 = tpu.memref_slice %arg4[%select_n3A] : memref<323584xi32, #tpu.memory_space<hbm>> -> memref<128xi32, #tpu.memory_space<hbm>>
      %dma_wait3A_110 = tpu.memref_slice %arg4[%select_n3A] : memref<323584xi32, #tpu.memory_space<hbm>> -> memref<128xi32, #tpu.memory_space<hbm>>
      tpu.wait_dma2 semaphore(%arg17 : memref<!tpu.dma_semaphore, #tpu.memory_space<semaphore_mem>>) src(%dma_wait3A_110 : memref<128xi32, #tpu.memory_space<hbm>>) dst(%arg10 : memref<128xi32, #tpu.memory_space<vmem>>)
      %dma_start3A_111 = arith.constant 0 : i32
      %dma_start3A_112 = arith.constant 0 : i32
      %dma_start3A_113 = tpu.memref_slice %arg13[%dma_start3A_111, %dma_start3A_112] : memref<10112x128xf32, #tpu.memory_space<vmem_shared>> -> memref<10112x128xf32, #tpu.memory_space<vmem_shared>>
      tpu.enqueue_indirect_dma source(%arg11 : memref<128x128xf32, #tpu.memory_space<vmem>>) target(%dma_start3A_113 : memref<10112x128xf32, #tpu.memory_space<vmem_shared>>) offsets(%arg9 : memref<128xi32, #tpu.memory_space<vmem>>) semaphore(%arg20 : memref<!tpu.dma_semaphore, #tpu.memory_space<semaphore_mem>>) {add = true}
      %dma_start3A_114 = arith.constant 0 : i32
      %dma_start3A_115 = arith.constant 0 : i32
      %dma_start3A_116 = tpu.memref_slice %arg13[%dma_start3A_114, %dma_start3A_115] : memref<10112x128xf32, #tpu.memory_space<vmem_shared>> -> memref<10112x128xf32, #tpu.memory_space<vmem_shared>>
      tpu.enqueue_indirect_dma source(%arg12 : memref<128x128xf32, #tpu.memory_space<vmem>>) target(%dma_start3A_116 : memref<10112x128xf32, #tpu.memory_space<vmem_shared>>) offsets(%arg10 : memref<128xi32, #tpu.memory_space<vmem>>) semaphore(%arg21 : memref<!tpu.dma_semaphore, #tpu.memory_space<semaphore_mem>>) {add = true}
      %dma_wait3A_117 = arith.constant 0 : i32
      %dma_wait3A_118 = arith.constant 0 : i32
      %dma_wait3A_119 = tpu.memref_slice %arg13[%dma_wait3A_117, %dma_wait3A_118] : memref<10112x128xf32, #tpu.memory_space<vmem_shared>> -> memref<10112x128xf32, #tpu.memory_space<vmem_shared>>
      tpu.wait_indirect_dma semaphore(%arg20 : memref<!tpu.dma_semaphore, #tpu.memory_space<semaphore_mem>>) src(%arg11 : memref<128x128xf32, #tpu.memory_space<vmem>>) dst(%dma_wait3A_119 : memref<10112x128xf32, #tpu.memory_space<vmem_shared>>)
      %dma_wait3A_120 = arith.constant 0 : i32
      %dma_wait3A_121 = arith.constant 0 : i32
      %dma_wait3A_122 = tpu.memref_slice %arg13[%dma_wait3A_120, %dma_wait3A_121] : memref<10112x128xf32, #tpu.memory_space<vmem_shared>> -> memref<10112x128xf32, #tpu.memory_space<vmem_shared>>
      tpu.wait_indirect_dma semaphore(%arg21 : memref<!tpu.dma_semaphore, #tpu.memory_space<semaphore_mem>>) src(%arg12 : memref<128x128xf32, #tpu.memory_space<vmem>>) dst(%dma_wait3A_122 : memref<10112x128xf32, #tpu.memory_space<vmem_shared>>)
      %add3A_123 = arith.constant 2 : i32
      %add3A_124 = arith.addi %mul3A_88, %add3A_123 : i32
      %lt3A_125 = arith.cmpi slt, %add3A_124, %select_n3A_28 : i32
      %convert_element_type3A_126 = arith.extui %lt3A_125 : i1 to i32
      %cond3A_127 = arith.constant 0 : i32
      %cond3A_128 = arith.cmpi ne, %convert_element_type3A_126, %cond3A_127 : i32
      scf.if %cond3A_128 {
        %add3A_129 = arith.constant 2 : i32
        %add3A_130 = arith.addi %mul3A_88, %add3A_129 : i32
        %mul3A_131 = arith.constant 128 : i32
        %mul3A_132 = arith.muli %add3A_130, %mul3A_131 : i32
        %add3A_133 = arith.addi %select_n3A, %mul3A_132 : i32
        %dma_start3A_134 = tpu.memref_slice %arg4[%add3A_133] : memref<323584xi32, #tpu.memory_space<hbm>> -> memref<128xi32, #tpu.memory_space<hbm>>
        %dma_start3A_135 = tpu.memref_slice %arg4[%add3A_133] : memref<323584xi32, #tpu.memory_space<hbm>> -> memref<128xi32, #tpu.memory_space<hbm>>
        tpu.enqueue_dma source(%dma_start3A_135 : memref<128xi32, #tpu.memory_space<hbm>>) target(%arg9 : memref<128xi32, #tpu.memory_space<vmem>>) target_semaphore(%arg16 : memref<!tpu.dma_semaphore, #tpu.memory_space<semaphore_mem>>)
        %add3A_136 = arith.constant 3 : i32
        %add3A_137 = arith.addi %mul3A_88, %add3A_136 : i32
        %mul3A_138 = arith.constant 128 : i32
        %mul3A_139 = arith.muli %add3A_137, %mul3A_138 : i32
        %add3A_140 = arith.addi %select_n3A, %mul3A_139 : i32
        %dma_start3A_141 = tpu.memref_slice %arg4[%add3A_140] : memref<323584xi32, #tpu.memory_space<hbm>> -> memref<128xi32, #tpu.memory_space<hbm>>
        %dma_start3A_142 = tpu.memref_slice %arg4[%add3A_140] : memref<323584xi32, #tpu.memory_space<hbm>> -> memref<128xi32, #tpu.memory_space<hbm>>
        tpu.enqueue_dma source(%dma_start3A_142 : memref<128xi32, #tpu.memory_space<hbm>>) target(%arg10 : memref<128xi32, #tpu.memory_space<vmem>>) target_semaphore(%arg17 : memref<!tpu.dma_semaphore, #tpu.memory_space<semaphore_mem>>)
      } else {
      }
    }
    %while3A_75 = arith.constant 1 : i32
    scf.for %while3A_84 = %while3A_73 to %while3A_69 step %while3A_75  : i32 {
      %mul3A_85 = arith.muli %while3A_84, %while3A : i32
      %add3A_86 = arith.addi %while3A_66, %mul3A_85 : i32
      %mul3A_87 = arith.constant 2 : i32
      %mul3A_88 = arith.muli %add3A_86, %mul3A_87 : i32
      %dma_wait3A = tpu.memref_slice %arg3[%select_n3A] : memref<323584xi32, #tpu.memory_space<hbm>> -> memref<128xi32, #tpu.memory_space<hbm>>
      %dma_wait3A_89 = tpu.memref_slice %arg3[%select_n3A] : memref<323584xi32, #tpu.memory_space<hbm>> -> memref<128xi32, #tpu.memory_space<hbm>>
      tpu.wait_dma2 semaphore(%arg14 : memref<!tpu.dma_semaphore, #tpu.memory_space<semaphore_mem>>) src(%dma_wait3A_89 : memref<128xi32, #tpu.memory_space<hbm>>) dst(%arg7 : memref<128xi32, #tpu.memory_space<vmem>>)
      %dma_wait3A_90 = tpu.memref_slice %arg3[%select_n3A] : memref<323584xi32, #tpu.memory_space<hbm>> -> memref<128xi32, #tpu.memory_space<hbm>>
      %dma_wait3A_91 = tpu.memref_slice %arg3[%select_n3A] : memref<323584xi32, #tpu.memory_space<hbm>> -> memref<128xi32, #tpu.memory_space<hbm>>
      tpu.wait_dma2 semaphore(%arg15 : memref<!tpu.dma_semaphore, #tpu.memory_space<semaphore_mem>>) src(%dma_wait3A_91 : memref<128xi32, #tpu.memory_space<hbm>>) dst(%arg8 : memref<128xi32, #tpu.memory_space<vmem>>)
      %dma_start3A_92 = arith.constant 0 : i32
      %dma_start3A_93 = arith.constant 0 : i32
      %dma_start3A_94 = tpu.memref_slice %arg2[%dma_start3A_92, %dma_start3A_93] : memref<10112x128xf32, #tpu.memory_space<hbm>> -> memref<10112x128xf32, #tpu.memory_space<hbm>>
      tpu.enqueue_indirect_dma source(%dma_start3A_94 : memref<10112x128xf32, #tpu.memory_space<hbm>>) target(%arg11 : memref<128x128xf32, #tpu.memory_space<vmem>>) offsets(%arg7 : memref<128xi32, #tpu.memory_space<vmem>>) semaphore(%arg18 : memref<!tpu.dma_semaphore, #tpu.memory_space<semaphore_mem>>)
      %dma_start3A_95 = arith.constant 0 : i32
      %dma_start3A_96 = arith.constant 0 : i32
      %dma_start3A_97 = tpu.memref_slice %arg2[%dma_start3A_95, %dma_start3A_96] : memref<10112x128xf32, #tpu.memory_space<hbm>> -> memref<10112x128xf32, #tpu.memory_space<hbm>>
      tpu.enqueue_indirect_dma source(%dma_start3A_97 : memref<10112x128xf32, #tpu.memory_space<hbm>>) target(%arg12 : memref<128x128xf32, #tpu.memory_space<vmem>>) offsets(%arg8 : memref<128xi32, #tpu.memory_space<vmem>>) semaphore(%arg19 : memref<!tpu.dma_semaphore, #tpu.memory_space<semaphore_mem>>)
      %dma_wait3A_98 = arith.constant 0 : i32
      %dma_wait3A_99 = arith.constant 0 : i32
      %dma_wait3A_100 = tpu.memref_slice %arg2[%dma_wait3A_98, %dma_wait3A_99] : memref<10112x128xf32, #tpu.memory_space<hbm>> -> memref<10112x128xf32, #tpu.memory_space<hbm>>
      tpu.wait_indirect_dma semaphore(%arg18 : memref<!tpu.dma_semaphore, #tpu.memory_space<semaphore_mem>>) src(%dma_wait3A_100 : memref<10112x128xf32, #tpu.memory_space<hbm>>) dst(%arg11 : memref<128x128xf32, #tpu.memory_space<vmem>>)
      %dma_wait3A_101 = arith.constant 0 : i32
      %dma_wait3A_102 = arith.constant 0 : i32
      %dma_wait3A_103 = tpu.memref_slice %arg2[%dma_wait3A_101, %dma_wait3A_102] : memref<10112x128xf32, #tpu.memory_space<hbm>> -> memref<10112x128xf32, #tpu.memory_space<hbm>>
      tpu.wait_indirect_dma semaphore(%arg19 : memref<!tpu.dma_semaphore, #tpu.memory_space<semaphore_mem>>) src(%dma_wait3A_103 : memref<10112x128xf32, #tpu.memory_space<hbm>>) dst(%arg12 : memref<128x128xf32, #tpu.memory_space<vmem>>)
      %add3A_104 = arith.constant 2 : i32
      %add3A_105 = arith.addi %mul3A_88, %add3A_104 : i32
      %lt3A = arith.cmpi slt, %add3A_105, %select_n3A_28 : i32
      %convert_element_type3A = arith.extui %lt3A : i1 to i32
      %cond3A = arith.constant 0 : i32
      %cond3A_106 = arith.cmpi ne, %convert_element_type3A, %cond3A : i32
      scf.if %cond3A_106 {
        %add3A_129 = arith.constant 2 : i32
        %add3A_130 = arith.addi %mul3A_88, %add3A_129 : i32
        %mul3A_131 = arith.constant 128 : i32
        %mul3A_132 = arith.muli %add3A_130, %mul3A_131 : i32
        %add3A_133 = arith.addi %select_n3A, %mul3A_132 : i32
        %dma_start3A_134 = tpu.memref_slice %arg3[%add3A_133] : memref<323584xi32, #tpu.memory_space<hbm>> -> memref<128xi32, #tpu.memory_space<hbm>>
        %dma_start3A_135 = tpu.memref_slice %arg3[%add3A_133] : memref<323584xi32, #tpu.memory_space<hbm>> -> memref<128xi32, #tpu.memory_space<hbm>>
        tpu.enqueue_dma source(%dma_start3A_135 : memref<128xi32, #tpu.memory_space<hbm>>) target(%arg7 : memref<128xi32, #tpu.memory_space<vmem>>) target_semaphore(%arg14 : memref<!tpu.dma_semaphore, #tpu.memory_space<semaphore_mem>>)
        %add3A_136 = arith.constant 3 : i32
        %add3A_137 = arith.addi %mul3A_88, %add3A_136 : i32
        %mul3A_138 = arith.constant 128 : i32
        %mul3A_139 = arith.muli %add3A_137, %mul3A_138 : i32
        %add3A_140 = arith.addi %select_n3A, %mul3A_139 : i32
        %dma_start3A_141 = tpu.memref_slice %arg3[%add3A_140] : memref<323584xi32, #tpu.memory_space<hbm>> -> memref<128xi32, #tpu.memory_space<hbm>>
        %dma_start3A_142 = tpu.memref_slice %arg3[%add3A_140] : memref<323584xi32, #tpu.memory_space<hbm>> -> memref<128xi32, #tpu.memory_space<hbm>>
        tpu.enqueue_dma source(%dma_start3A_142 : memref<128xi32, #tpu.memory_space<hbm>>) target(%arg8 : memref<128xi32, #tpu.memory_space<vmem>>) target_semaphore(%arg15 : memref<!tpu.dma_semaphore, #tpu.memory_space<semaphore_mem>>)
      } else {
      }
      %dma_wait3A_107 = tpu.memref_slice %arg4[%select_n3A] : memref<323584xi32, #tpu.memory_space<hbm>> -> memref<128xi32, #tpu.memory_space<hbm>>
      %dma_wait3A_108 = tpu.memref_slice %arg4[%select_n3A] : memref<323584xi32, #tpu.memory_space<hbm>> -> memref<128xi32, #tpu.memory_space<hbm>>
      tpu.wait_dma2 semaphore(%arg16 : memref<!tpu.dma_semaphore, #tpu.memory_space<semaphore_mem>>) src(%dma_wait3A_108 : memref<128xi32, #tpu.memory_space<hbm>>) dst(%arg9 : memref<128xi32, #tpu.memory_space<vmem>>)
      %dma_wait3A_109 = tpu.memref_slice %arg4[%select_n3A] : memref<323584xi32, #tpu.memory_space<hbm>> -> memref<128xi32, #tpu.memory_space<hbm>>
      %dma_wait3A_110 = tpu.memref_slice %arg4[%select_n3A] : memref<323584xi32, #tpu.memory_space<hbm>> -> memref<128xi32, #tpu.memory_space<hbm>>
      tpu.wait_dma2 semaphore(%arg17 : memref<!tpu.dma_semaphore, #tpu.memory_space<semaphore_mem>>) src(%dma_wait3A_110 : memref<128xi32, #tpu.memory_space<hbm>>) dst(%arg10 : memref<128xi32, #tpu.memory_space<vmem>>)
      %dma_start3A_111 = arith.constant 0 : i32
      %dma_start3A_112 = arith.constant 0 : i32
      %dma_start3A_113 = tpu.memref_slice %arg13[%dma_start3A_111, %dma_start3A_112] : memref<10112x128xf32, #tpu.memory_space<vmem_shared>> -> memref<10112x128xf32, #tpu.memory_space<vmem_shared>>
      tpu.enqueue_indirect_dma source(%arg11 : memref<128x128xf32, #tpu.memory_space<vmem>>) target(%dma_start3A_113 : memref<10112x128xf32, #tpu.memory_space<vmem_shared>>) offsets(%arg9 : memref<128xi32, #tpu.memory_space<vmem>>) semaphore(%arg20 : memref<!tpu.dma_semaphore, #tpu.memory_space<semaphore_mem>>) {add = true}
      %dma_start3A_114 = arith.constant 0 : i32
      %dma_start3A_115 = arith.constant 0 : i32
      %dma_start3A_116 = tpu.memref_slice %arg13[%dma_start3A_114, %dma_start3A_115] : memref<10112x128xf32, #tpu.memory_space<vmem_shared>> -> memref<10112x128xf32, #tpu.memory_space<vmem_shared>>
      tpu.enqueue_indirect_dma source(%arg12 : memref<128x128xf32, #tpu.memory_space<vmem>>) target(%dma_start3A_116 : memref<10112x128xf32, #tpu.memory_space<vmem_shared>>) offsets(%arg10 : memref<128xi32, #tpu.memory_space<vmem>>) semaphore(%arg21 : memref<!tpu.dma_semaphore, #tpu.memory_space<semaphore_mem>>) {add = true}
      %dma_wait3A_117 = arith.constant 0 : i32
      %dma_wait3A_118 = arith.constant 0 : i32
      %dma_wait3A_119 = tpu.memref_slice %arg13[%dma_wait3A_117, %dma_wait3A_118] : memref<10112x128xf32, #tpu.memory_space<vmem_shared>> -> memref<10112x128xf32, #tpu.memory_space<vmem_shared>>
      tpu.wait_indirect_dma semaphore(%arg20 : memref<!tpu.dma_semaphore, #tpu.memory_space<semaphore_mem>>) src(%arg11 : memref<128x128xf32, #tpu.memory_space<vmem>>) dst(%dma_wait3A_119 : memref<10112x128xf32, #tpu.memory_space<vmem_shared>>)
      %dma_wait3A_120 = arith.constant 0 : i32
      %dma_wait3A_121 = arith.constant 0 : i32
      %dma_wait3A_122 = tpu.memref_slice %arg13[%dma_wait3A_120, %dma_wait3A_121] : memref<10112x128xf32, #tpu.memory_space<vmem_shared>> -> memref<10112x128xf32, #tpu.memory_space<vmem_shared>>
      tpu.wait_indirect_dma semaphore(%arg21 : memref<!tpu.dma_semaphore, #tpu.memory_space<semaphore_mem>>) src(%arg12 : memref<128x128xf32, #tpu.memory_space<vmem>>) dst(%dma_wait3A_122 : memref<10112x128xf32, #tpu.memory_space<vmem_shared>>)
      %add3A_123 = arith.constant 2 : i32
      %add3A_124 = arith.addi %mul3A_88, %add3A_123 : i32
      %lt3A_125 = arith.cmpi slt, %add3A_124, %select_n3A_28 : i32
      %convert_element_type3A_126 = arith.extui %lt3A_125 : i1 to i32
      %cond3A_127 = arith.constant 0 : i32
      %cond3A_128 = arith.cmpi ne, %convert_element_type3A_126, %cond3A_127 : i32
      scf.if %cond3A_128 {
        %add3A_129 = arith.constant 2 : i32
        %add3A_130 = arith.addi %mul3A_88, %add3A_129 : i32
        %mul3A_131 = arith.constant 128 : i32
        %mul3A_132 = arith.muli %add3A_130, %mul3A_131 : i32
        %add3A_133 = arith.addi %select_n3A, %mul3A_132 : i32
        %dma_start3A_134 = tpu.memref_slice %arg4[%add3A_133] : memref<323584xi32, #tpu.memory_space<hbm>> -> memref<128xi32, #tpu.memory_space<hbm>>
        %dma_start3A_135 = tpu.memref_slice %arg4[%add3A_133] : memref<323584xi32, #tpu.memory_space<hbm>> -> memref<128xi32, #tpu.memory_space<hbm>>
        tpu.enqueue_dma source(%dma_start3A_135 : memref<128xi32, #tpu.memory_space<hbm>>) target(%arg9 : memref<128xi32, #tpu.memory_space<vmem>>) target_semaphore(%arg16 : memref<!tpu.dma_semaphore, #tpu.memory_space<semaphore_mem>>)
        %add3A_136 = arith.constant 3 : i32
        %add3A_137 = arith.addi %mul3A_88, %add3A_136 : i32
        %mul3A_138 = arith.constant 128 : i32
        %mul3A_139 = arith.muli %add3A_137, %mul3A_138 : i32
        %add3A_140 = arith.addi %select_n3A, %mul3A_139 : i32
        %dma_start3A_141 = tpu.memref_slice %arg4[%add3A_140] : memref<323584xi32, #tpu.memory_space<hbm>> -> memref<128xi32, #tpu.memory_space<hbm>>
        %dma_start3A_142 = tpu.memref_slice %arg4[%add3A_140] : memref<323584xi32, #tpu.memory_space<hbm>> -> memref<128xi32, #tpu.memory_space<hbm>>
        tpu.enqueue_dma source(%dma_start3A_142 : memref<128xi32, #tpu.memory_space<hbm>>) target(%arg10 : memref<128xi32, #tpu.memory_space<vmem>>) target_semaphore(%arg17 : memref<!tpu.dma_semaphore, #tpu.memory_space<semaphore_mem>>)
      } else {
      }
    }
    %barrier3A_76 = arith.constant 0 : index
    tpu.barrier barrier_id(%barrier3A_76)
    %mul3A_77 = arith.constant 632 : i32
    %mul3A_78 = arith.muli %arg1, %mul3A_77 : i32
    %mul3A_79 = arith.constant 10112 : i32
    %mul3A_80 = arith.muli %arg0, %mul3A_79 : i32
    %mul3A_81 = arith.constant 632 : i32
    %mul3A_82 = arith.muli %arg1, %mul3A_81 : i32
    %add3A_83 = arith.addi %mul3A_80, %mul3A_82 : i32
    "tpu.region"() ({
      %run_scoped3A = tpu.sem_alloc : memref<!tpu.dma_semaphore, #tpu.memory_space<semaphore_mem>>
      %dma_start3A_84 = arith.constant 0 : i32
      %dma_start3A_85 = tpu.memref_slice %arg6[%add3A_83, %dma_start3A_84] : memref<20224x128xf32, #tpu.memory_space<hbm>> -> memref<632x128xf32, #tpu.memory_space<hbm>>
      %dma_start3A_86 = arith.constant 0 : i32
      %dma_start3A_87 = tpu.memref_slice %arg13[%mul3A_78, %dma_start3A_86] : memref<10112x128xf32, #tpu.memory_space<vmem_shared>> -> memref<632x128xf32, #tpu.memory_space<vmem_shared>>
      tpu.enqueue_dma source(%dma_start3A_87 : memref<632x128xf32, #tpu.memory_space<vmem_shared>>) target(%dma_start3A_85 : memref<632x128xf32, #tpu.memory_space<hbm>>) target_semaphore(%run_scoped3A : memref<!tpu.dma_semaphore, #tpu.memory_space<semaphore_mem>>)
      %dma_wait3A = arith.constant 0 : i32
      %dma_wait3A_88 = tpu.memref_slice %arg6[%add3A_83, %dma_wait3A] : memref<20224x128xf32, #tpu.memory_space<hbm>> -> memref<632x128xf32, #tpu.memory_space<hbm>>
      %dma_wait3A_89 = arith.constant 0 : i32
      %dma_wait3A_90 = tpu.memref_slice %arg13[%mul3A_78, %dma_wait3A_89] : memref<10112x128xf32, #tpu.memory_space<vmem_shared>> -> memref<632x128xf32, #tpu.memory_space<vmem_shared>>
      tpu.wait_dma2 semaphore(%run_scoped3A : memref<!tpu.dma_semaphore, #tpu.memory_space<semaphore_mem>>) src(%dma_wait3A_90 : memref<632x128xf32, #tpu.memory_space<vmem_shared>>) dst(%dma_wait3A_88 : memref<632x128xf32, #tpu.memory_space<hbm>>)
      tpu.yield
    }) : () -> ()
    return
  }
}

#map = affine_map<(d0, d1) -> (0, 0)>
#map1 = affine_map<(d0, d1) -> (0)>
module attributes {stable_mosaic.version = 14 : i64} {
  func.func @agg(%arg0: i32, %arg1: i32, %arg2: memref<10112x128xf32, #tpu.memory_space<hbm>>, %arg3: memref<323584xi32, #tpu.memory_space<hbm>>, %arg4: memref<323584xi32, #tpu.memory_space<hbm>>, %arg5: memref<128x128xf32, #tpu.memory_space<hbm>>, %arg6: memref<20224x128xf32, #tpu.memory_space<hbm>>, %arg7: memref<128xi32, #tpu.memory_space<vmem>>, %arg8: memref<128xi32, #tpu.memory_space<vmem>>, %arg9: memref<128xi32, #tpu.memory_space<vmem>>, %arg10: memref<128xi32, #tpu.memory_space<vmem>>, %arg11: memref<128x128xf32, #tpu.memory_space<vmem>>, %arg12: memref<128x128xf32, #tpu.memory_space<vmem>>, %arg13: memref<10112x128xf32, #tpu.memory_space<vmem_shared>>, %arg14: memref<!tpu.dma_semaphore, #tpu.memory_space<semaphore_mem>>, %arg15: memref<!tpu.dma_semaphore, #tpu.memory_space<semaphore_mem>>, %arg16: memref<!tpu.dma_semaphore, #tpu.memory_space<semaphore_mem>>, %arg17: memref<!tpu.dma_semaphore, #tpu.memory_space<semaphore_mem>>, %arg18: memref<!tpu.dma_semaphore, #tpu.memory_space<semaphore_mem>>, %arg19: memref<!tpu.dma_semaphore, #tpu.memory_space<semaphore_mem>>, %arg20: memref<!tpu.dma_semaphore, #tpu.memory_space<semaphore_mem>>, %arg21: memref<!tpu.dma_semaphore, #tpu.memory_space<semaphore_mem>>) attributes {dimension_semantics = [#tpu.dimension_semantics<core_parallel>, #tpu.dimension_semantics<subcore_parallel>], iteration_bounds = array<i64: 2, 16>, scalar_prefetch = 0 : i64, scratch_operands = 15 : i64, tpu.core_type = #tpu.core_type<sc_vector_subcore>, window_params = [{transform_indices = #map}, {transform_indices = #map1}, {transform_indices = #map1}, {transform_indices = #map}, {transform_indices = #map}]} {
    "tpu.region"() ({
      %run_scoped3A = tpu.sem_alloc : memref<!tpu.dma_semaphore, #tpu.memory_space<semaphore_mem>>
      tpu.enqueue_dma source(%arg5 : memref<128x128xf32, #tpu.memory_space<hbm>>) target(%arg11 : memref<128x128xf32, #tpu.memory_space<vmem>>) target_semaphore(%run_scoped3A : memref<!tpu.dma_semaphore, #tpu.memory_space<semaphore_mem>>)
      tpu.wait_dma2 semaphore(%run_scoped3A : memref<!tpu.dma_semaphore, #tpu.memory_space<semaphore_mem>>) src(%arg5 : memref<128x128xf32, #tpu.memory_space<hbm>>) dst(%arg11 : memref<128x128xf32, #tpu.memory_space<vmem>>)
      tpu.yield
    }) : () -> ()
    %mul3A = arith.constant 632 : i32
    %mul3A_0 = arith.muli %arg1, %mul3A : i32
    %add3A = arith.constant 0 : i32
    %add3A_1 = arith.addi %mul3A_0, %add3A : i32
    "tpu.region"() ({
      %run_scoped3A = tpu.sem_alloc : memref<!tpu.dma_semaphore, #tpu.memory_space<semaphore_mem>>
      %dma_start3A_84 = arith.constant 0 : i32
      %dma_start3A_85 = tpu.memref_slice %arg13[%add3A_1, %dma_start3A_84] : memref<10112x128xf32, #tpu.memory_space<vmem_shared>> -> memref<128x128xf32, #tpu.memory_space<vmem_shared>>
      %dma_start3A_86 = arith.constant 0 : i32
      %dma_start3A_87 = tpu.memref_slice %arg13[%add3A_1, %dma_start3A_86] : memref<10112x128xf32, #tpu.memory_space<vmem_shared>> -> memref<128x128xf32, #tpu.memory_space<vmem_shared>>
      tpu.enqueue_dma source(%arg11 : memref<128x128xf32, #tpu.memory_space<vmem>>) target(%dma_start3A_87 : memref<128x128xf32, #tpu.memory_space<vmem_shared>>) target_semaphore(%run_scoped3A : memref<!tpu.dma_semaphore, #tpu.memory_space<semaphore_mem>>)
      %dma_wait3A = arith.constant 0 : i32
      %dma_wait3A_88 = tpu.memref_slice %arg13[%add3A_1, %dma_wait3A] : memref<10112x128xf32, #tpu.memory_space<vmem_shared>> -> memref<128x128xf32, #tpu.memory_space<vmem_shared>>
      %dma_wait3A_89 = arith.constant 0 : i32
      %dma_wait3A_90 = tpu.memref_slice %arg13[%add3A_1, %dma_wait3A_89] : memref<10112x128xf32, #tpu.memory_space<vmem_shared>> -> memref<128x128xf32, #tpu.memory_space<vmem_shared>>
      tpu.wait_dma2 semaphore(%run_scoped3A : memref<!tpu.dma_semaphore, #tpu.memory_space<semaphore_mem>>) src(%arg11 : memref<128x128xf32, #tpu.memory_space<vmem>>) dst(%dma_wait3A_90 : memref<128x128xf32, #tpu.memory_space<vmem_shared>>)
      tpu.yield
    }) : () -> ()
    %mul3A_2 = arith.constant 632 : i32
    %mul3A_3 = arith.muli %arg1, %mul3A_2 : i32
    %add3A_4 = arith.constant 128 : i32
    %add3A_5 = arith.addi %mul3A_3, %add3A_4 : i32
    "tpu.region"() ({
      %run_scoped3A = tpu.sem_alloc : memref<!tpu.dma_semaphore, #tpu.memory_space<semaphore_mem>>
      %dma_start3A_84 = arith.constant 0 : i32
      %dma_start3A_85 = tpu.memref_slice %arg13[%add3A_5, %dma_start3A_84] : memref<10112x128xf32, #tpu.memory_space<vmem_shared>> -> memref<128x128xf32, #tpu.memory_space<vmem_shared>>
      %dma_start3A_86 = arith.constant 0 : i32
      %dma_start3A_87 = tpu.memref_slice %arg13[%add3A_5, %dma_start3A_86] : memref<10112x128xf32, #tpu.memory_space<vmem_shared>> -> memref<128x128xf32, #tpu.memory_space<vmem_shared>>
      tpu.enqueue_dma source(%arg11 : memref<128x128xf32, #tpu.memory_space<vmem>>) target(%dma_start3A_87 : memref<128x128xf32, #tpu.memory_space<vmem_shared>>) target_semaphore(%run_scoped3A : memref<!tpu.dma_semaphore, #tpu.memory_space<semaphore_mem>>)
      %dma_wait3A = arith.constant 0 : i32
      %dma_wait3A_88 = tpu.memref_slice %arg13[%add3A_5, %dma_wait3A] : memref<10112x128xf32, #tpu.memory_space<vmem_shared>> -> memref<128x128xf32, #tpu.memory_space<vmem_shared>>
      %dma_wait3A_89 = arith.constant 0 : i32
      %dma_wait3A_90 = tpu.memref_slice %arg13[%add3A_5, %dma_wait3A_89] : memref<10112x128xf32, #tpu.memory_space<vmem_shared>> -> memref<128x128xf32, #tpu.memory_space<vmem_shared>>
      tpu.wait_dma2 semaphore(%run_scoped3A : memref<!tpu.dma_semaphore, #tpu.memory_space<semaphore_mem>>) src(%arg11 : memref<128x128xf32, #tpu.memory_space<vmem>>) dst(%dma_wait3A_90 : memref<128x128xf32, #tpu.memory_space<vmem_shared>>)
      tpu.yield
    }) : () -> ()
    %mul3A_6 = arith.constant 632 : i32
    %mul3A_7 = arith.muli %arg1, %mul3A_6 : i32
    %add3A_8 = arith.constant 256 : i32
    %add3A_9 = arith.addi %mul3A_7, %add3A_8 : i32
    "tpu.region"() ({
      %run_scoped3A = tpu.sem_alloc : memref<!tpu.dma_semaphore, #tpu.memory_space<semaphore_mem>>
      %dma_start3A_84 = arith.constant 0 : i32
      %dma_start3A_85 = tpu.memref_slice %arg13[%add3A_9, %dma_start3A_84] : memref<10112x128xf32, #tpu.memory_space<vmem_shared>> -> memref<128x128xf32, #tpu.memory_space<vmem_shared>>
      %dma_start3A_86 = arith.constant 0 : i32
      %dma_start3A_87 = tpu.memref_slice %arg13[%add3A_9, %dma_start3A_86] : memref<10112x128xf32, #tpu.memory_space<vmem_shared>> -> memref<128x128xf32, #tpu.memory_space<vmem_shared>>
      tpu.enqueue_dma source(%arg11 : memref<128x128xf32, #tpu.memory_space<vmem>>) target(%dma_start3A_87 : memref<128x128xf32, #tpu.memory_space<vmem_shared>>) target_semaphore(%run_scoped3A : memref<!tpu.dma_semaphore, #tpu.memory_space<semaphore_mem>>)
      %dma_wait3A = arith.constant 0 : i32
      %dma_wait3A_88 = tpu.memref_slice %arg13[%add3A_9, %dma_wait3A] : memref<10112x128xf32, #tpu.memory_space<vmem_shared>> -> memref<128x128xf32, #tpu.memory_space<vmem_shared>>
      %dma_wait3A_89 = arith.constant 0 : i32
      %dma_wait3A_90 = tpu.memref_slice %arg13[%add3A_9, %dma_wait3A_89] : memref<10112x128xf32, #tpu.memory_space<vmem_shared>> -> memref<128x128xf32, #tpu.memory_space<vmem_shared>>
      tpu.wait_dma2 semaphore(%run_scoped3A : memref<!tpu.dma_semaphore, #tpu.memory_space<semaphore_mem>>) src(%arg11 : memref<128x128xf32, #tpu.memory_space<vmem>>) dst(%dma_wait3A_90 : memref<128x128xf32, #tpu.memory_space<vmem_shared>>)
      tpu.yield
    }) : () -> ()
    %mul3A_10 = arith.constant 632 : i32
    %mul3A_11 = arith.muli %arg1, %mul3A_10 : i32
    %add3A_12 = arith.constant 384 : i32
    %add3A_13 = arith.addi %mul3A_11, %add3A_12 : i32
    "tpu.region"() ({
      %run_scoped3A = tpu.sem_alloc : memref<!tpu.dma_semaphore, #tpu.memory_space<semaphore_mem>>
      %dma_start3A_84 = arith.constant 0 : i32
      %dma_start3A_85 = tpu.memref_slice %arg13[%add3A_13, %dma_start3A_84] : memref<10112x128xf32, #tpu.memory_space<vmem_shared>> -> memref<128x128xf32, #tpu.memory_space<vmem_shared>>
      %dma_start3A_86 = arith.constant 0 : i32
      %dma_start3A_87 = tpu.memref_slice %arg13[%add3A_13, %dma_start3A_86] : memref<10112x128xf32, #tpu.memory_space<vmem_shared>> -> memref<128x128xf32, #tpu.memory_space<vmem_shared>>
      tpu.enqueue_dma source(%arg11 : memref<128x128xf32, #tpu.memory_space<vmem>>) target(%dma_start3A_87 : memref<128x128xf32, #tpu.memory_space<vmem_shared>>) target_semaphore(%run_scoped3A : memref<!tpu.dma_semaphore, #tpu.memory_space<semaphore_mem>>)
      %dma_wait3A = arith.constant 0 : i32
      %dma_wait3A_88 = tpu.memref_slice %arg13[%add3A_13, %dma_wait3A] : memref<10112x128xf32, #tpu.memory_space<vmem_shared>> -> memref<128x128xf32, #tpu.memory_space<vmem_shared>>
      %dma_wait3A_89 = arith.constant 0 : i32
      %dma_wait3A_90 = tpu.memref_slice %arg13[%add3A_13, %dma_wait3A_89] : memref<10112x128xf32, #tpu.memory_space<vmem_shared>> -> memref<128x128xf32, #tpu.memory_space<vmem_shared>>
      tpu.wait_dma2 semaphore(%run_scoped3A : memref<!tpu.dma_semaphore, #tpu.memory_space<semaphore_mem>>) src(%arg11 : memref<128x128xf32, #tpu.memory_space<vmem>>) dst(%dma_wait3A_90 : memref<128x128xf32, #tpu.memory_space<vmem_shared>>)
      tpu.yield
    }) : () -> ()
    %mul3A_14 = arith.constant 632 : i32
    %mul3A_15 = arith.muli %arg1, %mul3A_14 : i32
    %add3A_16 = arith.constant 512 : i32
    %add3A_17 = arith.addi %mul3A_15, %add3A_16 : i32
    "tpu.region"() ({
      %run_scoped3A = tpu.sem_alloc : memref<!tpu.dma_semaphore, #tpu.memory_space<semaphore_mem>>
      %dma_start3A_84 = arith.constant 0 : i32
      %dma_start3A_85 = arith.constant 0 : i32
      %dma_start3A_86 = tpu.memref_slice %arg11[%dma_start3A_84, %dma_start3A_85] : memref<128x128xf32, #tpu.memory_space<vmem>> -> memref<120x128xf32, #tpu.memory_space<vmem>>
      %dma_start3A_87 = arith.constant 0 : i32
      %dma_start3A_88 = tpu.memref_slice %arg13[%add3A_17, %dma_start3A_87] : memref<10112x128xf32, #tpu.memory_space<vmem_shared>> -> memref<120x128xf32, #tpu.memory_space<vmem_shared>>
      %dma_start3A_89 = arith.constant 0 : i32
      %dma_start3A_90 = tpu.memref_slice %arg13[%add3A_17, %dma_start3A_89] : memref<10112x128xf32, #tpu.memory_space<vmem_shared>> -> memref<120x128xf32, #tpu.memory_space<vmem_shared>>
      %dma_start3A_91 = arith.constant 0 : i32
      %dma_start3A_92 = arith.constant 0 : i32
      %dma_start3A_93 = tpu.memref_slice %arg11[%dma_start3A_91, %dma_start3A_92] : memref<128x128xf32, #tpu.memory_space<vmem>> -> memref<120x128xf32, #tpu.memory_space<vmem>>
      tpu.enqueue_dma source(%dma_start3A_93 : memref<120x128xf32, #tpu.memory_space<vmem>>) target(%dma_start3A_90 : memref<120x128xf32, #tpu.memory_space<vmem_shared>>) target_semaphore(%run_scoped3A : memref<!tpu.dma_semaphore, #tpu.memory_space<semaphore_mem>>)
      %dma_wait3A = arith.constant 0 : i32
      %dma_wait3A_94 = arith.constant 0 : i32
      %dma_wait3A_95 = tpu.memref_slice %arg11[%dma_wait3A, %dma_wait3A_94] : memref<128x128xf32, #tpu.memory_space<vmem>> -> memref<120x128xf32, #tpu.memory_space<vmem>>
      %dma_wait3A_96 = arith.constant 0 : i32
      %dma_wait3A_97 = tpu.memref_slice %arg13[%add3A_17, %dma_wait3A_96] : memref<10112x128xf32, #tpu.memory_space<vmem_shared>> -> memref<120x128xf32, #tpu.memory_space<vmem_shared>>
      %dma_wait3A_98 = arith.constant 0 : i32
      %dma_wait3A_99 = tpu.memref_slice %arg13[%add3A_17, %dma_wait3A_98] : memref<10112x128xf32, #tpu.memory_space<vmem_shared>> -> memref<120x128xf32, #tpu.memory_space<vmem_shared>>
      %dma_wait3A_100 = arith.constant 0 : i32
      %dma_wait3A_101 = arith.constant 0 : i32
      %dma_wait3A_102 = tpu.memref_slice %arg11[%dma_wait3A_100, %dma_wait3A_101] : memref<128x128xf32, #tpu.memory_space<vmem>> -> memref<120x128xf32, #tpu.memory_space<vmem>>
      tpu.wait_dma2 semaphore(%run_scoped3A : memref<!tpu.dma_semaphore, #tpu.memory_space<semaphore_mem>>) src(%dma_wait3A_102 : memref<120x128xf32, #tpu.memory_space<vmem>>) dst(%dma_wait3A_99 : memref<120x128xf32, #tpu.memory_space<vmem_shared>>)
      tpu.yield
    }) : () -> ()
    %barrier3A = arith.constant 0 : index
    tpu.barrier barrier_id(%barrier3A)
    %eq3A = arith.constant 0 : i32
    %eq3A_18 = arith.cmpi eq, %arg0, %eq3A : i32
    %mul3A_19 = arith.constant 13568 : i32
    %mul3A_20 = arith.muli %arg1, %mul3A_19 : i32
    %mul3A_21 = arith.constant 6656 : i32
    %mul3A_22 = arith.muli %arg1, %mul3A_21 : i32
    %add3A_23 = arith.constant 217088 : i32
    %add3A_24 = arith.addi %add3A_23, %mul3A_22 : i32
    %select_n3A = arith.select %eq3A_18, %mul3A_20, %add3A_24 : i32
    %eq3A_25 = arith.constant 0 : i32
    %eq3A_26 = arith.cmpi eq, %arg0, %eq3A_25 : i32
    %jit3A = arith.constant 106 : i32
    %jit3A_27 = arith.constant 52 : i32
    %select_n3A_28 = arith.select %eq3A_26, %jit3A, %jit3A_27 : i32
    %add3A_29 = arith.constant 0 : i32
    %add3A_30 = arith.addi %select_n3A, %add3A_29 : i32
    %dma_start3A = tpu.memref_slice %arg3[%add3A_30] : memref<323584xi32, #tpu.memory_space<hbm>> -> memref<128xi32, #tpu.memory_space<hbm>>
    %dma_start3A_31 = tpu.memref_slice %arg3[%add3A_30] : memref<323584xi32, #tpu.memory_space<hbm>> -> memref<128xi32, #tpu.memory_space<hbm>>
    tpu.enqueue_dma source(%dma_start3A_31 : memref<128xi32, #tpu.memory_space<hbm>>) target(%arg7 : memref<128xi32, #tpu.memory_space<vmem>>) target_semaphore(%arg14 : memref<!tpu.dma_semaphore, #tpu.memory_space<semaphore_mem>>)
    %dma_start3A_32 = tpu.memref_slice %arg4[%add3A_30] : memref<323584xi32, #tpu.memory_space<hbm>> -> memref<128xi32, #tpu.memory_space<hbm>>
    %dma_start3A_33 = tpu.memref_slice %arg4[%add3A_30] : memref<323584xi32, #tpu.memory_space<hbm>> -> memref<128xi32, #tpu.memory_space<hbm>>
    tpu.enqueue_dma source(%dma_start3A_33 : memref<128xi32, #tpu.memory_space<hbm>>) target(%arg9 : memref<128xi32, #tpu.memory_space<vmem>>) target_semaphore(%arg16 : memref<!tpu.dma_semaphore, #tpu.memory_space<semaphore_mem>>)
    %add3A_34 = arith.constant 128 : i32
    %add3A_35 = arith.addi %select_n3A, %add3A_34 : i32
    %dma_start3A_36 = tpu.memref_slice %arg3[%add3A_35] : memref<323584xi32, #tpu.memory_space<hbm>> -> memref<128xi32, #tpu.memory_space<hbm>>
    %dma_start3A_37 = tpu.memref_slice %arg3[%add3A_35] : memref<323584xi32, #tpu.memory_space<hbm>> -> memref<128xi32, #tpu.memory_space<hbm>>
    tpu.enqueue_dma source(%dma_start3A_37 : memref<128xi32, #tpu.memory_space<hbm>>) target(%arg8 : memref<128xi32, #tpu.memory_space<vmem>>) target_semaphore(%arg15 : memref<!tpu.dma_semaphore, #tpu.memory_space<semaphore_mem>>)
    %dma_start3A_38 = tpu.memref_slice %arg4[%add3A_35] : memref<323584xi32, #tpu.memory_space<hbm>> -> memref<128xi32, #tpu.memory_space<hbm>>
    %dma_start3A_39 = tpu.memref_slice %arg4[%add3A_35] : memref<323584xi32, #tpu.memory_space<hbm>> -> memref<128xi32, #tpu.memory_space<hbm>>
    tpu.enqueue_dma source(%dma_start3A_39 : memref<128xi32, #tpu.memory_space<hbm>>) target(%arg10 : memref<128xi32, #tpu.memory_space<vmem>>) target_semaphore(%arg17 : memref<!tpu.dma_semaphore, #tpu.memory_space<semaphore_mem>>)
    %jit3A_40 = arith.constant 2 : i32
    %div3A = arith.divsi %select_n3A_28, %jit3A_40 : i32
    %sign3A = arith.constant 0 : i32
    %sign3A_41 = arith.cmpi sgt, %select_n3A_28, %sign3A : i32
    %sign3A_42 = arith.extui %sign3A_41 : i1 to i32
    %sign3A_43 = arith.constant 0 : i32
    %sign3A_44 = arith.cmpi slt, %select_n3A_28, %sign3A_43 : i32
    %sign3A_45 = arith.extui %sign3A_44 : i1 to i32
    %sign3A_46 = arith.subi %sign3A_42, %sign3A_45 : i32
    %sign3A_47 = arith.constant 0 : i32
    %sign3A_48 = arith.cmpi sgt, %jit3A_40, %sign3A_47 : i32
    %sign3A_49 = arith.extui %sign3A_48 : i1 to i32
    %sign3A_50 = arith.constant 0 : i32
    %sign3A_51 = arith.cmpi slt, %jit3A_40, %sign3A_50 : i32
    %sign3A_52 = arith.extui %sign3A_51 : i1 to i32
    %sign3A_53 = arith.subi %sign3A_49, %sign3A_52 : i32
    %ne3A = arith.cmpi ne, %sign3A_46, %sign3A_53 : i32
    %rem3A = arith.remsi %select_n3A_28, %jit3A_40 : i32
    %ne3A_54 = arith.constant 0 : i32
    %ne3A_55 = arith.cmpi ne, %rem3A, %ne3A_54 : i32
    %and3A = arith.andi %ne3A, %ne3A_55 : i1
    %sub3A = arith.constant 1 : i32
    %sub3A_56 = arith.subi %div3A, %sub3A : i32
    %select_n3A_57 = arith.select %and3A, %sub3A_56, %div3A : i32
    %sub3A_58 = arith.constant 0 : i32
    %sub3A_59 = arith.subi %select_n3A_57, %sub3A_58 : i32
    %sub3A_60 = arith.constant 1 : i32
    %sub3A_61 = arith.constant 1 : i32
    %sub3A_62 = arith.subi %sub3A_60, %sub3A_61 : i32
    %add3A_63 = arith.addi %sub3A_59, %sub3A_62 : i32
    %div3A_64 = arith.constant 1 : i32
    %div3A_65 = arith.divsi %add3A_63, %div3A_64 : i32
    %while3A = arith.constant 1 : i32
    %while3A_66 = arith.constant 0 : i32
    %while3A_67 = arith.constant 0 : i32
    %while3A_68 = arith.subi %div3A_65, %while3A_67 : i32
    %while3A_69 = arith.addi %while3A_67, %while3A_68 : i32
    %while3A_70 = arith.constant 1 : i32
    %while3A_71 = arith.divsi %while3A_68, %while3A_70 : i32
    %while3A_72 = arith.muli %while3A_71, %while3A_70 : i32
    %while3A_73 = arith.addi %while3A_67, %while3A_72 : i32
    %while3A_74 = arith.constant 1 : i32
    scf.for %while3A_84 = %while3A_67 to %while3A_73 step %while3A_74  : i32 {
      %mul3A_85 = arith.muli %while3A_84, %while3A : i32
      %add3A_86 = arith.addi %while3A_66, %mul3A_85 : i32
      %mul3A_87 = arith.constant 2 : i32
      %mul3A_88 = arith.muli %add3A_86, %mul3A_87 : i32
      %dma_wait3A = tpu.memref_slice %arg3[%select_n3A] : memref<323584xi32, #tpu.memory_space<hbm>> -> memref<128xi32, #tpu.memory_space<hbm>>
      %dma_wait3A_89 = tpu.memref_slice %arg3[%select_n3A] : memref<323584xi32, #tpu.memory_space<hbm>> -> memref<128xi32, #tpu.memory_space<hbm>>
      tpu.wait_dma2 semaphore(%arg14 : memref<!tpu.dma_semaphore, #tpu.memory_space<semaphore_mem>>) src(%dma_wait3A_89 : memref<128xi32, #tpu.memory_space<hbm>>) dst(%arg7 : memref<128xi32, #tpu.memory_space<vmem>>)
      %dma_wait3A_90 = tpu.memref_slice %arg3[%select_n3A] : memref<323584xi32, #tpu.memory_space<hbm>> -> memref<128xi32, #tpu.memory_space<hbm>>
      %dma_wait3A_91 = tpu.memref_slice %arg3[%select_n3A] : memref<323584xi32, #tpu.memory_space<hbm>> -> memref<128xi32, #tpu.memory_space<hbm>>
      tpu.wait_dma2 semaphore(%arg15 : memref<!tpu.dma_semaphore, #tpu.memory_space<semaphore_mem>>) src(%dma_wait3A_91 : memref<128xi32, #tpu.memory_space<hbm>>) dst(%arg8 : memref<128xi32, #tpu.memory_space<vmem>>)
      %dma_start3A_92 = arith.constant 0 : i32
      %dma_start3A_93 = arith.constant 0 : i32
      %dma_start3A_94 = tpu.memref_slice %arg2[%dma_start3A_92, %dma_start3A_93] : memref<10112x128xf32, #tpu.memory_space<hbm>> -> memref<10112x128xf32, #tpu.memory_space<hbm>>
      tpu.enqueue_indirect_dma source(%dma_start3A_94 : memref<10112x128xf32, #tpu.memory_space<hbm>>) target(%arg11 : memref<128x128xf32, #tpu.memory_space<vmem>>) offsets(%arg7 : memref<128xi32, #tpu.memory_space<vmem>>) semaphore(%arg18 : memref<!tpu.dma_semaphore, #tpu.memory_space<semaphore_mem>>)
      %dma_start3A_95 = arith.constant 0 : i32
      %dma_start3A_96 = arith.constant 0 : i32
      %dma_start3A_97 = tpu.memref_slice %arg2[%dma_start3A_95, %dma_start3A_96] : memref<10112x128xf32, #tpu.memory_space<hbm>> -> memref<10112x128xf32, #tpu.memory_space<hbm>>
      tpu.enqueue_indirect_dma source(%dma_start3A_97 : memref<10112x128xf32, #tpu.memory_space<hbm>>) target(%arg12 : memref<128x128xf32, #tpu.memory_space<vmem>>) offsets(%arg8 : memref<128xi32, #tpu.memory_space<vmem>>) semaphore(%arg19 : memref<!tpu.dma_semaphore, #tpu.memory_space<semaphore_mem>>)
      %dma_wait3A_98 = arith.constant 0 : i32
      %dma_wait3A_99 = arith.constant 0 : i32
      %dma_wait3A_100 = tpu.memref_slice %arg2[%dma_wait3A_98, %dma_wait3A_99] : memref<10112x128xf32, #tpu.memory_space<hbm>> -> memref<10112x128xf32, #tpu.memory_space<hbm>>
      tpu.wait_indirect_dma semaphore(%arg18 : memref<!tpu.dma_semaphore, #tpu.memory_space<semaphore_mem>>) src(%dma_wait3A_100 : memref<10112x128xf32, #tpu.memory_space<hbm>>) dst(%arg11 : memref<128x128xf32, #tpu.memory_space<vmem>>)
      %dma_wait3A_101 = arith.constant 0 : i32
      %dma_wait3A_102 = arith.constant 0 : i32
      %dma_wait3A_103 = tpu.memref_slice %arg2[%dma_wait3A_101, %dma_wait3A_102] : memref<10112x128xf32, #tpu.memory_space<hbm>> -> memref<10112x128xf32, #tpu.memory_space<hbm>>
      tpu.wait_indirect_dma semaphore(%arg19 : memref<!tpu.dma_semaphore, #tpu.memory_space<semaphore_mem>>) src(%dma_wait3A_103 : memref<10112x128xf32, #tpu.memory_space<hbm>>) dst(%arg12 : memref<128x128xf32, #tpu.memory_space<vmem>>)
      %add3A_104 = arith.constant 2 : i32
      %add3A_105 = arith.addi %mul3A_88, %add3A_104 : i32
      %lt3A = arith.cmpi slt, %add3A_105, %select_n3A_28 : i32
      %convert_element_type3A = arith.extui %lt3A : i1 to i32
      %cond3A = arith.constant 0 : i32
      %cond3A_106 = arith.cmpi ne, %convert_element_type3A, %cond3A : i32
      scf.if %cond3A_106 {
        %add3A_129 = arith.constant 2 : i32
        %add3A_130 = arith.addi %mul3A_88, %add3A_129 : i32
        %mul3A_131 = arith.constant 128 : i32
        %mul3A_132 = arith.muli %add3A_130, %mul3A_131 : i32
        %add3A_133 = arith.addi %select_n3A, %mul3A_132 : i32
        %dma_start3A_134 = tpu.memref_slice %arg3[%add3A_133] : memref<323584xi32, #tpu.memory_space<hbm>> -> memref<128xi32, #tpu.memory_space<hbm>>
        %dma_start3A_135 = tpu.memref_slice %arg3[%add3A_133] : memref<323584xi32, #tpu.memory_space<hbm>> -> memref<128xi32, #tpu.memory_space<hbm>>
        tpu.enqueue_dma source(%dma_start3A_135 : memref<128xi32, #tpu.memory_space<hbm>>) target(%arg7 : memref<128xi32, #tpu.memory_space<vmem>>) target_semaphore(%arg14 : memref<!tpu.dma_semaphore, #tpu.memory_space<semaphore_mem>>)
        %add3A_136 = arith.constant 3 : i32
        %add3A_137 = arith.addi %mul3A_88, %add3A_136 : i32
        %mul3A_138 = arith.constant 128 : i32
        %mul3A_139 = arith.muli %add3A_137, %mul3A_138 : i32
        %add3A_140 = arith.addi %select_n3A, %mul3A_139 : i32
        %dma_start3A_141 = tpu.memref_slice %arg3[%add3A_140] : memref<323584xi32, #tpu.memory_space<hbm>> -> memref<128xi32, #tpu.memory_space<hbm>>
        %dma_start3A_142 = tpu.memref_slice %arg3[%add3A_140] : memref<323584xi32, #tpu.memory_space<hbm>> -> memref<128xi32, #tpu.memory_space<hbm>>
        tpu.enqueue_dma source(%dma_start3A_142 : memref<128xi32, #tpu.memory_space<hbm>>) target(%arg8 : memref<128xi32, #tpu.memory_space<vmem>>) target_semaphore(%arg15 : memref<!tpu.dma_semaphore, #tpu.memory_space<semaphore_mem>>)
      } else {
      }
      %dma_wait3A_107 = tpu.memref_slice %arg4[%select_n3A] : memref<323584xi32, #tpu.memory_space<hbm>> -> memref<128xi32, #tpu.memory_space<hbm>>
      %dma_wait3A_108 = tpu.memref_slice %arg4[%select_n3A] : memref<323584xi32, #tpu.memory_space<hbm>> -> memref<128xi32, #tpu.memory_space<hbm>>
      tpu.wait_dma2 semaphore(%arg16 : memref<!tpu.dma_semaphore, #tpu.memory_space<semaphore_mem>>) src(%dma_wait3A_108 : memref<128xi32, #tpu.memory_space<hbm>>) dst(%arg9 : memref<128xi32, #tpu.memory_space<vmem>>)
      %dma_wait3A_109 = tpu.memref_slice %arg4[%select_n3A] : memref<323584xi32, #tpu.memory_space<hbm>> -> memref<128xi32, #tpu.memory_space<hbm>>
      %dma_wait3A_110 = tpu.memref_slice %arg4[%select_n3A] : memref<323584xi32, #tpu.memory_space<hbm>> -> memref<128xi32, #tpu.memory_space<hbm>>
      tpu.wait_dma2 semaphore(%arg17 : memref<!tpu.dma_semaphore, #tpu.memory_space<semaphore_mem>>) src(%dma_wait3A_110 : memref<128xi32, #tpu.memory_space<hbm>>) dst(%arg10 : memref<128xi32, #tpu.memory_space<vmem>>)
      %dma_start3A_111 = arith.constant 0 : i32
      %dma_start3A_112 = arith.constant 0 : i32
      %dma_start3A_113 = tpu.memref_slice %arg13[%dma_start3A_111, %dma_start3A_112] : memref<10112x128xf32, #tpu.memory_space<vmem_shared>> -> memref<10112x128xf32, #tpu.memory_space<vmem_shared>>
      tpu.enqueue_indirect_dma source(%arg11 : memref<128x128xf32, #tpu.memory_space<vmem>>) target(%dma_start3A_113 : memref<10112x128xf32, #tpu.memory_space<vmem_shared>>) offsets(%arg9 : memref<128xi32, #tpu.memory_space<vmem>>) semaphore(%arg20 : memref<!tpu.dma_semaphore, #tpu.memory_space<semaphore_mem>>) {add = true}
      %dma_start3A_114 = arith.constant 0 : i32
      %dma_start3A_115 = arith.constant 0 : i32
      %dma_start3A_116 = tpu.memref_slice %arg13[%dma_start3A_114, %dma_start3A_115] : memref<10112x128xf32, #tpu.memory_space<vmem_shared>> -> memref<10112x128xf32, #tpu.memory_space<vmem_shared>>
      tpu.enqueue_indirect_dma source(%arg12 : memref<128x128xf32, #tpu.memory_space<vmem>>) target(%dma_start3A_116 : memref<10112x128xf32, #tpu.memory_space<vmem_shared>>) offsets(%arg10 : memref<128xi32, #tpu.memory_space<vmem>>) semaphore(%arg21 : memref<!tpu.dma_semaphore, #tpu.memory_space<semaphore_mem>>) {add = true}
      %dma_wait3A_117 = arith.constant 0 : i32
      %dma_wait3A_118 = arith.constant 0 : i32
      %dma_wait3A_119 = tpu.memref_slice %arg13[%dma_wait3A_117, %dma_wait3A_118] : memref<10112x128xf32, #tpu.memory_space<vmem_shared>> -> memref<10112x128xf32, #tpu.memory_space<vmem_shared>>
      tpu.wait_indirect_dma semaphore(%arg20 : memref<!tpu.dma_semaphore, #tpu.memory_space<semaphore_mem>>) src(%arg11 : memref<128x128xf32, #tpu.memory_space<vmem>>) dst(%dma_wait3A_119 : memref<10112x128xf32, #tpu.memory_space<vmem_shared>>)
      %dma_wait3A_120 = arith.constant 0 : i32
      %dma_wait3A_121 = arith.constant 0 : i32
      %dma_wait3A_122 = tpu.memref_slice %arg13[%dma_wait3A_120, %dma_wait3A_121] : memref<10112x128xf32, #tpu.memory_space<vmem_shared>> -> memref<10112x128xf32, #tpu.memory_space<vmem_shared>>
      tpu.wait_indirect_dma semaphore(%arg21 : memref<!tpu.dma_semaphore, #tpu.memory_space<semaphore_mem>>) src(%arg12 : memref<128x128xf32, #tpu.memory_space<vmem>>) dst(%dma_wait3A_122 : memref<10112x128xf32, #tpu.memory_space<vmem_shared>>)
      %add3A_123 = arith.constant 2 : i32
      %add3A_124 = arith.addi %mul3A_88, %add3A_123 : i32
      %lt3A_125 = arith.cmpi slt, %add3A_124, %select_n3A_28 : i32
      %convert_element_type3A_126 = arith.extui %lt3A_125 : i1 to i32
      %cond3A_127 = arith.constant 0 : i32
      %cond3A_128 = arith.cmpi ne, %convert_element_type3A_126, %cond3A_127 : i32
      scf.if %cond3A_128 {
        %add3A_129 = arith.constant 2 : i32
        %add3A_130 = arith.addi %mul3A_88, %add3A_129 : i32
        %mul3A_131 = arith.constant 128 : i32
        %mul3A_132 = arith.muli %add3A_130, %mul3A_131 : i32
        %add3A_133 = arith.addi %select_n3A, %mul3A_132 : i32
        %dma_start3A_134 = tpu.memref_slice %arg4[%add3A_133] : memref<323584xi32, #tpu.memory_space<hbm>> -> memref<128xi32, #tpu.memory_space<hbm>>
        %dma_start3A_135 = tpu.memref_slice %arg4[%add3A_133] : memref<323584xi32, #tpu.memory_space<hbm>> -> memref<128xi32, #tpu.memory_space<hbm>>
        tpu.enqueue_dma source(%dma_start3A_135 : memref<128xi32, #tpu.memory_space<hbm>>) target(%arg9 : memref<128xi32, #tpu.memory_space<vmem>>) target_semaphore(%arg16 : memref<!tpu.dma_semaphore, #tpu.memory_space<semaphore_mem>>)
        %add3A_136 = arith.constant 3 : i32
        %add3A_137 = arith.addi %mul3A_88, %add3A_136 : i32
        %mul3A_138 = arith.constant 128 : i32
        %mul3A_139 = arith.muli %add3A_137, %mul3A_138 : i32
        %add3A_140 = arith.addi %select_n3A, %mul3A_139 : i32
        %dma_start3A_141 = tpu.memref_slice %arg4[%add3A_140] : memref<323584xi32, #tpu.memory_space<hbm>> -> memref<128xi32, #tpu.memory_space<hbm>>
        %dma_start3A_142 = tpu.memref_slice %arg4[%add3A_140] : memref<323584xi32, #tpu.memory_space<hbm>> -> memref<128xi32, #tpu.memory_space<hbm>>
        tpu.enqueue_dma source(%dma_start3A_142 : memref<128xi32, #tpu.memory_space<hbm>>) target(%arg10 : memref<128xi32, #tpu.memory_space<vmem>>) target_semaphore(%arg17 : memref<!tpu.dma_semaphore, #tpu.memory_space<semaphore_mem>>)
      } else {
      }
    }
    %while3A_75 = arith.constant 1 : i32
    scf.for %while3A_84 = %while3A_73 to %while3A_69 step %while3A_75  : i32 {
      %mul3A_85 = arith.muli %while3A_84, %while3A : i32
      %add3A_86 = arith.addi %while3A_66, %mul3A_85 : i32
      %mul3A_87 = arith.constant 2 : i32
      %mul3A_88 = arith.muli %add3A_86, %mul3A_87 : i32
      %dma_wait3A = tpu.memref_slice %arg3[%select_n3A] : memref<323584xi32, #tpu.memory_space<hbm>> -> memref<128xi32, #tpu.memory_space<hbm>>
      %dma_wait3A_89 = tpu.memref_slice %arg3[%select_n3A] : memref<323584xi32, #tpu.memory_space<hbm>> -> memref<128xi32, #tpu.memory_space<hbm>>
      tpu.wait_dma2 semaphore(%arg14 : memref<!tpu.dma_semaphore, #tpu.memory_space<semaphore_mem>>) src(%dma_wait3A_89 : memref<128xi32, #tpu.memory_space<hbm>>) dst(%arg7 : memref<128xi32, #tpu.memory_space<vmem>>)
      %dma_wait3A_90 = tpu.memref_slice %arg3[%select_n3A] : memref<323584xi32, #tpu.memory_space<hbm>> -> memref<128xi32, #tpu.memory_space<hbm>>
      %dma_wait3A_91 = tpu.memref_slice %arg3[%select_n3A] : memref<323584xi32, #tpu.memory_space<hbm>> -> memref<128xi32, #tpu.memory_space<hbm>>
      tpu.wait_dma2 semaphore(%arg15 : memref<!tpu.dma_semaphore, #tpu.memory_space<semaphore_mem>>) src(%dma_wait3A_91 : memref<128xi32, #tpu.memory_space<hbm>>) dst(%arg8 : memref<128xi32, #tpu.memory_space<vmem>>)
      %dma_start3A_92 = arith.constant 0 : i32
      %dma_start3A_93 = arith.constant 0 : i32
      %dma_start3A_94 = tpu.memref_slice %arg2[%dma_start3A_92, %dma_start3A_93] : memref<10112x128xf32, #tpu.memory_space<hbm>> -> memref<10112x128xf32, #tpu.memory_space<hbm>>
      tpu.enqueue_indirect_dma source(%dma_start3A_94 : memref<10112x128xf32, #tpu.memory_space<hbm>>) target(%arg11 : memref<128x128xf32, #tpu.memory_space<vmem>>) offsets(%arg7 : memref<128xi32, #tpu.memory_space<vmem>>) semaphore(%arg18 : memref<!tpu.dma_semaphore, #tpu.memory_space<semaphore_mem>>)
      %dma_start3A_95 = arith.constant 0 : i32
      %dma_start3A_96 = arith.constant 0 : i32
      %dma_start3A_97 = tpu.memref_slice %arg2[%dma_start3A_95, %dma_start3A_96] : memref<10112x128xf32, #tpu.memory_space<hbm>> -> memref<10112x128xf32, #tpu.memory_space<hbm>>
      tpu.enqueue_indirect_dma source(%dma_start3A_97 : memref<10112x128xf32, #tpu.memory_space<hbm>>) target(%arg12 : memref<128x128xf32, #tpu.memory_space<vmem>>) offsets(%arg8 : memref<128xi32, #tpu.memory_space<vmem>>) semaphore(%arg19 : memref<!tpu.dma_semaphore, #tpu.memory_space<semaphore_mem>>)
      %dma_wait3A_98 = arith.constant 0 : i32
      %dma_wait3A_99 = arith.constant 0 : i32
      %dma_wait3A_100 = tpu.memref_slice %arg2[%dma_wait3A_98, %dma_wait3A_99] : memref<10112x128xf32, #tpu.memory_space<hbm>> -> memref<10112x128xf32, #tpu.memory_space<hbm>>
      tpu.wait_indirect_dma semaphore(%arg18 : memref<!tpu.dma_semaphore, #tpu.memory_space<semaphore_mem>>) src(%dma_wait3A_100 : memref<10112x128xf32, #tpu.memory_space<hbm>>) dst(%arg11 : memref<128x128xf32, #tpu.memory_space<vmem>>)
      %dma_wait3A_101 = arith.constant 0 : i32
      %dma_wait3A_102 = arith.constant 0 : i32
      %dma_wait3A_103 = tpu.memref_slice %arg2[%dma_wait3A_101, %dma_wait3A_102] : memref<10112x128xf32, #tpu.memory_space<hbm>> -> memref<10112x128xf32, #tpu.memory_space<hbm>>
      tpu.wait_indirect_dma semaphore(%arg19 : memref<!tpu.dma_semaphore, #tpu.memory_space<semaphore_mem>>) src(%dma_wait3A_103 : memref<10112x128xf32, #tpu.memory_space<hbm>>) dst(%arg12 : memref<128x128xf32, #tpu.memory_space<vmem>>)
      %add3A_104 = arith.constant 2 : i32
      %add3A_105 = arith.addi %mul3A_88, %add3A_104 : i32
      %lt3A = arith.cmpi slt, %add3A_105, %select_n3A_28 : i32
      %convert_element_type3A = arith.extui %lt3A : i1 to i32
      %cond3A = arith.constant 0 : i32
      %cond3A_106 = arith.cmpi ne, %convert_element_type3A, %cond3A : i32
      scf.if %cond3A_106 {
        %add3A_129 = arith.constant 2 : i32
        %add3A_130 = arith.addi %mul3A_88, %add3A_129 : i32
        %mul3A_131 = arith.constant 128 : i32
        %mul3A_132 = arith.muli %add3A_130, %mul3A_131 : i32
        %add3A_133 = arith.addi %select_n3A, %mul3A_132 : i32
        %dma_start3A_134 = tpu.memref_slice %arg3[%add3A_133] : memref<323584xi32, #tpu.memory_space<hbm>> -> memref<128xi32, #tpu.memory_space<hbm>>
        %dma_start3A_135 = tpu.memref_slice %arg3[%add3A_133] : memref<323584xi32, #tpu.memory_space<hbm>> -> memref<128xi32, #tpu.memory_space<hbm>>
        tpu.enqueue_dma source(%dma_start3A_135 : memref<128xi32, #tpu.memory_space<hbm>>) target(%arg7 : memref<128xi32, #tpu.memory_space<vmem>>) target_semaphore(%arg14 : memref<!tpu.dma_semaphore, #tpu.memory_space<semaphore_mem>>)
        %add3A_136 = arith.constant 3 : i32
        %add3A_137 = arith.addi %mul3A_88, %add3A_136 : i32
        %mul3A_138 = arith.constant 128 : i32
        %mul3A_139 = arith.muli %add3A_137, %mul3A_138 : i32
        %add3A_140 = arith.addi %select_n3A, %mul3A_139 : i32
        %dma_start3A_141 = tpu.memref_slice %arg3[%add3A_140] : memref<323584xi32, #tpu.memory_space<hbm>> -> memref<128xi32, #tpu.memory_space<hbm>>
        %dma_start3A_142 = tpu.memref_slice %arg3[%add3A_140] : memref<323584xi32, #tpu.memory_space<hbm>> -> memref<128xi32, #tpu.memory_space<hbm>>
        tpu.enqueue_dma source(%dma_start3A_142 : memref<128xi32, #tpu.memory_space<hbm>>) target(%arg8 : memref<128xi32, #tpu.memory_space<vmem>>) target_semaphore(%arg15 : memref<!tpu.dma_semaphore, #tpu.memory_space<semaphore_mem>>)
      } else {
      }
      %dma_wait3A_107 = tpu.memref_slice %arg4[%select_n3A] : memref<323584xi32, #tpu.memory_space<hbm>> -> memref<128xi32, #tpu.memory_space<hbm>>
      %dma_wait3A_108 = tpu.memref_slice %arg4[%select_n3A] : memref<323584xi32, #tpu.memory_space<hbm>> -> memref<128xi32, #tpu.memory_space<hbm>>
      tpu.wait_dma2 semaphore(%arg16 : memref<!tpu.dma_semaphore, #tpu.memory_space<semaphore_mem>>) src(%dma_wait3A_108 : memref<128xi32, #tpu.memory_space<hbm>>) dst(%arg9 : memref<128xi32, #tpu.memory_space<vmem>>)
      %dma_wait3A_109 = tpu.memref_slice %arg4[%select_n3A] : memref<323584xi32, #tpu.memory_space<hbm>> -> memref<128xi32, #tpu.memory_space<hbm>>
      %dma_wait3A_110 = tpu.memref_slice %arg4[%select_n3A] : memref<323584xi32, #tpu.memory_space<hbm>> -> memref<128xi32, #tpu.memory_space<hbm>>
      tpu.wait_dma2 semaphore(%arg17 : memref<!tpu.dma_semaphore, #tpu.memory_space<semaphore_mem>>) src(%dma_wait3A_110 : memref<128xi32, #tpu.memory_space<hbm>>) dst(%arg10 : memref<128xi32, #tpu.memory_space<vmem>>)
      %dma_start3A_111 = arith.constant 0 : i32
      %dma_start3A_112 = arith.constant 0 : i32
      %dma_start3A_113 = tpu.memref_slice %arg13[%dma_start3A_111, %dma_start3A_112] : memref<10112x128xf32, #tpu.memory_space<vmem_shared>> -> memref<10112x128xf32, #tpu.memory_space<vmem_shared>>
      tpu.enqueue_indirect_dma source(%arg11 : memref<128x128xf32, #tpu.memory_space<vmem>>) target(%dma_start3A_113 : memref<10112x128xf32, #tpu.memory_space<vmem_shared>>) offsets(%arg9 : memref<128xi32, #tpu.memory_space<vmem>>) semaphore(%arg20 : memref<!tpu.dma_semaphore, #tpu.memory_space<semaphore_mem>>) {add = true}
      %dma_start3A_114 = arith.constant 0 : i32
      %dma_start3A_115 = arith.constant 0 : i32
      %dma_start3A_116 = tpu.memref_slice %arg13[%dma_start3A_114, %dma_start3A_115] : memref<10112x128xf32, #tpu.memory_space<vmem_shared>> -> memref<10112x128xf32, #tpu.memory_space<vmem_shared>>
      tpu.enqueue_indirect_dma source(%arg12 : memref<128x128xf32, #tpu.memory_space<vmem>>) target(%dma_start3A_116 : memref<10112x128xf32, #tpu.memory_space<vmem_shared>>) offsets(%arg10 : memref<128xi32, #tpu.memory_space<vmem>>) semaphore(%arg21 : memref<!tpu.dma_semaphore, #tpu.memory_space<semaphore_mem>>) {add = true}
      %dma_wait3A_117 = arith.constant 0 : i32
      %dma_wait3A_118 = arith.constant 0 : i32
      %dma_wait3A_119 = tpu.memref_slice %arg13[%dma_wait3A_117, %dma_wait3A_118] : memref<10112x128xf32, #tpu.memory_space<vmem_shared>> -> memref<10112x128xf32, #tpu.memory_space<vmem_shared>>
      tpu.wait_indirect_dma semaphore(%arg20 : memref<!tpu.dma_semaphore, #tpu.memory_space<semaphore_mem>>) src(%arg11 : memref<128x128xf32, #tpu.memory_space<vmem>>) dst(%dma_wait3A_119 : memref<10112x128xf32, #tpu.memory_space<vmem_shared>>)
      %dma_wait3A_120 = arith.constant 0 : i32
      %dma_wait3A_121 = arith.constant 0 : i32
      %dma_wait3A_122 = tpu.memref_slice %arg13[%dma_wait3A_120, %dma_wait3A_121] : memref<10112x128xf32, #tpu.memory_space<vmem_shared>> -> memref<10112x128xf32, #tpu.memory_space<vmem_shared>>
      tpu.wait_indirect_dma semaphore(%arg21 : memref<!tpu.dma_semaphore, #tpu.memory_space<semaphore_mem>>) src(%arg12 : memref<128x128xf32, #tpu.memory_space<vmem>>) dst(%dma_wait3A_122 : memref<10112x128xf32, #tpu.memory_space<vmem_shared>>)
      %add3A_123 = arith.constant 2 : i32
      %add3A_124 = arith.addi %mul3A_88, %add3A_123 : i32
      %lt3A_125 = arith.cmpi slt, %add3A_124, %select_n3A_28 : i32
      %convert_element_type3A_126 = arith.extui %lt3A_125 : i1 to i32
      %cond3A_127 = arith.constant 0 : i32
      %cond3A_128 = arith.cmpi ne, %convert_element_type3A_126, %cond3A_127 : i32
      scf.if %cond3A_128 {
        %add3A_129 = arith.constant 2 : i32
        %add3A_130 = arith.addi %mul3A_88, %add3A_129 : i32
        %mul3A_131 = arith.constant 128 : i32
        %mul3A_132 = arith.muli %add3A_130, %mul3A_131 : i32
        %add3A_133 = arith.addi %select_n3A, %mul3A_132 : i32
        %dma_start3A_134 = tpu.memref_slice %arg4[%add3A_133] : memref<323584xi32, #tpu.memory_space<hbm>> -> memref<128xi32, #tpu.memory_space<hbm>>
        %dma_start3A_135 = tpu.memref_slice %arg4[%add3A_133] : memref<323584xi32, #tpu.memory_space<hbm>> -> memref<128xi32, #tpu.memory_space<hbm>>
        tpu.enqueue_dma source(%dma_start3A_135 : memref<128xi32, #tpu.memory_space<hbm>>) target(%arg9 : memref<128xi32, #tpu.memory_space<vmem>>) target_semaphore(%arg16 : memref<!tpu.dma_semaphore, #tpu.memory_space<semaphore_mem>>)
        %add3A_136 = arith.constant 3 : i32
        %add3A_137 = arith.addi %mul3A_88, %add3A_136 : i32
        %mul3A_138 = arith.constant 128 : i32
        %mul3A_139 = arith.muli %add3A_137, %mul3A_138 : i32
        %add3A_140 = arith.addi %select_n3A, %mul3A_139 : i32
        %dma_start3A_141 = tpu.memref_slice %arg4[%add3A_140] : memref<323584xi32, #tpu.memory_space<hbm>> -> memref<128xi32, #tpu.memory_space<hbm>>
        %dma_start3A_142 = tpu.memref_slice %arg4[%add3A_140] : memref<323584xi32, #tpu.memory_space<hbm>> -> memref<128xi32, #tpu.memory_space<hbm>>
        tpu.enqueue_dma source(%dma_start3A_142 : memref<128xi32, #tpu.memory_space<hbm>>) target(%arg10 : memref<128xi32, #tpu.memory_space<vmem>>) target_semaphore(%arg17 : memref<!tpu.dma_semaphore, #tpu.memory_space<semaphore_mem>>)
      } else {
      }
    }
    %barrier3A_76 = arith.constant 0 : index
    tpu.barrier barrier_id(%barrier3A_76)
    %mul3A_77 = arith.constant 632 : i32
    %mul3A_78 = arith.muli %arg1, %mul3A_77 : i32
    %mul3A_79 = arith.constant 10112 : i32
    %mul3A_80 = arith.muli %arg0, %mul3A_79 : i32
    %mul3A_81 = arith.constant 632 : i32
    %mul3A_82 = arith.muli %arg1, %mul3A_81 : i32
    %add3A_83 = arith.addi %mul3A_80, %mul3A_82 : i32
    "tpu.region"() ({
      %run_scoped3A = tpu.sem_alloc : memref<!tpu.dma_semaphore, #tpu.memory_space<semaphore_mem>>
      %dma_start3A_84 = arith.constant 0 : i32
      %dma_start3A_85 = tpu.memref_slice %arg6[%add3A_83, %dma_start3A_84] : memref<20224x128xf32, #tpu.memory_space<hbm>> -> memref<632x128xf32, #tpu.memory_space<hbm>>
      %dma_start3A_86 = arith.constant 0 : i32
      %dma_start3A_87 = tpu.memref_slice %arg13[%mul3A_78, %dma_start3A_86] : memref<10112x128xf32, #tpu.memory_space<vmem_shared>> -> memref<632x128xf32, #tpu.memory_space<vmem_shared>>
      tpu.enqueue_dma source(%dma_start3A_87 : memref<632x128xf32, #tpu.memory_space<vmem_shared>>) target(%dma_start3A_85 : memref<632x128xf32, #tpu.memory_space<hbm>>) target_semaphore(%run_scoped3A : memref<!tpu.dma_semaphore, #tpu.memory_space<semaphore_mem>>)
      %dma_wait3A = arith.constant 0 : i32
      %dma_wait3A_88 = tpu.memref_slice %arg6[%add3A_83, %dma_wait3A] : memref<20224x128xf32, #tpu.memory_space<hbm>> -> memref<632x128xf32, #tpu.memory_space<hbm>>
      %dma_wait3A_89 = arith.constant 0 : i32
      %dma_wait3A_90 = tpu.memref_slice %arg13[%mul3A_78, %dma_wait3A_89] : memref<10112x128xf32, #tpu.memory_space<vmem_shared>> -> memref<632x128xf32, #tpu.memory_space<vmem_shared>>
      tpu.wait_dma2 semaphore(%run_scoped3A : memref<!tpu.dma_semaphore, #tpu.memory_space<semaphore_mem>>) src(%dma_wait3A_90 : memref<632x128xf32, #tpu.memory_space<vmem_shared>>) dst(%dma_wait3A_88 : memref<632x128xf32, #tpu.memory_space<hbm>>)
      tpu.yield
    }) : () -> ()
    return
  }
}

module attributes {stable_mosaic.version = 14 : i64} {
  func.func @_prep_body(%arg0: i32, %arg1: memref<1264x128xf32, #tpu.memory_space<vmem>>, %arg2: memref<1264x1xf32, #tpu.memory_space<vmem>>, %arg3: memref<1264x1xf32, #tpu.memory_space<vmem>>, %arg4: memref<1264x128xf32, #tpu.memory_space<vmem>>, %arg5: memref<1264x128xf32, #tpu.memory_space<vmem>>) attributes {dimension_semantics = [#tpu.dimension_semantics<arbitrary>], iteration_bounds = array<i64: 8>, scalar_prefetch = 0 : i64, scratch_operands = 0 : i64, tpu.core_type = #tpu.core_type<tc>, window_params = [{transform_indices = @transform_0, window_bounds = array<i64: 1264, 128>}, {transform_indices = @transform_1, window_bounds = array<i64: 1264, 1>}, {transform_indices = @transform_2, window_bounds = array<i64: 1264, 1>}, {transform_indices = @transform_3, window_bounds = array<i64: 1264, 128>}, {transform_indices = @transform_4, window_bounds = array<i64: 1264, 128>}]} {
    %get3A = arith.constant 0 : index
    %get3A_0 = arith.constant 0 : index
    %get3A_1 = vector.load %arg2[%get3A, %get3A_0] : memref<1264x1xf32, #tpu.memory_space<vmem>>, vector<1264x1xf32>
    %get3A_2 = arith.constant 0 : index
    %get3A_3 = arith.constant 0 : index
    %get3A_4 = vector.load %arg3[%get3A_2, %get3A_3] : memref<1264x1xf32, #tpu.memory_space<vmem>>, vector<1264x1xf32>
    %add3A = arith.addf %get3A_1, %get3A_4 : vector<1264x1xf32>
    %add3A_5 = arith.constant 1.000000e+00 : f32
    %add3A_6 = vector.broadcast %add3A_5 : f32 to vector<1264x1xf32>
    %add3A_7 = arith.addf %add3A, %add3A_6 : vector<1264x1xf32>
    %max3A = arith.constant 1.000000e+00 : f32
    %max3A_8 = vector.broadcast %max3A : f32 to vector<1264x1xf32>
    %max3A_9 = arith.maximumf %add3A_7, %max3A_8 : vector<1264x1xf32>
    %rsqrt3A = math.rsqrt %max3A_9 : vector<1264x1xf32>
    %get3A_10 = arith.constant 0 : index
    %get3A_11 = arith.constant 0 : index
    %get3A_12 = vector.load %arg1[%get3A_10, %get3A_11] : memref<1264x128xf32, #tpu.memory_space<vmem>>, vector<1264x128xf32>
    %mul3A = arith.mulf %get3A_12, %get3A_12 : vector<1264x128xf32>
    %reduce_sum3A = arith.constant dense<0.000000e+00> : vector<1264xf32>
    %reduce_sum3A_13 = vector.multi_reduction <add>, %mul3A, %reduce_sum3A [1] : vector<1264x128xf32> to vector<1264xf32>
    %broadcast_in_dim3A = vector.shape_cast %reduce_sum3A_13 : vector<1264xf32> to vector<1264x1xf32>
    %sqrt3A = math.sqrt %broadcast_in_dim3A : vector<1264x1xf32>
    %max3A_14 = arith.constant 9.99999996E-13 : f32
    %max3A_15 = vector.broadcast %max3A_14 : f32 to vector<1264x1xf32>
    %max3A_16 = arith.maximumf %sqrt3A, %max3A_15 : vector<1264x1xf32>
    %div3A = vector.broadcast %max3A_16 : vector<1264x1xf32> to vector<1264x128xf32>
    %div3A_17 = arith.divf %get3A_12, %div3A : vector<1264x128xf32>
    %mul3A_18 = vector.broadcast %rsqrt3A : vector<1264x1xf32> to vector<1264x128xf32>
    %mul3A_19 = arith.mulf %div3A_17, %mul3A_18 : vector<1264x128xf32>
    %swap3A = arith.constant 0 : index
    %swap3A_20 = arith.constant 0 : index
    %swap3A_21 = vector.load %arg4[%swap3A, %swap3A_20] : memref<1264x128xf32, #tpu.memory_space<vmem>>, vector<1264x128xf32>
    tpu.vector_store %arg4[%swap3A, %swap3A_20], %mul3A_19 {strides = array<i32>} : memref<1264x128xf32, #tpu.memory_space<vmem>>, vector<1264x128xf32>,
    %broadcast_in_dim3A_22 = vector.shape_cast %rsqrt3A : vector<1264x1xf32> to vector<1264x1xf32>
    %broadcast_in_dim3A_23 = vector.broadcast %broadcast_in_dim3A_22 : vector<1264x1xf32> to vector<1264x128xf32>
    %swap3A_24 = arith.constant 0 : index
    %swap3A_25 = arith.constant 0 : index
    %swap3A_26 = vector.load %arg5[%swap3A_24, %swap3A_25] : memref<1264x128xf32, #tpu.memory_space<vmem>>, vector<1264x128xf32>
    tpu.vector_store %arg5[%swap3A_24, %swap3A_25], %broadcast_in_dim3A_23 {strides = array<i32>} : memref<1264x128xf32, #tpu.memory_space<vmem>>, vector<1264x128xf32>,
    return
  }
  func.func @transform_0(%arg0: i32) -> (i32, i32) {
    %c0_i32 = arith.constant 0 : i32
    %c0_i32_0 = arith.constant 0 : i32
    return %arg0, %c0_i32 : i32, i32
  }
  func.func @transform_1(%arg0: i32) -> (i32, i32) {
    %c0_i32 = arith.constant 0 : i32
    %c0_i32_0 = arith.constant 0 : i32
    return %arg0, %c0_i32 : i32, i32
  }
  func.func @transform_2(%arg0: i32) -> (i32, i32) {
    %c0_i32 = arith.constant 0 : i32
    %c0_i32_0 = arith.constant 0 : i32
    return %arg0, %c0_i32 : i32, i32
  }
  func.func @transform_3(%arg0: i32) -> (i32, i32) {
    %c0_i32 = arith.constant 0 : i32
    %c0_i32_0 = arith.constant 0 : i32
    return %arg0, %c0_i32 : i32, i32
  }
  func.func @transform_4(%arg0: i32) -> (i32, i32) {
    %c0_i32 = arith.constant 0 : i32
    %c0_i32_0 = arith.constant 0 : i32
    return %arg0, %c0_i32 : i32, i32
  }
}

module attributes {stable_mosaic.version = 14 : i64} {
  func.func @_layer_body(%arg0: i32, %arg1: memref<1264x128xf32, #tpu.memory_space<vmem>>, %arg2: memref<1264x128xf32, #tpu.memory_space<vmem>>, %arg3: memref<1264x128xf32, #tpu.memory_space<vmem>>, %arg4: memref<1264x128xf32, #tpu.memory_space<vmem>>, %arg5: memref<128x128xf32, #tpu.memory_space<vmem>>, %arg6: memref<1x128xf32, #tpu.memory_space<vmem>>, %arg7: memref<1264x128xf32, #tpu.memory_space<vmem>>) attributes {dimension_semantics = [#tpu.dimension_semantics<arbitrary>], iteration_bounds = array<i64: 8>, scalar_prefetch = 0 : i64, scratch_operands = 0 : i64, tpu.core_type = #tpu.core_type<tc>, window_params = [{transform_indices = @transform_0, window_bounds = array<i64: 1264, 128>}, {transform_indices = @transform_1, window_bounds = array<i64: 1264, 128>}, {transform_indices = @transform_2, window_bounds = array<i64: 1264, 128>}, {transform_indices = @transform_3, window_bounds = array<i64: 1264, 128>}, {pipeline_mode = #tpu.pipeline_mode<synchronous>, transform_indices = @transform_4, window_bounds = array<i64: 128, 128>}, {pipeline_mode = #tpu.pipeline_mode<synchronous>, transform_indices = @transform_5, window_bounds = array<i64: 1, 128>}, {transform_indices = @transform_6, window_bounds = array<i64: 1264, 128>}]} {
    %get3A = arith.constant 0 : index
    %get3A_0 = arith.constant 0 : index
    %get3A_1 = vector.load %arg4[%get3A, %get3A_0] : memref<1264x128xf32, #tpu.memory_space<vmem>>, vector<1264x128xf32>
    %get3A_2 = arith.constant 0 : index
    %get3A_3 = arith.constant 0 : index
    %get3A_4 = vector.load %arg1[%get3A_2, %get3A_3] : memref<1264x128xf32, #tpu.memory_space<vmem>>, vector<1264x128xf32>
    %get3A_5 = arith.constant 0 : index
    %get3A_6 = arith.constant 0 : index
    %get3A_7 = vector.load %arg2[%get3A_5, %get3A_6] : memref<1264x128xf32, #tpu.memory_space<vmem>>, vector<1264x128xf32>
    %add3A = arith.addf %get3A_4, %get3A_7 : vector<1264x128xf32>
    %get3A_8 = arith.constant 0 : index
    %get3A_9 = arith.constant 0 : index
    %get3A_10 = vector.load %arg3[%get3A_8, %get3A_9] : memref<1264x128xf32, #tpu.memory_space<vmem>>, vector<1264x128xf32>
    %add3A_11 = arith.addf %add3A, %get3A_10 : vector<1264x128xf32>
    %mul3A = arith.mulf %add3A_11, %get3A_1 : vector<1264x128xf32>
    %get3A_12 = arith.constant 0 : index
    %get3A_13 = arith.constant 0 : index
    %get3A_14 = vector.load %arg5[%get3A_12, %get3A_13] : memref<128x128xf32, #tpu.memory_space<vmem>>, vector<128x128xf32>
    %dot_general3A = arith.constant dense<0.000000e+00> : vector<1264x128xf32>
    %dot_general3A_15 = tpu.matmul %mul3A, %get3A_14, %dot_general3A {dimension_numbers = #tpu.dot_dimension_numbers<[1], [0], [0], [1], [0, 0, 1, 1], [], []>, transpose_lhs_hint = false} : vector<1264x128xf32>, vector<128x128xf32>, vector<1264x128xf32> -> vector<1264x128xf32>
    %get3A_16 = arith.constant 0 : index
    %get3A_17 = arith.constant 0 : index
    %get3A_18 = vector.load %arg6[%get3A_16, %get3A_17] : memref<1x128xf32, #tpu.memory_space<vmem>>, vector<1x128xf32>
    %add3A_19 = vector.broadcast %get3A_18 : vector<1x128xf32> to vector<1264x128xf32>
    %add3A_20 = arith.addf %dot_general3A_15, %add3A_19 : vector<1264x128xf32>
    %max3A = arith.constant 0.000000e+00 : f32
    %max3A_21 = vector.broadcast %max3A : f32 to vector<1264x128xf32>
    %max3A_22 = arith.maximumf %add3A_20, %max3A_21 : vector<1264x128xf32>
    %mul3A_23 = arith.mulf %max3A_22, %get3A_1 : vector<1264x128xf32>
    %mul3A_24 = arith.constant 1264 : i32
    %mul3A_25 = arith.muli %arg0, %mul3A_24 : i32
    %iota3A = tpu.iota {dimensions = array<i32: 0>} : vector<1264x128xi32>
    %add3A_26 = vector.broadcast %mul3A_25 : i32 to vector<1264x128xi32>
    %add3A_27 = arith.addi %add3A_26, %iota3A : vector<1264x128xi32>
    %lt3A = arith.constant 10000 : i32
    %lt3A_28 = vector.broadcast %lt3A : i32 to vector<1264x128xi32>
    %lt3A_29 = arith.cmpi slt, %add3A_27, %lt3A_28 : vector<1264x128xi32>
    %jit3A = arith.constant 0.000000e+00 : f32
    %broadcast_in_dim3A = vector.broadcast %jit3A : f32 to vector<1264x128xf32>
    %select_n3A = arith.select %lt3A_29, %mul3A_23, %broadcast_in_dim3A : vector<1264x128xi1>, vector<1264x128xf32>
    %swap3A = arith.constant 0 : index
    %swap3A_30 = arith.constant 0 : index
    %swap3A_31 = vector.load %arg7[%swap3A, %swap3A_30] : memref<1264x128xf32, #tpu.memory_space<vmem>>, vector<1264x128xf32>
    tpu.vector_store %arg7[%swap3A, %swap3A_30], %select_n3A {strides = array<i32>} : memref<1264x128xf32, #tpu.memory_space<vmem>>, vector<1264x128xf32>,
    return
  }
  func.func @transform_0(%arg0: i32) -> (i32, i32) {
    %c0_i32 = arith.constant 0 : i32
    %c0_i32_0 = arith.constant 0 : i32
    return %arg0, %c0_i32 : i32, i32
  }
  func.func @transform_1(%arg0: i32) -> (i32, i32) {
    %c0_i32 = arith.constant 0 : i32
    %c0_i32_0 = arith.constant 0 : i32
    return %arg0, %c0_i32 : i32, i32
  }
  func.func @transform_2(%arg0: i32) -> (i32, i32) {
    %c0_i32 = arith.constant 0 : i32
    %c0_i32_0 = arith.constant 0 : i32
    return %arg0, %c0_i32 : i32, i32
  }
  func.func @transform_3(%arg0: i32) -> (i32, i32) {
    %c0_i32 = arith.constant 0 : i32
    %c0_i32_0 = arith.constant 0 : i32
    return %arg0, %c0_i32 : i32, i32
  }
  func.func @transform_4(%arg0: i32) -> (i32, i32) {
    %c0_i32 = arith.constant 0 : i32
    %c0_i32_0 = arith.constant 0 : i32
    %c0_i32_1 = arith.constant 0 : i32
    return %c0_i32, %c0_i32_0 : i32, i32
  }
  func.func @transform_5(%arg0: i32) -> (i32, i32) {
    %c0_i32 = arith.constant 0 : i32
    %c0_i32_0 = arith.constant 0 : i32
    %c0_i32_1 = arith.constant 0 : i32
    return %c0_i32, %c0_i32_0 : i32, i32
  }
  func.func @transform_6(%arg0: i32) -> (i32, i32) {
    %c0_i32 = arith.constant 0 : i32
    %c0_i32_0 = arith.constant 0 : i32
    return %arg0, %c0_i32 : i32, i32
  }
}

module attributes {stable_mosaic.version = 14 : i64} {
  func.func @_layer2_body(%arg0: i32, %arg1: memref<1264x128xf32, #tpu.memory_space<vmem>>, %arg2: memref<1264x128xf32, #tpu.memory_space<vmem>>, %arg3: memref<1264x128xf32, #tpu.memory_space<vmem>>, %arg4: memref<1264x128xf32, #tpu.memory_space<vmem>>, %arg5: memref<128x128xf32, #tpu.memory_space<vmem>>, %arg6: memref<1x128xf32, #tpu.memory_space<vmem>>, %arg7: memref<128x128xf32, #tpu.memory_space<vmem>>, %arg8: memref<1264x128xf32, #tpu.memory_space<vmem>>) attributes {dimension_semantics = [#tpu.dimension_semantics<arbitrary>], iteration_bounds = array<i64: 8>, scalar_prefetch = 0 : i64, scratch_operands = 0 : i64, tpu.core_type = #tpu.core_type<tc>, window_params = [{transform_indices = @transform_0, window_bounds = array<i64: 1264, 128>}, {transform_indices = @transform_1, window_bounds = array<i64: 1264, 128>}, {transform_indices = @transform_2, window_bounds = array<i64: 1264, 128>}, {transform_indices = @transform_3, window_bounds = array<i64: 1264, 128>}, {pipeline_mode = #tpu.pipeline_mode<synchronous>, transform_indices = @transform_4, window_bounds = array<i64: 128, 128>}, {pipeline_mode = #tpu.pipeline_mode<synchronous>, transform_indices = @transform_5, window_bounds = array<i64: 1, 128>}, {pipeline_mode = #tpu.pipeline_mode<synchronous>, transform_indices = @transform_6, window_bounds = array<i64: 128, 128>}, {transform_indices = @transform_7, window_bounds = array<i64: 1264, 128>}]} {
    %get3A = arith.constant 0 : index
    %get3A_0 = arith.constant 0 : index
    %get3A_1 = vector.load %arg4[%get3A, %get3A_0] : memref<1264x128xf32, #tpu.memory_space<vmem>>, vector<1264x128xf32>
    %get3A_2 = arith.constant 0 : index
    %get3A_3 = arith.constant 0 : index
    %get3A_4 = vector.load %arg1[%get3A_2, %get3A_3] : memref<1264x128xf32, #tpu.memory_space<vmem>>, vector<1264x128xf32>
    %get3A_5 = arith.constant 0 : index
    %get3A_6 = arith.constant 0 : index
    %get3A_7 = vector.load %arg2[%get3A_5, %get3A_6] : memref<1264x128xf32, #tpu.memory_space<vmem>>, vector<1264x128xf32>
    %add3A = arith.addf %get3A_4, %get3A_7 : vector<1264x128xf32>
    %get3A_8 = arith.constant 0 : index
    %get3A_9 = arith.constant 0 : index
    %get3A_10 = vector.load %arg3[%get3A_8, %get3A_9] : memref<1264x128xf32, #tpu.memory_space<vmem>>, vector<1264x128xf32>
    %add3A_11 = arith.addf %add3A, %get3A_10 : vector<1264x128xf32>
    %mul3A = arith.mulf %add3A_11, %get3A_1 : vector<1264x128xf32>
    %get3A_12 = arith.constant 0 : index
    %get3A_13 = arith.constant 0 : index
    %get3A_14 = vector.load %arg5[%get3A_12, %get3A_13] : memref<128x128xf32, #tpu.memory_space<vmem>>, vector<128x128xf32>
    %dot_general3A = arith.constant dense<0.000000e+00> : vector<1264x128xf32>
    %dot_general3A_15 = tpu.matmul %mul3A, %get3A_14, %dot_general3A {dimension_numbers = #tpu.dot_dimension_numbers<[1], [0], [0], [1], [0, 0, 1, 1], [], []>, transpose_lhs_hint = false} : vector<1264x128xf32>, vector<128x128xf32>, vector<1264x128xf32> -> vector<1264x128xf32>
    %get3A_16 = arith.constant 0 : index
    %get3A_17 = arith.constant 0 : index
    %get3A_18 = vector.load %arg6[%get3A_16, %get3A_17] : memref<1x128xf32, #tpu.memory_space<vmem>>, vector<1x128xf32>
    %add3A_19 = vector.broadcast %get3A_18 : vector<1x128xf32> to vector<1264x128xf32>
    %add3A_20 = arith.addf %dot_general3A_15, %add3A_19 : vector<1264x128xf32>
    %max3A = arith.constant 0.000000e+00 : f32
    %max3A_21 = vector.broadcast %max3A : f32 to vector<1264x128xf32>
    %max3A_22 = arith.maximumf %add3A_20, %max3A_21 : vector<1264x128xf32>
    %mul3A_23 = arith.mulf %max3A_22, %get3A_1 : vector<1264x128xf32>
    %mul3A_24 = arith.constant 1264 : i32
    %mul3A_25 = arith.muli %arg0, %mul3A_24 : i32
    %iota3A = tpu.iota {dimensions = array<i32: 0>} : vector<1264x128xi32>
    %add3A_26 = vector.broadcast %mul3A_25 : i32 to vector<1264x128xi32>
    %add3A_27 = arith.addi %add3A_26, %iota3A : vector<1264x128xi32>
    %lt3A = arith.constant 10000 : i32
    %lt3A_28 = vector.broadcast %lt3A : i32 to vector<1264x128xi32>
    %lt3A_29 = arith.cmpi slt, %add3A_27, %lt3A_28 : vector<1264x128xi32>
    %jit3A = arith.constant 0.000000e+00 : f32
    %broadcast_in_dim3A = vector.broadcast %jit3A : f32 to vector<1264x128xf32>
    %select_n3A = arith.select %lt3A_29, %mul3A_23, %broadcast_in_dim3A : vector<1264x128xi1>, vector<1264x128xf32>
    %get3A_30 = arith.constant 0 : index
    %get3A_31 = arith.constant 0 : index
    %get3A_32 = vector.load %arg7[%get3A_30, %get3A_31] : memref<128x128xf32, #tpu.memory_space<vmem>>, vector<128x128xf32>
    %dot_general3A_33 = arith.constant dense<0.000000e+00> : vector<1264x128xf32>
    %dot_general3A_34 = tpu.matmul %select_n3A, %get3A_32, %dot_general3A_33 {dimension_numbers = #tpu.dot_dimension_numbers<[1], [0], [0], [1], [0, 0, 1, 1], [], []>, transpose_lhs_hint = false} : vector<1264x128xf32>, vector<128x128xf32>, vector<1264x128xf32> -> vector<1264x128xf32>
    %swap3A = arith.constant 0 : index
    %swap3A_35 = arith.constant 0 : index
    %swap3A_36 = vector.load %arg8[%swap3A, %swap3A_35] : memref<1264x128xf32, #tpu.memory_space<vmem>>, vector<1264x128xf32>
    tpu.vector_store %arg8[%swap3A, %swap3A_35], %dot_general3A_34 {strides = array<i32>} : memref<1264x128xf32, #tpu.memory_space<vmem>>, vector<1264x128xf32>,
    return
  }
  func.func @transform_0(%arg0: i32) -> (i32, i32) {
    %c0_i32 = arith.constant 0 : i32
    %c0_i32_0 = arith.constant 0 : i32
    return %arg0, %c0_i32 : i32, i32
  }
  func.func @transform_1(%arg0: i32) -> (i32, i32) {
    %c0_i32 = arith.constant 0 : i32
    %c0_i32_0 = arith.constant 0 : i32
    return %arg0, %c0_i32 : i32, i32
  }
  func.func @transform_2(%arg0: i32) -> (i32, i32) {
    %c0_i32 = arith.constant 0 : i32
    %c0_i32_0 = arith.constant 0 : i32
    return %arg0, %c0_i32 : i32, i32
  }
  func.func @transform_3(%arg0: i32) -> (i32, i32) {
    %c0_i32 = arith.constant 0 : i32
    %c0_i32_0 = arith.constant 0 : i32
    return %arg0, %c0_i32 : i32, i32
  }
  func.func @transform_4(%arg0: i32) -> (i32, i32) {
    %c0_i32 = arith.constant 0 : i32
    %c0_i32_0 = arith.constant 0 : i32
    %c0_i32_1 = arith.constant 0 : i32
    return %c0_i32, %c0_i32_0 : i32, i32
  }
  func.func @transform_5(%arg0: i32) -> (i32, i32) {
    %c0_i32 = arith.constant 0 : i32
    %c0_i32_0 = arith.constant 0 : i32
    %c0_i32_1 = arith.constant 0 : i32
    return %c0_i32, %c0_i32_0 : i32, i32
  }
  func.func @transform_6(%arg0: i32) -> (i32, i32) {
    %c0_i32 = arith.constant 0 : i32
    %c0_i32_0 = arith.constant 0 : i32
    %c0_i32_1 = arith.constant 0 : i32
    return %c0_i32, %c0_i32_0 : i32, i32
  }
  func.func @transform_7(%arg0: i32) -> (i32, i32) {
    %c0_i32 = arith.constant 0 : i32
    %c0_i32_0 = arith.constant 0 : i32
    return %arg0, %c0_i32 : i32, i32
  }
}

module attributes {stable_mosaic.version = 14 : i64} {
  func.func @_final_body(%arg0: i32, %arg1: memref<1264x128xf32, #tpu.memory_space<vmem>>, %arg2: memref<1264x128xf32, #tpu.memory_space<vmem>>, %arg3: memref<1264x128xf32, #tpu.memory_space<vmem>>, %arg4: memref<1264x128xf32, #tpu.memory_space<vmem>>, %arg5: memref<1x64xf32, #tpu.memory_space<vmem>>, %arg6: memref<1264x64xf32, #tpu.memory_space<vmem>>) attributes {dimension_semantics = [#tpu.dimension_semantics<arbitrary>], iteration_bounds = array<i64: 8>, scalar_prefetch = 0 : i64, scratch_operands = 0 : i64, tpu.core_type = #tpu.core_type<tc>, window_params = [{transform_indices = @transform_0, window_bounds = array<i64: 1264, 128>}, {transform_indices = @transform_1, window_bounds = array<i64: 1264, 128>}, {transform_indices = @transform_2, window_bounds = array<i64: 1264, 128>}, {transform_indices = @transform_3, window_bounds = array<i64: 1264, 128>}, {pipeline_mode = #tpu.pipeline_mode<synchronous>, transform_indices = @transform_4, window_bounds = array<i64: 1, 64>}, {transform_indices = @transform_5, window_bounds = array<i64: 1264, 64>}]} {
    %get3A = arith.constant 0 : index
    %get3A_0 = arith.constant 0 : index
    %get3A_1 = vector.load %arg4[%get3A, %get3A_0] : memref<1264x128xf32, #tpu.memory_space<vmem>>, vector<1264x64xf32>
    %get3A_2 = arith.constant 0 : index
    %get3A_3 = arith.constant 0 : index
    %get3A_4 = vector.load %arg1[%get3A_2, %get3A_3] : memref<1264x128xf32, #tpu.memory_space<vmem>>, vector<1264x64xf32>
    %get3A_5 = arith.constant 0 : index
    %get3A_6 = arith.constant 0 : index
    %get3A_7 = vector.load %arg2[%get3A_5, %get3A_6] : memref<1264x128xf32, #tpu.memory_space<vmem>>, vector<1264x64xf32>
    %add3A = arith.addf %get3A_4, %get3A_7 : vector<1264x64xf32>
    %get3A_8 = arith.constant 0 : index
    %get3A_9 = arith.constant 0 : index
    %get3A_10 = vector.load %arg3[%get3A_8, %get3A_9] : memref<1264x128xf32, #tpu.memory_space<vmem>>, vector<1264x64xf32>
    %add3A_11 = arith.addf %add3A, %get3A_10 : vector<1264x64xf32>
    %mul3A = arith.mulf %add3A_11, %get3A_1 : vector<1264x64xf32>
    %get3A_12 = arith.constant 0 : index
    %get3A_13 = arith.constant 0 : index
    %get3A_14 = vector.load %arg5[%get3A_12, %get3A_13] : memref<1x64xf32, #tpu.memory_space<vmem>>, vector<1x64xf32>
    %add3A_15 = vector.broadcast %get3A_14 : vector<1x64xf32> to vector<1264x64xf32>
    %add3A_16 = arith.addf %mul3A, %add3A_15 : vector<1264x64xf32>
    %swap3A = arith.constant 0 : index
    %swap3A_17 = arith.constant 0 : index
    %swap3A_18 = vector.load %arg6[%swap3A, %swap3A_17] : memref<1264x64xf32, #tpu.memory_space<vmem>>, vector<1264x64xf32>
    tpu.vector_store %arg6[%swap3A, %swap3A_17], %add3A_16 {strides = array<i32>} : memref<1264x64xf32, #tpu.memory_space<vmem>>, vector<1264x64xf32>,
    return
  }
  func.func @transform_0(%arg0: i32) -> (i32, i32) {
    %c0_i32 = arith.constant 0 : i32
    %c0_i32_0 = arith.constant 0 : i32
    return %arg0, %c0_i32 : i32, i32
  }
  func.func @transform_1(%arg0: i32) -> (i32, i32) {
    %c0_i32 = arith.constant 0 : i32
    %c0_i32_0 = arith.constant 0 : i32
    return %arg0, %c0_i32 : i32, i32
  }
  func.func @transform_2(%arg0: i32) -> (i32, i32) {
    %c0_i32 = arith.constant 0 : i32
    %c0_i32_0 = arith.constant 0 : i32
    return %arg0, %c0_i32 : i32, i32
  }
  func.func @transform_3(%arg0: i32) -> (i32, i32) {
    %c0_i32 = arith.constant 0 : i32
    %c0_i32_0 = arith.constant 0 : i32
    return %arg0, %c0_i32 : i32, i32
  }
  func.func @transform_4(%arg0: i32) -> (i32, i32) {
    %c0_i32 = arith.constant 0 : i32
    %c0_i32_0 = arith.constant 0 : i32
    %c0_i32_1 = arith.constant 0 : i32
    return %c0_i32, %c0_i32_0 : i32, i32
  }
  func.func @transform_5(%arg0: i32) -> (i32, i32) {
    %c0_i32 = arith.constant 0 : i32
    %c0_i32_0 = arith.constant 0 : i32
    return %arg0, %c0_i32 : i32, i32
  }
}

</mosaic_0001>

<sc_bundles>
// kernel: kernel.12.cloned.1.call-start
scs
__scs_entry_jumppad:
0x0: {  	(pc) =	sbr.rel $0x88, $3  }
0x1: {  	(tag) =	ssettag $0x0;
	lr =	simm.s32 $0x1  }
0x2: {  	[smem:$0x3F97] =	sst lr;
	_ =	strace $0xD0000000  }
0x3: {  	_ = 	snop  }
0x4: {  	_ = 	snop  }
0x5: {  	_ = 	snop  }
0x6: {  	_ = 	snop  }
0x7: {  	_ = 	snop  }
__scs_overlays_trampoline_lowered:
0x8: {  	[smem:$0x3FA6] =	sst s0  }
0x9: {  	[smem:$0x3FA7] =	sst s1  }
0xa: {  	[smem:$0x3FA8] =	sst s2  }
0xb: {  	[smem:$0x3FA9] =	sst s3  }
0xc: {  	[smem:$0x3FAA] =	sst s4  }
0xd: {  	[smem:$0x3FAB] =	sst s5  }
0xe: {  	[smem:$0x3FAC] =	sst s6  }
0xf: {  	[smem:$0x3FAD] =	sst s7  }
0x10: {  	[smem:$0x3FAE] =	sst s8  }
0x11: {  	[smem:$0x3FAF] =	sst s9;
	s0 =	simm.s32 @!p0 $0x0  }
0x12: {  	s1 =	sld [smem:$0x3F95];
	s0 =	simm.s32 @p0 $0x1  }
0x13: {  	[smem:$0x3FB0] =	sst s0;
	s0 =	simm.s32 @!p1 $0x0  }
0x14: {  	s2 =	sld [smem:$0x3F94];
	s0 =	simm.s32 @p1 $0x1  }
0x15: {  	[smem:$0x3FB1] =	sst s0;
	s0 =	simm.s32 @!p2 $0x0  }
0x16: {  	s3 =	sld [smem:$0x3FDB];
	s0 =	simm.s32 @p2 $0x1  }
0x17: {  	s4 =	simm.s32 $0x1BF5;
	[smem:$0x3FB3] =	sst s0  }
0x18: {  	s0 =	sld [smem:$0x3F96];
	_ =	swait.ge [sflag:s4], $0x0  }
0x19: {  	s7 =	sld [smem:$0x3F97]  }
0x1a: {  	s8 =	sadd.s32 $0xFFFFE003, lr  }
0x1b: {  	s9 =	sadd.s32 $0xFFFFFEF7, lr;
	s5 =	simm.s32 $0xFFFFFFFF;
	p2 =	slt.u32 s8, $0xFFFFF086  }
0x1c: {  	p1 =	slt.u32 s9, $0xF7A;
	s5 =	simm.s32 @!p2 $0x0  }
0x1d: {  	s5 =	simm.s32 @p1 $0x1;
	p0 =	seq.s32 s7, s2  }
0x1e: {  	s7 =	smul.u32 @!p0 $0xF7A, s2;
	p2 =	seq.s32 @!p0 s5, $0x0  }
0x1f: {  	s9 =	smul.u32 $0xF7A, s1;
	s8 =	simm.s32 @!p0 $0x1BF5;
	p2 =	por !p2, p0  }
0x20: {  	[sflag:s8] =	ssyncset.s32 @!p0 $0xFFFFF086;
	s6 =	sadd.s32 @!p0 s3, s7;
	s7 =	simm.s32 @!p0 $0x108  }
0x21: {  	s3 =	sadd.s32 s3, s9;
	s6 =	sadd.s32 @!p0 $0x88, s6;
	s7 =	simm.s32 @p2 $0x1082  }
0x22: {  	[simem:s7], [sflag:s8] =	dma.local @!p0 [hbm:s6], $0xF7A  }
0x23: {  	s9 =	sor.u32 $0xD0000000, s2;
	s6 =	simm.s32 $0x108;
	_ =	swait.ge @!p0 [sflag:s8], $0x0  }
0x24: {  	s3 =	sadd.s32 $0x88, s3;
	s6 =	simm.s32 @!p1 $0x1082;
	[sflag:s4] =	ssyncset.s32 $0xFFFFF086  }
0x25: {  	[simem:s6], [sflag:s4] =	dma.local [hbm:s3], $0xF7A  }
0x26: {  	[smem:$0x3F97] =	sst s1;
	(tag) =	ssettag s2;
	_ =	strace s9  }
0x27: {  	s1 =	sld [smem:$0x3FA7]  }
0x28: {  	s2 =	sld [smem:$0x3FA8]  }
0x29: {  	s4 =	sld [smem:$0x3FAA]  }
0x2a: {  	p0 =	seq.s32 s5, $0x0;
	s5 =	sld [smem:$0x3FAB]  }
0x2b: {  	s6 =	sld [smem:$0x3FAC]  }
0x2c: {  	s7 =	sld [smem:$0x3FAD]  }
0x2d: {  	s3 =	simm.s32 $0x108;
	s8 =	sld [smem:$0x3FAE]  }
0x2e: {  	s3 =	simm.s32 @!p0 $0x1082;
	s9 =	sld [smem:$0x3FAF]  }
0x2f: {  	lr =	sadd.s32 s0, s3;
	s0 =	sld [smem:$0x3FA6]  }
0x30: {  	s3 =	sld [smem:$0x3FA9]  }
0x31: {  	[smem:$0x3FB2] =	sst s10  }
0x32: {  	s10 =	sld [smem:$0x3FB0];
	_ =	sdelay $0x3  }
0x33: {  	p0 =	seq.s32 s10, $0x1;
	s10 =	sld [smem:$0x3FB2];
	_ =	sdelay $0x3  }
0x34: {  	[smem:$0x3FB2] =	sst s10  }
0x35: {  	s10 =	sld [smem:$0x3FB1];
	_ =	sdelay $0x3  }
0x36: {  	p1 =	seq.s32 s10, $0x1;
	s10 =	sld [smem:$0x3FB2];
	_ =	sdelay $0x3  }
0x37: {  	[smem:$0x3FB2] =	sst s10  }
0x38: {  	s10 =	sld [smem:$0x3FB3]  }
0x39: {  	_ = 	snop;
	(pc) =	sbr.ind lr, $3  }
0x3a: {  	_ = 	snop  }
0x3b: {  	_ = 	snop  }
0x3c: {  	p2 =	seq.s32 s10, $0x1;
	s10 =	sld [smem:$0x3FB2]  }
0x3d: {  	_ =	shalt  }
0x3e: {  	_ =	shalt  }
0x3f: {  	_ =	shalt  }
0x40: {  	_ =	shalt  }
0x41: {  	_ =	shalt  }
0x42: {  	_ =	shalt  }
0x43: {  	_ =	shalt  }
0x44: {  	_ =	shalt  }
0x45: {  	_ =	shalt  }
0x46: {  	_ =	shalt  }
0x47: {  	_ =	shalt  }
0x48: {  	_ =	shalt  }
0x49: {  	_ =	shalt  }
0x4a: {  	_ =	shalt  }
0x4b: {  	_ =	shalt  }
0x4c: {  	_ =	shalt  }
0x4d: {  	_ =	shalt  }
0x4e: {  	_ =	shalt  }
0x4f: {  	_ =	shalt  }
0x50: {  	_ =	shalt  }
0x51: {  	_ =	shalt  }
0x52: {  	_ =	shalt  }
0x53: {  	_ =	shalt  }
0x54: {  	_ =	shalt  }
0x55: {  	_ =	shalt  }
0x56: {  	_ =	shalt  }
0x57: {  	_ =	shalt  }
0x58: {  	_ =	shalt  }
0x59: {  	_ =	shalt  }
0x5a: {  	_ =	shalt  }
0x5b: {  	_ =	shalt  }
0x5c: {  	_ =	shalt  }
0x5d: {  	_ =	shalt  }
0x5e: {  	_ =	shalt  }
0x5f: {  	_ =	shalt  }
0x60: {  	_ =	shalt  }
0x61: {  	_ =	shalt  }
0x62: {  	_ =	shalt  }
0x63: {  	_ =	shalt  }
0x64: {  	_ =	shalt  }
0x65: {  	_ =	shalt  }
0x66: {  	_ =	shalt  }
0x67: {  	_ =	shalt  }
0x68: {  	_ =	shalt  }
0x69: {  	_ =	shalt  }
0x6a: {  	_ =	shalt  }
0x6b: {  	_ =	shalt  }
0x6c: {  	_ =	shalt  }
0x6d: {  	_ =	shalt  }
0x6e: {  	_ =	shalt  }
0x6f: {  	_ =	shalt  }
0x70: {  	_ =	shalt  }
0x71: {  	_ =	shalt  }
0x72: {  	_ =	shalt  }
0x73: {  	_ =	shalt  }
0x74: {  	_ =	shalt  }
0x75: {  	_ =	shalt  }
0x76: {  	_ =	shalt  }
0x77: {  	_ =	shalt  }
0x78: {  	_ =	shalt  }
0x79: {  	_ =	shalt  }
0x7a: {  	_ =	shalt  }
0x7b: {  	_ =	shalt  }
0x7c: {  	_ =	shalt  }
0x7d: {  	_ =	shalt  }
0x7e: {  	_ =	shalt  }
0x7f: {  	_ =	shalt  }
0x80: {  	_ =	shalt  }
0x81: {  	_ =	shalt  }
0x82: {  	_ =	shalt  }
0x83: {  	_ =	shalt  }
0x84: {  	_ =	shalt  }
0x85: {  	_ =	shalt  }
0x86: {  	_ =	shalt  }
0x87: {  	_ =	shalt  }
.Lfunc_end0:
.L_simem_size_0:
called_computation_lowered:
.L_overlay_start_0:
0x88: {  	s2 =	sld [smem:$0x3FD9]  }
0x89: {  	s3 =	sld [smem:$0x3FFE];
	_ =	sdelay $0x1  }
0x8a: {  	s1 =	srdreg.scid  }
0x8b: {  	s0 =	sand.u32 $0x1, s1  }
0x8c: {  	s16 =	sshll.u32 s0, $0xA;
	s2 =	sadd.s32 s3, s2  }
0x8d: {  	s2 =	sadd.s32 s2, s16  }
0x8e: {  	[smem:$0x3FBE] =	sst s2  }
0x8f: {  	_ = 	snop  }
0x90: {  	(tm) =	ssettm $0x1  }
0x91: {  	s17 =	sld [smem:$0x3FFB];
	_ =	sdelay $0x3  }
0x92: {  	_ =	strace s17  }
0x93: {  	s2 =	sld [smem:$0x3FFC];
	_ =	sdelay $0x3  }
0x94: {  	_ =	strace s2  }
0x95: {  	s2 =	sld [smem:$0x3FFD];
	_ =	sdelay $0x3  }
0x96: {  	_ =	strace s2  }
0x97: {  	_ =	strace $0x8FFFFFFF  }
0x98: {  	s18 =	sld [smem:$0x3FDB];
	_ =	sdelay $0x1  }
0x99: {  	s19 =	simm.s32 $_scs_section_size  }
0x9a: {  	s4 =	simm.s32 $_size__tile_overlayer_lowered;
	s5 =	simm.s32 $_tile_overlayer_lowered  }
0x9b: {  	s22 =	simm.s32 $0x1BFF;
	s21 =	sshll.u32 s5, $0x1;
	s2 =	sadd.s32 s19, s18  }
0x9c: {  	s6 =	simm.s32 $0x0;
	s20 =	sshll.u32 s4, $0x1;
	s4 =	sadd.s32 s21, s2  }
0x9d: {  	[timem:s6], [sflag:s22] =	dma.local [hbm:s4], s20  }
0x9e: {  	_ =	swait.ge [sflag:s22], s20  }
0x9f: {  	s3 =	ssub.s32 $0x0, s20;
	[sflag:s22] =	ssyncset.done $0x0  }
0xa0: {  	[sflag:s22] =	ssyncadd.s32 s3;
	_ =	sdelay $0x1  }
0xa1: {  	s23 =	simm.s32 $0x1B8B  }
0xa2: {  	_ =	swait.ge [sflag:s23], $0x1  }
0xa3: {  	[sflag:s23] =	ssyncset.done $0x0  }
0xa4: {  	s25 =	simm.s32 $0x1B8E;
	s24 =	sld [smem:$0x3FFE];
	[sflag:s23] =	ssyncadd.s32 $0xFFFFFFFF  }
0xa5: {  	s26 =	simm.s32 $execute0_lowered;
	[smem:$0x3FD2] =	sst s25  }
0xa6: {  	s4 =	sshll.u32 s26, $0x1;
	_ =	strace $0x80000046;
	[dreg:$0x1] =	wrdreg $0xFFFFFFFF  }
0xa7: {  	s28 =	simm.s32 $_size_execute0_lowered;
	s2 =	sadd.s32 s2, s4;
	[dreg:$0x0] =	wrdreg $0x0  }
0xa8: {  	s4 =	sshll.u32 s28, $0x1;
	[dreg:$0x2] =	wrdreg s2  }
0xa9: {  	[dreg:$0x3] =	wrdreg s4  }
0xaa: {  	[dreg:$0x4] =	wrdreg $0xC0  }
0xab: {  	_ =	task [dreg:s6], $0x5FFFF  }
0xac: {  	[dreg:$0x1] =	wrdreg $0xFFFFFFFF  }
0xad: {  	[dreg:$0x0] =	wrdreg $0x60  }
0xae: {  	[dreg:$0x2] =	wrdreg s24  }
0xaf: {  	[dreg:$0x3] =	wrdreg $0x29000  }
0xb0: {  	[dreg:$0x4] =	wrdreg $0x9  }
0xb1: {  	_ =	task.clear_ibuf [dreg:s6], $0x5FFFF;
	_ =	strace $0x90000046  }
0xb2: {  	s29 =	simm.s32 $0x9;
	_ =	strace $0x80000048  }
0xb3: {  	_ =	swait.ge [sflag:s29], $0x1  }
0xb4: {  	[sflag:s29] =	ssyncadd.s32 $0xFFFFFFFF  }
0xb5: {  	_ =	strace $0x90000048  }
0xb6: {  	_ =	sfence  }
0xb7: {  	s30 =	sld [smem:$0x0];
	_ =	sdelay $0x2  }
0xb8: {  	s31 =	sshll.u32 s1, $0xD;
	s1 =	sshrl.u32 s1, $0x2  }
0xb9: {  	s3 =	sand.u32 $0x4000, s31;
	s1 =	sadd.s32 s1, s30  }
0xba: {  	s0 =	sor.u32 s3, s0;
	s1 =	sshll.u32 s1, $0x11  }
0xbb: {  	s0 =	sor.u32 s1, s0  }
0xbc: {  	s0 =	sadd.s32 $0x8F2B, s0  }
0xbd: {  	[sflag:s0] =	ssyncadd.remote.s32 $0x1  }
0xbe: {  	_ =	sfence.sel $0xFFFF  }
0xbf: {  	[dreg:$0x0] =	wrdreg $0xFFFFFFFF;
	(pc) =	sbr.abs _section_cstart, $3  }
0xc0: {  	[dreg:$0x1] =	wrdreg $0xFFFFFFFF  }
0xc1: {  	_ =	task.clear_ibuf [dreg:s6], $0x2FFFF;
	_ =	strace $0x9FFFFFFF  }
0xc2: {  	(tm) =	ssettm $0x7FFFFFFF  }
0xc3: {  	_ =	shalt  }
tec
execute0_lowered:
.L_overlay_start_1:
0x0: {  	(tag) =	ssettag $0x1  }
0x1: {  	s6 =	rddreg [dreg:$0x0]  }
0x2: {  	s1 =	rddreg [dreg:$0x1]  }
0x3: {  	s0 =	rddreg [dreg:$0x2]  }
0x4: {  	s2 =	simm.s32 $0x0;
	s3 =	srdreg.scid;
	s15 =	simm.s32 $0x2880  }
0x5: {  	s16 =	simm.s32 $0x50;
	s17 =	simm.s32 $0x0;
	[smem:$0x7FF] =	sst s2  }
0x6: {  	s10 =	sadd.s32 $0x5800, s6;
	s7 =	sand.u32 $0x1, s3;
	s4 =	sadd.s32 $0xF600, s6  }
0x7: {  	s3 =	stileid.u32;
	s5 =	sadd.s32 $0xF800, s6;
	_ =	strace $0x80000047  }
0x8: {  	s8 =	smul.u32 $0x2800, s7;
	s9 =	sshll.u32 s3, $0xA;
	s11 =	sshll.u32 s7, $0x4  }
0x9: {  	s12 =	ssub.s32 $0x2, s7;
	s28 =	smul.u32 $0x27100, s7;
	s29 =	sshll.u32 s3, $0x7  }
0xa: {  	s31 =	smul.u32 $0x2710, s3;
	p0 =	sgt.u32 s3, $0x9;
	s11 =	sor.u32 s3, s11  }
0xb: {  	s13 =	sshrl.u32 s12, $0x1;
	s14 =	sadd.s32 s9, s1;
	s8 =	sadd.s32 s8, s9  }
0xc: {  	s11 =	smul.u32 $0x2710, s11;
	s12 =	ssub.s32 s12, s13;
	s13 =	sshll.u32 @!p0 s3, $0x6  }
0xd: {  	s14 =	sshrl.u32 @!p0 s14, $0x3;
	s8 =	sshrl.u32 s8, $0x3;
	s9 =	smax.u32 s12, $0x1  }
0xe: {  	s12 =	simm.s32 $0x1;
	s13 =	sor.u32 @!p0 $0x1C01, s13;
	s8 =	sadd.s32 s8, s6  }
0xf: {  	s30 =	sshrl.u32 s11, $0x3;
	s6 =	sadd.s32 s5, s29;
	s11 =	sadd.s32 s31, s28  }
0x10: {  	s7 =	sadd.s32 s10, s30;
	s8 =	sadd.s32 $0xFE00, s8;
	s11 =	sshrl.u32 s11, $0x3  }
0x11: {  	v0 =	vimm.f32 $1.000000000e+00;
	s7 =	sadd.s32 $0x4E0, s7;
	s10 =	sadd.s32 s11, s10;
	s11 =	simm.s32 $0x80  }
.LBB2_1:
0x12: {  	[tilespmem:s11], [sflag:$0x1] =	stream.linear.gather [hbm4b:s5+s2], $0x2800, $0x38;
	[tilespmem:$0x2B80] =	vst v63  }
0x13: {  	_ =	swait.ge [sflag:s12], $0x2800  }
0x14: {  	[sflag:s12] =	ssyncset.done $0x0  }
0x15: {  	s18 =	simm.s32 @!p0 $0x1;
	[sflag:s12] =	ssyncadd.s32 $0xFFFFD800  }
0x16: {  	[spmem:s14], [sflag:s13] =	dma.local @!p0 [hbm:s6], $0x80  }
0x17: {  	_ =	swait.ge @!p0 [sflag:s18], $0x80  }
0x18: {  	[sflag:s18] =	ssyncset.done @!p0 $0x0  }
0x19: {  	[sflag:s18] =	ssyncadd.s32 @!p0 $0xFFFFFF80  }
0x1a: {  	[tilespmem:s15], [sflag:$0x1] =	stream.linear.gather [hbm4b:s4+s2], $0x80, $0x38;
	[tilespmem:$0x2B80] =	vst v63  }
0x1b: {  	_ =	swait.ge [sflag:s12], $0x80  }
0x1c: {  	[sflag:s12] =	ssyncset.done $0x0  }
0x1d: {  	s18 =	simm.s32 $0x0;
	[sflag:s12] =	ssyncadd.s32 $0xFFFFFF80  }
.LBB2_2:
0x1e: {  	s19 =	sadd.s32 s18, s10  }
0x1f: {  	[tilespmem:s2], [sflag:$0x1] =	stream.linear.gather [hbm4b:s19+s2], $0x80, $0x38;
	[tilespmem:$0x2B80] =	vst v63  }
0x20: {  	_ =	swait.ge [sflag:s12], $0x80  }
0x21: {  	[sflag:s12] =	ssyncset.done $0x0  }
0x22: {  	[sflag:s12] =	ssyncadd.s32 $0xFFFFFF80  }
0x23: {  	v1 =	vld [tilespmem:$0x0];
	_ =	sdelay $0x7  }
0x24: {  	[tilespmem:v1+s11+$0x0] =	vst.idx.add.f32.msk $0xffff, v0  }
0x25: {  	v1 =	vld [tilespmem:$0x10];
	_ =	sdelay $0x7  }
0x26: {  	[tilespmem:v1+s11+$0x0] =	vst.idx.add.f32.msk $0xffff, v0  }
0x27: {  	v1 =	vld [tilespmem:$0x20];
	_ =	sdelay $0x7  }
0x28: {  	[tilespmem:v1+s11+$0x0] =	vst.idx.add.f32.msk $0xffff, v0  }
0x29: {  	v1 =	vld [tilespmem:$0x30];
	_ =	sdelay $0x7  }
0x2a: {  	[tilespmem:v1+s11+$0x0] =	vst.idx.add.f32.msk $0xffff, v0  }
0x2b: {  	v1 =	vld [tilespmem:$0x40];
	_ =	sdelay $0x7  }
0x2c: {  	[tilespmem:v1+s11+$0x0] =	vst.idx.add.f32.msk $0xffff, v0  }
0x2d: {  	v1 =	vld [tilespmem:$0x50];
	_ =	sdelay $0x7  }
0x2e: {  	[tilespmem:v1+s11+$0x0] =	vst.idx.add.f32.msk $0xffff, v0  }
0x2f: {  	v1 =	vld [tilespmem:$0x60];
	_ =	sdelay $0x7  }
0x30: {  	[tilespmem:v1+s11+$0x0] =	vst.idx.add.f32.msk $0xffff, v0  }
0x31: {  	v1 =	vld [tilespmem:$0x70];
	_ =	sdelay $0x2  }
0x32: {  	p1 =	sne.s32 s18, $0x4D0  }
.Ltmp0:
0x33: {  	_ = 	snop;
	(pc) =	sbr.rel @p1 .LBB2_2-.Ltmp0, $2  }
0x34: {  	_ =	sdelay $0x2  }
0x35: {  	s18 =	sadd.s32 $0x10, s18;
	[tilespmem:v1+s11+$0x0] =	vst.idx.add.f32.msk $0xffff, v0  }
0x36: {  	[tilespmem:s2], [sflag:$0x1] =	stream.linear.gather [hbm4b:s7+s2], $0x10, $0x38;
	[tilespmem:$0x2B80] =	vst v63  }
0x37: {  	_ =	swait.ge [sflag:s12], $0x10  }
0x38: {  	[sflag:s12] =	ssyncset.done $0x0  }
0x39: {  	[sflag:s12] =	ssyncadd.s32 $0xFFFFFFF0  }
0x3a: {  	v1 =	vld [tilespmem:$0x0];
	_ =	sdelay $0x7  }
0x3b: {  	[tilespmem:v1+s11+$0x0] =	vst.idx.add.f32.msk $0xffff, v0  }
0x3c: {  	[bflag:$0x0] =	sbarrier.arrive $0xFFFF  }
0x3d: {  	[spmem:s1] =	stream.indirect.scatter.add.f32 [tilespmem:s11], [sflag:$0x1], $0x80, s15, s16, $0xb8;
	[tilespmem:$0x2B80] =	vst v63  }
0x3e: {  	_ =	swait.ge [sflag:s12], $0x2800  }
0x3f: {  	s17 =	sadd.s32 $0x1, s17;
	[sflag:s12] =	ssyncset.done $0x0  }
0x40: {  	p1 =	sne.s32 s17, s9;
	[sflag:s12] =	ssyncadd.s32 $0xFFFFD800  }
.Ltmp1:
0x41: {  	s18 =	simm.s32 @!p0 $0x1;
	[bflag:$0x0] =	sbarrier.arrive $0xFFFF;
	(pc) =	sbr.rel @p1 .LBB2_1-.Ltmp1, $4  }
0x42: {  	[hbm:s8], [sflag:s13] =	dma.local @!p0 [spmem:s14], $0x80  }
0x43: {  	_ =	swait.ge @!p0 [sflag:s18], $0x80  }
0x44: {  	[sflag:s18] =	ssyncset.done @!p0 $0x0  }
0x45: {  	[sflag:s18] =	ssyncadd.s32 @!p0 $0xFFFFFF80  }
0x46: {  	_ =	sfence.sel $0x180000  }
0x47: {  	[bflag:$0x0] =	sbarrier.arrive $0xFFFF  }
0x48: {  	p0 =	sne.s32 s3, $0x0;
	_ =	strace $0x90000047  }
0x49: {  	s0 =	sadd.s32 @!p0 $0x100000, s0;
	[bflag:$0x2] =	sbarrier.arrive $0xFFFF  }
0x4a: {  	[sflag:s0] =	ssyncadd.tile.s32 @!p0 $0x1;
	_ =	shalt  }
.Lfunc_end2:
_tile_overlayer_lowered:
.L_overlay_start_2:
0x4b: {  	(tag) =	ssettag $0x2  }
0x4c: {  	s0 =	rddreg [dreg:$0x0];
	s2 =	stileid.u32  }
0x4d: {  	s1 =	rddreg [dreg:$0x1];
	p0 =	sne.s32 s2, $0x0  }
0x4e: {  	s3 =	rddreg [dreg:$0x2];
	[bflag:$0x3] =	sbarrier.arrive $0xFFFF;
	s2 =	simm.s32 @!p0 $0x1C01  }
0x4f: {  	[timem:s3], [sflag:s2] =	dma.local @!p0 [hbm:s0], s1  }
0x50: {  	s0 =	simm.s32 @!p0 $0x1  }
0x51: {  	_ =	swait.ge @!p0 [sflag:s0], s1  }
0x52: {  	s1 =	ssub.s32 @!p0 $0x0, s1;
	[sflag:s0] =	ssyncset.done @!p0 $0x0  }
0x53: {  	[sflag:s0] =	ssyncadd.s32 @!p0 s1  }
0x54: {  	[bflag:$0x3] =	sbarrier.arrive $0xFFFF  }
0x55: {  	_ =	shalt  }

// kernel: kernel.15.cloned.1.call-start
scs
__scs_entry_jumppad:
0x0: {  	(pc) =	sbr.rel $0x88, $3  }
0x1: {  	(tag) =	ssettag $0x0;
	lr =	simm.s32 $0x1  }
0x2: {  	[smem:$0x3F97] =	sst lr;
	_ =	strace $0xD0000000  }
0x3: {  	_ = 	snop  }
0x4: {  	_ = 	snop  }
0x5: {  	_ = 	snop  }
0x6: {  	_ = 	snop  }
0x7: {  	_ = 	snop  }
__scs_overlays_trampoline_lowered:
0x8: {  	[smem:$0x3FA6] =	sst s0  }
0x9: {  	[smem:$0x3FA7] =	sst s1  }
0xa: {  	[smem:$0x3FA8] =	sst s2  }
0xb: {  	[smem:$0x3FA9] =	sst s3  }
0xc: {  	[smem:$0x3FAA] =	sst s4  }
0xd: {  	[smem:$0x3FAB] =	sst s5  }
0xe: {  	[smem:$0x3FAC] =	sst s6  }
0xf: {  	[smem:$0x3FAD] =	sst s7  }
0x10: {  	[smem:$0x3FAE] =	sst s8  }
0x11: {  	[smem:$0x3FAF] =	sst s9;
	s0 =	simm.s32 @!p0 $0x0  }
0x12: {  	s1 =	sld [smem:$0x3F95];
	s0 =	simm.s32 @p0 $0x1  }
0x13: {  	[smem:$0x3FB0] =	sst s0;
	s0 =	simm.s32 @!p1 $0x0  }
0x14: {  	s2 =	sld [smem:$0x3F94];
	s0 =	simm.s32 @p1 $0x1  }
0x15: {  	[smem:$0x3FB1] =	sst s0;
	s0 =	simm.s32 @!p2 $0x0  }
0x16: {  	s3 =	sld [smem:$0x3FDB];
	s0 =	simm.s32 @p2 $0x1  }
0x17: {  	s4 =	simm.s32 $0x1BF5;
	[smem:$0x3FB3] =	sst s0  }
0x18: {  	s0 =	sld [smem:$0x3F96];
	_ =	swait.ge [sflag:s4], $0x0  }
0x19: {  	s7 =	sld [smem:$0x3F97]  }
0x1a: {  	s8 =	sadd.s32 $0xFFFFE003, lr  }
0x1b: {  	s9 =	sadd.s32 $0xFFFFFEF7, lr;
	s5 =	simm.s32 $0xFFFFFFFF;
	p2 =	slt.u32 s8, $0xFFFFF086  }
0x1c: {  	p1 =	slt.u32 s9, $0xF7A;
	s5 =	simm.s32 @!p2 $0x0  }
0x1d: {  	s5 =	simm.s32 @p1 $0x1;
	p0 =	seq.s32 s7, s2  }
0x1e: {  	s7 =	smul.u32 @!p0 $0xF7A, s2;
	p2 =	seq.s32 @!p0 s5, $0x0  }
0x1f: {  	s9 =	smul.u32 $0xF7A, s1;
	s8 =	simm.s32 @!p0 $0x1BF5;
	p2 =	por !p2, p0  }
0x20: {  	[sflag:s8] =	ssyncset.s32 @!p0 $0xFFFFF086;
	s6 =	sadd.s32 @!p0 s3, s7;
	s7 =	simm.s32 @!p0 $0x108  }
0x21: {  	s3 =	sadd.s32 s3, s9;
	s6 =	sadd.s32 @!p0 $0x88, s6;
	s7 =	simm.s32 @p2 $0x1082  }
0x22: {  	[simem:s7], [sflag:s8] =	dma.local @!p0 [hbm:s6], $0xF7A  }
0x23: {  	s9 =	sor.u32 $0xD0000000, s2;
	s6 =	simm.s32 $0x108;
	_ =	swait.ge @!p0 [sflag:s8], $0x0  }
0x24: {  	s3 =	sadd.s32 $0x88, s3;
	s6 =	simm.s32 @!p1 $0x1082;
	[sflag:s4] =	ssyncset.s32 $0xFFFFF086  }
0x25: {  	[simem:s6], [sflag:s4] =	dma.local [hbm:s3], $0xF7A  }
0x26: {  	[smem:$0x3F97] =	sst s1;
	(tag) =	ssettag s2;
	_ =	strace s9  }
0x27: {  	s1 =	sld [smem:$0x3FA7]  }
0x28: {  	s2 =	sld [smem:$0x3FA8]  }
0x29: {  	s4 =	sld [smem:$0x3FAA]  }
0x2a: {  	p0 =	seq.s32 s5, $0x0;
	s5 =	sld [smem:$0x3FAB]  }
0x2b: {  	s6 =	sld [smem:$0x3FAC]  }
0x2c: {  	s7 =	sld [smem:$0x3FAD]  }
0x2d: {  	s3 =	simm.s32 $0x108;
	s8 =	sld [smem:$0x3FAE]  }
0x2e: {  	s3 =	simm.s32 @!p0 $0x1082;
	s9 =	sld [smem:$0x3FAF]  }
0x2f: {  	lr =	sadd.s32 s0, s3;
	s0 =	sld [smem:$0x3FA6]  }
0x30: {  	s3 =	sld [smem:$0x3FA9]  }
0x31: {  	[smem:$0x3FB2] =	sst s10  }
0x32: {  	s10 =	sld [smem:$0x3FB0];
	_ =	sdelay $0x3  }
0x33: {  	p0 =	seq.s32 s10, $0x1;
	s10 =	sld [smem:$0x3FB2];
	_ =	sdelay $0x3  }
0x34: {  	[smem:$0x3FB2] =	sst s10  }
0x35: {  	s10 =	sld [smem:$0x3FB1];
	_ =	sdelay $0x3  }
0x36: {  	p1 =	seq.s32 s10, $0x1;
	s10 =	sld [smem:$0x3FB2];
	_ =	sdelay $0x3  }
0x37: {  	[smem:$0x3FB2] =	sst s10  }
0x38: {  	s10 =	sld [smem:$0x3FB3]  }
0x39: {  	_ = 	snop;
	(pc) =	sbr.ind lr, $3  }
0x3a: {  	_ = 	snop  }
0x3b: {  	_ = 	snop  }
0x3c: {  	p2 =	seq.s32 s10, $0x1;
	s10 =	sld [smem:$0x3FB2]  }
0x3d: {  	_ =	shalt  }
0x3e: {  	_ =	shalt  }
0x3f: {  	_ =	shalt  }
0x40: {  	_ =	shalt  }
0x41: {  	_ =	shalt  }
0x42: {  	_ =	shalt  }
0x43: {  	_ =	shalt  }
0x44: {  	_ =	shalt  }
0x45: {  	_ =	shalt  }
0x46: {  	_ =	shalt  }
0x47: {  	_ =	shalt  }
0x48: {  	_ =	shalt  }
0x49: {  	_ =	shalt  }
0x4a: {  	_ =	shalt  }
0x4b: {  	_ =	shalt  }
0x4c: {  	_ =	shalt  }
0x4d: {  	_ =	shalt  }
0x4e: {  	_ =	shalt  }
0x4f: {  	_ =	shalt  }
0x50: {  	_ =	shalt  }
0x51: {  	_ =	shalt  }
0x52: {  	_ =	shalt  }
0x53: {  	_ =	shalt  }
0x54: {  	_ =	shalt  }
0x55: {  	_ =	shalt  }
0x56: {  	_ =	shalt  }
0x57: {  	_ =	shalt  }
0x58: {  	_ =	shalt  }
0x59: {  	_ =	shalt  }
0x5a: {  	_ =	shalt  }
0x5b: {  	_ =	shalt  }
0x5c: {  	_ =	shalt  }
0x5d: {  	_ =	shalt  }
0x5e: {  	_ =	shalt  }
0x5f: {  	_ =	shalt  }
0x60: {  	_ =	shalt  }
0x61: {  	_ =	shalt  }
0x62: {  	_ =	shalt  }
0x63: {  	_ =	shalt  }
0x64: {  	_ =	shalt  }
0x65: {  	_ =	shalt  }
0x66: {  	_ =	shalt  }
0x67: {  	_ =	shalt  }
0x68: {  	_ =	shalt  }
0x69: {  	_ =	shalt  }
0x6a: {  	_ =	shalt  }
0x6b: {  	_ =	shalt  }
0x6c: {  	_ =	shalt  }
0x6d: {  	_ =	shalt  }
0x6e: {  	_ =	shalt  }
0x6f: {  	_ =	shalt  }
0x70: {  	_ =	shalt  }
0x71: {  	_ =	shalt  }
0x72: {  	_ =	shalt  }
0x73: {  	_ =	shalt  }
0x74: {  	_ =	shalt  }
0x75: {  	_ =	shalt  }
0x76: {  	_ =	shalt  }
0x77: {  	_ =	shalt  }
0x78: {  	_ =	shalt  }
0x79: {  	_ =	shalt  }
0x7a: {  	_ =	shalt  }
0x7b: {  	_ =	shalt  }
0x7c: {  	_ =	shalt  }
0x7d: {  	_ =	shalt  }
0x7e: {  	_ =	shalt  }
0x7f: {  	_ =	shalt  }
0x80: {  	_ =	shalt  }
0x81: {  	_ =	shalt  }
0x82: {  	_ =	shalt  }
0x83: {  	_ =	shalt  }
0x84: {  	_ =	shalt  }
0x85: {  	_ =	shalt  }
0x86: {  	_ =	shalt  }
0x87: {  	_ =	shalt  }
.Lfunc_end0:
.L_simem_size_0:
called_computation.1_lowered:
.L_overlay_start_0:
0x88: {  	s2 =	sld [smem:$0x3FD9]  }
0x89: {  	s3 =	sld [smem:$0x3FFE];
	_ =	sdelay $0x1  }
0x8a: {  	s1 =	srdreg.scid  }
0x8b: {  	s0 =	sand.u32 $0x1, s1  }
0x8c: {  	s17 =	sshll.u32 s0, $0xA;
	s2 =	sadd.s32 s3, s2  }
0x8d: {  	s2 =	sadd.s32 s2, s17  }
0x8e: {  	[smem:$0x3FBE] =	sst s2  }
0x8f: {  	_ = 	snop  }
0x90: {  	s2 =	sld [smem:$0x3FD0];
	(tm) =	ssettm $0x1  }
0x91: {  	s18 =	sld [smem:$0x3FFB];
	_ =	sdelay $0x3  }
0x92: {  	_ =	strace s18  }
0x93: {  	s3 =	sld [smem:$0x3FFC];
	_ =	sdelay $0x3  }
0x94: {  	_ =	strace s3  }
0x95: {  	s3 =	sld [smem:$0x3FFD];
	_ =	sdelay $0x3  }
0x96: {  	_ =	strace s3  }
0x97: {  	_ =	strace $0x8FFFFFFF  }
0x98: {  	s19 =	sld [smem:$0x3FDB];
	_ =	sdelay $0x1  }
0x99: {  	s4 =	simm.s32 $_scs_section_size  }
0x9a: {  	s5 =	simm.s32 $_size__tile_overlayer_lowered;
	s6 =	simm.s32 $_tile_overlayer_lowered  }
0x9b: {  	s22 =	simm.s32 $0x1BFF;
	s21 =	sshll.u32 s6, $0x1;
	s3 =	sadd.s32 s4, s19  }
0x9c: {  	s7 =	simm.s32 $0x0;
	s20 =	sshll.u32 s5, $0x1;
	s5 =	sadd.s32 s21, s3  }
0x9d: {  	[timem:s7], [sflag:s22] =	dma.local [hbm:s5], s20  }
0x9e: {  	_ =	swait.ge [sflag:s22], s20  }
0x9f: {  	s4 =	ssub.s32 $0x0, s20;
	[sflag:s22] =	ssyncset.done $0x0  }
0xa0: {  	[sflag:s22] =	ssyncadd.s32 s4;
	_ =	sdelay $0x1  }
0xa1: {  	s23 =	simm.s32 $0x1B8B  }
0xa2: {  	_ =	swait.ge [sflag:s23], $0x1  }
0xa3: {  	[sflag:s23] =	ssyncset.done $0x0  }
0xa4: {  	s25 =	simm.s32 $0x1B8E;
	s24 =	sld [smem:$0x3FFE];
	[sflag:s23] =	ssyncadd.s32 $0xFFFFFFFF  }
0xa5: {  	s26 =	simm.s32 $execute0_lowered;
	[smem:$0x3FD2] =	sst s25  }
0xa6: {  	s5 =	sshll.u32 s26, $0x1;
	_ =	strace $0x80000049;
	[dreg:$0x1] =	wrdreg $0xFFFFFFFF  }
0xa7: {  	s28 =	simm.s32 $_size_execute0_lowered;
	s3 =	sadd.s32 s3, s5;
	[dreg:$0x0] =	wrdreg $0x0  }
0xa8: {  	s5 =	sshll.u32 s28, $0x1;
	[dreg:$0x2] =	wrdreg s3  }
0xa9: {  	[dreg:$0x3] =	wrdreg s5  }
0xaa: {  	[dreg:$0x4] =	wrdreg $0xC0  }
0xab: {  	_ =	task [dreg:s7], $0x5FFFF  }
0xac: {  	[dreg:$0x1] =	wrdreg $0xFFFFFFFF  }
0xad: {  	[dreg:$0x0] =	wrdreg $0x60  }
0xae: {  	[dreg:$0x2] =	wrdreg s24  }
0xaf: {  	[dreg:$0x3] =	wrdreg s2  }
0xb0: {  	[dreg:$0x4] =	wrdreg $0x82000  }
0xb1: {  	[dreg:$0x5] =	wrdreg $0x9  }
0xb2: {  	_ =	task.clear_ibuf [dreg:s7], $0x6FFFF;
	_ =	strace $0x90000049  }
0xb3: {  	s29 =	simm.s32 $0x9;
	_ =	strace $0x8000004B  }
0xb4: {  	_ =	swait.ge [sflag:s29], $0x1  }
0xb5: {  	[sflag:s29] =	ssyncadd.s32 $0xFFFFFFFF  }
0xb6: {  	_ =	strace $0x9000004B  }
0xb7: {  	_ =	sfence  }
0xb8: {  	s30 =	sld [smem:$0x0];
	_ =	sdelay $0x2  }
0xb9: {  	s31 =	sshll.u32 s1, $0xD;
	s1 =	sshrl.u32 s1, $0x2  }
0xba: {  	s3 =	sand.u32 $0x4000, s31;
	s1 =	sadd.s32 s1, s30  }
0xbb: {  	s0 =	sor.u32 s3, s0;
	s1 =	sshll.u32 s1, $0x11  }
0xbc: {  	s0 =	sor.u32 s1, s0  }
0xbd: {  	s0 =	sadd.s32 $0x8F2B, s0  }
0xbe: {  	[sflag:s0] =	ssyncadd.remote.s32 $0x1  }
0xbf: {  	_ =	sfence.sel $0xFFFF  }
0xc0: {  	[dreg:$0x0] =	wrdreg $0xFFFFFFFF;
	(pc) =	sbr.abs _section_cstart, $3  }
0xc1: {  	[dreg:$0x1] =	wrdreg $0xFFFFFFFF  }
0xc2: {  	_ =	task.clear_ibuf [dreg:s7], $0x2FFFF;
	_ =	strace $0x9FFFFFFF  }
0xc3: {  	(tm) =	ssettm $0x7FFFFFFF  }
tec
execute0_lowered:
.L_overlay_start_1:
0x0: {  	(tag) =	ssettag $0x1  }
0x1: {  	s0 =	rddreg [dreg:$0x0]  }
0x2: {  	s1 =	rddreg [dreg:$0x1]  }
0x3: {  	s2 =	rddreg [dreg:$0x2]  }
0x4: {  	s4 =	srdreg.scid;
	s11 =	stileid.u32  }
0x5: {  	s3 =	simm.s32 $0x0;
	s28 =	simm.s32 $0x100;
	s29 =	simm.s32 $0x80  }
0x6: {  	s30 =	simm.s32 $0x180;
	s31 =	simm.s32 $0x1;
	s6 =	smul.u32 $0x2780, s11  }
0x7: {  	s5 =	sand.u32 $0x1, s4;
	[smem:$0x7FF] =	sst s3;
	s8 =	smul.u32 $0x4F000, s11  }
0x8: {  	s4 =	sadd.s32 $0x1A600, s0;
	s9 =	sadd.s32 $0x10800, s0;
	s24 =	smul.u32 $0x1A00, s11  }
0x9: {  	s10 =	sadd.s32 $0x5800, s0;
	s7 =	smul.u32 $0x27800, s5;
	_ =	strace $0x8000004A  }
0xa: {  	[dreg:$0x6] =	wrdreg s10;
	s21 =	ssub.s32 $0x2, s5;
	p0 =	seq.s32 s5, $0x0  }
0xb: {  	s10 =	simm.s32 $0x6A;
	s22 =	sshrl.u32 s8, $0x2;
	s23 =	sshrl.u32 s21, $0x1  }
0xc: {  	s10 =	simm.s32 @!p0 $0x34;
	s6 =	sadd.s32 s6, s7;
	s7 =	ssub.s32 s21, s23  }
0xd: {  	s18 =	sshll.u32 s10, $0x4;
	s0 =	sadd.s32 s6, s0;
	s7 =	smax.u32 s7, $0x1  }
0xe: {  	s6 =	sadd.s32 s22, s2;
	s19 =	sadd.s32 $0xFFFFFFE0, s18;
	[dreg:$0x10] =	wrdreg s7  }
0xf: {  	s8 =	smul.u32 $0x3500, s11;
	s25 =	sadd.s32 $0x4000, s6;
	[dreg:$0x4] =	wrdreg s19  }
0x10: {  	s5 =	sadd.s32 $0x35000, s24;
	s26 =	sadd.s32 $0x8000, s6;
	[dreg:$0x7] =	wrdreg s25  }
0x11: {  	s11 =	simm.s32 $0x7;
	s12 =	sadd.s32 $0xC000, s6;
	[dreg:$0x8] =	wrdreg s26  }
0x12: {  	s5 =	smov.u32 @p0 s8;
	s13 =	sadd.s32 $0x10000, s6;
	[dreg:$0x9] =	wrdreg s12  }
0x13: {  	s5 =	sshrl.u32 s5, $0x3;
	s0 =	sadd.s32 $0x69600, s0;
	[dreg:$0xa] =	wrdreg s13  }
0x14: {  	s14 =	sadd.s32 s1, s5;
	s15 =	sadd.s32 s9, s5;
	s16 =	sor.u32 $0x10, s5  }
0x15: {  	[dreg:$0xf] =	wrdreg s0;
	s20 =	sadd.s32 $0x30, s5;
	s22 =	sadd.s32 $0x40, s5  }
0x16: {  	s24 =	sadd.s32 $0x50, s5;
	s5 =	sadd.s32 $0x20, s5;
	[dreg:$0xb] =	wrdreg s14  }
0x17: {  	s12 =	simm.s32 $0x8;
	s13 =	simm.s32 $0x0;
	[dreg:$0xc] =	wrdreg s15  }
0x18: {  	s17 =	sadd.s32 s1, s16;
	s8 =	sadd.s32 s9, s16;
	s21 =	sadd.s32 s20, s9  }
0x19: {  	s18 =	sadd.s32 s20, s1;
	s23 =	sadd.s32 s22, s9;
	s0 =	sadd.s32 s22, s1  }
0x1a: {  	s25 =	sadd.s32 s24, s1;
	s26 =	sadd.s32 s24, s9;
	[dreg:$0xd] =	wrdreg s17  }
0x1b: {  	s24 =	sadd.s32 s5, s1;
	s1 =	simm.s32 $0x4200;
	[dreg:$0xe] =	wrdreg s8  }
0x1c: {  	[dreg:$0x5] =	wrdreg s21;
	s7 =	sadd.s32 $0xFFFFFFE0, s23;
	s0 =	sadd.s32 $0xFFFFFFE0, s0  }
0x1d: {  	s21 =	sadd.s32 $0xFFFFFFE0, s25;
	s22 =	sadd.s32 $0xFFFFFFE0, s26;
	s23 =	sadd.s32 s5, s9  }
0x1e: {  	s25 =	simm.s32 $0x200;
	s26 =	simm.s32 $0x9;
	s5 =	simm.s32 $0x5  }
0x1f: {  	s8 =	simm.s32 $0x3;
	s9 =	simm.s32 $0x4;
	[dreg:$0x11] =	wrdreg s7  }
0x20: {  	[dreg:$0x12] =	wrdreg s0;
	s0 =	simm.s32 $0x2;
	s7 =	simm.s32 $0x6  }
.LBB2_1:
0x21: {  	s14 =	rddreg [dreg:$0x6]  }
0x22: {  	[tilespmem:s25], [sflag:$0x9] =	stream.linear.gather [hbm4b:s14+s3], $0x4000, $0x38;
	[tilespmem:$0x1BE00] =	vst v63  }
0x23: {  	_ =	swait.ge [sflag:s26], $0x4000  }
0x24: {  	[sflag:s26] =	ssyncset.done $0x0  }
0x25: {  	[sflag:s26] =	ssyncadd.s32 $0xFFFFC000  }
0x26: {  	[spmem:s6] =	stream.linear.scatter [tilespmem:s25], [sflag:$0x9], $0x4000, $0x38;
	[tilespmem:$0x1BE00] =	vst v63  }
0x27: {  	_ =	swait.ge [sflag:s26], $0x4000  }
0x28: {  	[sflag:s26] =	ssyncset.done $0x0  }
0x29: {  	s17 =	rddreg [dreg:$0x7];
	[sflag:s26] =	ssyncadd.s32 $0xFFFFC000  }
0x2a: {  	[spmem:s17] =	stream.linear.scatter [tilespmem:s25], [sflag:$0x9], $0x4000, $0x38;
	[tilespmem:$0x1BE00] =	vst v63  }
0x2b: {  	_ =	swait.ge [sflag:s26], $0x4000  }
0x2c: {  	[sflag:s26] =	ssyncset.done $0x0  }
0x2d: {  	s19 =	rddreg [dreg:$0x8];
	[sflag:s26] =	ssyncadd.s32 $0xFFFFC000  }
0x2e: {  	[spmem:s19] =	stream.linear.scatter [tilespmem:s25], [sflag:$0x9], $0x4000, $0x38;
	[tilespmem:$0x1BE00] =	vst v63  }
0x2f: {  	_ =	swait.ge [sflag:s26], $0x4000  }
0x30: {  	[sflag:s26] =	ssyncset.done $0x0  }
0x31: {  	s20 =	rddreg [dreg:$0x9];
	[sflag:s26] =	ssyncadd.s32 $0xFFFFC000  }
0x32: {  	[spmem:s20] =	stream.linear.scatter [tilespmem:s25], [sflag:$0x9], $0x4000, $0x38;
	[tilespmem:$0x1BE00] =	vst v63  }
0x33: {  	_ =	swait.ge [sflag:s26], $0x4000  }
0x34: {  	[sflag:s26] =	ssyncset.done $0x0  }
0x35: {  	s15 =	rddreg [dreg:$0xa];
	[sflag:s26] =	ssyncadd.s32 $0xFFFFC000  }
0x36: {  	[spmem:s15] =	stream.linear.scatter [tilespmem:s25], [sflag:$0x9], $0x3C00, $0x38;
	[tilespmem:$0x1BE00] =	vst v63  }
0x37: {  	_ =	swait.ge [sflag:s26], $0x3C00  }
0x38: {  	[sflag:s26] =	ssyncset.done $0x0  }
0x39: {  	[sflag:s26] =	ssyncadd.s32 $0xFFFFC400  }
0x3a: {  	[bflag:$0x0] =	sbarrier.arrive $0xFFFF  }
0x3b: {  	s16 =	rddreg [dreg:$0xb]  }
0x3c: {  	[tilespmem:s3], [sflag:$0x1] =	stream.linear.gather [hbm4b:s16+s3], $0x80, $0x38;
	[tilespmem:$0x1BE00] =	vst v63  }
0x3d: {  	s17 =	rddreg [dreg:$0xc]  }
0x3e: {  	[tilespmem:s28], [sflag:$0x3] =	stream.linear.gather [hbm4b:s17+s3], $0x80, $0x38;
	[tilespmem:$0x1BE00] =	vst v63  }
0x3f: {  	s19 =	rddreg [dreg:$0xd]  }
0x40: {  	[tilespmem:s29], [sflag:$0x2] =	stream.linear.gather [hbm4b:s19+s3], $0x80, $0x38;
	[tilespmem:$0x1BE00] =	vst v63  }
0x41: {  	s14 =	simm.s32 $0x0;
	s15 =	simm.s32 $0x2;
	s20 =	rddreg [dreg:$0xe]  }
0x42: {  	[tilespmem:s30], [sflag:$0x4] =	stream.linear.gather [hbm4b:s20+s3], $0x80, $0x38;
	[tilespmem:$0x1BE00] =	vst v63  }
.LBB2_2:
0x43: {  	_ =	swait.ge [sflag:s31], $0x80  }
0x44: {  	[sflag:s31] =	ssyncset.done $0x0  }
0x45: {  	[sflag:s31] =	ssyncadd.s32 $0xFFFFFF80  }
0x46: {  	_ =	swait.ge [sflag:s0], $0x80  }
0x47: {  	[sflag:s0] =	ssyncset.done $0x0  }
0x48: {  	[sflag:s0] =	ssyncadd.s32 $0xFFFFFF80  }
0x49: {  	[tilespmem:s25], [sflag:$0x5] =	stream.indirect.gather [hbm4b:s4+s29], $0x80, s3, s29, $0xb8;
	[tilespmem:$0x1BE00] =	vst v63  }
0x4a: {  	_ = 	snop  }
0x4b: {  	[tilespmem:s1], [sflag:$0x6] =	stream.indirect.gather [hbm4b:s4+s29], $0x80, s29, s29, $0xb8;
	[tilespmem:$0x1BE00] =	vst v63  }
0x4c: {  	_ =	swait.ge [sflag:s5], $0x4000  }
0x4d: {  	[sflag:s5] =	ssyncset.done $0x0  }
0x4e: {  	[sflag:s5] =	ssyncadd.s32 $0xFFFFC000  }
0x4f: {  	_ =	swait.ge [sflag:s7], $0x4000  }
0x50: {  	p0 =	sge.u32 s15, s10;
	[sflag:s7] =	ssyncset.done $0x0  }
0x51: {  	s16 =	sadd.s32 @!p0 s14, s24;
	s17 =	simm.s32 @!p0 $0x0;
	[sflag:s7] =	ssyncadd.s32 $0xFFFFC000  }
0x52: {  	[tilespmem:s17], [sflag:$0x1] =	stream.linear.gather @!p0 [hbm4b:s16+s17], $0x80, $0x38;
	[tilespmem:$0x1BE00] =	vst v63  }
0x53: {  	s19 =	simm.s32 @!p0 $0x80;
	s16 =	sadd.s32 @!p0 s14, s18  }
0x54: {  	[tilespmem:s19], [sflag:$0x2] =	stream.linear.gather @!p0 [hbm4b:s16+s17], $0x80, $0x38;
	[tilespmem:$0x1BE00] =	vst v63  }
0x55: {  	_ =	swait.ge [sflag:s8], $0x80  }
0x56: {  	[sflag:s8] =	ssyncset.done $0x0  }
0x57: {  	[sflag:s8] =	ssyncadd.s32 $0xFFFFFF80  }
0x58: {  	_ =	swait.ge [sflag:s9], $0x80  }
0x59: {  	[sflag:s9] =	ssyncset.done $0x0  }
0x5a: {  	[sflag:s9] =	ssyncadd.s32 $0xFFFFFF80  }
0x5b: {  	[spmem:s2] =	stream.indirect.scatter.add.f32 [tilespmem:s25], [sflag:$0x7], $0x80, s28, s29, $0xb8;
	[tilespmem:$0x1BE00] =	vst v63  }
0x5c: {  	_ = 	snop  }
0x5d: {  	[spmem:s2] =	stream.indirect.scatter.add.f32 [tilespmem:s1], [sflag:$0x8], $0x80, s30, s29, $0xb8;
	[tilespmem:$0x1BE00] =	vst v63  }
0x5e: {  	_ =	swait.ge [sflag:s11], $0x4000  }
0x5f: {  	[sflag:s11] =	ssyncset.done $0x0  }
0x60: {  	[sflag:s11] =	ssyncadd.s32 $0xFFFFC000  }
0x61: {  	_ =	swait.ge [sflag:s12], $0x4000  }
0x62: {  	s20 =	simm.s32 @!p0 $0x100;
	[sflag:s12] =	ssyncset.done $0x0;
	s16 =	rddreg [dreg:$0x5]  }
0x63: {  	s19 =	sadd.s32 @!p0 s14, s23;
	[sflag:s12] =	ssyncadd.s32 $0xFFFFC000;
	s16 =	sadd.s32 @!p0 s14, s16  }
0x64: {  	[tilespmem:s20], [sflag:$0x3] =	stream.linear.gather @!p0 [hbm4b:s19+s17], $0x80, $0x38;
	[tilespmem:$0x1BE00] =	vst v63  }
0x65: {  	s14 =	sadd.s32 $0x20, s14;
	s19 =	simm.s32 @!p0 $0x180;
	s20 =	rddreg [dreg:$0x4]  }
0x66: {  	[tilespmem:s19], [sflag:$0x4] =	stream.linear.gather @!p0 [hbm4b:s16+s17], $0x80, $0x38;
	[tilespmem:$0x1BE00] =	vst v63  }
0x67: {  	p0 =	sne.s32 s20, s14  }
.Ltmp0:
0x68: {  	_ = 	snop;
	(pc) =	sbr.rel @p0 .LBB2_2-.Ltmp0, $2  }
0x69: {  	_ =	sdelay $0x2  }
0x6a: {  	s15 =	sadd.s32 $0x2, s15  }
0x6b: {  	_ =	swait.ge [sflag:s31], $0x80  }
0x6c: {  	[sflag:s31] =	ssyncset.done $0x0  }
0x6d: {  	[sflag:s31] =	ssyncadd.s32 $0xFFFFFF80  }
0x6e: {  	_ =	swait.ge [sflag:s0], $0x80  }
0x6f: {  	[sflag:s0] =	ssyncset.done $0x0  }
0x70: {  	[sflag:s0] =	ssyncadd.s32 $0xFFFFFF80  }
0x71: {  	[tilespmem:s25], [sflag:$0x5] =	stream.indirect.gather [hbm4b:s4+s29], $0x80, s3, s29, $0xb8;
	[tilespmem:$0x1BE00] =	vst v63  }
0x72: {  	_ = 	snop  }
0x73: {  	[tilespmem:s1], [sflag:$0x6] =	stream.indirect.gather [hbm4b:s4+s29], $0x80, s29, s29, $0xb8;
	[tilespmem:$0x1BE00] =	vst v63  }
0x74: {  	_ =	swait.ge [sflag:s5], $0x4000  }
0x75: {  	[sflag:s5] =	ssyncset.done $0x0  }
0x76: {  	[sflag:s5] =	ssyncadd.s32 $0xFFFFC000  }
0x77: {  	_ =	swait.ge [sflag:s7], $0x4000  }
0x78: {  	p0 =	sge.u32 s15, s10;
	[sflag:s7] =	ssyncset.done $0x0;
	s15 =	rddreg [dreg:$0x12]  }
0x79: {  	s16 =	simm.s32 @!p0 $0x0;
	[sflag:s7] =	ssyncadd.s32 $0xFFFFC000;
	s15 =	sadd.s32 @!p0 s14, s15  }
0x7a: {  	[tilespmem:s16], [sflag:$0x1] =	stream.linear.gather @!p0 [hbm4b:s15+s16], $0x80, $0x38;
	[tilespmem:$0x1BE00] =	vst v63  }
0x7b: {  	s17 =	simm.s32 @!p0 $0x80;
	s15 =	sadd.s32 @!p0 s14, s21  }
0x7c: {  	[tilespmem:s17], [sflag:$0x2] =	stream.linear.gather @!p0 [hbm4b:s15+s16], $0x80, $0x38;
	[tilespmem:$0x1BE00] =	vst v63  }
0x7d: {  	_ =	swait.ge [sflag:s8], $0x80  }
0x7e: {  	[sflag:s8] =	ssyncset.done $0x0  }
0x7f: {  	[sflag:s8] =	ssyncadd.s32 $0xFFFFFF80  }
0x80: {  	_ =	swait.ge [sflag:s9], $0x80  }
0x81: {  	[sflag:s9] =	ssyncset.done $0x0  }
0x82: {  	[sflag:s9] =	ssyncadd.s32 $0xFFFFFF80  }
0x83: {  	[spmem:s2] =	stream.indirect.scatter.add.f32 [tilespmem:s25], [sflag:$0x7], $0x80, s28, s29, $0xb8;
	[tilespmem:$0x1BE00] =	vst v63  }
0x84: {  	_ = 	snop  }
0x85: {  	[spmem:s2] =	stream.indirect.scatter.add.f32 [tilespmem:s1], [sflag:$0x8], $0x80, s30, s29, $0xb8;
	[tilespmem:$0x1BE00] =	vst v63  }
0x86: {  	_ =	swait.ge [sflag:s11], $0x4000  }
0x87: {  	[sflag:s11] =	ssyncset.done $0x0  }
0x88: {  	[sflag:s11] =	ssyncadd.s32 $0xFFFFC000  }
0x89: {  	_ =	swait.ge [sflag:s12], $0x4000  }
0x8a: {  	[sflag:s12] =	ssyncset.done $0x0;
	s15 =	rddreg [dreg:$0x11]  }
0x8b: {  	s17 =	simm.s32 @!p0 $0x100;
	[sflag:s12] =	ssyncadd.s32 $0xFFFFC000;
	s15 =	sadd.s32 @!p0 s14, s15  }
0x8c: {  	[tilespmem:s17], [sflag:$0x3] =	stream.linear.gather @!p0 [hbm4b:s15+s16], $0x80, $0x38;
	[tilespmem:$0x1BE00] =	vst v63  }
0x8d: {  	s14 =	sadd.s32 @!p0 s14, s22;
	s15 =	simm.s32 @!p0 $0x180  }
0x8e: {  	[tilespmem:s15], [sflag:$0x4] =	stream.linear.gather @!p0 [hbm4b:s14+s16], $0x80, $0x38;
	[tilespmem:$0x1BE00] =	vst v63  }
0x8f: {  	s16 =	stileid.u32  }
0x90: {  	s14 =	sshll.u32 s16, $0x6;
	[bflag:$0x0] =	sbarrier.arrive $0xFFFF  }
0x91: {  	s17 =	sshrl.u32 s6, $0x3;
	s14 =	sor.u32 $0x1C09, s14;
	s19 =	rddreg [dreg:$0xf]  }
0x92: {  	[hbm:s19], [sflag:s14] =	dma.local [spmem:s17], $0x2780  }
0x93: {  	_ =	swait.ge [sflag:s26], $0x2780  }
0x94: {  	s13 =	sadd.s32 $0x1, s13;
	s20 =	rddreg [dreg:$0x10]  }
0x95: {  	p0 =	sne.s32 s13, s20  }
.Ltmp1:
0x96: {  	_ = 	snop;
	(pc) =	sbr.rel @p0 .LBB2_1-.Ltmp1, $3  }
0x97: {  	_ =	sdelay $0x1  }
0x98: {  	[sflag:s26] =	ssyncset.done $0x0  }
0x99: {  	[sflag:s26] =	ssyncadd.s32 $0xFFFFD880  }
0x9a: {  	_ =	sfence.sel $0x180000  }
0x9b: {  	[bflag:$0x0] =	sbarrier.arrive $0xFFFF  }
0x9c: {  	_ =	strace $0x9000004A  }
0x9d: {  	s0 =	stileid.u32;
	[bflag:$0x2] =	sbarrier.arrive $0xFFFF  }
0x9e: {  	p0 =	sne.s32 s0, $0x0;
	s0 =	rddreg [dreg:$0x3]  }
0x9f: {  	s0 =	sadd.s32 @!p0 $0x100000, s0  }
0xa0: {  	[sflag:s0] =	ssyncadd.tile.s32 @!p0 $0x1;
	_ =	shalt  }
.Lfunc_end2:
_tile_overlayer_lowered:
.L_overlay_start_2:
0xa1: {  	(tag) =	ssettag $0x2  }
0xa2: {  	s0 =	rddreg [dreg:$0x0];
	s2 =	stileid.u32  }
0xa3: {  	s1 =	rddreg [dreg:$0x1];
	p0 =	sne.s32 s2, $0x0  }
0xa4: {  	s3 =	rddreg [dreg:$0x2];
	[bflag:$0x3] =	sbarrier.arrive $0xFFFF;
	s2 =	simm.s32 @!p0 $0x1C09  }
0xa5: {  	[timem:s3], [sflag:s2] =	dma.local @!p0 [hbm:s0], s1  }
0xa6: {  	s0 =	simm.s32 @!p0 $0x9  }
0xa7: {  	_ =	swait.ge @!p0 [sflag:s0], s1  }
0xa8: {  	s1 =	ssub.s32 @!p0 $0x0, s1;
	[sflag:s0] =	ssyncset.done @!p0 $0x0  }
0xa9: {  	[sflag:s0] =	ssyncadd.s32 @!p0 s1  }
0xaa: {  	[bflag:$0x3] =	sbarrier.arrive $0xFFFF  }
0xab: {  	_ =	shalt  }

// kernel: kernel.18.cloned.1.call-start
scs
__scs_entry_jumppad:
0x0: {  	(pc) =	sbr.rel $0x88, $3  }
0x1: {  	(tag) =	ssettag $0x0;
	lr =	simm.s32 $0x1  }
0x2: {  	[smem:$0x3F97] =	sst lr;
	_ =	strace $0xD0000000  }
0x3: {  	_ = 	snop  }
0x4: {  	_ = 	snop  }
0x5: {  	_ = 	snop  }
0x6: {  	_ = 	snop  }
0x7: {  	_ = 	snop  }
__scs_overlays_trampoline_lowered:
0x8: {  	[smem:$0x3FA6] =	sst s0  }
0x9: {  	[smem:$0x3FA7] =	sst s1  }
0xa: {  	[smem:$0x3FA8] =	sst s2  }
0xb: {  	[smem:$0x3FA9] =	sst s3  }
0xc: {  	[smem:$0x3FAA] =	sst s4  }
0xd: {  	[smem:$0x3FAB] =	sst s5  }
0xe: {  	[smem:$0x3FAC] =	sst s6  }
0xf: {  	[smem:$0x3FAD] =	sst s7  }
0x10: {  	[smem:$0x3FAE] =	sst s8  }
0x11: {  	[smem:$0x3FAF] =	sst s9;
	s0 =	simm.s32 @!p0 $0x0  }
0x12: {  	s1 =	sld [smem:$0x3F95];
	s0 =	simm.s32 @p0 $0x1  }
0x13: {  	[smem:$0x3FB0] =	sst s0;
	s0 =	simm.s32 @!p1 $0x0  }
0x14: {  	s2 =	sld [smem:$0x3F94];
	s0 =	simm.s32 @p1 $0x1  }
0x15: {  	[smem:$0x3FB1] =	sst s0;
	s0 =	simm.s32 @!p2 $0x0  }
0x16: {  	s3 =	sld [smem:$0x3FDB];
	s0 =	simm.s32 @p2 $0x1  }
0x17: {  	s4 =	simm.s32 $0x1BF5;
	[smem:$0x3FB3] =	sst s0  }
0x18: {  	s0 =	sld [smem:$0x3F96];
	_ =	swait.ge [sflag:s4], $0x0  }
0x19: {  	s7 =	sld [smem:$0x3F97]  }
0x1a: {  	s8 =	sadd.s32 $0xFFFFE003, lr  }
0x1b: {  	s9 =	sadd.s32 $0xFFFFFEF7, lr;
	s5 =	simm.s32 $0xFFFFFFFF;
	p2 =	slt.u32 s8, $0xFFFFF086  }
0x1c: {  	p1 =	slt.u32 s9, $0xF7A;
	s5 =	simm.s32 @!p2 $0x0  }
0x1d: {  	s5 =	simm.s32 @p1 $0x1;
	p0 =	seq.s32 s7, s2  }
0x1e: {  	s7 =	smul.u32 @!p0 $0xF7A, s2;
	p2 =	seq.s32 @!p0 s5, $0x0  }
0x1f: {  	s9 =	smul.u32 $0xF7A, s1;
	s8 =	simm.s32 @!p0 $0x1BF5;
	p2 =	por !p2, p0  }
0x20: {  	[sflag:s8] =	ssyncset.s32 @!p0 $0xFFFFF086;
	s6 =	sadd.s32 @!p0 s3, s7;
	s7 =	simm.s32 @!p0 $0x108  }
0x21: {  	s3 =	sadd.s32 s3, s9;
	s6 =	sadd.s32 @!p0 $0x88, s6;
	s7 =	simm.s32 @p2 $0x1082  }
0x22: {  	[simem:s7], [sflag:s8] =	dma.local @!p0 [hbm:s6], $0xF7A  }
0x23: {  	s9 =	sor.u32 $0xD0000000, s2;
	s6 =	simm.s32 $0x108;
	_ =	swait.ge @!p0 [sflag:s8], $0x0  }
0x24: {  	s3 =	sadd.s32 $0x88, s3;
	s6 =	simm.s32 @!p1 $0x1082;
	[sflag:s4] =	ssyncset.s32 $0xFFFFF086  }
0x25: {  	[simem:s6], [sflag:s4] =	dma.local [hbm:s3], $0xF7A  }
0x26: {  	[smem:$0x3F97] =	sst s1;
	(tag) =	ssettag s2;
	_ =	strace s9  }
0x27: {  	s1 =	sld [smem:$0x3FA7]  }
0x28: {  	s2 =	sld [smem:$0x3FA8]  }
0x29: {  	s4 =	sld [smem:$0x3FAA]  }
0x2a: {  	p0 =	seq.s32 s5, $0x0;
	s5 =	sld [smem:$0x3FAB]  }
0x2b: {  	s6 =	sld [smem:$0x3FAC]  }
0x2c: {  	s7 =	sld [smem:$0x3FAD]  }
0x2d: {  	s3 =	simm.s32 $0x108;
	s8 =	sld [smem:$0x3FAE]  }
0x2e: {  	s3 =	simm.s32 @!p0 $0x1082;
	s9 =	sld [smem:$0x3FAF]  }
0x2f: {  	lr =	sadd.s32 s0, s3;
	s0 =	sld [smem:$0x3FA6]  }
0x30: {  	s3 =	sld [smem:$0x3FA9]  }
0x31: {  	[smem:$0x3FB2] =	sst s10  }
0x32: {  	s10 =	sld [smem:$0x3FB0];
	_ =	sdelay $0x3  }
0x33: {  	p0 =	seq.s32 s10, $0x1;
	s10 =	sld [smem:$0x3FB2];
	_ =	sdelay $0x3  }
0x34: {  	[smem:$0x3FB2] =	sst s10  }
0x35: {  	s10 =	sld [smem:$0x3FB1];
	_ =	sdelay $0x3  }
0x36: {  	p1 =	seq.s32 s10, $0x1;
	s10 =	sld [smem:$0x3FB2];
	_ =	sdelay $0x3  }
0x37: {  	[smem:$0x3FB2] =	sst s10  }
0x38: {  	s10 =	sld [smem:$0x3FB3]  }
0x39: {  	_ = 	snop;
	(pc) =	sbr.ind lr, $3  }
0x3a: {  	_ = 	snop  }
0x3b: {  	_ = 	snop  }
0x3c: {  	p2 =	seq.s32 s10, $0x1;
	s10 =	sld [smem:$0x3FB2]  }
0x3d: {  	_ =	shalt  }
0x3e: {  	_ =	shalt  }
0x3f: {  	_ =	shalt  }
0x40: {  	_ =	shalt  }
0x41: {  	_ =	shalt  }
0x42: {  	_ =	shalt  }
0x43: {  	_ =	shalt  }
0x44: {  	_ =	shalt  }
0x45: {  	_ =	shalt  }
0x46: {  	_ =	shalt  }
0x47: {  	_ =	shalt  }
0x48: {  	_ =	shalt  }
0x49: {  	_ =	shalt  }
0x4a: {  	_ =	shalt  }
0x4b: {  	_ =	shalt  }
0x4c: {  	_ =	shalt  }
0x4d: {  	_ =	shalt  }
0x4e: {  	_ =	shalt  }
0x4f: {  	_ =	shalt  }
0x50: {  	_ =	shalt  }
0x51: {  	_ =	shalt  }
0x52: {  	_ =	shalt  }
0x53: {  	_ =	shalt  }
0x54: {  	_ =	shalt  }
0x55: {  	_ =	shalt  }
0x56: {  	_ =	shalt  }
0x57: {  	_ =	shalt  }
0x58: {  	_ =	shalt  }
0x59: {  	_ =	shalt  }
0x5a: {  	_ =	shalt  }
0x5b: {  	_ =	shalt  }
0x5c: {  	_ =	shalt  }
0x5d: {  	_ =	shalt  }
0x5e: {  	_ =	shalt  }
0x5f: {  	_ =	shalt  }
0x60: {  	_ =	shalt  }
0x61: {  	_ =	shalt  }
0x62: {  	_ =	shalt  }
0x63: {  	_ =	shalt  }
0x64: {  	_ =	shalt  }
0x65: {  	_ =	shalt  }
0x66: {  	_ =	shalt  }
0x67: {  	_ =	shalt  }
0x68: {  	_ =	shalt  }
0x69: {  	_ =	shalt  }
0x6a: {  	_ =	shalt  }
0x6b: {  	_ =	shalt  }
0x6c: {  	_ =	shalt  }
0x6d: {  	_ =	shalt  }
0x6e: {  	_ =	shalt  }
0x6f: {  	_ =	shalt  }
0x70: {  	_ =	shalt  }
0x71: {  	_ =	shalt  }
0x72: {  	_ =	shalt  }
0x73: {  	_ =	shalt  }
0x74: {  	_ =	shalt  }
0x75: {  	_ =	shalt  }
0x76: {  	_ =	shalt  }
0x77: {  	_ =	shalt  }
0x78: {  	_ =	shalt  }
0x79: {  	_ =	shalt  }
0x7a: {  	_ =	shalt  }
0x7b: {  	_ =	shalt  }
0x7c: {  	_ =	shalt  }
0x7d: {  	_ =	shalt  }
0x7e: {  	_ =	shalt  }
0x7f: {  	_ =	shalt  }
0x80: {  	_ =	shalt  }
0x81: {  	_ =	shalt  }
0x82: {  	_ =	shalt  }
0x83: {  	_ =	shalt  }
0x84: {  	_ =	shalt  }
0x85: {  	_ =	shalt  }
0x86: {  	_ =	shalt  }
0x87: {  	_ =	shalt  }
.Lfunc_end0:
.L_simem_size_0:
called_computation.2_lowered:
.L_overlay_start_0:
0x88: {  	s2 =	sld [smem:$0x3FD9]  }
0x89: {  	s3 =	sld [smem:$0x3FFE];
	_ =	sdelay $0x1  }
0x8a: {  	s1 =	srdreg.scid  }
0x8b: {  	s0 =	sand.u32 $0x1, s1  }
0x8c: {  	s17 =	sshll.u32 s0, $0xA;
	s2 =	sadd.s32 s3, s2  }
0x8d: {  	s2 =	sadd.s32 s2, s17  }
0x8e: {  	[smem:$0x3FBE] =	sst s2  }
0x8f: {  	_ = 	snop  }
0x90: {  	s2 =	sld [smem:$0x3FD0];
	(tm) =	ssettm $0x1  }
0x91: {  	s18 =	sld [smem:$0x3FFB];
	_ =	sdelay $0x3  }
0x92: {  	_ =	strace s18  }
0x93: {  	s3 =	sld [smem:$0x3FFC];
	_ =	sdelay $0x3  }
0x94: {  	_ =	strace s3  }
0x95: {  	s3 =	sld [smem:$0x3FFD];
	_ =	sdelay $0x3  }
0x96: {  	_ =	strace s3  }
0x97: {  	_ =	strace $0x8FFFFFFF  }
0x98: {  	s19 =	sld [smem:$0x3FDB];
	_ =	sdelay $0x1  }
0x99: {  	s4 =	simm.s32 $_scs_section_size  }
0x9a: {  	s5 =	simm.s32 $_size__tile_overlayer_lowered;
	s6 =	simm.s32 $_tile_overlayer_lowered  }
0x9b: {  	s22 =	simm.s32 $0x1BFF;
	s21 =	sshll.u32 s6, $0x1;
	s3 =	sadd.s32 s4, s19  }
0x9c: {  	s7 =	simm.s32 $0x0;
	s20 =	sshll.u32 s5, $0x1;
	s5 =	sadd.s32 s21, s3  }
0x9d: {  	[timem:s7], [sflag:s22] =	dma.local [hbm:s5], s20  }
0x9e: {  	_ =	swait.ge [sflag:s22], s20  }
0x9f: {  	s4 =	ssub.s32 $0x0, s20;
	[sflag:s22] =	ssyncset.done $0x0  }
0xa0: {  	[sflag:s22] =	ssyncadd.s32 s4;
	_ =	sdelay $0x1  }
0xa1: {  	s23 =	simm.s32 $0x1B8B  }
0xa2: {  	_ =	swait.ge [sflag:s23], $0x1  }
0xa3: {  	[sflag:s23] =	ssyncset.done $0x0  }
0xa4: {  	s25 =	simm.s32 $0x1B8E;
	s24 =	sld [smem:$0x3FFE];
	[sflag:s23] =	ssyncadd.s32 $0xFFFFFFFF  }
0xa5: {  	s26 =	simm.s32 $execute0_lowered;
	[smem:$0x3FD2] =	sst s25  }
0xa6: {  	s5 =	sshll.u32 s26, $0x1;
	_ =	strace $0x8000004C;
	[dreg:$0x1] =	wrdreg $0xFFFFFFFF  }
0xa7: {  	s28 =	simm.s32 $_size_execute0_lowered;
	s3 =	sadd.s32 s3, s5;
	[dreg:$0x0] =	wrdreg $0x0  }
0xa8: {  	s5 =	sshll.u32 s28, $0x1;
	[dreg:$0x2] =	wrdreg s3  }
0xa9: {  	[dreg:$0x3] =	wrdreg s5  }
0xaa: {  	[dreg:$0x4] =	wrdreg $0xC0  }
0xab: {  	_ =	task [dreg:s7], $0x5FFFF  }
0xac: {  	[dreg:$0x1] =	wrdreg $0xFFFFFFFF  }
0xad: {  	[dreg:$0x0] =	wrdreg $0x60  }
0xae: {  	[dreg:$0x2] =	wrdreg s24  }
0xaf: {  	[dreg:$0x3] =	wrdreg s2  }
0xb0: {  	[dreg:$0x4] =	wrdreg $0x82000  }
0xb1: {  	[dreg:$0x5] =	wrdreg $0x9  }
0xb2: {  	_ =	task.clear_ibuf [dreg:s7], $0x6FFFF;
	_ =	strace $0x9000004C  }
0xb3: {  	s29 =	simm.s32 $0x9;
	_ =	strace $0x8000004E  }
0xb4: {  	_ =	swait.ge [sflag:s29], $0x1  }
0xb5: {  	[sflag:s29] =	ssyncadd.s32 $0xFFFFFFFF  }
0xb6: {  	_ =	strace $0x9000004E  }
0xb7: {  	_ =	sfence  }
0xb8: {  	s30 =	sld [smem:$0x0];
	_ =	sdelay $0x2  }
0xb9: {  	s31 =	sshll.u32 s1, $0xD;
	s1 =	sshrl.u32 s1, $0x2  }
0xba: {  	s3 =	sand.u32 $0x4000, s31;
	s1 =	sadd.s32 s1, s30  }
0xbb: {  	s0 =	sor.u32 s3, s0;
	s1 =	sshll.u32 s1, $0x11  }
0xbc: {  	s0 =	sor.u32 s1, s0  }
0xbd: {  	s0 =	sadd.s32 $0x8F2B, s0  }
0xbe: {  	[sflag:s0] =	ssyncadd.remote.s32 $0x1  }
0xbf: {  	_ =	sfence.sel $0xFFFF  }
0xc0: {  	[dreg:$0x0] =	wrdreg $0xFFFFFFFF;
	(pc) =	sbr.abs _section_cstart, $3  }
0xc1: {  	[dreg:$0x1] =	wrdreg $0xFFFFFFFF  }
0xc2: {  	_ =	task.clear_ibuf [dreg:s7], $0x2FFFF;
	_ =	strace $0x9FFFFFFF  }
0xc3: {  	(tm) =	ssettm $0x7FFFFFFF  }
tec
execute0_lowered:
.L_overlay_start_1:
0x0: {  	(tag) =	ssettag $0x1  }
0x1: {  	s0 =	rddreg [dreg:$0x0]  }
0x2: {  	s1 =	rddreg [dreg:$0x1]  }
0x3: {  	s2 =	rddreg [dreg:$0x2]  }
0x4: {  	s4 =	srdreg.scid;
	s11 =	stileid.u32  }
0x5: {  	s3 =	simm.s32 $0x0;
	s28 =	simm.s32 $0x100;
	s29 =	simm.s32 $0x80  }
0x6: {  	s30 =	simm.s32 $0x180;
	s31 =	simm.s32 $0x1;
	s6 =	smul.u32 $0x2780, s11  }
0x7: {  	s5 =	sand.u32 $0x1, s4;
	[smem:$0x7FF] =	sst s3;
	s8 =	smul.u32 $0x4F000, s11  }
0x8: {  	s4 =	sadd.s32 $0x1A600, s0;
	s9 =	sadd.s32 $0x10800, s0;
	s24 =	smul.u32 $0x1A00, s11  }
0x9: {  	s10 =	sadd.s32 $0x5800, s0;
	s7 =	smul.u32 $0x27800, s5;
	_ =	strace $0x8000004D  }
0xa: {  	[dreg:$0x6] =	wrdreg s10;
	s21 =	ssub.s32 $0x2, s5;
	p0 =	seq.s32 s5, $0x0  }
0xb: {  	s10 =	simm.s32 $0x6A;
	s22 =	sshrl.u32 s8, $0x2;
	s23 =	sshrl.u32 s21, $0x1  }
0xc: {  	s10 =	simm.s32 @!p0 $0x34;
	s6 =	sadd.s32 s6, s7;
	s7 =	ssub.s32 s21, s23  }
0xd: {  	s18 =	sshll.u32 s10, $0x4;
	s0 =	sadd.s32 s6, s0;
	s7 =	smax.u32 s7, $0x1  }
0xe: {  	s6 =	sadd.s32 s22, s2;
	s19 =	sadd.s32 $0xFFFFFFE0, s18;
	[dreg:$0x10] =	wrdreg s7  }
0xf: {  	s8 =	smul.u32 $0x3500, s11;
	s25 =	sadd.s32 $0x4000, s6;
	[dreg:$0x4] =	wrdreg s19  }
0x10: {  	s5 =	sadd.s32 $0x35000, s24;
	s26 =	sadd.s32 $0x8000, s6;
	[dreg:$0x7] =	wrdreg s25  }
0x11: {  	s11 =	simm.s32 $0x7;
	s12 =	sadd.s32 $0xC000, s6;
	[dreg:$0x8] =	wrdreg s26  }
0x12: {  	s5 =	smov.u32 @p0 s8;
	s13 =	sadd.s32 $0x10000, s6;
	[dreg:$0x9] =	wrdreg s12  }
0x13: {  	s5 =	sshrl.u32 s5, $0x3;
	s0 =	sadd.s32 $0x69600, s0;
	[dreg:$0xa] =	wrdreg s13  }
0x14: {  	s14 =	sadd.s32 s1, s5;
	s15 =	sadd.s32 s9, s5;
	s16 =	sor.u32 $0x10, s5  }
0x15: {  	[dreg:$0xf] =	wrdreg s0;
	s20 =	sadd.s32 $0x30, s5;
	s22 =	sadd.s32 $0x40, s5  }
0x16: {  	s24 =	sadd.s32 $0x50, s5;
	s5 =	sadd.s32 $0x20, s5;
	[dreg:$0xb] =	wrdreg s14  }
0x17: {  	s12 =	simm.s32 $0x8;
	s13 =	simm.s32 $0x0;
	[dreg:$0xc] =	wrdreg s15  }
0x18: {  	s17 =	sadd.s32 s1, s16;
	s8 =	sadd.s32 s9, s16;
	s21 =	sadd.s32 s20, s9  }
0x19: {  	s18 =	sadd.s32 s20, s1;
	s23 =	sadd.s32 s22, s9;
	s0 =	sadd.s32 s22, s1  }
0x1a: {  	s25 =	sadd.s32 s24, s1;
	s26 =	sadd.s32 s24, s9;
	[dreg:$0xd] =	wrdreg s17  }
0x1b: {  	s24 =	sadd.s32 s5, s1;
	s1 =	simm.s32 $0x4200;
	[dreg:$0xe] =	wrdreg s8  }
0x1c: {  	[dreg:$0x5] =	wrdreg s21;
	s7 =	sadd.s32 $0xFFFFFFE0, s23;
	s0 =	sadd.s32 $0xFFFFFFE0, s0  }
0x1d: {  	s21 =	sadd.s32 $0xFFFFFFE0, s25;
	s22 =	sadd.s32 $0xFFFFFFE0, s26;
	s23 =	sadd.s32 s5, s9  }
0x1e: {  	s25 =	simm.s32 $0x200;
	s26 =	simm.s32 $0x9;
	s5 =	simm.s32 $0x5  }
0x1f: {  	s8 =	simm.s32 $0x3;
	s9 =	simm.s32 $0x4;
	[dreg:$0x11] =	wrdreg s7  }
0x20: {  	[dreg:$0x12] =	wrdreg s0;
	s0 =	simm.s32 $0x2;
	s7 =	simm.s32 $0x6  }
.LBB2_1:
0x21: {  	s14 =	rddreg [dreg:$0x6]  }
0x22: {  	[tilespmem:s25], [sflag:$0x9] =	stream.linear.gather [hbm4b:s14+s3], $0x4000, $0x38;
	[tilespmem:$0x1BE00] =	vst v63  }
0x23: {  	_ =	swait.ge [sflag:s26], $0x4000  }
0x24: {  	[sflag:s26] =	ssyncset.done $0x0  }
0x25: {  	[sflag:s26] =	ssyncadd.s32 $0xFFFFC000  }
0x26: {  	[spmem:s6] =	stream.linear.scatter [tilespmem:s25], [sflag:$0x9], $0x4000, $0x38;
	[tilespmem:$0x1BE00] =	vst v63  }
0x27: {  	_ =	swait.ge [sflag:s26], $0x4000  }
0x28: {  	[sflag:s26] =	ssyncset.done $0x0  }
0x29: {  	s17 =	rddreg [dreg:$0x7];
	[sflag:s26] =	ssyncadd.s32 $0xFFFFC000  }
0x2a: {  	[spmem:s17] =	stream.linear.scatter [tilespmem:s25], [sflag:$0x9], $0x4000, $0x38;
	[tilespmem:$0x1BE00] =	vst v63  }
0x2b: {  	_ =	swait.ge [sflag:s26], $0x4000  }
0x2c: {  	[sflag:s26] =	ssyncset.done $0x0  }
0x2d: {  	s19 =	rddreg [dreg:$0x8];
	[sflag:s26] =	ssyncadd.s32 $0xFFFFC000  }
0x2e: {  	[spmem:s19] =	stream.linear.scatter [tilespmem:s25], [sflag:$0x9], $0x4000, $0x38;
	[tilespmem:$0x1BE00] =	vst v63  }
0x2f: {  	_ =	swait.ge [sflag:s26], $0x4000  }
0x30: {  	[sflag:s26] =	ssyncset.done $0x0  }
0x31: {  	s20 =	rddreg [dreg:$0x9];
	[sflag:s26] =	ssyncadd.s32 $0xFFFFC000  }
0x32: {  	[spmem:s20] =	stream.linear.scatter [tilespmem:s25], [sflag:$0x9], $0x4000, $0x38;
	[tilespmem:$0x1BE00] =	vst v63  }
0x33: {  	_ =	swait.ge [sflag:s26], $0x4000  }
0x34: {  	[sflag:s26] =	ssyncset.done $0x0  }
0x35: {  	s15 =	rddreg [dreg:$0xa];
	[sflag:s26] =	ssyncadd.s32 $0xFFFFC000  }
0x36: {  	[spmem:s15] =	stream.linear.scatter [tilespmem:s25], [sflag:$0x9], $0x3C00, $0x38;
	[tilespmem:$0x1BE00] =	vst v63  }
0x37: {  	_ =	swait.ge [sflag:s26], $0x3C00  }
0x38: {  	[sflag:s26] =	ssyncset.done $0x0  }
0x39: {  	[sflag:s26] =	ssyncadd.s32 $0xFFFFC400  }
0x3a: {  	[bflag:$0x0] =	sbarrier.arrive $0xFFFF  }
0x3b: {  	s16 =	rddreg [dreg:$0xb]  }
0x3c: {  	[tilespmem:s3], [sflag:$0x1] =	stream.linear.gather [hbm4b:s16+s3], $0x80, $0x38;
	[tilespmem:$0x1BE00] =	vst v63  }
0x3d: {  	s17 =	rddreg [dreg:$0xc]  }
0x3e: {  	[tilespmem:s28], [sflag:$0x3] =	stream.linear.gather [hbm4b:s17+s3], $0x80, $0x38;
	[tilespmem:$0x1BE00] =	vst v63  }
0x3f: {  	s19 =	rddreg [dreg:$0xd]  }
0x40: {  	[tilespmem:s29], [sflag:$0x2] =	stream.linear.gather [hbm4b:s19+s3], $0x80, $0x38;
	[tilespmem:$0x1BE00] =	vst v63  }
0x41: {  	s14 =	simm.s32 $0x0;
	s15 =	simm.s32 $0x2;
	s20 =	rddreg [dreg:$0xe]  }
0x42: {  	[tilespmem:s30], [sflag:$0x4] =	stream.linear.gather [hbm4b:s20+s3], $0x80, $0x38;
	[tilespmem:$0x1BE00] =	vst v63  }
.LBB2_2:
0x43: {  	_ =	swait.ge [sflag:s31], $0x80  }
0x44: {  	[sflag:s31] =	ssyncset.done $0x0  }
0x45: {  	[sflag:s31] =	ssyncadd.s32 $0xFFFFFF80  }
0x46: {  	_ =	swait.ge [sflag:s0], $0x80  }
0x47: {  	[sflag:s0] =	ssyncset.done $0x0  }
0x48: {  	[sflag:s0] =	ssyncadd.s32 $0xFFFFFF80  }
0x49: {  	[tilespmem:s25], [sflag:$0x5] =	stream.indirect.gather [hbm4b:s4+s29], $0x80, s3, s29, $0xb8;
	[tilespmem:$0x1BE00] =	vst v63  }
0x4a: {  	_ = 	snop  }
0x4b: {  	[tilespmem:s1], [sflag:$0x6] =	stream.indirect.gather [hbm4b:s4+s29], $0x80, s29, s29, $0xb8;
	[tilespmem:$0x1BE00] =	vst v63  }
0x4c: {  	_ =	swait.ge [sflag:s5], $0x4000  }
0x4d: {  	[sflag:s5] =	ssyncset.done $0x0  }
0x4e: {  	[sflag:s5] =	ssyncadd.s32 $0xFFFFC000  }
0x4f: {  	_ =	swait.ge [sflag:s7], $0x4000  }
0x50: {  	p0 =	sge.u32 s15, s10;
	[sflag:s7] =	ssyncset.done $0x0  }
0x51: {  	s16 =	sadd.s32 @!p0 s14, s24;
	s17 =	simm.s32 @!p0 $0x0;
	[sflag:s7] =	ssyncadd.s32 $0xFFFFC000  }
0x52: {  	[tilespmem:s17], [sflag:$0x1] =	stream.linear.gather @!p0 [hbm4b:s16+s17], $0x80, $0x38;
	[tilespmem:$0x1BE00] =	vst v63  }
0x53: {  	s19 =	simm.s32 @!p0 $0x80;
	s16 =	sadd.s32 @!p0 s14, s18  }
0x54: {  	[tilespmem:s19], [sflag:$0x2] =	stream.linear.gather @!p0 [hbm4b:s16+s17], $0x80, $0x38;
	[tilespmem:$0x1BE00] =	vst v63  }
0x55: {  	_ =	swait.ge [sflag:s8], $0x80  }
0x56: {  	[sflag:s8] =	ssyncset.done $0x0  }
0x57: {  	[sflag:s8] =	ssyncadd.s32 $0xFFFFFF80  }
0x58: {  	_ =	swait.ge [sflag:s9], $0x80  }
0x59: {  	[sflag:s9] =	ssyncset.done $0x0  }
0x5a: {  	[sflag:s9] =	ssyncadd.s32 $0xFFFFFF80  }
0x5b: {  	[spmem:s2] =	stream.indirect.scatter.add.f32 [tilespmem:s25], [sflag:$0x7], $0x80, s28, s29, $0xb8;
	[tilespmem:$0x1BE00] =	vst v63  }
0x5c: {  	_ = 	snop  }
0x5d: {  	[spmem:s2] =	stream.indirect.scatter.add.f32 [tilespmem:s1], [sflag:$0x8], $0x80, s30, s29, $0xb8;
	[tilespmem:$0x1BE00] =	vst v63  }
0x5e: {  	_ =	swait.ge [sflag:s11], $0x4000  }
0x5f: {  	[sflag:s11] =	ssyncset.done $0x0  }
0x60: {  	[sflag:s11] =	ssyncadd.s32 $0xFFFFC000  }
0x61: {  	_ =	swait.ge [sflag:s12], $0x4000  }
0x62: {  	s20 =	simm.s32 @!p0 $0x100;
	[sflag:s12] =	ssyncset.done $0x0;
	s16 =	rddreg [dreg:$0x5]  }
0x63: {  	s19 =	sadd.s32 @!p0 s14, s23;
	[sflag:s12] =	ssyncadd.s32 $0xFFFFC000;
	s16 =	sadd.s32 @!p0 s14, s16  }
0x64: {  	[tilespmem:s20], [sflag:$0x3] =	stream.linear.gather @!p0 [hbm4b:s19+s17], $0x80, $0x38;
	[tilespmem:$0x1BE00] =	vst v63  }
0x65: {  	s14 =	sadd.s32 $0x20, s14;
	s19 =	simm.s32 @!p0 $0x180;
	s20 =	rddreg [dreg:$0x4]  }
0x66: {  	[tilespmem:s19], [sflag:$0x4] =	stream.linear.gather @!p0 [hbm4b:s16+s17], $0x80, $0x38;
	[tilespmem:$0x1BE00] =	vst v63  }
0x67: {  	p0 =	sne.s32 s20, s14  }
.Ltmp0:
0x68: {  	_ = 	snop;
	(pc) =	sbr.rel @p0 .LBB2_2-.Ltmp0, $2  }
0x69: {  	_ =	sdelay $0x2  }
0x6a: {  	s15 =	sadd.s32 $0x2, s15  }
0x6b: {  	_ =	swait.ge [sflag:s31], $0x80  }
0x6c: {  	[sflag:s31] =	ssyncset.done $0x0  }
0x6d: {  	[sflag:s31] =	ssyncadd.s32 $0xFFFFFF80  }
0x6e: {  	_ =	swait.ge [sflag:s0], $0x80  }
0x6f: {  	[sflag:s0] =	ssyncset.done $0x0  }
0x70: {  	[sflag:s0] =	ssyncadd.s32 $0xFFFFFF80  }
0x71: {  	[tilespmem:s25], [sflag:$0x5] =	stream.indirect.gather [hbm4b:s4+s29], $0x80, s3, s29, $0xb8;
	[tilespmem:$0x1BE00] =	vst v63  }
0x72: {  	_ = 	snop  }
0x73: {  	[tilespmem:s1], [sflag:$0x6] =	stream.indirect.gather [hbm4b:s4+s29], $0x80, s29, s29, $0xb8;
	[tilespmem:$0x1BE00] =	vst v63  }
0x74: {  	_ =	swait.ge [sflag:s5], $0x4000  }
0x75: {  	[sflag:s5] =	ssyncset.done $0x0  }
0x76: {  	[sflag:s5] =	ssyncadd.s32 $0xFFFFC000  }
0x77: {  	_ =	swait.ge [sflag:s7], $0x4000  }
0x78: {  	p0 =	sge.u32 s15, s10;
	[sflag:s7] =	ssyncset.done $0x0;
	s15 =	rddreg [dreg:$0x12]  }
0x79: {  	s16 =	simm.s32 @!p0 $0x0;
	[sflag:s7] =	ssyncadd.s32 $0xFFFFC000;
	s15 =	sadd.s32 @!p0 s14, s15  }
0x7a: {  	[tilespmem:s16], [sflag:$0x1] =	stream.linear.gather @!p0 [hbm4b:s15+s16], $0x80, $0x38;
	[tilespmem:$0x1BE00] =	vst v63  }
0x7b: {  	s17 =	simm.s32 @!p0 $0x80;
	s15 =	sadd.s32 @!p0 s14, s21  }
0x7c: {  	[tilespmem:s17], [sflag:$0x2] =	stream.linear.gather @!p0 [hbm4b:s15+s16], $0x80, $0x38;
	[tilespmem:$0x1BE00] =	vst v63  }
0x7d: {  	_ =	swait.ge [sflag:s8], $0x80  }
0x7e: {  	[sflag:s8] =	ssyncset.done $0x0  }
0x7f: {  	[sflag:s8] =	ssyncadd.s32 $0xFFFFFF80  }
0x80: {  	_ =	swait.ge [sflag:s9], $0x80  }
0x81: {  	[sflag:s9] =	ssyncset.done $0x0  }
0x82: {  	[sflag:s9] =	ssyncadd.s32 $0xFFFFFF80  }
0x83: {  	[spmem:s2] =	stream.indirect.scatter.add.f32 [tilespmem:s25], [sflag:$0x7], $0x80, s28, s29, $0xb8;
	[tilespmem:$0x1BE00] =	vst v63  }
0x84: {  	_ = 	snop  }
0x85: {  	[spmem:s2] =	stream.indirect.scatter.add.f32 [tilespmem:s1], [sflag:$0x8], $0x80, s30, s29, $0xb8;
	[tilespmem:$0x1BE00] =	vst v63  }
0x86: {  	_ =	swait.ge [sflag:s11], $0x4000  }
0x87: {  	[sflag:s11] =	ssyncset.done $0x0  }
0x88: {  	[sflag:s11] =	ssyncadd.s32 $0xFFFFC000  }
0x89: {  	_ =	swait.ge [sflag:s12], $0x4000  }
0x8a: {  	[sflag:s12] =	ssyncset.done $0x0;
	s15 =	rddreg [dreg:$0x11]  }
0x8b: {  	s17 =	simm.s32 @!p0 $0x100;
	[sflag:s12] =	ssyncadd.s32 $0xFFFFC000;
	s15 =	sadd.s32 @!p0 s14, s15  }
0x8c: {  	[tilespmem:s17], [sflag:$0x3] =	stream.linear.gather @!p0 [hbm4b:s15+s16], $0x80, $0x38;
	[tilespmem:$0x1BE00] =	vst v63  }
0x8d: {  	s14 =	sadd.s32 @!p0 s14, s22;
	s15 =	simm.s32 @!p0 $0x180  }
0x8e: {  	[tilespmem:s15], [sflag:$0x4] =	stream.linear.gather @!p0 [hbm4b:s14+s16], $0x80, $0x38;
	[tilespmem:$0x1BE00] =	vst v63  }
0x8f: {  	s16 =	stileid.u32  }
0x90: {  	s14 =	sshll.u32 s16, $0x6;
	[bflag:$0x0] =	sbarrier.arrive $0xFFFF  }
0x91: {  	s17 =	sshrl.u32 s6, $0x3;
	s14 =	sor.u32 $0x1C09, s14;
	s19 =	rddreg [dreg:$0xf]  }
0x92: {  	[hbm:s19], [sflag:s14] =	dma.local [spmem:s17], $0x2780  }
0x93: {  	_ =	swait.ge [sflag:s26], $0x2780  }
0x94: {  	s13 =	sadd.s32 $0x1, s13;
	s20 =	rddreg [dreg:$0x10]  }
0x95: {  	p0 =	sne.s32 s13, s20  }
.Ltmp1:
0x96: {  	_ = 	snop;
	(pc) =	sbr.rel @p0 .LBB2_1-.Ltmp1, $3  }
0x97: {  	_ =	sdelay $0x1  }
0x98: {  	[sflag:s26] =	ssyncset.done $0x0  }
0x99: {  	[sflag:s26] =	ssyncadd.s32 $0xFFFFD880  }
0x9a: {  	_ =	sfence.sel $0x180000  }
0x9b: {  	[bflag:$0x0] =	sbarrier.arrive $0xFFFF  }
0x9c: {  	_ =	strace $0x9000004D  }
0x9d: {  	s0 =	stileid.u32;
	[bflag:$0x2] =	sbarrier.arrive $0xFFFF  }
0x9e: {  	p0 =	sne.s32 s0, $0x0;
	s0 =	rddreg [dreg:$0x3]  }
0x9f: {  	s0 =	sadd.s32 @!p0 $0x100000, s0  }
0xa0: {  	[sflag:s0] =	ssyncadd.tile.s32 @!p0 $0x1;
	_ =	shalt  }
.Lfunc_end2:
_tile_overlayer_lowered:
.L_overlay_start_2:
0xa1: {  	(tag) =	ssettag $0x2  }
0xa2: {  	s0 =	rddreg [dreg:$0x0];
	s2 =	stileid.u32  }
0xa3: {  	s1 =	rddreg [dreg:$0x1];
	p0 =	sne.s32 s2, $0x0  }
0xa4: {  	s3 =	rddreg [dreg:$0x2];
	[bflag:$0x3] =	sbarrier.arrive $0xFFFF;
	s2 =	simm.s32 @!p0 $0x1C09  }
0xa5: {  	[timem:s3], [sflag:s2] =	dma.local @!p0 [hbm:s0], s1  }
0xa6: {  	s0 =	simm.s32 @!p0 $0x9  }
0xa7: {  	_ =	swait.ge @!p0 [sflag:s0], s1  }
0xa8: {  	s1 =	ssub.s32 @!p0 $0x0, s1;
	[sflag:s0] =	ssyncset.done @!p0 $0x0  }
0xa9: {  	[sflag:s0] =	ssyncadd.s32 @!p0 s1  }
0xaa: {  	[bflag:$0x3] =	sbarrier.arrive $0xFFFF  }
0xab: {  	_ =	shalt  }

// kernel: kernel.21.cloned.1.call-start
scs
__scs_entry_jumppad:
0x0: {  	(pc) =	sbr.rel $0x88, $3  }
0x1: {  	(tag) =	ssettag $0x0;
	lr =	simm.s32 $0x1  }
0x2: {  	[smem:$0x3F97] =	sst lr;
	_ =	strace $0xD0000000  }
0x3: {  	_ = 	snop  }
0x4: {  	_ = 	snop  }
0x5: {  	_ = 	snop  }
0x6: {  	_ = 	snop  }
0x7: {  	_ = 	snop  }
__scs_overlays_trampoline_lowered:
0x8: {  	[smem:$0x3FA6] =	sst s0  }
0x9: {  	[smem:$0x3FA7] =	sst s1  }
0xa: {  	[smem:$0x3FA8] =	sst s2  }
0xb: {  	[smem:$0x3FA9] =	sst s3  }
0xc: {  	[smem:$0x3FAA] =	sst s4  }
0xd: {  	[smem:$0x3FAB] =	sst s5  }
0xe: {  	[smem:$0x3FAC] =	sst s6  }
0xf: {  	[smem:$0x3FAD] =	sst s7  }
0x10: {  	[smem:$0x3FAE] =	sst s8  }
0x11: {  	[smem:$0x3FAF] =	sst s9;
	s0 =	simm.s32 @!p0 $0x0  }
0x12: {  	s1 =	sld [smem:$0x3F95];
	s0 =	simm.s32 @p0 $0x1  }
0x13: {  	[smem:$0x3FB0] =	sst s0;
	s0 =	simm.s32 @!p1 $0x0  }
0x14: {  	s2 =	sld [smem:$0x3F94];
	s0 =	simm.s32 @p1 $0x1  }
0x15: {  	[smem:$0x3FB1] =	sst s0;
	s0 =	simm.s32 @!p2 $0x0  }
0x16: {  	s3 =	sld [smem:$0x3FDB];
	s0 =	simm.s32 @p2 $0x1  }
0x17: {  	s4 =	simm.s32 $0x1BF5;
	[smem:$0x3FB3] =	sst s0  }
0x18: {  	s0 =	sld [smem:$0x3F96];
	_ =	swait.ge [sflag:s4], $0x0  }
0x19: {  	s7 =	sld [smem:$0x3F97]  }
0x1a: {  	s8 =	sadd.s32 $0xFFFFE003, lr  }
0x1b: {  	s9 =	sadd.s32 $0xFFFFFEF7, lr;
	s5 =	simm.s32 $0xFFFFFFFF;
	p2 =	slt.u32 s8, $0xFFFFF086  }
0x1c: {  	p1 =	slt.u32 s9, $0xF7A;
	s5 =	simm.s32 @!p2 $0x0  }
0x1d: {  	s5 =	simm.s32 @p1 $0x1;
	p0 =	seq.s32 s7, s2  }
0x1e: {  	s7 =	smul.u32 @!p0 $0xF7A, s2;
	p2 =	seq.s32 @!p0 s5, $0x0  }
0x1f: {  	s9 =	smul.u32 $0xF7A, s1;
	s8 =	simm.s32 @!p0 $0x1BF5;
	p2 =	por !p2, p0  }
0x20: {  	[sflag:s8] =	ssyncset.s32 @!p0 $0xFFFFF086;
	s6 =	sadd.s32 @!p0 s3, s7;
	s7 =	simm.s32 @!p0 $0x108  }
0x21: {  	s3 =	sadd.s32 s3, s9;
	s6 =	sadd.s32 @!p0 $0x88, s6;
	s7 =	simm.s32 @p2 $0x1082  }
0x22: {  	[simem:s7], [sflag:s8] =	dma.local @!p0 [hbm:s6], $0xF7A  }
0x23: {  	s9 =	sor.u32 $0xD0000000, s2;
	s6 =	simm.s32 $0x108;
	_ =	swait.ge @!p0 [sflag:s8], $0x0  }
0x24: {  	s3 =	sadd.s32 $0x88, s3;
	s6 =	simm.s32 @!p1 $0x1082;
	[sflag:s4] =	ssyncset.s32 $0xFFFFF086  }
0x25: {  	[simem:s6], [sflag:s4] =	dma.local [hbm:s3], $0xF7A  }
0x26: {  	[smem:$0x3F97] =	sst s1;
	(tag) =	ssettag s2;
	_ =	strace s9  }
0x27: {  	s1 =	sld [smem:$0x3FA7]  }
0x28: {  	s2 =	sld [smem:$0x3FA8]  }
0x29: {  	s4 =	sld [smem:$0x3FAA]  }
0x2a: {  	p0 =	seq.s32 s5, $0x0;
	s5 =	sld [smem:$0x3FAB]  }
0x2b: {  	s6 =	sld [smem:$0x3FAC]  }
0x2c: {  	s7 =	sld [smem:$0x3FAD]  }
0x2d: {  	s3 =	simm.s32 $0x108;
	s8 =	sld [smem:$0x3FAE]  }
0x2e: {  	s3 =	simm.s32 @!p0 $0x1082;
	s9 =	sld [smem:$0x3FAF]  }
0x2f: {  	lr =	sadd.s32 s0, s3;
	s0 =	sld [smem:$0x3FA6]  }
0x30: {  	s3 =	sld [smem:$0x3FA9]  }
0x31: {  	[smem:$0x3FB2] =	sst s10  }
0x32: {  	s10 =	sld [smem:$0x3FB0];
	_ =	sdelay $0x3  }
0x33: {  	p0 =	seq.s32 s10, $0x1;
	s10 =	sld [smem:$0x3FB2];
	_ =	sdelay $0x3  }
0x34: {  	[smem:$0x3FB2] =	sst s10  }
0x35: {  	s10 =	sld [smem:$0x3FB1];
	_ =	sdelay $0x3  }
0x36: {  	p1 =	seq.s32 s10, $0x1;
	s10 =	sld [smem:$0x3FB2];
	_ =	sdelay $0x3  }
0x37: {  	[smem:$0x3FB2] =	sst s10  }
0x38: {  	s10 =	sld [smem:$0x3FB3]  }
0x39: {  	_ = 	snop;
	(pc) =	sbr.ind lr, $3  }
0x3a: {  	_ = 	snop  }
0x3b: {  	_ = 	snop  }
0x3c: {  	p2 =	seq.s32 s10, $0x1;
	s10 =	sld [smem:$0x3FB2]  }
0x3d: {  	_ =	shalt  }
0x3e: {  	_ =	shalt  }
0x3f: {  	_ =	shalt  }
0x40: {  	_ =	shalt  }
0x41: {  	_ =	shalt  }
0x42: {  	_ =	shalt  }
0x43: {  	_ =	shalt  }
0x44: {  	_ =	shalt  }
0x45: {  	_ =	shalt  }
0x46: {  	_ =	shalt  }
0x47: {  	_ =	shalt  }
0x48: {  	_ =	shalt  }
0x49: {  	_ =	shalt  }
0x4a: {  	_ =	shalt  }
0x4b: {  	_ =	shalt  }
0x4c: {  	_ =	shalt  }
0x4d: {  	_ =	shalt  }
0x4e: {  	_ =	shalt  }
0x4f: {  	_ =	shalt  }
0x50: {  	_ =	shalt  }
0x51: {  	_ =	shalt  }
0x52: {  	_ =	shalt  }
0x53: {  	_ =	shalt  }
0x54: {  	_ =	shalt  }
0x55: {  	_ =	shalt  }
0x56: {  	_ =	shalt  }
0x57: {  	_ =	shalt  }
0x58: {  	_ =	shalt  }
0x59: {  	_ =	shalt  }
0x5a: {  	_ =	shalt  }
0x5b: {  	_ =	shalt  }
0x5c: {  	_ =	shalt  }
0x5d: {  	_ =	shalt  }
0x5e: {  	_ =	shalt  }
0x5f: {  	_ =	shalt  }
0x60: {  	_ =	shalt  }
0x61: {  	_ =	shalt  }
0x62: {  	_ =	shalt  }
0x63: {  	_ =	shalt  }
0x64: {  	_ =	shalt  }
0x65: {  	_ =	shalt  }
0x66: {  	_ =	shalt  }
0x67: {  	_ =	shalt  }
0x68: {  	_ =	shalt  }
0x69: {  	_ =	shalt  }
0x6a: {  	_ =	shalt  }
0x6b: {  	_ =	shalt  }
0x6c: {  	_ =	shalt  }
0x6d: {  	_ =	shalt  }
0x6e: {  	_ =	shalt  }
0x6f: {  	_ =	shalt  }
0x70: {  	_ =	shalt  }
0x71: {  	_ =	shalt  }
0x72: {  	_ =	shalt  }
0x73: {  	_ =	shalt  }
0x74: {  	_ =	shalt  }
0x75: {  	_ =	shalt  }
0x76: {  	_ =	shalt  }
0x77: {  	_ =	shalt  }
0x78: {  	_ =	shalt  }
0x79: {  	_ =	shalt  }
0x7a: {  	_ =	shalt  }
0x7b: {  	_ =	shalt  }
0x7c: {  	_ =	shalt  }
0x7d: {  	_ =	shalt  }
0x7e: {  	_ =	shalt  }
0x7f: {  	_ =	shalt  }
0x80: {  	_ =	shalt  }
0x81: {  	_ =	shalt  }
0x82: {  	_ =	shalt  }
0x83: {  	_ =	shalt  }
0x84: {  	_ =	shalt  }
0x85: {  	_ =	shalt  }
0x86: {  	_ =	shalt  }
0x87: {  	_ =	shalt  }
.Lfunc_end0:
.L_simem_size_0:
called_computation.3_lowered:
.L_overlay_start_0:
0x88: {  	s2 =	sld [smem:$0x3FD9]  }
0x89: {  	s3 =	sld [smem:$0x3FFE];
	_ =	sdelay $0x1  }
0x8a: {  	s1 =	srdreg.scid  }
0x8b: {  	s0 =	sand.u32 $0x1, s1  }
0x8c: {  	s17 =	sshll.u32 s0, $0xA;
	s2 =	sadd.s32 s3, s2  }
0x8d: {  	s2 =	sadd.s32 s2, s17  }
0x8e: {  	[smem:$0x3FBE] =	sst s2  }
0x8f: {  	_ = 	snop  }
0x90: {  	s2 =	sld [smem:$0x3FD0];
	(tm) =	ssettm $0x1  }
0x91: {  	s18 =	sld [smem:$0x3FFB];
	_ =	sdelay $0x3  }
0x92: {  	_ =	strace s18  }
0x93: {  	s3 =	sld [smem:$0x3FFC];
	_ =	sdelay $0x3  }
0x94: {  	_ =	strace s3  }
0x95: {  	s3 =	sld [smem:$0x3FFD];
	_ =	sdelay $0x3  }
0x96: {  	_ =	strace s3  }
0x97: {  	_ =	strace $0x8FFFFFFF  }
0x98: {  	s19 =	sld [smem:$0x3FDB];
	_ =	sdelay $0x1  }
0x99: {  	s4 =	simm.s32 $_scs_section_size  }
0x9a: {  	s5 =	simm.s32 $_size__tile_overlayer_lowered;
	s6 =	simm.s32 $_tile_overlayer_lowered  }
0x9b: {  	s22 =	simm.s32 $0x1BFF;
	s21 =	sshll.u32 s6, $0x1;
	s3 =	sadd.s32 s4, s19  }
0x9c: {  	s7 =	simm.s32 $0x0;
	s20 =	sshll.u32 s5, $0x1;
	s5 =	sadd.s32 s21, s3  }
0x9d: {  	[timem:s7], [sflag:s22] =	dma.local [hbm:s5], s20  }
0x9e: {  	_ =	swait.ge [sflag:s22], s20  }
0x9f: {  	s4 =	ssub.s32 $0x0, s20;
	[sflag:s22] =	ssyncset.done $0x0  }
0xa0: {  	[sflag:s22] =	ssyncadd.s32 s4;
	_ =	sdelay $0x1  }
0xa1: {  	s23 =	simm.s32 $0x1B8B  }
0xa2: {  	_ =	swait.ge [sflag:s23], $0x1  }
0xa3: {  	[sflag:s23] =	ssyncset.done $0x0  }
0xa4: {  	s25 =	simm.s32 $0x1B8E;
	s24 =	sld [smem:$0x3FFE];
	[sflag:s23] =	ssyncadd.s32 $0xFFFFFFFF  }
0xa5: {  	s26 =	simm.s32 $execute0_lowered;
	[smem:$0x3FD2] =	sst s25  }
0xa6: {  	s5 =	sshll.u32 s26, $0x1;
	_ =	strace $0x8000004F;
	[dreg:$0x1] =	wrdreg $0xFFFFFFFF  }
0xa7: {  	s28 =	simm.s32 $_size_execute0_lowered;
	s3 =	sadd.s32 s3, s5;
	[dreg:$0x0] =	wrdreg $0x0  }
0xa8: {  	s5 =	sshll.u32 s28, $0x1;
	[dreg:$0x2] =	wrdreg s3  }
0xa9: {  	[dreg:$0x3] =	wrdreg s5  }
0xaa: {  	[dreg:$0x4] =	wrdreg $0xC0  }
0xab: {  	_ =	task [dreg:s7], $0x5FFFF  }
0xac: {  	[dreg:$0x1] =	wrdreg $0xFFFFFFFF  }
0xad: {  	[dreg:$0x0] =	wrdreg $0x60  }
0xae: {  	[dreg:$0x2] =	wrdreg s24  }
0xaf: {  	[dreg:$0x3] =	wrdreg s2  }
0xb0: {  	[dreg:$0x4] =	wrdreg $0x82000  }
0xb1: {  	[dreg:$0x5] =	wrdreg $0x9  }
0xb2: {  	_ =	task.clear_ibuf [dreg:s7], $0x6FFFF;
	_ =	strace $0x9000004F  }
0xb3: {  	s29 =	simm.s32 $0x9;
	_ =	strace $0x80000051  }
0xb4: {  	_ =	swait.ge [sflag:s29], $0x1  }
0xb5: {  	[sflag:s29] =	ssyncadd.s32 $0xFFFFFFFF  }
0xb6: {  	_ =	strace $0x90000051  }
0xb7: {  	_ =	sfence  }
0xb8: {  	s30 =	sld [smem:$0x0];
	_ =	sdelay $0x2  }
0xb9: {  	s31 =	sshll.u32 s1, $0xD;
	s1 =	sshrl.u32 s1, $0x2  }
0xba: {  	s3 =	sand.u32 $0x4000, s31;
	s1 =	sadd.s32 s1, s30  }
0xbb: {  	s0 =	sor.u32 s3, s0;
	s1 =	sshll.u32 s1, $0x11  }
0xbc: {  	s0 =	sor.u32 s1, s0  }
0xbd: {  	s0 =	sadd.s32 $0x8F2B, s0  }
0xbe: {  	[sflag:s0] =	ssyncadd.remote.s32 $0x1  }
0xbf: {  	_ =	sfence.sel $0xFFFF  }
0xc0: {  	[dreg:$0x0] =	wrdreg $0xFFFFFFFF;
	(pc) =	sbr.abs _section_cstart, $3  }
0xc1: {  	[dreg:$0x1] =	wrdreg $0xFFFFFFFF  }
0xc2: {  	_ =	task.clear_ibuf [dreg:s7], $0x2FFFF;
	_ =	strace $0x9FFFFFFF  }
0xc3: {  	(tm) =	ssettm $0x7FFFFFFF  }
tec
execute0_lowered:
.L_overlay_start_1:
0x0: {  	(tag) =	ssettag $0x1  }
0x1: {  	s0 =	rddreg [dreg:$0x0]  }
0x2: {  	s1 =	rddreg [dreg:$0x1]  }
0x3: {  	s2 =	rddreg [dreg:$0x2]  }
0x4: {  	s4 =	srdreg.scid;
	s11 =	stileid.u32  }
0x5: {  	s3 =	simm.s32 $0x0;
	s28 =	simm.s32 $0x100;
	s29 =	simm.s32 $0x80  }
0x6: {  	s30 =	simm.s32 $0x180;
	s31 =	simm.s32 $0x1;
	s6 =	smul.u32 $0x2780, s11  }
0x7: {  	s5 =	sand.u32 $0x1, s4;
	[smem:$0x7FF] =	sst s3;
	s8 =	smul.u32 $0x4F000, s11  }
0x8: {  	s4 =	sadd.s32 $0x1A600, s0;
	s9 =	sadd.s32 $0x10800, s0;
	s24 =	smul.u32 $0x1A00, s11  }
0x9: {  	s10 =	sadd.s32 $0x5800, s0;
	s7 =	smul.u32 $0x27800, s5;
	_ =	strace $0x80000050  }
0xa: {  	[dreg:$0x6] =	wrdreg s10;
	s21 =	ssub.s32 $0x2, s5;
	p0 =	seq.s32 s5, $0x0  }
0xb: {  	s10 =	simm.s32 $0x6A;
	s22 =	sshrl.u32 s8, $0x2;
	s23 =	sshrl.u32 s21, $0x1  }
0xc: {  	s10 =	simm.s32 @!p0 $0x34;
	s6 =	sadd.s32 s6, s7;
	s7 =	ssub.s32 s21, s23  }
0xd: {  	s18 =	sshll.u32 s10, $0x4;
	s0 =	sadd.s32 s6, s0;
	s7 =	smax.u32 s7, $0x1  }
0xe: {  	s6 =	sadd.s32 s22, s2;
	s19 =	sadd.s32 $0xFFFFFFE0, s18;
	[dreg:$0x10] =	wrdreg s7  }
0xf: {  	s8 =	smul.u32 $0x3500, s11;
	s25 =	sadd.s32 $0x4000, s6;
	[dreg:$0x4] =	wrdreg s19  }
0x10: {  	s5 =	sadd.s32 $0x35000, s24;
	s26 =	sadd.s32 $0x8000, s6;
	[dreg:$0x7] =	wrdreg s25  }
0x11: {  	s11 =	simm.s32 $0x7;
	s12 =	sadd.s32 $0xC000, s6;
	[dreg:$0x8] =	wrdreg s26  }
0x12: {  	s5 =	smov.u32 @p0 s8;
	s13 =	sadd.s32 $0x10000, s6;
	[dreg:$0x9] =	wrdreg s12  }
0x13: {  	s5 =	sshrl.u32 s5, $0x3;
	s0 =	sadd.s32 $0x69600, s0;
	[dreg:$0xa] =	wrdreg s13  }
0x14: {  	s14 =	sadd.s32 s1, s5;
	s15 =	sadd.s32 s9, s5;
	s16 =	sor.u32 $0x10, s5  }
0x15: {  	[dreg:$0xf] =	wrdreg s0;
	s20 =	sadd.s32 $0x30, s5;
	s22 =	sadd.s32 $0x40, s5  }
0x16: {  	s24 =	sadd.s32 $0x50, s5;
	s5 =	sadd.s32 $0x20, s5;
	[dreg:$0xb] =	wrdreg s14  }
0x17: {  	s12 =	simm.s32 $0x8;
	s13 =	simm.s32 $0x0;
	[dreg:$0xc] =	wrdreg s15  }
0x18: {  	s17 =	sadd.s32 s1, s16;
	s8 =	sadd.s32 s9, s16;
	s21 =	sadd.s32 s20, s9  }
0x19: {  	s18 =	sadd.s32 s20, s1;
	s23 =	sadd.s32 s22, s9;
	s0 =	sadd.s32 s22, s1  }
0x1a: {  	s25 =	sadd.s32 s24, s1;
	s26 =	sadd.s32 s24, s9;
	[dreg:$0xd] =	wrdreg s17  }
0x1b: {  	s24 =	sadd.s32 s5, s1;
	s1 =	simm.s32 $0x4200;
	[dreg:$0xe] =	wrdreg s8  }
0x1c: {  	[dreg:$0x5] =	wrdreg s21;
	s7 =	sadd.s32 $0xFFFFFFE0, s23;
	s0 =	sadd.s32 $0xFFFFFFE0, s0  }
0x1d: {  	s21 =	sadd.s32 $0xFFFFFFE0, s25;
	s22 =	sadd.s32 $0xFFFFFFE0, s26;
	s23 =	sadd.s32 s5, s9  }
0x1e: {  	s25 =	simm.s32 $0x200;
	s26 =	simm.s32 $0x9;
	s5 =	simm.s32 $0x5  }
0x1f: {  	s8 =	simm.s32 $0x3;
	s9 =	simm.s32 $0x4;
	[dreg:$0x11] =	wrdreg s7  }
0x20: {  	[dreg:$0x12] =	wrdreg s0;
	s0 =	simm.s32 $0x2;
	s7 =	simm.s32 $0x6  }
.LBB2_1:
0x21: {  	s14 =	rddreg [dreg:$0x6]  }
0x22: {  	[tilespmem:s25], [sflag:$0x9] =	stream.linear.gather [hbm4b:s14+s3], $0x4000, $0x38;
	[tilespmem:$0x1BE00] =	vst v63  }
0x23: {  	_ =	swait.ge [sflag:s26], $0x4000  }
0x24: {  	[sflag:s26] =	ssyncset.done $0x0  }
0x25: {  	[sflag:s26] =	ssyncadd.s32 $0xFFFFC000  }
0x26: {  	[spmem:s6] =	stream.linear.scatter [tilespmem:s25], [sflag:$0x9], $0x4000, $0x38;
	[tilespmem:$0x1BE00] =	vst v63  }
0x27: {  	_ =	swait.ge [sflag:s26], $0x4000  }
0x28: {  	[sflag:s26] =	ssyncset.done $0x0  }
0x29: {  	s17 =	rddreg [dreg:$0x7];
	[sflag:s26] =	ssyncadd.s32 $0xFFFFC000  }
0x2a: {  	[spmem:s17] =	stream.linear.scatter [tilespmem:s25], [sflag:$0x9], $0x4000, $0x38;
	[tilespmem:$0x1BE00] =	vst v63  }
0x2b: {  	_ =	swait.ge [sflag:s26], $0x4000  }
0x2c: {  	[sflag:s26] =	ssyncset.done $0x0  }
0x2d: {  	s19 =	rddreg [dreg:$0x8];
	[sflag:s26] =	ssyncadd.s32 $0xFFFFC000  }
0x2e: {  	[spmem:s19] =	stream.linear.scatter [tilespmem:s25], [sflag:$0x9], $0x4000, $0x38;
	[tilespmem:$0x1BE00] =	vst v63  }
0x2f: {  	_ =	swait.ge [sflag:s26], $0x4000  }
0x30: {  	[sflag:s26] =	ssyncset.done $0x0  }
0x31: {  	s20 =	rddreg [dreg:$0x9];
	[sflag:s26] =	ssyncadd.s32 $0xFFFFC000  }
0x32: {  	[spmem:s20] =	stream.linear.scatter [tilespmem:s25], [sflag:$0x9], $0x4000, $0x38;
	[tilespmem:$0x1BE00] =	vst v63  }
0x33: {  	_ =	swait.ge [sflag:s26], $0x4000  }
0x34: {  	[sflag:s26] =	ssyncset.done $0x0  }
0x35: {  	s15 =	rddreg [dreg:$0xa];
	[sflag:s26] =	ssyncadd.s32 $0xFFFFC000  }
0x36: {  	[spmem:s15] =	stream.linear.scatter [tilespmem:s25], [sflag:$0x9], $0x3C00, $0x38;
	[tilespmem:$0x1BE00] =	vst v63  }
0x37: {  	_ =	swait.ge [sflag:s26], $0x3C00  }
0x38: {  	[sflag:s26] =	ssyncset.done $0x0  }
0x39: {  	[sflag:s26] =	ssyncadd.s32 $0xFFFFC400  }
0x3a: {  	[bflag:$0x0] =	sbarrier.arrive $0xFFFF  }
0x3b: {  	s16 =	rddreg [dreg:$0xb]  }
0x3c: {  	[tilespmem:s3], [sflag:$0x1] =	stream.linear.gather [hbm4b:s16+s3], $0x80, $0x38;
	[tilespmem:$0x1BE00] =	vst v63  }
0x3d: {  	s17 =	rddreg [dreg:$0xc]  }
0x3e: {  	[tilespmem:s28], [sflag:$0x3] =	stream.linear.gather [hbm4b:s17+s3], $0x80, $0x38;
	[tilespmem:$0x1BE00] =	vst v63  }
0x3f: {  	s19 =	rddreg [dreg:$0xd]  }
0x40: {  	[tilespmem:s29], [sflag:$0x2] =	stream.linear.gather [hbm4b:s19+s3], $0x80, $0x38;
	[tilespmem:$0x1BE00] =	vst v63  }
0x41: {  	s14 =	simm.s32 $0x0;
	s15 =	simm.s32 $0x2;
	s20 =	rddreg [dreg:$0xe]  }
0x42: {  	[tilespmem:s30], [sflag:$0x4] =	stream.linear.gather [hbm4b:s20+s3], $0x80, $0x38;
	[tilespmem:$0x1BE00] =	vst v63  }
.LBB2_2:
0x43: {  	_ =	swait.ge [sflag:s31], $0x80  }
0x44: {  	[sflag:s31] =	ssyncset.done $0x0  }
0x45: {  	[sflag:s31] =	ssyncadd.s32 $0xFFFFFF80  }
0x46: {  	_ =	swait.ge [sflag:s0], $0x80  }
0x47: {  	[sflag:s0] =	ssyncset.done $0x0  }
0x48: {  	[sflag:s0] =	ssyncadd.s32 $0xFFFFFF80  }
0x49: {  	[tilespmem:s25], [sflag:$0x5] =	stream.indirect.gather [hbm4b:s4+s29], $0x80, s3, s29, $0xb8;
	[tilespmem:$0x1BE00] =	vst v63  }
0x4a: {  	_ = 	snop  }
0x4b: {  	[tilespmem:s1], [sflag:$0x6] =	stream.indirect.gather [hbm4b:s4+s29], $0x80, s29, s29, $0xb8;
	[tilespmem:$0x1BE00] =	vst v63  }
0x4c: {  	_ =	swait.ge [sflag:s5], $0x4000  }
0x4d: {  	[sflag:s5] =	ssyncset.done $0x0  }
0x4e: {  	[sflag:s5] =	ssyncadd.s32 $0xFFFFC000  }
0x4f: {  	_ =	swait.ge [sflag:s7], $0x4000  }
0x50: {  	p0 =	sge.u32 s15, s10;
	[sflag:s7] =	ssyncset.done $0x0  }
0x51: {  	s16 =	sadd.s32 @!p0 s14, s24;
	s17 =	simm.s32 @!p0 $0x0;
	[sflag:s7] =	ssyncadd.s32 $0xFFFFC000  }
0x52: {  	[tilespmem:s17], [sflag:$0x1] =	stream.linear.gather @!p0 [hbm4b:s16+s17], $0x80, $0x38;
	[tilespmem:$0x1BE00] =	vst v63  }
0x53: {  	s19 =	simm.s32 @!p0 $0x80;
	s16 =	sadd.s32 @!p0 s14, s18  }
0x54: {  	[tilespmem:s19], [sflag:$0x2] =	stream.linear.gather @!p0 [hbm4b:s16+s17], $0x80, $0x38;
	[tilespmem:$0x1BE00] =	vst v63  }
0x55: {  	_ =	swait.ge [sflag:s8], $0x80  }
0x56: {  	[sflag:s8] =	ssyncset.done $0x0  }
0x57: {  	[sflag:s8] =	ssyncadd.s32 $0xFFFFFF80  }
0x58: {  	_ =	swait.ge [sflag:s9], $0x80  }
0x59: {  	[sflag:s9] =	ssyncset.done $0x0  }
0x5a: {  	[sflag:s9] =	ssyncadd.s32 $0xFFFFFF80  }
0x5b: {  	[spmem:s2] =	stream.indirect.scatter.add.f32 [tilespmem:s25], [sflag:$0x7], $0x80, s28, s29, $0xb8;
	[tilespmem:$0x1BE00] =	vst v63  }
0x5c: {  	_ = 	snop  }
0x5d: {  	[spmem:s2] =	stream.indirect.scatter.add.f32 [tilespmem:s1], [sflag:$0x8], $0x80, s30, s29, $0xb8;
	[tilespmem:$0x1BE00] =	vst v63  }
0x5e: {  	_ =	swait.ge [sflag:s11], $0x4000  }
0x5f: {  	[sflag:s11] =	ssyncset.done $0x0  }
0x60: {  	[sflag:s11] =	ssyncadd.s32 $0xFFFFC000  }
0x61: {  	_ =	swait.ge [sflag:s12], $0x4000  }
0x62: {  	s20 =	simm.s32 @!p0 $0x100;
	[sflag:s12] =	ssyncset.done $0x0;
	s16 =	rddreg [dreg:$0x5]  }
0x63: {  	s19 =	sadd.s32 @!p0 s14, s23;
	[sflag:s12] =	ssyncadd.s32 $0xFFFFC000;
	s16 =	sadd.s32 @!p0 s14, s16  }
0x64: {  	[tilespmem:s20], [sflag:$0x3] =	stream.linear.gather @!p0 [hbm4b:s19+s17], $0x80, $0x38;
	[tilespmem:$0x1BE00] =	vst v63  }
0x65: {  	s14 =	sadd.s32 $0x20, s14;
	s19 =	simm.s32 @!p0 $0x180;
	s20 =	rddreg [dreg:$0x4]  }
0x66: {  	[tilespmem:s19], [sflag:$0x4] =	stream.linear.gather @!p0 [hbm4b:s16+s17], $0x80, $0x38;
	[tilespmem:$0x1BE00] =	vst v63  }
0x67: {  	p0 =	sne.s32 s20, s14  }
.Ltmp0:
0x68: {  	_ = 	snop;
	(pc) =	sbr.rel @p0 .LBB2_2-.Ltmp0, $2  }
0x69: {  	_ =	sdelay $0x2  }
0x6a: {  	s15 =	sadd.s32 $0x2, s15  }
0x6b: {  	_ =	swait.ge [sflag:s31], $0x80  }
0x6c: {  	[sflag:s31] =	ssyncset.done $0x0  }
0x6d: {  	[sflag:s31] =	ssyncadd.s32 $0xFFFFFF80  }
0x6e: {  	_ =	swait.ge [sflag:s0], $0x80  }
0x6f: {  	[sflag:s0] =	ssyncset.done $0x0  }
0x70: {  	[sflag:s0] =	ssyncadd.s32 $0xFFFFFF80  }
0x71: {  	[tilespmem:s25], [sflag:$0x5] =	stream.indirect.gather [hbm4b:s4+s29], $0x80, s3, s29, $0xb8;
	[tilespmem:$0x1BE00] =	vst v63  }
0x72: {  	_ = 	snop  }
0x73: {  	[tilespmem:s1], [sflag:$0x6] =	stream.indirect.gather [hbm4b:s4+s29], $0x80, s29, s29, $0xb8;
	[tilespmem:$0x1BE00] =	vst v63  }
0x74: {  	_ =	swait.ge [sflag:s5], $0x4000  }
0x75: {  	[sflag:s5] =	ssyncset.done $0x0  }
0x76: {  	[sflag:s5] =	ssyncadd.s32 $0xFFFFC000  }
0x77: {  	_ =	swait.ge [sflag:s7], $0x4000  }
0x78: {  	p0 =	sge.u32 s15, s10;
	[sflag:s7] =	ssyncset.done $0x0;
	s15 =	rddreg [dreg:$0x12]  }
0x79: {  	s16 =	simm.s32 @!p0 $0x0;
	[sflag:s7] =	ssyncadd.s32 $0xFFFFC000;
	s15 =	sadd.s32 @!p0 s14, s15  }
0x7a: {  	[tilespmem:s16], [sflag:$0x1] =	stream.linear.gather @!p0 [hbm4b:s15+s16], $0x80, $0x38;
	[tilespmem:$0x1BE00] =	vst v63  }
0x7b: {  	s17 =	simm.s32 @!p0 $0x80;
	s15 =	sadd.s32 @!p0 s14, s21  }
0x7c: {  	[tilespmem:s17], [sflag:$0x2] =	stream.linear.gather @!p0 [hbm4b:s15+s16], $0x80, $0x38;
	[tilespmem:$0x1BE00] =	vst v63  }
0x7d: {  	_ =	swait.ge [sflag:s8], $0x80  }
0x7e: {  	[sflag:s8] =	ssyncset.done $0x0  }
0x7f: {  	[sflag:s8] =	ssyncadd.s32 $0xFFFFFF80  }
0x80: {  	_ =	swait.ge [sflag:s9], $0x80  }
0x81: {  	[sflag:s9] =	ssyncset.done $0x0  }
0x82: {  	[sflag:s9] =	ssyncadd.s32 $0xFFFFFF80  }
0x83: {  	[spmem:s2] =	stream.indirect.scatter.add.f32 [tilespmem:s25], [sflag:$0x7], $0x80, s28, s29, $0xb8;
	[tilespmem:$0x1BE00] =	vst v63  }
0x84: {  	_ = 	snop  }
0x85: {  	[spmem:s2] =	stream.indirect.scatter.add.f32 [tilespmem:s1], [sflag:$0x8], $0x80, s30, s29, $0xb8;
	[tilespmem:$0x1BE00] =	vst v63  }
0x86: {  	_ =	swait.ge [sflag:s11], $0x4000  }
0x87: {  	[sflag:s11] =	ssyncset.done $0x0  }
0x88: {  	[sflag:s11] =	ssyncadd.s32 $0xFFFFC000  }
0x89: {  	_ =	swait.ge [sflag:s12], $0x4000  }
0x8a: {  	[sflag:s12] =	ssyncset.done $0x0;
	s15 =	rddreg [dreg:$0x11]  }
0x8b: {  	s17 =	simm.s32 @!p0 $0x100;
	[sflag:s12] =	ssyncadd.s32 $0xFFFFC000;
	s15 =	sadd.s32 @!p0 s14, s15  }
0x8c: {  	[tilespmem:s17], [sflag:$0x3] =	stream.linear.gather @!p0 [hbm4b:s15+s16], $0x80, $0x38;
	[tilespmem:$0x1BE00] =	vst v63  }
0x8d: {  	s14 =	sadd.s32 @!p0 s14, s22;
	s15 =	simm.s32 @!p0 $0x180  }
0x8e: {  	[tilespmem:s15], [sflag:$0x4] =	stream.linear.gather @!p0 [hbm4b:s14+s16], $0x80, $0x38;
	[tilespmem:$0x1BE00] =	vst v63  }
0x8f: {  	s16 =	stileid.u32  }
0x90: {  	s14 =	sshll.u32 s16, $0x6;
	[bflag:$0x0] =	sbarrier.arrive $0xFFFF  }
0x91: {  	s17 =	sshrl.u32 s6, $0x3;
	s14 =	sor.u32 $0x1C09, s14;
	s19 =	rddreg [dreg:$0xf]  }
0x92: {  	[hbm:s19], [sflag:s14] =	dma.local [spmem:s17], $0x2780  }
0x93: {  	_ =	swait.ge [sflag:s26], $0x2780  }
0x94: {  	s13 =	sadd.s32 $0x1, s13;
	s20 =	rddreg [dreg:$0x10]  }
0x95: {  	p0 =	sne.s32 s13, s20  }
.Ltmp1:
0x96: {  	_ = 	snop;
	(pc) =	sbr.rel @p0 .LBB2_1-.Ltmp1, $3  }
0x97: {  	_ =	sdelay $0x1  }
0x98: {  	[sflag:s26] =	ssyncset.done $0x0  }
0x99: {  	[sflag:s26] =	ssyncadd.s32 $0xFFFFD880  }
0x9a: {  	_ =	sfence.sel $0x180000  }
0x9b: {  	[bflag:$0x0] =	sbarrier.arrive $0xFFFF  }
0x9c: {  	_ =	strace $0x90000050  }
0x9d: {  	s0 =	stileid.u32;
	[bflag:$0x2] =	sbarrier.arrive $0xFFFF  }
0x9e: {  	p0 =	sne.s32 s0, $0x0;
	s0 =	rddreg [dreg:$0x3]  }
0x9f: {  	s0 =	sadd.s32 @!p0 $0x100000, s0  }
0xa0: {  	[sflag:s0] =	ssyncadd.tile.s32 @!p0 $0x1;
	_ =	shalt  }
.Lfunc_end2:
_tile_overlayer_lowered:
.L_overlay_start_2:
0xa1: {  	(tag) =	ssettag $0x2  }
0xa2: {  	s0 =	rddreg [dreg:$0x0];
	s2 =	stileid.u32  }
0xa3: {  	s1 =	rddreg [dreg:$0x1];
	p0 =	sne.s32 s2, $0x0  }
0xa4: {  	s3 =	rddreg [dreg:$0x2];
	[bflag:$0x3] =	sbarrier.arrive $0xFFFF;
	s2 =	simm.s32 @!p0 $0x1C09  }
0xa5: {  	[timem:s3], [sflag:s2] =	dma.local @!p0 [hbm:s0], s1  }
0xa6: {  	s0 =	simm.s32 @!p0 $0x9  }
0xa7: {  	_ =	swait.ge @!p0 [sflag:s0], s1  }
0xa8: {  	s1 =	ssub.s32 @!p0 $0x0, s1;
	[sflag:s0] =	ssyncset.done @!p0 $0x0  }
0xa9: {  	[sflag:s0] =	ssyncadd.s32 @!p0 s1  }
0xaa: {  	[bflag:$0x3] =	sbarrier.arrive $0xFFFF  }
0xab: {  	_ =	shalt  }

// kernel: kernel.24.cloned.1.call-start
scs
__scs_entry_jumppad:
0x0: {  	(pc) =	sbr.rel $0x88, $3  }
0x1: {  	(tag) =	ssettag $0x0;
	lr =	simm.s32 $0x1  }
0x2: {  	[smem:$0x3F97] =	sst lr;
	_ =	strace $0xD0000000  }
0x3: {  	_ = 	snop  }
0x4: {  	_ = 	snop  }
0x5: {  	_ = 	snop  }
0x6: {  	_ = 	snop  }
0x7: {  	_ = 	snop  }
__scs_overlays_trampoline_lowered:
0x8: {  	[smem:$0x3FA6] =	sst s0  }
0x9: {  	[smem:$0x3FA7] =	sst s1  }
0xa: {  	[smem:$0x3FA8] =	sst s2  }
0xb: {  	[smem:$0x3FA9] =	sst s3  }
0xc: {  	[smem:$0x3FAA] =	sst s4  }
0xd: {  	[smem:$0x3FAB] =	sst s5  }
0xe: {  	[smem:$0x3FAC] =	sst s6  }
0xf: {  	[smem:$0x3FAD] =	sst s7  }
0x10: {  	[smem:$0x3FAE] =	sst s8  }
0x11: {  	[smem:$0x3FAF] =	sst s9;
	s0 =	simm.s32 @!p0 $0x0  }
0x12: {  	s1 =	sld [smem:$0x3F95];
	s0 =	simm.s32 @p0 $0x1  }
0x13: {  	[smem:$0x3FB0] =	sst s0;
	s0 =	simm.s32 @!p1 $0x0  }
0x14: {  	s2 =	sld [smem:$0x3F94];
	s0 =	simm.s32 @p1 $0x1  }
0x15: {  	[smem:$0x3FB1] =	sst s0;
	s0 =	simm.s32 @!p2 $0x0  }
0x16: {  	s3 =	sld [smem:$0x3FDB];
	s0 =	simm.s32 @p2 $0x1  }
0x17: {  	s4 =	simm.s32 $0x1BF5;
	[smem:$0x3FB3] =	sst s0  }
0x18: {  	s0 =	sld [smem:$0x3F96];
	_ =	swait.ge [sflag:s4], $0x0  }
0x19: {  	s7 =	sld [smem:$0x3F97]  }
0x1a: {  	s8 =	sadd.s32 $0xFFFFE003, lr  }
0x1b: {  	s9 =	sadd.s32 $0xFFFFFEF7, lr;
	s5 =	simm.s32 $0xFFFFFFFF;
	p2 =	slt.u32 s8, $0xFFFFF086  }
0x1c: {  	p1 =	slt.u32 s9, $0xF7A;
	s5 =	simm.s32 @!p2 $0x0  }
0x1d: {  	s5 =	simm.s32 @p1 $0x1;
	p0 =	seq.s32 s7, s2  }
0x1e: {  	s7 =	smul.u32 @!p0 $0xF7A, s2;
	p2 =	seq.s32 @!p0 s5, $0x0  }
0x1f: {  	s9 =	smul.u32 $0xF7A, s1;
	s8 =	simm.s32 @!p0 $0x1BF5;
	p2 =	por !p2, p0  }
0x20: {  	[sflag:s8] =	ssyncset.s32 @!p0 $0xFFFFF086;
	s6 =	sadd.s32 @!p0 s3, s7;
	s7 =	simm.s32 @!p0 $0x108  }
0x21: {  	s3 =	sadd.s32 s3, s9;
	s6 =	sadd.s32 @!p0 $0x88, s6;
	s7 =	simm.s32 @p2 $0x1082  }
0x22: {  	[simem:s7], [sflag:s8] =	dma.local @!p0 [hbm:s6], $0xF7A  }
0x23: {  	s9 =	sor.u32 $0xD0000000, s2;
	s6 =	simm.s32 $0x108;
	_ =	swait.ge @!p0 [sflag:s8], $0x0  }
0x24: {  	s3 =	sadd.s32 $0x88, s3;
	s6 =	simm.s32 @!p1 $0x1082;
	[sflag:s4] =	ssyncset.s32 $0xFFFFF086  }
0x25: {  	[simem:s6], [sflag:s4] =	dma.local [hbm:s3], $0xF7A  }
0x26: {  	[smem:$0x3F97] =	sst s1;
	(tag) =	ssettag s2;
	_ =	strace s9  }
0x27: {  	s1 =	sld [smem:$0x3FA7]  }
0x28: {  	s2 =	sld [smem:$0x3FA8]  }
0x29: {  	s4 =	sld [smem:$0x3FAA]  }
0x2a: {  	p0 =	seq.s32 s5, $0x0;
	s5 =	sld [smem:$0x3FAB]  }
0x2b: {  	s6 =	sld [smem:$0x3FAC]  }
0x2c: {  	s7 =	sld [smem:$0x3FAD]  }
0x2d: {  	s3 =	simm.s32 $0x108;
	s8 =	sld [smem:$0x3FAE]  }
0x2e: {  	s3 =	simm.s32 @!p0 $0x1082;
	s9 =	sld [smem:$0x3FAF]  }
0x2f: {  	lr =	sadd.s32 s0, s3;
	s0 =	sld [smem:$0x3FA6]  }
0x30: {  	s3 =	sld [smem:$0x3FA9]  }
0x31: {  	[smem:$0x3FB2] =	sst s10  }
0x32: {  	s10 =	sld [smem:$0x3FB0];
	_ =	sdelay $0x3  }
0x33: {  	p0 =	seq.s32 s10, $0x1;
	s10 =	sld [smem:$0x3FB2];
	_ =	sdelay $0x3  }
0x34: {  	[smem:$0x3FB2] =	sst s10  }
0x35: {  	s10 =	sld [smem:$0x3FB1];
	_ =	sdelay $0x3  }
0x36: {  	p1 =	seq.s32 s10, $0x1;
	s10 =	sld [smem:$0x3FB2];
	_ =	sdelay $0x3  }
0x37: {  	[smem:$0x3FB2] =	sst s10  }
0x38: {  	s10 =	sld [smem:$0x3FB3]  }
0x39: {  	_ = 	snop;
	(pc) =	sbr.ind lr, $3  }
0x3a: {  	_ = 	snop  }
0x3b: {  	_ = 	snop  }
0x3c: {  	p2 =	seq.s32 s10, $0x1;
	s10 =	sld [smem:$0x3FB2]  }
0x3d: {  	_ =	shalt  }
0x3e: {  	_ =	shalt  }
0x3f: {  	_ =	shalt  }
0x40: {  	_ =	shalt  }
0x41: {  	_ =	shalt  }
0x42: {  	_ =	shalt  }
0x43: {  	_ =	shalt  }
0x44: {  	_ =	shalt  }
0x45: {  	_ =	shalt  }
0x46: {  	_ =	shalt  }
0x47: {  	_ =	shalt  }
0x48: {  	_ =	shalt  }
0x49: {  	_ =	shalt  }
0x4a: {  	_ =	shalt  }
0x4b: {  	_ =	shalt  }
0x4c: {  	_ =	shalt  }
0x4d: {  	_ =	shalt  }
0x4e: {  	_ =	shalt  }
0x4f: {  	_ =	shalt  }
0x50: {  	_ =	shalt  }
0x51: {  	_ =	shalt  }
0x52: {  	_ =	shalt  }
0x53: {  	_ =	shalt  }
0x54: {  	_ =	shalt  }
0x55: {  	_ =	shalt  }
0x56: {  	_ =	shalt  }
0x57: {  	_ =	shalt  }
0x58: {  	_ =	shalt  }
0x59: {  	_ =	shalt  }
0x5a: {  	_ =	shalt  }
0x5b: {  	_ =	shalt  }
0x5c: {  	_ =	shalt  }
0x5d: {  	_ =	shalt  }
0x5e: {  	_ =	shalt  }
0x5f: {  	_ =	shalt  }
0x60: {  	_ =	shalt  }
0x61: {  	_ =	shalt  }
0x62: {  	_ =	shalt  }
0x63: {  	_ =	shalt  }
0x64: {  	_ =	shalt  }
0x65: {  	_ =	shalt  }
0x66: {  	_ =	shalt  }
0x67: {  	_ =	shalt  }
0x68: {  	_ =	shalt  }
0x69: {  	_ =	shalt  }
0x6a: {  	_ =	shalt  }
0x6b: {  	_ =	shalt  }
0x6c: {  	_ =	shalt  }
0x6d: {  	_ =	shalt  }
0x6e: {  	_ =	shalt  }
0x6f: {  	_ =	shalt  }
0x70: {  	_ =	shalt  }
0x71: {  	_ =	shalt  }
0x72: {  	_ =	shalt  }
0x73: {  	_ =	shalt  }
0x74: {  	_ =	shalt  }
0x75: {  	_ =	shalt  }
0x76: {  	_ =	shalt  }
0x77: {  	_ =	shalt  }
0x78: {  	_ =	shalt  }
0x79: {  	_ =	shalt  }
0x7a: {  	_ =	shalt  }
0x7b: {  	_ =	shalt  }
0x7c: {  	_ =	shalt  }
0x7d: {  	_ =	shalt  }
0x7e: {  	_ =	shalt  }
0x7f: {  	_ =	shalt  }
0x80: {  	_ =	shalt  }
0x81: {  	_ =	shalt  }
0x82: {  	_ =	shalt  }
0x83: {  	_ =	shalt  }
0x84: {  	_ =	shalt  }
0x85: {  	_ =	shalt  }
0x86: {  	_ =	shalt  }
0x87: {  	_ =	shalt  }
.Lfunc_end0:
.L_simem_size_0:
called_computation.4_lowered:
.L_overlay_start_0:
0x88: {  	s2 =	sld [smem:$0x3FD9]  }
0x89: {  	s3 =	sld [smem:$0x3FFE];
	_ =	sdelay $0x1  }
0x8a: {  	s1 =	srdreg.scid  }
0x8b: {  	s0 =	sand.u32 $0x1, s1  }
0x8c: {  	s17 =	sshll.u32 s0, $0xA;
	s2 =	sadd.s32 s3, s2  }
0x8d: {  	s2 =	sadd.s32 s2, s17  }
0x8e: {  	[smem:$0x3FBE] =	sst s2  }
0x8f: {  	_ = 	snop  }
0x90: {  	s2 =	sld [smem:$0x3FD0];
	(tm) =	ssettm $0x1  }
0x91: {  	s18 =	sld [smem:$0x3FFB];
	_ =	sdelay $0x3  }
0x92: {  	_ =	strace s18  }
0x93: {  	s3 =	sld [smem:$0x3FFC];
	_ =	sdelay $0x3  }
0x94: {  	_ =	strace s3  }
0x95: {  	s3 =	sld [smem:$0x3FFD];
	_ =	sdelay $0x3  }
0x96: {  	_ =	strace s3  }
0x97: {  	_ =	strace $0x8FFFFFFF  }
0x98: {  	s19 =	sld [smem:$0x3FDB];
	_ =	sdelay $0x1  }
0x99: {  	s4 =	simm.s32 $_scs_section_size  }
0x9a: {  	s5 =	simm.s32 $_size__tile_overlayer_lowered;
	s6 =	simm.s32 $_tile_overlayer_lowered  }
0x9b: {  	s22 =	simm.s32 $0x1BFF;
	s21 =	sshll.u32 s6, $0x1;
	s3 =	sadd.s32 s4, s19  }
0x9c: {  	s7 =	simm.s32 $0x0;
	s20 =	sshll.u32 s5, $0x1;
	s5 =	sadd.s32 s21, s3  }
0x9d: {  	[timem:s7], [sflag:s22] =	dma.local [hbm:s5], s20  }
0x9e: {  	_ =	swait.ge [sflag:s22], s20  }
0x9f: {  	s4 =	ssub.s32 $0x0, s20;
	[sflag:s22] =	ssyncset.done $0x0  }
0xa0: {  	[sflag:s22] =	ssyncadd.s32 s4;
	_ =	sdelay $0x1  }
0xa1: {  	s23 =	simm.s32 $0x1B8B  }
0xa2: {  	_ =	swait.ge [sflag:s23], $0x1  }
0xa3: {  	[sflag:s23] =	ssyncset.done $0x0  }
0xa4: {  	s25 =	simm.s32 $0x1B8E;
	s24 =	sld [smem:$0x3FFE];
	[sflag:s23] =	ssyncadd.s32 $0xFFFFFFFF  }
0xa5: {  	s26 =	simm.s32 $execute0_lowered;
	[smem:$0x3FD2] =	sst s25  }
0xa6: {  	s5 =	sshll.u32 s26, $0x1;
	_ =	strace $0x80000052;
	[dreg:$0x1] =	wrdreg $0xFFFFFFFF  }
0xa7: {  	s28 =	simm.s32 $_size_execute0_lowered;
	s3 =	sadd.s32 s3, s5;
	[dreg:$0x0] =	wrdreg $0x0  }
0xa8: {  	s5 =	sshll.u32 s28, $0x1;
	[dreg:$0x2] =	wrdreg s3  }
0xa9: {  	[dreg:$0x3] =	wrdreg s5  }
0xaa: {  	[dreg:$0x4] =	wrdreg $0xC0  }
0xab: {  	_ =	task [dreg:s7], $0x5FFFF  }
0xac: {  	[dreg:$0x1] =	wrdreg $0xFFFFFFFF  }
0xad: {  	[dreg:$0x0] =	wrdreg $0x60  }
0xae: {  	[dreg:$0x2] =	wrdreg s24  }
0xaf: {  	[dreg:$0x3] =	wrdreg s2  }
0xb0: {  	[dreg:$0x4] =	wrdreg $0x82000  }
0xb1: {  	[dreg:$0x5] =	wrdreg $0x9  }
0xb2: {  	_ =	task.clear_ibuf [dreg:s7], $0x6FFFF;
	_ =	strace $0x90000052  }
0xb3: {  	s29 =	simm.s32 $0x9;
	_ =	strace $0x80000054  }
0xb4: {  	_ =	swait.ge [sflag:s29], $0x1  }
0xb5: {  	[sflag:s29] =	ssyncadd.s32 $0xFFFFFFFF  }
0xb6: {  	_ =	strace $0x90000054  }
0xb7: {  	_ =	sfence  }
0xb8: {  	s30 =	sld [smem:$0x0];
	_ =	sdelay $0x2  }
0xb9: {  	s31 =	sshll.u32 s1, $0xD;
	s1 =	sshrl.u32 s1, $0x2  }
0xba: {  	s3 =	sand.u32 $0x4000, s31;
	s1 =	sadd.s32 s1, s30  }
0xbb: {  	s0 =	sor.u32 s3, s0;
	s1 =	sshll.u32 s1, $0x11  }
0xbc: {  	s0 =	sor.u32 s1, s0  }
0xbd: {  	s0 =	sadd.s32 $0x8F2B, s0  }
0xbe: {  	[sflag:s0] =	ssyncadd.remote.s32 $0x1  }
0xbf: {  	_ =	sfence.sel $0xFFFF  }
0xc0: {  	[dreg:$0x0] =	wrdreg $0xFFFFFFFF;
	(pc) =	sbr.abs _section_cstart, $3  }
0xc1: {  	[dreg:$0x1] =	wrdreg $0xFFFFFFFF  }
0xc2: {  	_ =	task.clear_ibuf [dreg:s7], $0x2FFFF;
	_ =	strace $0x9FFFFFFF  }
0xc3: {  	(tm) =	ssettm $0x7FFFFFFF  }
tec
execute0_lowered:
.L_overlay_start_1:
0x0: {  	(tag) =	ssettag $0x1  }
0x1: {  	s0 =	rddreg [dreg:$0x0]  }
0x2: {  	s1 =	rddreg [dreg:$0x1]  }
0x3: {  	s2 =	rddreg [dreg:$0x2]  }
0x4: {  	s4 =	srdreg.scid;
	s11 =	stileid.u32  }
0x5: {  	s3 =	simm.s32 $0x0;
	s28 =	simm.s32 $0x100;
	s29 =	simm.s32 $0x80  }
0x6: {  	s30 =	simm.s32 $0x180;
	s31 =	simm.s32 $0x1;
	s6 =	smul.u32 $0x2780, s11  }
0x7: {  	s5 =	sand.u32 $0x1, s4;
	[smem:$0x7FF] =	sst s3;
	s8 =	smul.u32 $0x4F000, s11  }
0x8: {  	s4 =	sadd.s32 $0x1A600, s0;
	s9 =	sadd.s32 $0x10800, s0;
	s24 =	smul.u32 $0x1A00, s11  }
0x9: {  	s10 =	sadd.s32 $0x5800, s0;
	s7 =	smul.u32 $0x27800, s5;
	_ =	strace $0x80000053  }
0xa: {  	[dreg:$0x6] =	wrdreg s10;
	s21 =	ssub.s32 $0x2, s5;
	p0 =	seq.s32 s5, $0x0  }
0xb: {  	s10 =	simm.s32 $0x6A;
	s22 =	sshrl.u32 s8, $0x2;
	s23 =	sshrl.u32 s21, $0x1  }
0xc: {  	s10 =	simm.s32 @!p0 $0x34;
	s6 =	sadd.s32 s6, s7;
	s7 =	ssub.s32 s21, s23  }
0xd: {  	s18 =	sshll.u32 s10, $0x4;
	s0 =	sadd.s32 s6, s0;
	s7 =	smax.u32 s7, $0x1  }
0xe: {  	s6 =	sadd.s32 s22, s2;
	s19 =	sadd.s32 $0xFFFFFFE0, s18;
	[dreg:$0x10] =	wrdreg s7  }
0xf: {  	s8 =	smul.u32 $0x3500, s11;
	s25 =	sadd.s32 $0x4000, s6;
	[dreg:$0x4] =	wrdreg s19  }
0x10: {  	s5 =	sadd.s32 $0x35000, s24;
	s26 =	sadd.s32 $0x8000, s6;
	[dreg:$0x7] =	wrdreg s25  }
0x11: {  	s11 =	simm.s32 $0x7;
	s12 =	sadd.s32 $0xC000, s6;
	[dreg:$0x8] =	wrdreg s26  }
0x12: {  	s5 =	smov.u32 @p0 s8;
	s13 =	sadd.s32 $0x10000, s6;
	[dreg:$0x9] =	wrdreg s12  }
0x13: {  	s5 =	sshrl.u32 s5, $0x3;
	s0 =	sadd.s32 $0x69600, s0;
	[dreg:$0xa] =	wrdreg s13  }
0x14: {  	s14 =	sadd.s32 s1, s5;
	s15 =	sadd.s32 s9, s5;
	s16 =	sor.u32 $0x10, s5  }
0x15: {  	[dreg:$0xf] =	wrdreg s0;
	s20 =	sadd.s32 $0x30, s5;
	s22 =	sadd.s32 $0x40, s5  }
0x16: {  	s24 =	sadd.s32 $0x50, s5;
	s5 =	sadd.s32 $0x20, s5;
	[dreg:$0xb] =	wrdreg s14  }
0x17: {  	s12 =	simm.s32 $0x8;
	s13 =	simm.s32 $0x0;
	[dreg:$0xc] =	wrdreg s15  }
0x18: {  	s17 =	sadd.s32 s1, s16;
	s8 =	sadd.s32 s9, s16;
	s21 =	sadd.s32 s20, s9  }
0x19: {  	s18 =	sadd.s32 s20, s1;
	s23 =	sadd.s32 s22, s9;
	s0 =	sadd.s32 s22, s1  }
0x1a: {  	s25 =	sadd.s32 s24, s1;
	s26 =	sadd.s32 s24, s9;
	[dreg:$0xd] =	wrdreg s17  }
0x1b: {  	s24 =	sadd.s32 s5, s1;
	s1 =	simm.s32 $0x4200;
	[dreg:$0xe] =	wrdreg s8  }
0x1c: {  	[dreg:$0x5] =	wrdreg s21;
	s7 =	sadd.s32 $0xFFFFFFE0, s23;
	s0 =	sadd.s32 $0xFFFFFFE0, s0  }
0x1d: {  	s21 =	sadd.s32 $0xFFFFFFE0, s25;
	s22 =	sadd.s32 $0xFFFFFFE0, s26;
	s23 =	sadd.s32 s5, s9  }
0x1e: {  	s25 =	simm.s32 $0x200;
	s26 =	simm.s32 $0x9;
	s5 =	simm.s32 $0x5  }
0x1f: {  	s8 =	simm.s32 $0x3;
	s9 =	simm.s32 $0x4;
	[dreg:$0x11] =	wrdreg s7  }
0x20: {  	[dreg:$0x12] =	wrdreg s0;
	s0 =	simm.s32 $0x2;
	s7 =	simm.s32 $0x6  }
.LBB2_1:
0x21: {  	s14 =	rddreg [dreg:$0x6]  }
0x22: {  	[tilespmem:s25], [sflag:$0x9] =	stream.linear.gather [hbm4b:s14+s3], $0x4000, $0x38;
	[tilespmem:$0x1BE00] =	vst v63  }
0x23: {  	_ =	swait.ge [sflag:s26], $0x4000  }
0x24: {  	[sflag:s26] =	ssyncset.done $0x0  }
0x25: {  	[sflag:s26] =	ssyncadd.s32 $0xFFFFC000  }
0x26: {  	[spmem:s6] =	stream.linear.scatter [tilespmem:s25], [sflag:$0x9], $0x4000, $0x38;
	[tilespmem:$0x1BE00] =	vst v63  }
0x27: {  	_ =	swait.ge [sflag:s26], $0x4000  }
0x28: {  	[sflag:s26] =	ssyncset.done $0x0  }
0x29: {  	s17 =	rddreg [dreg:$0x7];
	[sflag:s26] =	ssyncadd.s32 $0xFFFFC000  }
0x2a: {  	[spmem:s17] =	stream.linear.scatter [tilespmem:s25], [sflag:$0x9], $0x4000, $0x38;
	[tilespmem:$0x1BE00] =	vst v63  }
0x2b: {  	_ =	swait.ge [sflag:s26], $0x4000  }
0x2c: {  	[sflag:s26] =	ssyncset.done $0x0  }
0x2d: {  	s19 =	rddreg [dreg:$0x8];
	[sflag:s26] =	ssyncadd.s32 $0xFFFFC000  }
0x2e: {  	[spmem:s19] =	stream.linear.scatter [tilespmem:s25], [sflag:$0x9], $0x4000, $0x38;
	[tilespmem:$0x1BE00] =	vst v63  }
0x2f: {  	_ =	swait.ge [sflag:s26], $0x4000  }
0x30: {  	[sflag:s26] =	ssyncset.done $0x0  }
0x31: {  	s20 =	rddreg [dreg:$0x9];
	[sflag:s26] =	ssyncadd.s32 $0xFFFFC000  }
0x32: {  	[spmem:s20] =	stream.linear.scatter [tilespmem:s25], [sflag:$0x9], $0x4000, $0x38;
	[tilespmem:$0x1BE00] =	vst v63  }
0x33: {  	_ =	swait.ge [sflag:s26], $0x4000  }
0x34: {  	[sflag:s26] =	ssyncset.done $0x0  }
0x35: {  	s15 =	rddreg [dreg:$0xa];
	[sflag:s26] =	ssyncadd.s32 $0xFFFFC000  }
0x36: {  	[spmem:s15] =	stream.linear.scatter [tilespmem:s25], [sflag:$0x9], $0x3C00, $0x38;
	[tilespmem:$0x1BE00] =	vst v63  }
0x37: {  	_ =	swait.ge [sflag:s26], $0x3C00  }
0x38: {  	[sflag:s26] =	ssyncset.done $0x0  }
0x39: {  	[sflag:s26] =	ssyncadd.s32 $0xFFFFC400  }
0x3a: {  	[bflag:$0x0] =	sbarrier.arrive $0xFFFF  }
0x3b: {  	s16 =	rddreg [dreg:$0xb]  }
0x3c: {  	[tilespmem:s3], [sflag:$0x1] =	stream.linear.gather [hbm4b:s16+s3], $0x80, $0x38;
	[tilespmem:$0x1BE00] =	vst v63  }
0x3d: {  	s17 =	rddreg [dreg:$0xc]  }
0x3e: {  	[tilespmem:s28], [sflag:$0x3] =	stream.linear.gather [hbm4b:s17+s3], $0x80, $0x38;
	[tilespmem:$0x1BE00] =	vst v63  }
0x3f: {  	s19 =	rddreg [dreg:$0xd]  }
0x40: {  	[tilespmem:s29], [sflag:$0x2] =	stream.linear.gather [hbm4b:s19+s3], $0x80, $0x38;
	[tilespmem:$0x1BE00] =	vst v63  }
0x41: {  	s14 =	simm.s32 $0x0;
	s15 =	simm.s32 $0x2;
	s20 =	rddreg [dreg:$0xe]  }
0x42: {  	[tilespmem:s30], [sflag:$0x4] =	stream.linear.gather [hbm4b:s20+s3], $0x80, $0x38;
	[tilespmem:$0x1BE00] =	vst v63  }
.LBB2_2:
0x43: {  	_ =	swait.ge [sflag:s31], $0x80  }
0x44: {  	[sflag:s31] =	ssyncset.done $0x0  }
0x45: {  	[sflag:s31] =	ssyncadd.s32 $0xFFFFFF80  }
0x46: {  	_ =	swait.ge [sflag:s0], $0x80  }
0x47: {  	[sflag:s0] =	ssyncset.done $0x0  }
0x48: {  	[sflag:s0] =	ssyncadd.s32 $0xFFFFFF80  }
0x49: {  	[tilespmem:s25], [sflag:$0x5] =	stream.indirect.gather [hbm4b:s4+s29], $0x80, s3, s29, $0xb8;
	[tilespmem:$0x1BE00] =	vst v63  }
0x4a: {  	_ = 	snop  }
0x4b: {  	[tilespmem:s1], [sflag:$0x6] =	stream.indirect.gather [hbm4b:s4+s29], $0x80, s29, s29, $0xb8;
	[tilespmem:$0x1BE00] =	vst v63  }
0x4c: {  	_ =	swait.ge [sflag:s5], $0x4000  }
0x4d: {  	[sflag:s5] =	ssyncset.done $0x0  }
0x4e: {  	[sflag:s5] =	ssyncadd.s32 $0xFFFFC000  }
0x4f: {  	_ =	swait.ge [sflag:s7], $0x4000  }
0x50: {  	p0 =	sge.u32 s15, s10;
	[sflag:s7] =	ssyncset.done $0x0  }
0x51: {  	s16 =	sadd.s32 @!p0 s14, s24;
	s17 =	simm.s32 @!p0 $0x0;
	[sflag:s7] =	ssyncadd.s32 $0xFFFFC000  }
0x52: {  	[tilespmem:s17], [sflag:$0x1] =	stream.linear.gather @!p0 [hbm4b:s16+s17], $0x80, $0x38;
	[tilespmem:$0x1BE00] =	vst v63  }
0x53: {  	s19 =	simm.s32 @!p0 $0x80;
	s16 =	sadd.s32 @!p0 s14, s18  }
0x54: {  	[tilespmem:s19], [sflag:$0x2] =	stream.linear.gather @!p0 [hbm4b:s16+s17], $0x80, $0x38;
	[tilespmem:$0x1BE00] =	vst v63  }
0x55: {  	_ =	swait.ge [sflag:s8], $0x80  }
0x56: {  	[sflag:s8] =	ssyncset.done $0x0  }
0x57: {  	[sflag:s8] =	ssyncadd.s32 $0xFFFFFF80  }
0x58: {  	_ =	swait.ge [sflag:s9], $0x80  }
0x59: {  	[sflag:s9] =	ssyncset.done $0x0  }
0x5a: {  	[sflag:s9] =	ssyncadd.s32 $0xFFFFFF80  }
0x5b: {  	[spmem:s2] =	stream.indirect.scatter.add.f32 [tilespmem:s25], [sflag:$0x7], $0x80, s28, s29, $0xb8;
	[tilespmem:$0x1BE00] =	vst v63  }
0x5c: {  	_ = 	snop  }
0x5d: {  	[spmem:s2] =	stream.indirect.scatter.add.f32 [tilespmem:s1], [sflag:$0x8], $0x80, s30, s29, $0xb8;
	[tilespmem:$0x1BE00] =	vst v63  }
0x5e: {  	_ =	swait.ge [sflag:s11], $0x4000  }
0x5f: {  	[sflag:s11] =	ssyncset.done $0x0  }
0x60: {  	[sflag:s11] =	ssyncadd.s32 $0xFFFFC000  }
0x61: {  	_ =	swait.ge [sflag:s12], $0x4000  }
0x62: {  	s20 =	simm.s32 @!p0 $0x100;
	[sflag:s12] =	ssyncset.done $0x0;
	s16 =	rddreg [dreg:$0x5]  }
0x63: {  	s19 =	sadd.s32 @!p0 s14, s23;
	[sflag:s12] =	ssyncadd.s32 $0xFFFFC000;
	s16 =	sadd.s32 @!p0 s14, s16  }
0x64: {  	[tilespmem:s20], [sflag:$0x3] =	stream.linear.gather @!p0 [hbm4b:s19+s17], $0x80, $0x38;
	[tilespmem:$0x1BE00] =	vst v63  }
0x65: {  	s14 =	sadd.s32 $0x20, s14;
	s19 =	simm.s32 @!p0 $0x180;
	s20 =	rddreg [dreg:$0x4]  }
0x66: {  	[tilespmem:s19], [sflag:$0x4] =	stream.linear.gather @!p0 [hbm4b:s16+s17], $0x80, $0x38;
	[tilespmem:$0x1BE00] =	vst v63  }
0x67: {  	p0 =	sne.s32 s20, s14  }
.Ltmp0:
0x68: {  	_ = 	snop;
	(pc) =	sbr.rel @p0 .LBB2_2-.Ltmp0, $2  }
0x69: {  	_ =	sdelay $0x2  }
0x6a: {  	s15 =	sadd.s32 $0x2, s15  }
0x6b: {  	_ =	swait.ge [sflag:s31], $0x80  }
0x6c: {  	[sflag:s31] =	ssyncset.done $0x0  }
0x6d: {  	[sflag:s31] =	ssyncadd.s32 $0xFFFFFF80  }
0x6e: {  	_ =	swait.ge [sflag:s0], $0x80  }
0x6f: {  	[sflag:s0] =	ssyncset.done $0x0  }
0x70: {  	[sflag:s0] =	ssyncadd.s32 $0xFFFFFF80  }
0x71: {  	[tilespmem:s25], [sflag:$0x5] =	stream.indirect.gather [hbm4b:s4+s29], $0x80, s3, s29, $0xb8;
	[tilespmem:$0x1BE00] =	vst v63  }
0x72: {  	_ = 	snop  }
0x73: {  	[tilespmem:s1], [sflag:$0x6] =	stream.indirect.gather [hbm4b:s4+s29], $0x80, s29, s29, $0xb8;
	[tilespmem:$0x1BE00] =	vst v63  }
0x74: {  	_ =	swait.ge [sflag:s5], $0x4000  }
0x75: {  	[sflag:s5] =	ssyncset.done $0x0  }
0x76: {  	[sflag:s5] =	ssyncadd.s32 $0xFFFFC000  }
0x77: {  	_ =	swait.ge [sflag:s7], $0x4000  }
0x78: {  	p0 =	sge.u32 s15, s10;
	[sflag:s7] =	ssyncset.done $0x0;
	s15 =	rddreg [dreg:$0x12]  }
0x79: {  	s16 =	simm.s32 @!p0 $0x0;
	[sflag:s7] =	ssyncadd.s32 $0xFFFFC000;
	s15 =	sadd.s32 @!p0 s14, s15  }
0x7a: {  	[tilespmem:s16], [sflag:$0x1] =	stream.linear.gather @!p0 [hbm4b:s15+s16], $0x80, $0x38;
	[tilespmem:$0x1BE00] =	vst v63  }
0x7b: {  	s17 =	simm.s32 @!p0 $0x80;
	s15 =	sadd.s32 @!p0 s14, s21  }
0x7c: {  	[tilespmem:s17], [sflag:$0x2] =	stream.linear.gather @!p0 [hbm4b:s15+s16], $0x80, $0x38;
	[tilespmem:$0x1BE00] =	vst v63  }
0x7d: {  	_ =	swait.ge [sflag:s8], $0x80  }
0x7e: {  	[sflag:s8] =	ssyncset.done $0x0  }
0x7f: {  	[sflag:s8] =	ssyncadd.s32 $0xFFFFFF80  }
0x80: {  	_ =	swait.ge [sflag:s9], $0x80  }
0x81: {  	[sflag:s9] =	ssyncset.done $0x0  }
0x82: {  	[sflag:s9] =	ssyncadd.s32 $0xFFFFFF80  }
0x83: {  	[spmem:s2] =	stream.indirect.scatter.add.f32 [tilespmem:s25], [sflag:$0x7], $0x80, s28, s29, $0xb8;
	[tilespmem:$0x1BE00] =	vst v63  }
0x84: {  	_ = 	snop  }
0x85: {  	[spmem:s2] =	stream.indirect.scatter.add.f32 [tilespmem:s1], [sflag:$0x8], $0x80, s30, s29, $0xb8;
	[tilespmem:$0x1BE00] =	vst v63  }
0x86: {  	_ =	swait.ge [sflag:s11], $0x4000  }
0x87: {  	[sflag:s11] =	ssyncset.done $0x0  }
0x88: {  	[sflag:s11] =	ssyncadd.s32 $0xFFFFC000  }
0x89: {  	_ =	swait.ge [sflag:s12], $0x4000  }
0x8a: {  	[sflag:s12] =	ssyncset.done $0x0;
	s15 =	rddreg [dreg:$0x11]  }
0x8b: {  	s17 =	simm.s32 @!p0 $0x100;
	[sflag:s12] =	ssyncadd.s32 $0xFFFFC000;
	s15 =	sadd.s32 @!p0 s14, s15  }
0x8c: {  	[tilespmem:s17], [sflag:$0x3] =	stream.linear.gather @!p0 [hbm4b:s15+s16], $0x80, $0x38;
	[tilespmem:$0x1BE00] =	vst v63  }
0x8d: {  	s14 =	sadd.s32 @!p0 s14, s22;
	s15 =	simm.s32 @!p0 $0x180  }
0x8e: {  	[tilespmem:s15], [sflag:$0x4] =	stream.linear.gather @!p0 [hbm4b:s14+s16], $0x80, $0x38;
	[tilespmem:$0x1BE00] =	vst v63  }
0x8f: {  	s16 =	stileid.u32  }
0x90: {  	s14 =	sshll.u32 s16, $0x6;
	[bflag:$0x0] =	sbarrier.arrive $0xFFFF  }
0x91: {  	s17 =	sshrl.u32 s6, $0x3;
	s14 =	sor.u32 $0x1C09, s14;
	s19 =	rddreg [dreg:$0xf]  }
0x92: {  	[hbm:s19], [sflag:s14] =	dma.local [spmem:s17], $0x2780  }
0x93: {  	_ =	swait.ge [sflag:s26], $0x2780  }
0x94: {  	s13 =	sadd.s32 $0x1, s13;
	s20 =	rddreg [dreg:$0x10]  }
0x95: {  	p0 =	sne.s32 s13, s20  }
.Ltmp1:
0x96: {  	_ = 	snop;
	(pc) =	sbr.rel @p0 .LBB2_1-.Ltmp1, $3  }
0x97: {  	_ =	sdelay $0x1  }
0x98: {  	[sflag:s26] =	ssyncset.done $0x0  }
0x99: {  	[sflag:s26] =	ssyncadd.s32 $0xFFFFD880  }
0x9a: {  	_ =	sfence.sel $0x180000  }
0x9b: {  	[bflag:$0x0] =	sbarrier.arrive $0xFFFF  }
0x9c: {  	_ =	strace $0x90000053  }
0x9d: {  	s0 =	stileid.u32;
	[bflag:$0x2] =	sbarrier.arrive $0xFFFF  }
0x9e: {  	p0 =	sne.s32 s0, $0x0;
	s0 =	rddreg [dreg:$0x3]  }
0x9f: {  	s0 =	sadd.s32 @!p0 $0x100000, s0  }
0xa0: {  	[sflag:s0] =	ssyncadd.tile.s32 @!p0 $0x1;
	_ =	shalt  }
.Lfunc_end2:
_tile_overlayer_lowered:
.L_overlay_start_2:
0xa1: {  	(tag) =	ssettag $0x2  }
0xa2: {  	s0 =	rddreg [dreg:$0x0];
	s2 =	stileid.u32  }
0xa3: {  	s1 =	rddreg [dreg:$0x1];
	p0 =	sne.s32 s2, $0x0  }
0xa4: {  	s3 =	rddreg [dreg:$0x2];
	[bflag:$0x3] =	sbarrier.arrive $0xFFFF;
	s2 =	simm.s32 @!p0 $0x1C09  }
0xa5: {  	[timem:s3], [sflag:s2] =	dma.local @!p0 [hbm:s0], s1  }
0xa6: {  	s0 =	simm.s32 @!p0 $0x9  }
0xa7: {  	_ =	swait.ge @!p0 [sflag:s0], s1  }
0xa8: {  	s1 =	ssub.s32 @!p0 $0x0, s1;
	[sflag:s0] =	ssyncset.done @!p0 $0x0  }
0xa9: {  	[sflag:s0] =	ssyncadd.s32 @!p0 s1  }
0xaa: {  	[bflag:$0x3] =	sbarrier.arrive $0xFFFF  }
0xab: {  	_ =	shalt  }

</sc_bundles>
